<compile_context>
chip_gen: v7x
topology: tpu7x:2x2x1
jax: 0.10.2.dev20260603
libtpu: 0.0.44.dev20260713+nightly
codegen_flags: <defaults>
</compile_context>

<pallas_src>
import functools

import jax
import jax.numpy as jnp
from jax import lax
from jax.experimental import pallas as pl
from jax.experimental.pallas import tpu as pltpu
from jax.experimental.pallas import tpu_sc as plsc

K = 16
N = 8192
E = 64
RB = 256
CB = 2048
NCH = N // CB


def _topk_body(xe_ref, ye_ref, score_ref, idx_ref, xp_ref):
    xb = xe_ref[...]
    xp_ref[...] = jnp.concatenate(
        [xb, jnp.zeros((RB, 128 - E), jnp.float32)], axis=1)
    xq = jnp.sum(xb * xb, axis=1, keepdims=True)

    BIG = jnp.int32(2 ** 30)
    INF = jnp.float32(jnp.inf)
    kio = lax.broadcasted_iota(jnp.int32, (RB, K), 1)

    SS = 8

    def extract_chunk(d, col):
        ov = jnp.zeros((RB, K), jnp.float32)
        oi = jnp.zeros((RB, K), jnp.int32)
        for s in range(K // SS):
            ams = []
            for j in range(SS):
                dm = d
                for am_prev in ams:
                    dm = jnp.where(col == am_prev, INF, dm)
                m = jnp.min(dm, axis=1, keepdims=True)
                am = jnp.min(jnp.where(dm == m, col, BIG), axis=1, keepdims=True)
                t = s * SS + j
                ov = jnp.where(kio == t, m, ov)
                oi = jnp.where(kio == t, am, oi)
                ams.append(am)
            hit = col == ams[0]
            for am_prev in ams[1:]:
                hit = jnp.logical_or(hit, col == am_prev)
            d = jnp.where(hit, INF, d)
        return ov, oi

    pos32 = lax.broadcasted_iota(jnp.int32, (RB, 2 * K), 1)

    def merge(rv, ri, cv, ci):
        vals = jnp.concatenate([rv, cv], axis=1)
        inds = jnp.concatenate([ri, ci], axis=1)
        def step(t, st):
            vals, ov, oi = st
            m = jnp.min(vals, axis=1, keepdims=True)
            ap = jnp.min(jnp.where(vals == m, pos32, BIG), axis=1, keepdims=True)
            hit = pos32 == ap
            sel = jnp.sum(jnp.where(hit, inds, 0), axis=1, keepdims=True)
            ov = jnp.where(kio == t, m, ov)
            oi = jnp.where(kio == t, sel, oi)
            vals = jnp.where(hit, INF, vals)
            return (vals, ov, oi)
        _, ov, oi = lax.fori_loop(
            0, K, step,
            (vals, jnp.zeros((RB, K), jnp.float32), jnp.zeros((RB, K), jnp.int32)))
        return ov, oi

    def chunk_step(c, st):
        rv, ri = st
        yb = ye_ref[pl.ds(c * CB, CB), :]
        yq = jnp.sum(yb * yb, axis=1)[None, :]
        inner = lax.dot_general(
            xb, yb, (((1,), (1,)), ((), ())),
            preferred_element_type=jnp.float32)
        d2 = jnp.maximum(xq + yq - 2.0 * inner, 0.0)
        d = jnp.sqrt(d2)
        col = lax.broadcasted_iota(jnp.int32, (RB, CB), 1) + c * CB
        cv, ci = extract_chunk(d, col)
        return merge(rv, ri, cv, ci)

    st = (jnp.full((RB, K), jnp.inf, jnp.float32),
          jnp.zeros((RB, K), jnp.int32))
    for c in range(NCH):
        st = chunk_step(c, st)
    out_v, out_i = st

    score_ref[...] = jnp.exp(-out_v / 10.0)
    idx_ref[...] = out_i


def _topk_call(xe2, ye2):
    return pl.pallas_call(
        _topk_body,
        grid=(N // RB,),
        in_specs=[
            pl.BlockSpec((RB, E), lambda i: (i, 0)),
            pl.BlockSpec((N, E), lambda i: (0, 0)),
        ],
        out_specs=[
            pl.BlockSpec((RB, K), lambda i: (i, 0)),
            pl.BlockSpec((RB, K), lambda i: (i, 0)),
            pl.BlockSpec((RB, 128), lambda i: (i, 0)),
        ],
        out_shape=[
            jax.ShapeDtypeStruct((N, K), jnp.float32),
            jax.ShapeDtypeStruct((N, K), jnp.int32),
            jax.ShapeDtypeStruct((N, 128), jnp.float32),
        ],
    )(xe2, ye2)


_B = N * K
_NW = 32
_BPW = _B // _NW
_RC = 512
_GC = 128


def _sc_gather_body(idx_hbm, xe_hbm, out_hbm, idx_v, rows_v, sem):
    wid = lax.axis_index("s") * 2 + lax.axis_index("c")
    base = wid * _BPW

    def outer(t, carry):
        off = base + t * _RC
        pltpu.sync_copy(idx_hbm.at[pl.ds(off, _RC)], idx_v)
        copies = []
        for s in range(_RC // _GC):
            copies.append(pltpu.async_copy(
                xe_hbm.at[idx_v.at[pl.ds(s * _GC, _GC)]],
                rows_v.at[pl.ds(s * _GC, _GC)], sem))
        for c in copies:
            c.wait()
        pltpu.sync_copy(rows_v, out_hbm.at[pl.ds(off, _RC)])
        return carry

    lax.fori_loop(0, _BPW // _RC, outer, 0)


def _sc_gather(idx_flat, xe_pad):
    mesh = plsc.VectorSubcoreMesh(core_axis_name="c", subcore_axis_name="s")
    kfn = functools.partial(
        pl.kernel,
        mesh=mesh,
        out_type=jax.ShapeDtypeStruct((_B, 128), jnp.float32),
        scratch_types=[
            pltpu.VMEM((_RC,), jnp.int32),
            pltpu.VMEM((_RC, 128), jnp.float32),
            pltpu.SemaphoreType.DMA,
        ],
    )(_sc_gather_body)
    return kfn(idx_flat, xe_pad)


def _diff_body(g_ref, ye_ref, out_ref):
    g = g_ref[...][:, :, :E]
    y = ye_ref[...]
    out_ref[...] = y[:, :, None] - jnp.swapaxes(g, 1, 2)


def _diff_call(gath, ye2):
    return pl.pallas_call(
        _diff_body,
        grid=(N // RB,),
        in_specs=[
            pl.BlockSpec((RB, K, 128), lambda i: (i, 0, 0)),
            pl.BlockSpec((RB, E), lambda i: (i, 0)),
        ],
        out_specs=pl.BlockSpec((RB, E, K), lambda i: (i, 0, 0)),
        out_shape=jax.ShapeDtypeStruct((N, E, K), jnp.float32),
    )(gath, ye2)


def kernel(xe, ye, adj_coo):
    del adj_coo
    xe2 = xe[0]
    ye2 = ye[0]
    score, idx, xe_pad = _topk_call(xe2, ye2)
    gath = _sc_gather(idx.reshape(_B), xe_pad)
    diff = _diff_call(gath.reshape(N, K, 128), ye2)
    return score[None], idx[None], diff[None]

# --- scband reference (transcript-rebuilt; emitter-appended) ---
"""Pipeline reference for scband-graph-construct-transformer-st-74285754351634 (READ-ONLY COPY).

The authoritative reference and input builder live on the scoring server;
editing this copy changes nothing except your own understanding.
"""

import jax, jax.numpy as jnp
import numpy as np

K_NEIGHBORS = 16


def setup_inputs(seed: int = 0) -> dict:
    key = jax.random.key(seed)
    k1, k2 = jax.random.split(key)
    xe = jax.random.normal(k1, (1, 8192, 64), dtype=jnp.float32)
    ye = jax.random.normal(k2, (1, 8192, 64), dtype=jnp.float32)
    adj_coo = jnp.zeros((1,), dtype=jnp.float32)  # unused placeholder, as in original graph_k
    return {"xe": xe, "ye": ye, "adj_coo": adj_coo}


def reference(xe, ye, adj_coo):
    # Faithful JAX translation of GraphConstruct_TransformerST.graph_k
    # (the KNN graph-construction core; the outer forward() depends on cv2/AnnData
    #  and is not executable as pure tensor code).
    k = K_NEIGHBORS
    b, m, e = ye.shape
    n = xe.shape[1]
    # D[i, j] = euclidean distance between xe[0, i] and ye[0, j]  (scipy cdist loop)
    xe_sq = jnp.sum(xe * xe, axis=-1)                      # (b, n)
    ye_sq = jnp.sum(ye * ye, axis=-1)                      # (b, m)
    inner = jnp.einsum('bne,bme->bnm', xe, ye)             # (b, n, m)
    D2 = xe_sq[:, :, None] + ye_sq[:, None, :] - 2.0 * inner
    D = jnp.sqrt(jnp.maximum(D2, 0.0))                     # (b, n, m)
    # hard_knn: top-k smallest distances along dim=2, sorted ascending
    neg_score, idx_k = jax.lax.top_k(-D, k)                # (b, n, k)
    score_k = -neg_score
    # diff_patch[b, i, e, k] = ye[b, i, e] - xe[b, idx_k[b, i, k], e]
    gathered = jnp.take(xe[0], idx_k[0], axis=0)           # (n, k, e)
    diff = ye[0][:, None, :] - gathered                    # (n, k, e)
    diff_patch = jnp.transpose(diff, (0, 2, 1))[None]      # (b, m, e, k)
    # score transform
    score_k = jnp.exp(-score_k / 10.0)
    return (score_k, idx_k, diff_patch)

if __name__ == "__main__":
    import jax
    _d = setup_inputs()
    print(jax.jit(kernel)(*tuple(_d.values())))

</pallas_src>

<mosaic_0001>
#map = affine_map<(d0, d1) -> (0)>
#map1 = affine_map<(d0, d1) -> (0, 0)>
module attributes {stable_mosaic.version = 14 : i64} {
  func.func @_sc_gather_body(%arg0: i32, %arg1: i32, %arg2: memref<131072xi32, #tpu.memory_space<hbm>>, %arg3: memref<8192x128xf32, #tpu.memory_space<hbm>>, %arg4: memref<131072x128xf32, #tpu.memory_space<hbm>>, %arg5: memref<512xi32, #tpu.memory_space<vmem>>, %arg6: memref<512x128xf32, #tpu.memory_space<vmem>>, %arg7: memref<!tpu.dma_semaphore, #tpu.memory_space<semaphore_mem>>) attributes {dimension_semantics = [#tpu.dimension_semantics<core_parallel>, #tpu.dimension_semantics<subcore_parallel>], iteration_bounds = array<i64: 2, 16>, scalar_prefetch = 0 : i64, scratch_operands = 3 : i64, tpu.core_type = #tpu.core_type<sc_vector_subcore>, window_params = [{transform_indices = #map}, {transform_indices = #map1}, {transform_indices = #map1}]} {
    %mul3A = arith.constant 2 : i32
    %mul3A_0 = arith.muli %arg1, %mul3A : i32
    %add3A = arith.addi %mul3A_0, %arg0 : i32
    %mul3A_1 = arith.constant 4096 : i32
    %mul3A_2 = arith.muli %add3A, %mul3A_1 : i32
    %scan3A = arith.constant 0 : i32
    %scan3A_3 = arith.constant 0 : i32
    %scan3A_4 = arith.constant 8 : i32
    %scan3A_5 = arith.addi %scan3A_3, %scan3A_4 : i32
    %scan3A_6 = arith.constant 1 : i32
    scf.for %scan3A_8 = %scan3A_3 to %scan3A_5 step %scan3A_6  : i32 {
      %mul3A_9 = arith.constant 512 : i32
      %mul3A_10 = arith.muli %scan3A_8, %mul3A_9 : i32
      %add3A_11 = arith.addi %mul3A_2, %mul3A_10 : i32
      "tpu.region"() ({
        %run_scoped3A = tpu.sem_alloc : memref<!tpu.dma_semaphore, #tpu.memory_space<semaphore_mem>>
        %dma_start3A_74 = tpu.memref_slice %arg2[%add3A_11] : memref<131072xi32, #tpu.memory_space<hbm>> -> memref<512xi32, #tpu.memory_space<hbm>>
        %dma_start3A_75 = tpu.memref_slice %arg2[%add3A_11] : memref<131072xi32, #tpu.memory_space<hbm>> -> memref<512xi32, #tpu.memory_space<hbm>>
        tpu.enqueue_dma source(%dma_start3A_75 : memref<512xi32, #tpu.memory_space<hbm>>) target(%arg5 : memref<512xi32, #tpu.memory_space<vmem>>) target_semaphore(%run_scoped3A : memref<!tpu.dma_semaphore, #tpu.memory_space<semaphore_mem>>)
        %dma_wait3A_76 = tpu.memref_slice %arg2[%add3A_11] : memref<131072xi32, #tpu.memory_space<hbm>> -> memref<512xi32, #tpu.memory_space<hbm>>
        %dma_wait3A_77 = tpu.memref_slice %arg2[%add3A_11] : memref<131072xi32, #tpu.memory_space<hbm>> -> memref<512xi32, #tpu.memory_space<hbm>>
        tpu.wait_dma2 semaphore(%run_scoped3A : memref<!tpu.dma_semaphore, #tpu.memory_space<semaphore_mem>>) src(%dma_wait3A_77 : memref<512xi32, #tpu.memory_space<hbm>>) dst(%arg5 : memref<512xi32, #tpu.memory_space<vmem>>)
        tpu.yield
      }) : () -> ()
      %dma_start3A = arith.constant 0 : i32
      %dma_start3A_12 = arith.constant 0 : i32
      %dma_start3A_13 = tpu.memref_slice %arg6[%dma_start3A, %dma_start3A_12] : memref<512x128xf32, #tpu.memory_space<vmem>> -> memref<128x128xf32, #tpu.memory_space<vmem>>
      %dma_start3A_14 = arith.constant 0 : i32
      %dma_start3A_15 = tpu.memref_slice %arg5[%dma_start3A_14] : memref<512xi32, #tpu.memory_space<vmem>> -> memref<128xi32, #tpu.memory_space<vmem>>
      %dma_start3A_16 = arith.constant 0 : i32
      %dma_start3A_17 = arith.constant 0 : i32
      %dma_start3A_18 = tpu.memref_slice %arg3[%dma_start3A_16, %dma_start3A_17] : memref<8192x128xf32, #tpu.memory_space<hbm>> -> memref<8192x128xf32, #tpu.memory_space<hbm>>
      tpu.enqueue_indirect_dma source(%dma_start3A_18 : memref<8192x128xf32, #tpu.memory_space<hbm>>) target(%dma_start3A_13 : memref<128x128xf32, #tpu.memory_space<vmem>>) offsets(%dma_start3A_15 : memref<128xi32, #tpu.memory_space<vmem>>) semaphore(%arg7 : memref<!tpu.dma_semaphore, #tpu.memory_space<semaphore_mem>>)
      %dma_start3A_19 = arith.constant 128 : i32
      %dma_start3A_20 = arith.constant 0 : i32
      %dma_start3A_21 = tpu.memref_slice %arg6[%dma_start3A_19, %dma_start3A_20] : memref<512x128xf32, #tpu.memory_space<vmem>> -> memref<128x128xf32, #tpu.memory_space<vmem>>
      %dma_start3A_22 = arith.constant 128 : i32
      %dma_start3A_23 = tpu.memref_slice %arg5[%dma_start3A_22] : memref<512xi32, #tpu.memory_space<vmem>> -> memref<128xi32, #tpu.memory_space<vmem>>
      %dma_start3A_24 = arith.constant 0 : i32
      %dma_start3A_25 = arith.constant 0 : i32
      %dma_start3A_26 = tpu.memref_slice %arg3[%dma_start3A_24, %dma_start3A_25] : memref<8192x128xf32, #tpu.memory_space<hbm>> -> memref<8192x128xf32, #tpu.memory_space<hbm>>
      tpu.enqueue_indirect_dma source(%dma_start3A_26 : memref<8192x128xf32, #tpu.memory_space<hbm>>) target(%dma_start3A_21 : memref<128x128xf32, #tpu.memory_space<vmem>>) offsets(%dma_start3A_23 : memref<128xi32, #tpu.memory_space<vmem>>) semaphore(%arg7 : memref<!tpu.dma_semaphore, #tpu.memory_space<semaphore_mem>>)
      %dma_start3A_27 = arith.constant 256 : i32
      %dma_start3A_28 = arith.constant 0 : i32
      %dma_start3A_29 = tpu.memref_slice %arg6[%dma_start3A_27, %dma_start3A_28] : memref<512x128xf32, #tpu.memory_space<vmem>> -> memref<128x128xf32, #tpu.memory_space<vmem>>
      %dma_start3A_30 = arith.constant 256 : i32
      %dma_start3A_31 = tpu.memref_slice %arg5[%dma_start3A_30] : memref<512xi32, #tpu.memory_space<vmem>> -> memref<128xi32, #tpu.memory_space<vmem>>
      %dma_start3A_32 = arith.constant 0 : i32
      %dma_start3A_33 = arith.constant 0 : i32
      %dma_start3A_34 = tpu.memref_slice %arg3[%dma_start3A_32, %dma_start3A_33] : memref<8192x128xf32, #tpu.memory_space<hbm>> -> memref<8192x128xf32, #tpu.memory_space<hbm>>
      tpu.enqueue_indirect_dma source(%dma_start3A_34 : memref<8192x128xf32, #tpu.memory_space<hbm>>) target(%dma_start3A_29 : memref<128x128xf32, #tpu.memory_space<vmem>>) offsets(%dma_start3A_31 : memref<128xi32, #tpu.memory_space<vmem>>) semaphore(%arg7 : memref<!tpu.dma_semaphore, #tpu.memory_space<semaphore_mem>>)
      %dma_start3A_35 = arith.constant 384 : i32
      %dma_start3A_36 = arith.constant 0 : i32
      %dma_start3A_37 = tpu.memref_slice %arg6[%dma_start3A_35, %dma_start3A_36] : memref<512x128xf32, #tpu.memory_space<vmem>> -> memref<128x128xf32, #tpu.memory_space<vmem>>
      %dma_start3A_38 = arith.constant 384 : i32
      %dma_start3A_39 = tpu.memref_slice %arg5[%dma_start3A_38] : memref<512xi32, #tpu.memory_space<vmem>> -> memref<128xi32, #tpu.memory_space<vmem>>
      %dma_start3A_40 = arith.constant 0 : i32
      %dma_start3A_41 = arith.constant 0 : i32
      %dma_start3A_42 = tpu.memref_slice %arg3[%dma_start3A_40, %dma_start3A_41] : memref<8192x128xf32, #tpu.memory_space<hbm>> -> memref<8192x128xf32, #tpu.memory_space<hbm>>
      tpu.enqueue_indirect_dma source(%dma_start3A_42 : memref<8192x128xf32, #tpu.memory_space<hbm>>) target(%dma_start3A_37 : memref<128x128xf32, #tpu.memory_space<vmem>>) offsets(%dma_start3A_39 : memref<128xi32, #tpu.memory_space<vmem>>) semaphore(%arg7 : memref<!tpu.dma_semaphore, #tpu.memory_space<semaphore_mem>>)
      %dma_wait3A = arith.constant 0 : i32
      %dma_wait3A_43 = arith.constant 0 : i32
      %dma_wait3A_44 = tpu.memref_slice %arg6[%dma_wait3A, %dma_wait3A_43] : memref<512x128xf32, #tpu.memory_space<vmem>> -> memref<128x128xf32, #tpu.memory_space<vmem>>
      %dma_wait3A_45 = arith.constant 0 : i32
      %dma_wait3A_46 = tpu.memref_slice %arg5[%dma_wait3A_45] : memref<512xi32, #tpu.memory_space<vmem>> -> memref<128xi32, #tpu.memory_space<vmem>>
      %dma_wait3A_47 = arith.constant 0 : i32
      %dma_wait3A_48 = arith.constant 0 : i32
      %dma_wait3A_49 = tpu.memref_slice %arg3[%dma_wait3A_47, %dma_wait3A_48] : memref<8192x128xf32, #tpu.memory_space<hbm>> -> memref<8192x128xf32, #tpu.memory_space<hbm>>
      tpu.wait_indirect_dma semaphore(%arg7 : memref<!tpu.dma_semaphore, #tpu.memory_space<semaphore_mem>>) src(%dma_wait3A_49 : memref<8192x128xf32, #tpu.memory_space<hbm>>) dst(%dma_wait3A_44 : memref<128x128xf32, #tpu.memory_space<vmem>>)
      %dma_wait3A_50 = arith.constant 128 : i32
      %dma_wait3A_51 = arith.constant 0 : i32
      %dma_wait3A_52 = tpu.memref_slice %arg6[%dma_wait3A_50, %dma_wait3A_51] : memref<512x128xf32, #tpu.memory_space<vmem>> -> memref<128x128xf32, #tpu.memory_space<vmem>>
      %dma_wait3A_53 = arith.constant 128 : i32
      %dma_wait3A_54 = tpu.memref_slice %arg5[%dma_wait3A_53] : memref<512xi32, #tpu.memory_space<vmem>> -> memref<128xi32, #tpu.memory_space<vmem>>
      %dma_wait3A_55 = arith.constant 0 : i32
      %dma_wait3A_56 = arith.constant 0 : i32
      %dma_wait3A_57 = tpu.memref_slice %arg3[%dma_wait3A_55, %dma_wait3A_56] : memref<8192x128xf32, #tpu.memory_space<hbm>> -> memref<8192x128xf32, #tpu.memory_space<hbm>>
      tpu.wait_indirect_dma semaphore(%arg7 : memref<!tpu.dma_semaphore, #tpu.memory_space<semaphore_mem>>) src(%dma_wait3A_57 : memref<8192x128xf32, #tpu.memory_space<hbm>>) dst(%dma_wait3A_52 : memref<128x128xf32, #tpu.memory_space<vmem>>)
      %dma_wait3A_58 = arith.constant 256 : i32
      %dma_wait3A_59 = arith.constant 0 : i32
      %dma_wait3A_60 = tpu.memref_slice %arg6[%dma_wait3A_58, %dma_wait3A_59] : memref<512x128xf32, #tpu.memory_space<vmem>> -> memref<128x128xf32, #tpu.memory_space<vmem>>
      %dma_wait3A_61 = arith.constant 256 : i32
      %dma_wait3A_62 = tpu.memref_slice %arg5[%dma_wait3A_61] : memref<512xi32, #tpu.memory_space<vmem>> -> memref<128xi32, #tpu.memory_space<vmem>>
      %dma_wait3A_63 = arith.constant 0 : i32
      %dma_wait3A_64 = arith.constant 0 : i32
      %dma_wait3A_65 = tpu.memref_slice %arg3[%dma_wait3A_63, %dma_wait3A_64] : memref<8192x128xf32, #tpu.memory_space<hbm>> -> memref<8192x128xf32, #tpu.memory_space<hbm>>
      tpu.wait_indirect_dma semaphore(%arg7 : memref<!tpu.dma_semaphore, #tpu.memory_space<semaphore_mem>>) src(%dma_wait3A_65 : memref<8192x128xf32, #tpu.memory_space<hbm>>) dst(%dma_wait3A_60 : memref<128x128xf32, #tpu.memory_space<vmem>>)
      %dma_wait3A_66 = arith.constant 384 : i32
      %dma_wait3A_67 = arith.constant 0 : i32
      %dma_wait3A_68 = tpu.memref_slice %arg6[%dma_wait3A_66, %dma_wait3A_67] : memref<512x128xf32, #tpu.memory_space<vmem>> -> memref<128x128xf32, #tpu.memory_space<vmem>>
      %dma_wait3A_69 = arith.constant 384 : i32
      %dma_wait3A_70 = tpu.memref_slice %arg5[%dma_wait3A_69] : memref<512xi32, #tpu.memory_space<vmem>> -> memref<128xi32, #tpu.memory_space<vmem>>
      %dma_wait3A_71 = arith.constant 0 : i32
      %dma_wait3A_72 = arith.constant 0 : i32
      %dma_wait3A_73 = tpu.memref_slice %arg3[%dma_wait3A_71, %dma_wait3A_72] : memref<8192x128xf32, #tpu.memory_space<hbm>> -> memref<8192x128xf32, #tpu.memory_space<hbm>>
      tpu.wait_indirect_dma semaphore(%arg7 : memref<!tpu.dma_semaphore, #tpu.memory_space<semaphore_mem>>) src(%dma_wait3A_73 : memref<8192x128xf32, #tpu.memory_space<hbm>>) dst(%dma_wait3A_68 : memref<128x128xf32, #tpu.memory_space<vmem>>)
      "tpu.region"() ({
        %run_scoped3A = tpu.sem_alloc : memref<!tpu.dma_semaphore, #tpu.memory_space<semaphore_mem>>
        %dma_start3A_74 = arith.constant 0 : i32
        %dma_start3A_75 = tpu.memref_slice %arg4[%add3A_11, %dma_start3A_74] : memref<131072x128xf32, #tpu.memory_space<hbm>> -> memref<512x128xf32, #tpu.memory_space<hbm>>
        %dma_start3A_76 = arith.constant 0 : i32
        %dma_start3A_77 = tpu.memref_slice %arg4[%add3A_11, %dma_start3A_76] : memref<131072x128xf32, #tpu.memory_space<hbm>> -> memref<512x128xf32, #tpu.memory_space<hbm>>
        tpu.enqueue_dma source(%arg6 : memref<512x128xf32, #tpu.memory_space<vmem>>) target(%dma_start3A_77 : memref<512x128xf32, #tpu.memory_space<hbm>>) target_semaphore(%run_scoped3A : memref<!tpu.dma_semaphore, #tpu.memory_space<semaphore_mem>>)
        %dma_wait3A_78 = arith.constant 0 : i32
        %dma_wait3A_79 = tpu.memref_slice %arg4[%add3A_11, %dma_wait3A_78] : memref<131072x128xf32, #tpu.memory_space<hbm>> -> memref<512x128xf32, #tpu.memory_space<hbm>>
        %dma_wait3A_80 = arith.constant 0 : i32
        %dma_wait3A_81 = tpu.memref_slice %arg4[%add3A_11, %dma_wait3A_80] : memref<131072x128xf32, #tpu.memory_space<hbm>> -> memref<512x128xf32, #tpu.memory_space<hbm>>
        tpu.wait_dma2 semaphore(%run_scoped3A : memref<!tpu.dma_semaphore, #tpu.memory_space<semaphore_mem>>) src(%arg6 : memref<512x128xf32, #tpu.memory_space<vmem>>) dst(%dma_wait3A_81 : memref<512x128xf32, #tpu.memory_space<hbm>>)
        tpu.yield
      }) : () -> ()
    }
    %scan3A_7 = arith.constant 8 : i32
    return
  }
}

module attributes {stable_mosaic.version = 14 : i64} {
  func.func @_topk_body(%arg0: i32, %arg1: memref<256x64xf32, #tpu.memory_space<vmem>>, %arg2: memref<8192x64xf32, #tpu.memory_space<vmem>>, %arg3: memref<256x16xf32, #tpu.memory_space<vmem>>, %arg4: memref<256x16xi32, #tpu.memory_space<vmem>>, %arg5: memref<256x128xf32, #tpu.memory_space<vmem>>) attributes {dimension_semantics = [#tpu.dimension_semantics<arbitrary>], iteration_bounds = array<i64: 32>, scalar_prefetch = 0 : i64, scratch_operands = 0 : i64, tpu.core_type = #tpu.core_type<tc>, window_params = [{transform_indices = @transform_0, window_bounds = array<i64: 256, 64>}, {pipeline_mode = #tpu.pipeline_mode<synchronous>, transform_indices = @transform_1, window_bounds = array<i64: 8192, 64>}, {transform_indices = @transform_2, window_bounds = array<i64: 256, 16>}, {transform_indices = @transform_3, window_bounds = array<i64: 256, 16>}, {transform_indices = @transform_4, window_bounds = array<i64: 256, 128>}]} {
    %get3A = arith.constant 0 : index
    %get3A_0 = arith.constant 0 : index
    %get3A_1 = vector.load %arg1[%get3A, %get3A_0] : memref<256x64xf32, #tpu.memory_space<vmem>>, vector<256x64xf32>
    %broadcast_in_dim3A = arith.constant 0.000000e+00 : f32
    %broadcast_in_dim3A_2 = vector.broadcast %broadcast_in_dim3A : f32 to vector<256x64xf32>
    %concatenate3A = tpu.concatenate %get3A_1, %broadcast_in_dim3A_2 in 1 : vector<256x64xf32>, vector<256x64xf32> -> vector<256x128xf32>
    %swap3A = arith.constant 0 : index
    %swap3A_3 = arith.constant 0 : index
    %swap3A_4 = vector.load %arg5[%swap3A, %swap3A_3] : memref<256x128xf32, #tpu.memory_space<vmem>>, vector<256x128xf32>
    tpu.vector_store %arg5[%swap3A, %swap3A_3], %concatenate3A {strides = array<i32>} : memref<256x128xf32, #tpu.memory_space<vmem>>, vector<256x128xf32>,
    %mul3A = arith.mulf %get3A_1, %get3A_1 : vector<256x64xf32>
    %reduce_sum3A = arith.constant dense<0.000000e+00> : vector<256xf32>
    %reduce_sum3A_5 = vector.multi_reduction <add>, %mul3A, %reduce_sum3A [1] : vector<256x64xf32> to vector<256xf32>
    %broadcast_in_dim3A_6 = vector.shape_cast %reduce_sum3A_5 : vector<256xf32> to vector<256x1xf32>
    %iota3A = tpu.iota {dimensions = array<i32: 1>} : vector<256x16xi32>
    %iota3A_7 = tpu.iota {dimensions = array<i32: 1>} : vector<256x32xi32>
    %broadcast_in_dim3A_8 = arith.constant 0x7F800000 : f32
    %broadcast_in_dim3A_9 = vector.broadcast %broadcast_in_dim3A_8 : f32 to vector<256x16xf32>
    %broadcast_in_dim3A_10 = arith.constant 0 : i32
    %broadcast_in_dim3A_11 = vector.broadcast %broadcast_in_dim3A_10 : i32 to vector<256x16xi32>
    %get3A_12 = arith.constant 0 : index
    %get3A_13 = arith.constant 0 : index
    %get3A_14 = vector.load %arg2[%get3A_12, %get3A_13] : memref<8192x64xf32, #tpu.memory_space<vmem>>, vector<2048x64xf32>
    %mul3A_15 = arith.mulf %get3A_14, %get3A_14 : vector<2048x64xf32>
    %reduce_sum3A_16 = arith.constant dense<0.000000e+00> : vector<2048xf32>
    %reduce_sum3A_17 = vector.multi_reduction <add>, %mul3A_15, %reduce_sum3A_16 [1] : vector<2048x64xf32> to vector<2048xf32>
    %broadcast_in_dim3A_18 = vector.shape_cast %reduce_sum3A_17 : vector<2048xf32> to vector<1x2048xf32>
    %dot_general3A = arith.constant dense<0.000000e+00> : vector<256x2048xf32>
    %dot_general3A_19 = tpu.matmul %get3A_1, %get3A_14, %dot_general3A {dimension_numbers = #tpu.dot_dimension_numbers<[1], [1], [0], [0], [0, 0, 1, 0], [], []>, transpose_lhs_hint = false} : vector<256x64xf32>, vector<2048x64xf32>, vector<256x2048xf32> -> vector<256x2048xf32>
    %add3A = vector.broadcast %broadcast_in_dim3A_6 : vector<256x1xf32> to vector<256x2048xf32>
    %add3A_20 = vector.broadcast %broadcast_in_dim3A_18 : vector<1x2048xf32> to vector<256x2048xf32>
    %add3A_21 = arith.addf %add3A, %add3A_20 : vector<256x2048xf32>
    %mul3A_22 = arith.constant 2.000000e+00 : f32
    %mul3A_23 = vector.broadcast %mul3A_22 : f32 to vector<256x2048xf32>
    %mul3A_24 = arith.mulf %mul3A_23, %dot_general3A_19 : vector<256x2048xf32>
    %sub3A = arith.subf %add3A_21, %mul3A_24 : vector<256x2048xf32>
    %max3A = arith.constant 0.000000e+00 : f32
    %max3A_25 = vector.broadcast %max3A : f32 to vector<256x2048xf32>
    %max3A_26 = arith.maximumf %sub3A, %max3A_25 : vector<256x2048xf32>
    %sqrt3A = math.sqrt %max3A_26 : vector<256x2048xf32>
    %iota3A_27 = tpu.iota {dimensions = array<i32: 1>} : vector<256x2048xi32>
    %add3A_28 = arith.constant 0 : i32
    %add3A_29 = vector.broadcast %add3A_28 : i32 to vector<256x2048xi32>
    %add3A_30 = arith.addi %iota3A_27, %add3A_29 : vector<256x2048xi32>
    %broadcast_in_dim3A_31 = arith.constant 0.000000e+00 : f32
    %broadcast_in_dim3A_32 = vector.broadcast %broadcast_in_dim3A_31 : f32 to vector<256x16xf32>
    %broadcast_in_dim3A_33 = arith.constant 0 : i32
    %broadcast_in_dim3A_34 = vector.broadcast %broadcast_in_dim3A_33 : i32 to vector<256x16xi32>
    %reduce_min3A = arith.constant dense<0x7F800000> : vector<256xf32>
    %reduce_min3A_35 = vector.multi_reduction <minimumf>, %sqrt3A, %reduce_min3A [1] : vector<256x2048xf32> to vector<256xf32>
    %broadcast_in_dim3A_36 = vector.shape_cast %reduce_min3A_35 : vector<256xf32> to vector<256x1xf32>
    %eq3A = vector.broadcast %broadcast_in_dim3A_36 : vector<256x1xf32> to vector<256x2048xf32>
    %eq3A_37 = arith.cmpf oeq, %sqrt3A, %eq3A : vector<256x2048xf32>
    %jit3A = arith.constant 1073741824 : i32
    %broadcast_in_dim3A_38 = vector.broadcast %jit3A : i32 to vector<256x2048xi32>
    %select_n3A = arith.select %eq3A_37, %add3A_30, %broadcast_in_dim3A_38 : vector<256x2048xi1>, vector<256x2048xi32>
    %reduce_min3A_39 = arith.constant dense<2147483647> : vector<256xi32>
    %reduce_min3A_40 = vector.multi_reduction <minsi>, %select_n3A, %reduce_min3A_39 [1] : vector<256x2048xi32> to vector<256xi32>
    %broadcast_in_dim3A_41 = vector.shape_cast %reduce_min3A_40 : vector<256xi32> to vector<256x1xi32>
    %eq3A_42 = arith.constant 0 : i32
    %eq3A_43 = vector.broadcast %eq3A_42 : i32 to vector<256x16xi32>
    %eq3A_44 = arith.cmpi eq, %iota3A, %eq3A_43 : vector<256x16xi32>
    %broadcast_in_dim3A_45 = vector.shape_cast %broadcast_in_dim3A_36 : vector<256x1xf32> to vector<256x1xf32>
    %broadcast_in_dim3A_46 = vector.broadcast %broadcast_in_dim3A_45 : vector<256x1xf32> to vector<256x16xf32>
    %select_n3A_47 = arith.select %eq3A_44, %broadcast_in_dim3A_46, %broadcast_in_dim3A_32 : vector<256x16xi1>, vector<256x16xf32>
    %eq3A_48 = arith.constant 0 : i32
    %eq3A_49 = vector.broadcast %eq3A_48 : i32 to vector<256x16xi32>
    %eq3A_50 = arith.cmpi eq, %iota3A, %eq3A_49 : vector<256x16xi32>
    %broadcast_in_dim3A_51 = vector.shape_cast %broadcast_in_dim3A_41 : vector<256x1xi32> to vector<256x1xi32>
    %broadcast_in_dim3A_52 = vector.broadcast %broadcast_in_dim3A_51 : vector<256x1xi32> to vector<256x16xi32>
    %select_n3A_53 = arith.select %eq3A_50, %broadcast_in_dim3A_52, %broadcast_in_dim3A_34 : vector<256x16xi1>, vector<256x16xi32>
    %eq3A_54 = vector.broadcast %broadcast_in_dim3A_41 : vector<256x1xi32> to vector<256x2048xi32>
    %eq3A_55 = arith.cmpi eq, %add3A_30, %eq3A_54 : vector<256x2048xi32>
    %jit3A_56 = arith.constant 0x7F800000 : f32
    %broadcast_in_dim3A_57 = vector.broadcast %jit3A_56 : f32 to vector<256x2048xf32>
    %select_n3A_58 = arith.select %eq3A_55, %broadcast_in_dim3A_57, %sqrt3A : vector<256x2048xi1>, vector<256x2048xf32>
    %reduce_min3A_59 = arith.constant dense<0x7F800000> : vector<256xf32>
    %reduce_min3A_60 = vector.multi_reduction <minimumf>, %select_n3A_58, %reduce_min3A_59 [1] : vector<256x2048xf32> to vector<256xf32>
    %broadcast_in_dim3A_61 = vector.shape_cast %reduce_min3A_60 : vector<256xf32> to vector<256x1xf32>
    %eq3A_62 = vector.broadcast %broadcast_in_dim3A_61 : vector<256x1xf32> to vector<256x2048xf32>
    %eq3A_63 = arith.cmpf oeq, %select_n3A_58, %eq3A_62 : vector<256x2048xf32>
    %jit3A_64 = arith.constant 1073741824 : i32
    %broadcast_in_dim3A_65 = vector.broadcast %jit3A_64 : i32 to vector<256x2048xi32>
    %select_n3A_66 = arith.select %eq3A_63, %add3A_30, %broadcast_in_dim3A_65 : vector<256x2048xi1>, vector<256x2048xi32>
    %reduce_min3A_67 = arith.constant dense<2147483647> : vector<256xi32>
    %reduce_min3A_68 = vector.multi_reduction <minsi>, %select_n3A_66, %reduce_min3A_67 [1] : vector<256x2048xi32> to vector<256xi32>
    %broadcast_in_dim3A_69 = vector.shape_cast %reduce_min3A_68 : vector<256xi32> to vector<256x1xi32>
    %eq3A_70 = arith.constant 1 : i32
    %eq3A_71 = vector.broadcast %eq3A_70 : i32 to vector<256x16xi32>
    %eq3A_72 = arith.cmpi eq, %iota3A, %eq3A_71 : vector<256x16xi32>
    %broadcast_in_dim3A_73 = vector.shape_cast %broadcast_in_dim3A_61 : vector<256x1xf32> to vector<256x1xf32>
    %broadcast_in_dim3A_74 = vector.broadcast %broadcast_in_dim3A_73 : vector<256x1xf32> to vector<256x16xf32>
    %select_n3A_75 = arith.select %eq3A_72, %broadcast_in_dim3A_74, %select_n3A_47 : vector<256x16xi1>, vector<256x16xf32>
    %eq3A_76 = arith.constant 1 : i32
    %eq3A_77 = vector.broadcast %eq3A_76 : i32 to vector<256x16xi32>
    %eq3A_78 = arith.cmpi eq, %iota3A, %eq3A_77 : vector<256x16xi32>
    %broadcast_in_dim3A_79 = vector.shape_cast %broadcast_in_dim3A_69 : vector<256x1xi32> to vector<256x1xi32>
    %broadcast_in_dim3A_80 = vector.broadcast %broadcast_in_dim3A_79 : vector<256x1xi32> to vector<256x16xi32>
    %select_n3A_81 = arith.select %eq3A_78, %broadcast_in_dim3A_80, %select_n3A_53 : vector<256x16xi1>, vector<256x16xi32>
    %eq3A_82 = vector.broadcast %broadcast_in_dim3A_41 : vector<256x1xi32> to vector<256x2048xi32>
    %eq3A_83 = arith.cmpi eq, %add3A_30, %eq3A_82 : vector<256x2048xi32>
    %jit3A_84 = arith.constant 0x7F800000 : f32
    %broadcast_in_dim3A_85 = vector.broadcast %jit3A_84 : f32 to vector<256x2048xf32>
    %select_n3A_86 = arith.select %eq3A_83, %broadcast_in_dim3A_85, %sqrt3A : vector<256x2048xi1>, vector<256x2048xf32>
    %eq3A_87 = vector.broadcast %broadcast_in_dim3A_69 : vector<256x1xi32> to vector<256x2048xi32>
    %eq3A_88 = arith.cmpi eq, %add3A_30, %eq3A_87 : vector<256x2048xi32>
    %jit3A_89 = arith.constant 0x7F800000 : f32
    %broadcast_in_dim3A_90 = vector.broadcast %jit3A_89 : f32 to vector<256x2048xf32>
    %select_n3A_91 = arith.select %eq3A_88, %broadcast_in_dim3A_90, %select_n3A_86 : vector<256x2048xi1>, vector<256x2048xf32>
    %reduce_min3A_92 = arith.constant dense<0x7F800000> : vector<256xf32>
    %reduce_min3A_93 = vector.multi_reduction <minimumf>, %select_n3A_91, %reduce_min3A_92 [1] : vector<256x2048xf32> to vector<256xf32>
    %broadcast_in_dim3A_94 = vector.shape_cast %reduce_min3A_93 : vector<256xf32> to vector<256x1xf32>
    %eq3A_95 = vector.broadcast %broadcast_in_dim3A_94 : vector<256x1xf32> to vector<256x2048xf32>
    %eq3A_96 = arith.cmpf oeq, %select_n3A_91, %eq3A_95 : vector<256x2048xf32>
    %jit3A_97 = arith.constant 1073741824 : i32
    %broadcast_in_dim3A_98 = vector.broadcast %jit3A_97 : i32 to vector<256x2048xi32>
    %select_n3A_99 = arith.select %eq3A_96, %add3A_30, %broadcast_in_dim3A_98 : vector<256x2048xi1>, vector<256x2048xi32>
    %reduce_min3A_100 = arith.constant dense<2147483647> : vector<256xi32>
    %reduce_min3A_101 = vector.multi_reduction <minsi>, %select_n3A_99, %reduce_min3A_100 [1] : vector<256x2048xi32> to vector<256xi32>
    %broadcast_in_dim3A_102 = vector.shape_cast %reduce_min3A_101 : vector<256xi32> to vector<256x1xi32>
    %eq3A_103 = arith.constant 2 : i32
    %eq3A_104 = vector.broadcast %eq3A_103 : i32 to vector<256x16xi32>
    %eq3A_105 = arith.cmpi eq, %iota3A, %eq3A_104 : vector<256x16xi32>
    %broadcast_in_dim3A_106 = vector.shape_cast %broadcast_in_dim3A_94 : vector<256x1xf32> to vector<256x1xf32>
    %broadcast_in_dim3A_107 = vector.broadcast %broadcast_in_dim3A_106 : vector<256x1xf32> to vector<256x16xf32>
    %select_n3A_108 = arith.select %eq3A_105, %broadcast_in_dim3A_107, %select_n3A_75 : vector<256x16xi1>, vector<256x16xf32>
    %eq3A_109 = arith.constant 2 : i32
    %eq3A_110 = vector.broadcast %eq3A_109 : i32 to vector<256x16xi32>
    %eq3A_111 = arith.cmpi eq, %iota3A, %eq3A_110 : vector<256x16xi32>
    %broadcast_in_dim3A_112 = vector.shape_cast %broadcast_in_dim3A_102 : vector<256x1xi32> to vector<256x1xi32>
    %broadcast_in_dim3A_113 = vector.broadcast %broadcast_in_dim3A_112 : vector<256x1xi32> to vector<256x16xi32>
    %select_n3A_114 = arith.select %eq3A_111, %broadcast_in_dim3A_113, %select_n3A_81 : vector<256x16xi1>, vector<256x16xi32>
    %eq3A_115 = vector.broadcast %broadcast_in_dim3A_41 : vector<256x1xi32> to vector<256x2048xi32>
    %eq3A_116 = arith.cmpi eq, %add3A_30, %eq3A_115 : vector<256x2048xi32>
    %jit3A_117 = arith.constant 0x7F800000 : f32
    %broadcast_in_dim3A_118 = vector.broadcast %jit3A_117 : f32 to vector<256x2048xf32>
    %select_n3A_119 = arith.select %eq3A_116, %broadcast_in_dim3A_118, %sqrt3A : vector<256x2048xi1>, vector<256x2048xf32>
    %eq3A_120 = vector.broadcast %broadcast_in_dim3A_69 : vector<256x1xi32> to vector<256x2048xi32>
    %eq3A_121 = arith.cmpi eq, %add3A_30, %eq3A_120 : vector<256x2048xi32>
    %jit3A_122 = arith.constant 0x7F800000 : f32
    %broadcast_in_dim3A_123 = vector.broadcast %jit3A_122 : f32 to vector<256x2048xf32>
    %select_n3A_124 = arith.select %eq3A_121, %broadcast_in_dim3A_123, %select_n3A_119 : vector<256x2048xi1>, vector<256x2048xf32>
    %eq3A_125 = vector.broadcast %broadcast_in_dim3A_102 : vector<256x1xi32> to vector<256x2048xi32>
    %eq3A_126 = arith.cmpi eq, %add3A_30, %eq3A_125 : vector<256x2048xi32>
    %jit3A_127 = arith.constant 0x7F800000 : f32
    %broadcast_in_dim3A_128 = vector.broadcast %jit3A_127 : f32 to vector<256x2048xf32>
    %select_n3A_129 = arith.select %eq3A_126, %broadcast_in_dim3A_128, %select_n3A_124 : vector<256x2048xi1>, vector<256x2048xf32>
    %reduce_min3A_130 = arith.constant dense<0x7F800000> : vector<256xf32>
    %reduce_min3A_131 = vector.multi_reduction <minimumf>, %select_n3A_129, %reduce_min3A_130 [1] : vector<256x2048xf32> to vector<256xf32>
    %broadcast_in_dim3A_132 = vector.shape_cast %reduce_min3A_131 : vector<256xf32> to vector<256x1xf32>
    %eq3A_133 = vector.broadcast %broadcast_in_dim3A_132 : vector<256x1xf32> to vector<256x2048xf32>
    %eq3A_134 = arith.cmpf oeq, %select_n3A_129, %eq3A_133 : vector<256x2048xf32>
    %jit3A_135 = arith.constant 1073741824 : i32
    %broadcast_in_dim3A_136 = vector.broadcast %jit3A_135 : i32 to vector<256x2048xi32>
    %select_n3A_137 = arith.select %eq3A_134, %add3A_30, %broadcast_in_dim3A_136 : vector<256x2048xi1>, vector<256x2048xi32>
    %reduce_min3A_138 = arith.constant dense<2147483647> : vector<256xi32>
    %reduce_min3A_139 = vector.multi_reduction <minsi>, %select_n3A_137, %reduce_min3A_138 [1] : vector<256x2048xi32> to vector<256xi32>
    %broadcast_in_dim3A_140 = vector.shape_cast %reduce_min3A_139 : vector<256xi32> to vector<256x1xi32>
    %eq3A_141 = arith.constant 3 : i32
    %eq3A_142 = vector.broadcast %eq3A_141 : i32 to vector<256x16xi32>
    %eq3A_143 = arith.cmpi eq, %iota3A, %eq3A_142 : vector<256x16xi32>
    %broadcast_in_dim3A_144 = vector.shape_cast %broadcast_in_dim3A_132 : vector<256x1xf32> to vector<256x1xf32>
    %broadcast_in_dim3A_145 = vector.broadcast %broadcast_in_dim3A_144 : vector<256x1xf32> to vector<256x16xf32>
    %select_n3A_146 = arith.select %eq3A_143, %broadcast_in_dim3A_145, %select_n3A_108 : vector<256x16xi1>, vector<256x16xf32>
    %eq3A_147 = arith.constant 3 : i32
    %eq3A_148 = vector.broadcast %eq3A_147 : i32 to vector<256x16xi32>
    %eq3A_149 = arith.cmpi eq, %iota3A, %eq3A_148 : vector<256x16xi32>
    %broadcast_in_dim3A_150 = vector.shape_cast %broadcast_in_dim3A_140 : vector<256x1xi32> to vector<256x1xi32>
    %broadcast_in_dim3A_151 = vector.broadcast %broadcast_in_dim3A_150 : vector<256x1xi32> to vector<256x16xi32>
    %select_n3A_152 = arith.select %eq3A_149, %broadcast_in_dim3A_151, %select_n3A_114 : vector<256x16xi1>, vector<256x16xi32>
    %eq3A_153 = vector.broadcast %broadcast_in_dim3A_41 : vector<256x1xi32> to vector<256x2048xi32>
    %eq3A_154 = arith.cmpi eq, %add3A_30, %eq3A_153 : vector<256x2048xi32>
    %jit3A_155 = arith.constant 0x7F800000 : f32
    %broadcast_in_dim3A_156 = vector.broadcast %jit3A_155 : f32 to vector<256x2048xf32>
    %select_n3A_157 = arith.select %eq3A_154, %broadcast_in_dim3A_156, %sqrt3A : vector<256x2048xi1>, vector<256x2048xf32>
    %eq3A_158 = vector.broadcast %broadcast_in_dim3A_69 : vector<256x1xi32> to vector<256x2048xi32>
    %eq3A_159 = arith.cmpi eq, %add3A_30, %eq3A_158 : vector<256x2048xi32>
    %jit3A_160 = arith.constant 0x7F800000 : f32
    %broadcast_in_dim3A_161 = vector.broadcast %jit3A_160 : f32 to vector<256x2048xf32>
    %select_n3A_162 = arith.select %eq3A_159, %broadcast_in_dim3A_161, %select_n3A_157 : vector<256x2048xi1>, vector<256x2048xf32>
    %eq3A_163 = vector.broadcast %broadcast_in_dim3A_102 : vector<256x1xi32> to vector<256x2048xi32>
    %eq3A_164 = arith.cmpi eq, %add3A_30, %eq3A_163 : vector<256x2048xi32>
    %jit3A_165 = arith.constant 0x7F800000 : f32
    %broadcast_in_dim3A_166 = vector.broadcast %jit3A_165 : f32 to vector<256x2048xf32>
    %select_n3A_167 = arith.select %eq3A_164, %broadcast_in_dim3A_166, %select_n3A_162 : vector<256x2048xi1>, vector<256x2048xf32>
    %eq3A_168 = vector.broadcast %broadcast_in_dim3A_140 : vector<256x1xi32> to vector<256x2048xi32>
    %eq3A_169 = arith.cmpi eq, %add3A_30, %eq3A_168 : vector<256x2048xi32>
    %jit3A_170 = arith.constant 0x7F800000 : f32
    %broadcast_in_dim3A_171 = vector.broadcast %jit3A_170 : f32 to vector<256x2048xf32>
    %select_n3A_172 = arith.select %eq3A_169, %broadcast_in_dim3A_171, %select_n3A_167 : vector<256x2048xi1>, vector<256x2048xf32>
    %reduce_min3A_173 = arith.constant dense<0x7F800000> : vector<256xf32>
    %reduce_min3A_174 = vector.multi_reduction <minimumf>, %select_n3A_172, %reduce_min3A_173 [1] : vector<256x2048xf32> to vector<256xf32>
    %broadcast_in_dim3A_175 = vector.shape_cast %reduce_min3A_174 : vector<256xf32> to vector<256x1xf32>
    %eq3A_176 = vector.broadcast %broadcast_in_dim3A_175 : vector<256x1xf32> to vector<256x2048xf32>
    %eq3A_177 = arith.cmpf oeq, %select_n3A_172, %eq3A_176 : vector<256x2048xf32>
    %jit3A_178 = arith.constant 1073741824 : i32
    %broadcast_in_dim3A_179 = vector.broadcast %jit3A_178 : i32 to vector<256x2048xi32>
    %select_n3A_180 = arith.select %eq3A_177, %add3A_30, %broadcast_in_dim3A_179 : vector<256x2048xi1>, vector<256x2048xi32>
    %reduce_min3A_181 = arith.constant dense<2147483647> : vector<256xi32>
    %reduce_min3A_182 = vector.multi_reduction <minsi>, %select_n3A_180, %reduce_min3A_181 [1] : vector<256x2048xi32> to vector<256xi32>
    %broadcast_in_dim3A_183 = vector.shape_cast %reduce_min3A_182 : vector<256xi32> to vector<256x1xi32>
    %eq3A_184 = arith.constant 4 : i32
    %eq3A_185 = vector.broadcast %eq3A_184 : i32 to vector<256x16xi32>
    %eq3A_186 = arith.cmpi eq, %iota3A, %eq3A_185 : vector<256x16xi32>
    %broadcast_in_dim3A_187 = vector.shape_cast %broadcast_in_dim3A_175 : vector<256x1xf32> to vector<256x1xf32>
    %broadcast_in_dim3A_188 = vector.broadcast %broadcast_in_dim3A_187 : vector<256x1xf32> to vector<256x16xf32>
    %select_n3A_189 = arith.select %eq3A_186, %broadcast_in_dim3A_188, %select_n3A_146 : vector<256x16xi1>, vector<256x16xf32>
    %eq3A_190 = arith.constant 4 : i32
    %eq3A_191 = vector.broadcast %eq3A_190 : i32 to vector<256x16xi32>
    %eq3A_192 = arith.cmpi eq, %iota3A, %eq3A_191 : vector<256x16xi32>
    %broadcast_in_dim3A_193 = vector.shape_cast %broadcast_in_dim3A_183 : vector<256x1xi32> to vector<256x1xi32>
    %broadcast_in_dim3A_194 = vector.broadcast %broadcast_in_dim3A_193 : vector<256x1xi32> to vector<256x16xi32>
    %select_n3A_195 = arith.select %eq3A_192, %broadcast_in_dim3A_194, %select_n3A_152 : vector<256x16xi1>, vector<256x16xi32>
    %eq3A_196 = vector.broadcast %broadcast_in_dim3A_41 : vector<256x1xi32> to vector<256x2048xi32>
    %eq3A_197 = arith.cmpi eq, %add3A_30, %eq3A_196 : vector<256x2048xi32>
    %jit3A_198 = arith.constant 0x7F800000 : f32
    %broadcast_in_dim3A_199 = vector.broadcast %jit3A_198 : f32 to vector<256x2048xf32>
    %select_n3A_200 = arith.select %eq3A_197, %broadcast_in_dim3A_199, %sqrt3A : vector<256x2048xi1>, vector<256x2048xf32>
    %eq3A_201 = vector.broadcast %broadcast_in_dim3A_69 : vector<256x1xi32> to vector<256x2048xi32>
    %eq3A_202 = arith.cmpi eq, %add3A_30, %eq3A_201 : vector<256x2048xi32>
    %jit3A_203 = arith.constant 0x7F800000 : f32
    %broadcast_in_dim3A_204 = vector.broadcast %jit3A_203 : f32 to vector<256x2048xf32>
    %select_n3A_205 = arith.select %eq3A_202, %broadcast_in_dim3A_204, %select_n3A_200 : vector<256x2048xi1>, vector<256x2048xf32>
    %eq3A_206 = vector.broadcast %broadcast_in_dim3A_102 : vector<256x1xi32> to vector<256x2048xi32>
    %eq3A_207 = arith.cmpi eq, %add3A_30, %eq3A_206 : vector<256x2048xi32>
    %jit3A_208 = arith.constant 0x7F800000 : f32
    %broadcast_in_dim3A_209 = vector.broadcast %jit3A_208 : f32 to vector<256x2048xf32>
    %select_n3A_210 = arith.select %eq3A_207, %broadcast_in_dim3A_209, %select_n3A_205 : vector<256x2048xi1>, vector<256x2048xf32>
    %eq3A_211 = vector.broadcast %broadcast_in_dim3A_140 : vector<256x1xi32> to vector<256x2048xi32>
    %eq3A_212 = arith.cmpi eq, %add3A_30, %eq3A_211 : vector<256x2048xi32>
    %jit3A_213 = arith.constant 0x7F800000 : f32
    %broadcast_in_dim3A_214 = vector.broadcast %jit3A_213 : f32 to vector<256x2048xf32>
    %select_n3A_215 = arith.select %eq3A_212, %broadcast_in_dim3A_214, %select_n3A_210 : vector<256x2048xi1>, vector<256x2048xf32>
    %eq3A_216 = vector.broadcast %broadcast_in_dim3A_183 : vector<256x1xi32> to vector<256x2048xi32>
    %eq3A_217 = arith.cmpi eq, %add3A_30, %eq3A_216 : vector<256x2048xi32>
    %jit3A_218 = arith.constant 0x7F800000 : f32
    %broadcast_in_dim3A_219 = vector.broadcast %jit3A_218 : f32 to vector<256x2048xf32>
    %select_n3A_220 = arith.select %eq3A_217, %broadcast_in_dim3A_219, %select_n3A_215 : vector<256x2048xi1>, vector<256x2048xf32>
    %reduce_min3A_221 = arith.constant dense<0x7F800000> : vector<256xf32>
    %reduce_min3A_222 = vector.multi_reduction <minimumf>, %select_n3A_220, %reduce_min3A_221 [1] : vector<256x2048xf32> to vector<256xf32>
    %broadcast_in_dim3A_223 = vector.shape_cast %reduce_min3A_222 : vector<256xf32> to vector<256x1xf32>
    %eq3A_224 = vector.broadcast %broadcast_in_dim3A_223 : vector<256x1xf32> to vector<256x2048xf32>
    %eq3A_225 = arith.cmpf oeq, %select_n3A_220, %eq3A_224 : vector<256x2048xf32>
    %jit3A_226 = arith.constant 1073741824 : i32
    %broadcast_in_dim3A_227 = vector.broadcast %jit3A_226 : i32 to vector<256x2048xi32>
    %select_n3A_228 = arith.select %eq3A_225, %add3A_30, %broadcast_in_dim3A_227 : vector<256x2048xi1>, vector<256x2048xi32>
    %reduce_min3A_229 = arith.constant dense<2147483647> : vector<256xi32>
    %reduce_min3A_230 = vector.multi_reduction <minsi>, %select_n3A_228, %reduce_min3A_229 [1] : vector<256x2048xi32> to vector<256xi32>
    %broadcast_in_dim3A_231 = vector.shape_cast %reduce_min3A_230 : vector<256xi32> to vector<256x1xi32>
    %eq3A_232 = arith.constant 5 : i32
    %eq3A_233 = vector.broadcast %eq3A_232 : i32 to vector<256x16xi32>
    %eq3A_234 = arith.cmpi eq, %iota3A, %eq3A_233 : vector<256x16xi32>
    %broadcast_in_dim3A_235 = vector.shape_cast %broadcast_in_dim3A_223 : vector<256x1xf32> to vector<256x1xf32>
    %broadcast_in_dim3A_236 = vector.broadcast %broadcast_in_dim3A_235 : vector<256x1xf32> to vector<256x16xf32>
    %select_n3A_237 = arith.select %eq3A_234, %broadcast_in_dim3A_236, %select_n3A_189 : vector<256x16xi1>, vector<256x16xf32>
    %eq3A_238 = arith.constant 5 : i32
    %eq3A_239 = vector.broadcast %eq3A_238 : i32 to vector<256x16xi32>
    %eq3A_240 = arith.cmpi eq, %iota3A, %eq3A_239 : vector<256x16xi32>
    %broadcast_in_dim3A_241 = vector.shape_cast %broadcast_in_dim3A_231 : vector<256x1xi32> to vector<256x1xi32>
    %broadcast_in_dim3A_242 = vector.broadcast %broadcast_in_dim3A_241 : vector<256x1xi32> to vector<256x16xi32>
    %select_n3A_243 = arith.select %eq3A_240, %broadcast_in_dim3A_242, %select_n3A_195 : vector<256x16xi1>, vector<256x16xi32>
    %eq3A_244 = vector.broadcast %broadcast_in_dim3A_41 : vector<256x1xi32> to vector<256x2048xi32>
    %eq3A_245 = arith.cmpi eq, %add3A_30, %eq3A_244 : vector<256x2048xi32>
    %jit3A_246 = arith.constant 0x7F800000 : f32
    %broadcast_in_dim3A_247 = vector.broadcast %jit3A_246 : f32 to vector<256x2048xf32>
    %select_n3A_248 = arith.select %eq3A_245, %broadcast_in_dim3A_247, %sqrt3A : vector<256x2048xi1>, vector<256x2048xf32>
    %eq3A_249 = vector.broadcast %broadcast_in_dim3A_69 : vector<256x1xi32> to vector<256x2048xi32>
    %eq3A_250 = arith.cmpi eq, %add3A_30, %eq3A_249 : vector<256x2048xi32>
    %jit3A_251 = arith.constant 0x7F800000 : f32
    %broadcast_in_dim3A_252 = vector.broadcast %jit3A_251 : f32 to vector<256x2048xf32>
    %select_n3A_253 = arith.select %eq3A_250, %broadcast_in_dim3A_252, %select_n3A_248 : vector<256x2048xi1>, vector<256x2048xf32>
    %eq3A_254 = vector.broadcast %broadcast_in_dim3A_102 : vector<256x1xi32> to vector<256x2048xi32>
    %eq3A_255 = arith.cmpi eq, %add3A_30, %eq3A_254 : vector<256x2048xi32>
    %jit3A_256 = arith.constant 0x7F800000 : f32
    %broadcast_in_dim3A_257 = vector.broadcast %jit3A_256 : f32 to vector<256x2048xf32>
    %select_n3A_258 = arith.select %eq3A_255, %broadcast_in_dim3A_257, %select_n3A_253 : vector<256x2048xi1>, vector<256x2048xf32>
    %eq3A_259 = vector.broadcast %broadcast_in_dim3A_140 : vector<256x1xi32> to vector<256x2048xi32>
    %eq3A_260 = arith.cmpi eq, %add3A_30, %eq3A_259 : vector<256x2048xi32>
    %jit3A_261 = arith.constant 0x7F800000 : f32
    %broadcast_in_dim3A_262 = vector.broadcast %jit3A_261 : f32 to vector<256x2048xf32>
    %select_n3A_263 = arith.select %eq3A_260, %broadcast_in_dim3A_262, %select_n3A_258 : vector<256x2048xi1>, vector<256x2048xf32>
    %eq3A_264 = vector.broadcast %broadcast_in_dim3A_183 : vector<256x1xi32> to vector<256x2048xi32>
    %eq3A_265 = arith.cmpi eq, %add3A_30, %eq3A_264 : vector<256x2048xi32>
    %jit3A_266 = arith.constant 0x7F800000 : f32
    %broadcast_in_dim3A_267 = vector.broadcast %jit3A_266 : f32 to vector<256x2048xf32>
    %select_n3A_268 = arith.select %eq3A_265, %broadcast_in_dim3A_267, %select_n3A_263 : vector<256x2048xi1>, vector<256x2048xf32>
    %eq3A_269 = vector.broadcast %broadcast_in_dim3A_231 : vector<256x1xi32> to vector<256x2048xi32>
    %eq3A_270 = arith.cmpi eq, %add3A_30, %eq3A_269 : vector<256x2048xi32>
    %jit3A_271 = arith.constant 0x7F800000 : f32
    %broadcast_in_dim3A_272 = vector.broadcast %jit3A_271 : f32 to vector<256x2048xf32>
    %select_n3A_273 = arith.select %eq3A_270, %broadcast_in_dim3A_272, %select_n3A_268 : vector<256x2048xi1>, vector<256x2048xf32>
    %reduce_min3A_274 = arith.constant dense<0x7F800000> : vector<256xf32>
    %reduce_min3A_275 = vector.multi_reduction <minimumf>, %select_n3A_273, %reduce_min3A_274 [1] : vector<256x2048xf32> to vector<256xf32>
    %broadcast_in_dim3A_276 = vector.shape_cast %reduce_min3A_275 : vector<256xf32> to vector<256x1xf32>
    %eq3A_277 = vector.broadcast %broadcast_in_dim3A_276 : vector<256x1xf32> to vector<256x2048xf32>
    %eq3A_278 = arith.cmpf oeq, %select_n3A_273, %eq3A_277 : vector<256x2048xf32>
    %jit3A_279 = arith.constant 1073741824 : i32
    %broadcast_in_dim3A_280 = vector.broadcast %jit3A_279 : i32 to vector<256x2048xi32>
    %select_n3A_281 = arith.select %eq3A_278, %add3A_30, %broadcast_in_dim3A_280 : vector<256x2048xi1>, vector<256x2048xi32>
    %reduce_min3A_282 = arith.constant dense<2147483647> : vector<256xi32>
    %reduce_min3A_283 = vector.multi_reduction <minsi>, %select_n3A_281, %reduce_min3A_282 [1] : vector<256x2048xi32> to vector<256xi32>
    %broadcast_in_dim3A_284 = vector.shape_cast %reduce_min3A_283 : vector<256xi32> to vector<256x1xi32>
    %eq3A_285 = arith.constant 6 : i32
    %eq3A_286 = vector.broadcast %eq3A_285 : i32 to vector<256x16xi32>
    %eq3A_287 = arith.cmpi eq, %iota3A, %eq3A_286 : vector<256x16xi32>
    %broadcast_in_dim3A_288 = vector.shape_cast %broadcast_in_dim3A_276 : vector<256x1xf32> to vector<256x1xf32>
    %broadcast_in_dim3A_289 = vector.broadcast %broadcast_in_dim3A_288 : vector<256x1xf32> to vector<256x16xf32>
    %select_n3A_290 = arith.select %eq3A_287, %broadcast_in_dim3A_289, %select_n3A_237 : vector<256x16xi1>, vector<256x16xf32>
    %eq3A_291 = arith.constant 6 : i32
    %eq3A_292 = vector.broadcast %eq3A_291 : i32 to vector<256x16xi32>
    %eq3A_293 = arith.cmpi eq, %iota3A, %eq3A_292 : vector<256x16xi32>
    %broadcast_in_dim3A_294 = vector.shape_cast %broadcast_in_dim3A_284 : vector<256x1xi32> to vector<256x1xi32>
    %broadcast_in_dim3A_295 = vector.broadcast %broadcast_in_dim3A_294 : vector<256x1xi32> to vector<256x16xi32>
    %select_n3A_296 = arith.select %eq3A_293, %broadcast_in_dim3A_295, %select_n3A_243 : vector<256x16xi1>, vector<256x16xi32>
    %eq3A_297 = vector.broadcast %broadcast_in_dim3A_41 : vector<256x1xi32> to vector<256x2048xi32>
    %eq3A_298 = arith.cmpi eq, %add3A_30, %eq3A_297 : vector<256x2048xi32>
    %jit3A_299 = arith.constant 0x7F800000 : f32
    %broadcast_in_dim3A_300 = vector.broadcast %jit3A_299 : f32 to vector<256x2048xf32>
    %select_n3A_301 = arith.select %eq3A_298, %broadcast_in_dim3A_300, %sqrt3A : vector<256x2048xi1>, vector<256x2048xf32>
    %eq3A_302 = vector.broadcast %broadcast_in_dim3A_69 : vector<256x1xi32> to vector<256x2048xi32>
    %eq3A_303 = arith.cmpi eq, %add3A_30, %eq3A_302 : vector<256x2048xi32>
    %jit3A_304 = arith.constant 0x7F800000 : f32
    %broadcast_in_dim3A_305 = vector.broadcast %jit3A_304 : f32 to vector<256x2048xf32>
    %select_n3A_306 = arith.select %eq3A_303, %broadcast_in_dim3A_305, %select_n3A_301 : vector<256x2048xi1>, vector<256x2048xf32>
    %eq3A_307 = vector.broadcast %broadcast_in_dim3A_102 : vector<256x1xi32> to vector<256x2048xi32>
    %eq3A_308 = arith.cmpi eq, %add3A_30, %eq3A_307 : vector<256x2048xi32>
    %jit3A_309 = arith.constant 0x7F800000 : f32
    %broadcast_in_dim3A_310 = vector.broadcast %jit3A_309 : f32 to vector<256x2048xf32>
    %select_n3A_311 = arith.select %eq3A_308, %broadcast_in_dim3A_310, %select_n3A_306 : vector<256x2048xi1>, vector<256x2048xf32>
    %eq3A_312 = vector.broadcast %broadcast_in_dim3A_140 : vector<256x1xi32> to vector<256x2048xi32>
    %eq3A_313 = arith.cmpi eq, %add3A_30, %eq3A_312 : vector<256x2048xi32>
    %jit3A_314 = arith.constant 0x7F800000 : f32
    %broadcast_in_dim3A_315 = vector.broadcast %jit3A_314 : f32 to vector<256x2048xf32>
    %select_n3A_316 = arith.select %eq3A_313, %broadcast_in_dim3A_315, %select_n3A_311 : vector<256x2048xi1>, vector<256x2048xf32>
    %eq3A_317 = vector.broadcast %broadcast_in_dim3A_183 : vector<256x1xi32> to vector<256x2048xi32>
    %eq3A_318 = arith.cmpi eq, %add3A_30, %eq3A_317 : vector<256x2048xi32>
    %jit3A_319 = arith.constant 0x7F800000 : f32
    %broadcast_in_dim3A_320 = vector.broadcast %jit3A_319 : f32 to vector<256x2048xf32>
    %select_n3A_321 = arith.select %eq3A_318, %broadcast_in_dim3A_320, %select_n3A_316 : vector<256x2048xi1>, vector<256x2048xf32>
    %eq3A_322 = vector.broadcast %broadcast_in_dim3A_231 : vector<256x1xi32> to vector<256x2048xi32>
    %eq3A_323 = arith.cmpi eq, %add3A_30, %eq3A_322 : vector<256x2048xi32>
    %jit3A_324 = arith.constant 0x7F800000 : f32
    %broadcast_in_dim3A_325 = vector.broadcast %jit3A_324 : f32 to vector<256x2048xf32>
    %select_n3A_326 = arith.select %eq3A_323, %broadcast_in_dim3A_325, %select_n3A_321 : vector<256x2048xi1>, vector<256x2048xf32>
    %eq3A_327 = vector.broadcast %broadcast_in_dim3A_284 : vector<256x1xi32> to vector<256x2048xi32>
    %eq3A_328 = arith.cmpi eq, %add3A_30, %eq3A_327 : vector<256x2048xi32>
    %jit3A_329 = arith.constant 0x7F800000 : f32
    %broadcast_in_dim3A_330 = vector.broadcast %jit3A_329 : f32 to vector<256x2048xf32>
    %select_n3A_331 = arith.select %eq3A_328, %broadcast_in_dim3A_330, %select_n3A_326 : vector<256x2048xi1>, vector<256x2048xf32>
    %reduce_min3A_332 = arith.constant dense<0x7F800000> : vector<256xf32>
    %reduce_min3A_333 = vector.multi_reduction <minimumf>, %select_n3A_331, %reduce_min3A_332 [1] : vector<256x2048xf32> to vector<256xf32>
    %broadcast_in_dim3A_334 = vector.shape_cast %reduce_min3A_333 : vector<256xf32> to vector<256x1xf32>
    %eq3A_335 = vector.broadcast %broadcast_in_dim3A_334 : vector<256x1xf32> to vector<256x2048xf32>
    %eq3A_336 = arith.cmpf oeq, %select_n3A_331, %eq3A_335 : vector<256x2048xf32>
    %jit3A_337 = arith.constant 1073741824 : i32
    %broadcast_in_dim3A_338 = vector.broadcast %jit3A_337 : i32 to vector<256x2048xi32>
    %select_n3A_339 = arith.select %eq3A_336, %add3A_30, %broadcast_in_dim3A_338 : vector<256x2048xi1>, vector<256x2048xi32>
    %reduce_min3A_340 = arith.constant dense<2147483647> : vector<256xi32>
    %reduce_min3A_341 = vector.multi_reduction <minsi>, %select_n3A_339, %reduce_min3A_340 [1] : vector<256x2048xi32> to vector<256xi32>
    %broadcast_in_dim3A_342 = vector.shape_cast %reduce_min3A_341 : vector<256xi32> to vector<256x1xi32>
    %eq3A_343 = arith.constant 7 : i32
    %eq3A_344 = vector.broadcast %eq3A_343 : i32 to vector<256x16xi32>
    %eq3A_345 = arith.cmpi eq, %iota3A, %eq3A_344 : vector<256x16xi32>
    %broadcast_in_dim3A_346 = vector.shape_cast %broadcast_in_dim3A_334 : vector<256x1xf32> to vector<256x1xf32>
    %broadcast_in_dim3A_347 = vector.broadcast %broadcast_in_dim3A_346 : vector<256x1xf32> to vector<256x16xf32>
    %select_n3A_348 = arith.select %eq3A_345, %broadcast_in_dim3A_347, %select_n3A_290 : vector<256x16xi1>, vector<256x16xf32>
    %eq3A_349 = arith.constant 7 : i32
    %eq3A_350 = vector.broadcast %eq3A_349 : i32 to vector<256x16xi32>
    %eq3A_351 = arith.cmpi eq, %iota3A, %eq3A_350 : vector<256x16xi32>
    %broadcast_in_dim3A_352 = vector.shape_cast %broadcast_in_dim3A_342 : vector<256x1xi32> to vector<256x1xi32>
    %broadcast_in_dim3A_353 = vector.broadcast %broadcast_in_dim3A_352 : vector<256x1xi32> to vector<256x16xi32>
    %select_n3A_354 = arith.select %eq3A_351, %broadcast_in_dim3A_353, %select_n3A_296 : vector<256x16xi1>, vector<256x16xi32>
    %eq3A_355 = vector.broadcast %broadcast_in_dim3A_41 : vector<256x1xi32> to vector<256x2048xi32>
    %eq3A_356 = arith.cmpi eq, %add3A_30, %eq3A_355 : vector<256x2048xi32>
    %eq3A_357 = vector.broadcast %broadcast_in_dim3A_69 : vector<256x1xi32> to vector<256x2048xi32>
    %eq3A_358 = arith.cmpi eq, %add3A_30, %eq3A_357 : vector<256x2048xi32>
    %or3A = arith.ori %eq3A_356, %eq3A_358 : vector<256x2048xi1>
    %eq3A_359 = vector.broadcast %broadcast_in_dim3A_102 : vector<256x1xi32> to vector<256x2048xi32>
    %eq3A_360 = arith.cmpi eq, %add3A_30, %eq3A_359 : vector<256x2048xi32>
    %or3A_361 = arith.ori %or3A, %eq3A_360 : vector<256x2048xi1>
    %eq3A_362 = vector.broadcast %broadcast_in_dim3A_140 : vector<256x1xi32> to vector<256x2048xi32>
    %eq3A_363 = arith.cmpi eq, %add3A_30, %eq3A_362 : vector<256x2048xi32>
    %or3A_364 = arith.ori %or3A_361, %eq3A_363 : vector<256x2048xi1>
    %eq3A_365 = vector.broadcast %broadcast_in_dim3A_183 : vector<256x1xi32> to vector<256x2048xi32>
    %eq3A_366 = arith.cmpi eq, %add3A_30, %eq3A_365 : vector<256x2048xi32>
    %or3A_367 = arith.ori %or3A_364, %eq3A_366 : vector<256x2048xi1>
    %eq3A_368 = vector.broadcast %broadcast_in_dim3A_231 : vector<256x1xi32> to vector<256x2048xi32>
    %eq3A_369 = arith.cmpi eq, %add3A_30, %eq3A_368 : vector<256x2048xi32>
    %or3A_370 = arith.ori %or3A_367, %eq3A_369 : vector<256x2048xi1>
    %eq3A_371 = vector.broadcast %broadcast_in_dim3A_284 : vector<256x1xi32> to vector<256x2048xi32>
    %eq3A_372 = arith.cmpi eq, %add3A_30, %eq3A_371 : vector<256x2048xi32>
    %or3A_373 = arith.ori %or3A_370, %eq3A_372 : vector<256x2048xi1>
    %eq3A_374 = vector.broadcast %broadcast_in_dim3A_342 : vector<256x1xi32> to vector<256x2048xi32>
    %eq3A_375 = arith.cmpi eq, %add3A_30, %eq3A_374 : vector<256x2048xi32>
    %or3A_376 = arith.ori %or3A_373, %eq3A_375 : vector<256x2048xi1>
    %jit3A_377 = arith.constant 0x7F800000 : f32
    %broadcast_in_dim3A_378 = vector.broadcast %jit3A_377 : f32 to vector<256x2048xf32>
    %select_n3A_379 = arith.select %or3A_376, %broadcast_in_dim3A_378, %sqrt3A : vector<256x2048xi1>, vector<256x2048xf32>
    %reduce_min3A_380 = arith.constant dense<0x7F800000> : vector<256xf32>
    %reduce_min3A_381 = vector.multi_reduction <minimumf>, %select_n3A_379, %reduce_min3A_380 [1] : vector<256x2048xf32> to vector<256xf32>
    %broadcast_in_dim3A_382 = vector.shape_cast %reduce_min3A_381 : vector<256xf32> to vector<256x1xf32>
    %eq3A_383 = vector.broadcast %broadcast_in_dim3A_382 : vector<256x1xf32> to vector<256x2048xf32>
    %eq3A_384 = arith.cmpf oeq, %select_n3A_379, %eq3A_383 : vector<256x2048xf32>
    %jit3A_385 = arith.constant 1073741824 : i32
    %broadcast_in_dim3A_386 = vector.broadcast %jit3A_385 : i32 to vector<256x2048xi32>
    %select_n3A_387 = arith.select %eq3A_384, %add3A_30, %broadcast_in_dim3A_386 : vector<256x2048xi1>, vector<256x2048xi32>
    %reduce_min3A_388 = arith.constant dense<2147483647> : vector<256xi32>
    %reduce_min3A_389 = vector.multi_reduction <minsi>, %select_n3A_387, %reduce_min3A_388 [1] : vector<256x2048xi32> to vector<256xi32>
    %broadcast_in_dim3A_390 = vector.shape_cast %reduce_min3A_389 : vector<256xi32> to vector<256x1xi32>
    %eq3A_391 = arith.constant 8 : i32
    %eq3A_392 = vector.broadcast %eq3A_391 : i32 to vector<256x16xi32>
    %eq3A_393 = arith.cmpi eq, %iota3A, %eq3A_392 : vector<256x16xi32>
    %broadcast_in_dim3A_394 = vector.shape_cast %broadcast_in_dim3A_382 : vector<256x1xf32> to vector<256x1xf32>
    %broadcast_in_dim3A_395 = vector.broadcast %broadcast_in_dim3A_394 : vector<256x1xf32> to vector<256x16xf32>
    %select_n3A_396 = arith.select %eq3A_393, %broadcast_in_dim3A_395, %select_n3A_348 : vector<256x16xi1>, vector<256x16xf32>
    %eq3A_397 = arith.constant 8 : i32
    %eq3A_398 = vector.broadcast %eq3A_397 : i32 to vector<256x16xi32>
    %eq3A_399 = arith.cmpi eq, %iota3A, %eq3A_398 : vector<256x16xi32>
    %broadcast_in_dim3A_400 = vector.shape_cast %broadcast_in_dim3A_390 : vector<256x1xi32> to vector<256x1xi32>
    %broadcast_in_dim3A_401 = vector.broadcast %broadcast_in_dim3A_400 : vector<256x1xi32> to vector<256x16xi32>
    %select_n3A_402 = arith.select %eq3A_399, %broadcast_in_dim3A_401, %select_n3A_354 : vector<256x16xi1>, vector<256x16xi32>
    %eq3A_403 = vector.broadcast %broadcast_in_dim3A_390 : vector<256x1xi32> to vector<256x2048xi32>
    %eq3A_404 = arith.cmpi eq, %add3A_30, %eq3A_403 : vector<256x2048xi32>
    %jit3A_405 = arith.constant 0x7F800000 : f32
    %broadcast_in_dim3A_406 = vector.broadcast %jit3A_405 : f32 to vector<256x2048xf32>
    %select_n3A_407 = arith.select %eq3A_404, %broadcast_in_dim3A_406, %select_n3A_379 : vector<256x2048xi1>, vector<256x2048xf32>
    %reduce_min3A_408 = arith.constant dense<0x7F800000> : vector<256xf32>
    %reduce_min3A_409 = vector.multi_reduction <minimumf>, %select_n3A_407, %reduce_min3A_408 [1] : vector<256x2048xf32> to vector<256xf32>
    %broadcast_in_dim3A_410 = vector.shape_cast %reduce_min3A_409 : vector<256xf32> to vector<256x1xf32>
    %eq3A_411 = vector.broadcast %broadcast_in_dim3A_410 : vector<256x1xf32> to vector<256x2048xf32>
    %eq3A_412 = arith.cmpf oeq, %select_n3A_407, %eq3A_411 : vector<256x2048xf32>
    %jit3A_413 = arith.constant 1073741824 : i32
    %broadcast_in_dim3A_414 = vector.broadcast %jit3A_413 : i32 to vector<256x2048xi32>
    %select_n3A_415 = arith.select %eq3A_412, %add3A_30, %broadcast_in_dim3A_414 : vector<256x2048xi1>, vector<256x2048xi32>
    %reduce_min3A_416 = arith.constant dense<2147483647> : vector<256xi32>
    %reduce_min3A_417 = vector.multi_reduction <minsi>, %select_n3A_415, %reduce_min3A_416 [1] : vector<256x2048xi32> to vector<256xi32>
    %broadcast_in_dim3A_418 = vector.shape_cast %reduce_min3A_417 : vector<256xi32> to vector<256x1xi32>
    %eq3A_419 = arith.constant 9 : i32
    %eq3A_420 = vector.broadcast %eq3A_419 : i32 to vector<256x16xi32>
    %eq3A_421 = arith.cmpi eq, %iota3A, %eq3A_420 : vector<256x16xi32>
    %broadcast_in_dim3A_422 = vector.shape_cast %broadcast_in_dim3A_410 : vector<256x1xf32> to vector<256x1xf32>
    %broadcast_in_dim3A_423 = vector.broadcast %broadcast_in_dim3A_422 : vector<256x1xf32> to vector<256x16xf32>
    %select_n3A_424 = arith.select %eq3A_421, %broadcast_in_dim3A_423, %select_n3A_396 : vector<256x16xi1>, vector<256x16xf32>
    %eq3A_425 = arith.constant 9 : i32
    %eq3A_426 = vector.broadcast %eq3A_425 : i32 to vector<256x16xi32>
    %eq3A_427 = arith.cmpi eq, %iota3A, %eq3A_426 : vector<256x16xi32>
    %broadcast_in_dim3A_428 = vector.shape_cast %broadcast_in_dim3A_418 : vector<256x1xi32> to vector<256x1xi32>
    %broadcast_in_dim3A_429 = vector.broadcast %broadcast_in_dim3A_428 : vector<256x1xi32> to vector<256x16xi32>
    %select_n3A_430 = arith.select %eq3A_427, %broadcast_in_dim3A_429, %select_n3A_402 : vector<256x16xi1>, vector<256x16xi32>
    %eq3A_431 = vector.broadcast %broadcast_in_dim3A_390 : vector<256x1xi32> to vector<256x2048xi32>
    %eq3A_432 = arith.cmpi eq, %add3A_30, %eq3A_431 : vector<256x2048xi32>
    %jit3A_433 = arith.constant 0x7F800000 : f32
    %broadcast_in_dim3A_434 = vector.broadcast %jit3A_433 : f32 to vector<256x2048xf32>
    %select_n3A_435 = arith.select %eq3A_432, %broadcast_in_dim3A_434, %select_n3A_379 : vector<256x2048xi1>, vector<256x2048xf32>
    %eq3A_436 = vector.broadcast %broadcast_in_dim3A_418 : vector<256x1xi32> to vector<256x2048xi32>
    %eq3A_437 = arith.cmpi eq, %add3A_30, %eq3A_436 : vector<256x2048xi32>
    %jit3A_438 = arith.constant 0x7F800000 : f32
    %broadcast_in_dim3A_439 = vector.broadcast %jit3A_438 : f32 to vector<256x2048xf32>
    %select_n3A_440 = arith.select %eq3A_437, %broadcast_in_dim3A_439, %select_n3A_435 : vector<256x2048xi1>, vector<256x2048xf32>
    %reduce_min3A_441 = arith.constant dense<0x7F800000> : vector<256xf32>
    %reduce_min3A_442 = vector.multi_reduction <minimumf>, %select_n3A_440, %reduce_min3A_441 [1] : vector<256x2048xf32> to vector<256xf32>
    %broadcast_in_dim3A_443 = vector.shape_cast %reduce_min3A_442 : vector<256xf32> to vector<256x1xf32>
    %eq3A_444 = vector.broadcast %broadcast_in_dim3A_443 : vector<256x1xf32> to vector<256x2048xf32>
    %eq3A_445 = arith.cmpf oeq, %select_n3A_440, %eq3A_444 : vector<256x2048xf32>
    %jit3A_446 = arith.constant 1073741824 : i32
    %broadcast_in_dim3A_447 = vector.broadcast %jit3A_446 : i32 to vector<256x2048xi32>
    %select_n3A_448 = arith.select %eq3A_445, %add3A_30, %broadcast_in_dim3A_447 : vector<256x2048xi1>, vector<256x2048xi32>
    %reduce_min3A_449 = arith.constant dense<2147483647> : vector<256xi32>
    %reduce_min3A_450 = vector.multi_reduction <minsi>, %select_n3A_448, %reduce_min3A_449 [1] : vector<256x2048xi32> to vector<256xi32>
    %broadcast_in_dim3A_451 = vector.shape_cast %reduce_min3A_450 : vector<256xi32> to vector<256x1xi32>
    %eq3A_452 = arith.constant 10 : i32
    %eq3A_453 = vector.broadcast %eq3A_452 : i32 to vector<256x16xi32>
    %eq3A_454 = arith.cmpi eq, %iota3A, %eq3A_453 : vector<256x16xi32>
    %broadcast_in_dim3A_455 = vector.shape_cast %broadcast_in_dim3A_443 : vector<256x1xf32> to vector<256x1xf32>
    %broadcast_in_dim3A_456 = vector.broadcast %broadcast_in_dim3A_455 : vector<256x1xf32> to vector<256x16xf32>
    %select_n3A_457 = arith.select %eq3A_454, %broadcast_in_dim3A_456, %select_n3A_424 : vector<256x16xi1>, vector<256x16xf32>
    %eq3A_458 = arith.constant 10 : i32
    %eq3A_459 = vector.broadcast %eq3A_458 : i32 to vector<256x16xi32>
    %eq3A_460 = arith.cmpi eq, %iota3A, %eq3A_459 : vector<256x16xi32>
    %broadcast_in_dim3A_461 = vector.shape_cast %broadcast_in_dim3A_451 : vector<256x1xi32> to vector<256x1xi32>
    %broadcast_in_dim3A_462 = vector.broadcast %broadcast_in_dim3A_461 : vector<256x1xi32> to vector<256x16xi32>
    %select_n3A_463 = arith.select %eq3A_460, %broadcast_in_dim3A_462, %select_n3A_430 : vector<256x16xi1>, vector<256x16xi32>
    %eq3A_464 = vector.broadcast %broadcast_in_dim3A_390 : vector<256x1xi32> to vector<256x2048xi32>
    %eq3A_465 = arith.cmpi eq, %add3A_30, %eq3A_464 : vector<256x2048xi32>
    %jit3A_466 = arith.constant 0x7F800000 : f32
    %broadcast_in_dim3A_467 = vector.broadcast %jit3A_466 : f32 to vector<256x2048xf32>
    %select_n3A_468 = arith.select %eq3A_465, %broadcast_in_dim3A_467, %select_n3A_379 : vector<256x2048xi1>, vector<256x2048xf32>
    %eq3A_469 = vector.broadcast %broadcast_in_dim3A_418 : vector<256x1xi32> to vector<256x2048xi32>
    %eq3A_470 = arith.cmpi eq, %add3A_30, %eq3A_469 : vector<256x2048xi32>
    %jit3A_471 = arith.constant 0x7F800000 : f32
    %broadcast_in_dim3A_472 = vector.broadcast %jit3A_471 : f32 to vector<256x2048xf32>
    %select_n3A_473 = arith.select %eq3A_470, %broadcast_in_dim3A_472, %select_n3A_468 : vector<256x2048xi1>, vector<256x2048xf32>
    %eq3A_474 = vector.broadcast %broadcast_in_dim3A_451 : vector<256x1xi32> to vector<256x2048xi32>
    %eq3A_475 = arith.cmpi eq, %add3A_30, %eq3A_474 : vector<256x2048xi32>
    %jit3A_476 = arith.constant 0x7F800000 : f32
    %broadcast_in_dim3A_477 = vector.broadcast %jit3A_476 : f32 to vector<256x2048xf32>
    %select_n3A_478 = arith.select %eq3A_475, %broadcast_in_dim3A_477, %select_n3A_473 : vector<256x2048xi1>, vector<256x2048xf32>
    %reduce_min3A_479 = arith.constant dense<0x7F800000> : vector<256xf32>
    %reduce_min3A_480 = vector.multi_reduction <minimumf>, %select_n3A_478, %reduce_min3A_479 [1] : vector<256x2048xf32> to vector<256xf32>
    %broadcast_in_dim3A_481 = vector.shape_cast %reduce_min3A_480 : vector<256xf32> to vector<256x1xf32>
    %eq3A_482 = vector.broadcast %broadcast_in_dim3A_481 : vector<256x1xf32> to vector<256x2048xf32>
    %eq3A_483 = arith.cmpf oeq, %select_n3A_478, %eq3A_482 : vector<256x2048xf32>
    %jit3A_484 = arith.constant 1073741824 : i32
    %broadcast_in_dim3A_485 = vector.broadcast %jit3A_484 : i32 to vector<256x2048xi32>
    %select_n3A_486 = arith.select %eq3A_483, %add3A_30, %broadcast_in_dim3A_485 : vector<256x2048xi1>, vector<256x2048xi32>
    %reduce_min3A_487 = arith.constant dense<2147483647> : vector<256xi32>
    %reduce_min3A_488 = vector.multi_reduction <minsi>, %select_n3A_486, %reduce_min3A_487 [1] : vector<256x2048xi32> to vector<256xi32>
    %broadcast_in_dim3A_489 = vector.shape_cast %reduce_min3A_488 : vector<256xi32> to vector<256x1xi32>
    %eq3A_490 = arith.constant 11 : i32
    %eq3A_491 = vector.broadcast %eq3A_490 : i32 to vector<256x16xi32>
    %eq3A_492 = arith.cmpi eq, %iota3A, %eq3A_491 : vector<256x16xi32>
    %broadcast_in_dim3A_493 = vector.shape_cast %broadcast_in_dim3A_481 : vector<256x1xf32> to vector<256x1xf32>
    %broadcast_in_dim3A_494 = vector.broadcast %broadcast_in_dim3A_493 : vector<256x1xf32> to vector<256x16xf32>
    %select_n3A_495 = arith.select %eq3A_492, %broadcast_in_dim3A_494, %select_n3A_457 : vector<256x16xi1>, vector<256x16xf32>
    %eq3A_496 = arith.constant 11 : i32
    %eq3A_497 = vector.broadcast %eq3A_496 : i32 to vector<256x16xi32>
    %eq3A_498 = arith.cmpi eq, %iota3A, %eq3A_497 : vector<256x16xi32>
    %broadcast_in_dim3A_499 = vector.shape_cast %broadcast_in_dim3A_489 : vector<256x1xi32> to vector<256x1xi32>
    %broadcast_in_dim3A_500 = vector.broadcast %broadcast_in_dim3A_499 : vector<256x1xi32> to vector<256x16xi32>
    %select_n3A_501 = arith.select %eq3A_498, %broadcast_in_dim3A_500, %select_n3A_463 : vector<256x16xi1>, vector<256x16xi32>
    %eq3A_502 = vector.broadcast %broadcast_in_dim3A_390 : vector<256x1xi32> to vector<256x2048xi32>
    %eq3A_503 = arith.cmpi eq, %add3A_30, %eq3A_502 : vector<256x2048xi32>
    %jit3A_504 = arith.constant 0x7F800000 : f32
    %broadcast_in_dim3A_505 = vector.broadcast %jit3A_504 : f32 to vector<256x2048xf32>
    %select_n3A_506 = arith.select %eq3A_503, %broadcast_in_dim3A_505, %select_n3A_379 : vector<256x2048xi1>, vector<256x2048xf32>
    %eq3A_507 = vector.broadcast %broadcast_in_dim3A_418 : vector<256x1xi32> to vector<256x2048xi32>
    %eq3A_508 = arith.cmpi eq, %add3A_30, %eq3A_507 : vector<256x2048xi32>
    %jit3A_509 = arith.constant 0x7F800000 : f32
    %broadcast_in_dim3A_510 = vector.broadcast %jit3A_509 : f32 to vector<256x2048xf32>
    %select_n3A_511 = arith.select %eq3A_508, %broadcast_in_dim3A_510, %select_n3A_506 : vector<256x2048xi1>, vector<256x2048xf32>
    %eq3A_512 = vector.broadcast %broadcast_in_dim3A_451 : vector<256x1xi32> to vector<256x2048xi32>
    %eq3A_513 = arith.cmpi eq, %add3A_30, %eq3A_512 : vector<256x2048xi32>
    %jit3A_514 = arith.constant 0x7F800000 : f32
    %broadcast_in_dim3A_515 = vector.broadcast %jit3A_514 : f32 to vector<256x2048xf32>
    %select_n3A_516 = arith.select %eq3A_513, %broadcast_in_dim3A_515, %select_n3A_511 : vector<256x2048xi1>, vector<256x2048xf32>
    %eq3A_517 = vector.broadcast %broadcast_in_dim3A_489 : vector<256x1xi32> to vector<256x2048xi32>
    %eq3A_518 = arith.cmpi eq, %add3A_30, %eq3A_517 : vector<256x2048xi32>
    %jit3A_519 = arith.constant 0x7F800000 : f32
    %broadcast_in_dim3A_520 = vector.broadcast %jit3A_519 : f32 to vector<256x2048xf32>
    %select_n3A_521 = arith.select %eq3A_518, %broadcast_in_dim3A_520, %select_n3A_516 : vector<256x2048xi1>, vector<256x2048xf32>
    %reduce_min3A_522 = arith.constant dense<0x7F800000> : vector<256xf32>
    %reduce_min3A_523 = vector.multi_reduction <minimumf>, %select_n3A_521, %reduce_min3A_522 [1] : vector<256x2048xf32> to vector<256xf32>
    %broadcast_in_dim3A_524 = vector.shape_cast %reduce_min3A_523 : vector<256xf32> to vector<256x1xf32>
    %eq3A_525 = vector.broadcast %broadcast_in_dim3A_524 : vector<256x1xf32> to vector<256x2048xf32>
    %eq3A_526 = arith.cmpf oeq, %select_n3A_521, %eq3A_525 : vector<256x2048xf32>
    %jit3A_527 = arith.constant 1073741824 : i32
    %broadcast_in_dim3A_528 = vector.broadcast %jit3A_527 : i32 to vector<256x2048xi32>
    %select_n3A_529 = arith.select %eq3A_526, %add3A_30, %broadcast_in_dim3A_528 : vector<256x2048xi1>, vector<256x2048xi32>
    %reduce_min3A_530 = arith.constant dense<2147483647> : vector<256xi32>
    %reduce_min3A_531 = vector.multi_reduction <minsi>, %select_n3A_529, %reduce_min3A_530 [1] : vector<256x2048xi32> to vector<256xi32>
    %broadcast_in_dim3A_532 = vector.shape_cast %reduce_min3A_531 : vector<256xi32> to vector<256x1xi32>
    %eq3A_533 = arith.constant 12 : i32
    %eq3A_534 = vector.broadcast %eq3A_533 : i32 to vector<256x16xi32>
    %eq3A_535 = arith.cmpi eq, %iota3A, %eq3A_534 : vector<256x16xi32>
    %broadcast_in_dim3A_536 = vector.shape_cast %broadcast_in_dim3A_524 : vector<256x1xf32> to vector<256x1xf32>
    %broadcast_in_dim3A_537 = vector.broadcast %broadcast_in_dim3A_536 : vector<256x1xf32> to vector<256x16xf32>
    %select_n3A_538 = arith.select %eq3A_535, %broadcast_in_dim3A_537, %select_n3A_495 : vector<256x16xi1>, vector<256x16xf32>
    %eq3A_539 = arith.constant 12 : i32
    %eq3A_540 = vector.broadcast %eq3A_539 : i32 to vector<256x16xi32>
    %eq3A_541 = arith.cmpi eq, %iota3A, %eq3A_540 : vector<256x16xi32>
    %broadcast_in_dim3A_542 = vector.shape_cast %broadcast_in_dim3A_532 : vector<256x1xi32> to vector<256x1xi32>
    %broadcast_in_dim3A_543 = vector.broadcast %broadcast_in_dim3A_542 : vector<256x1xi32> to vector<256x16xi32>
    %select_n3A_544 = arith.select %eq3A_541, %broadcast_in_dim3A_543, %select_n3A_501 : vector<256x16xi1>, vector<256x16xi32>
    %eq3A_545 = vector.broadcast %broadcast_in_dim3A_390 : vector<256x1xi32> to vector<256x2048xi32>
    %eq3A_546 = arith.cmpi eq, %add3A_30, %eq3A_545 : vector<256x2048xi32>
    %jit3A_547 = arith.constant 0x7F800000 : f32
    %broadcast_in_dim3A_548 = vector.broadcast %jit3A_547 : f32 to vector<256x2048xf32>
    %select_n3A_549 = arith.select %eq3A_546, %broadcast_in_dim3A_548, %select_n3A_379 : vector<256x2048xi1>, vector<256x2048xf32>
    %eq3A_550 = vector.broadcast %broadcast_in_dim3A_418 : vector<256x1xi32> to vector<256x2048xi32>
    %eq3A_551 = arith.cmpi eq, %add3A_30, %eq3A_550 : vector<256x2048xi32>
    %jit3A_552 = arith.constant 0x7F800000 : f32
    %broadcast_in_dim3A_553 = vector.broadcast %jit3A_552 : f32 to vector<256x2048xf32>
    %select_n3A_554 = arith.select %eq3A_551, %broadcast_in_dim3A_553, %select_n3A_549 : vector<256x2048xi1>, vector<256x2048xf32>
    %eq3A_555 = vector.broadcast %broadcast_in_dim3A_451 : vector<256x1xi32> to vector<256x2048xi32>
    %eq3A_556 = arith.cmpi eq, %add3A_30, %eq3A_555 : vector<256x2048xi32>
    %jit3A_557 = arith.constant 0x7F800000 : f32
    %broadcast_in_dim3A_558 = vector.broadcast %jit3A_557 : f32 to vector<256x2048xf32>
    %select_n3A_559 = arith.select %eq3A_556, %broadcast_in_dim3A_558, %select_n3A_554 : vector<256x2048xi1>, vector<256x2048xf32>
    %eq3A_560 = vector.broadcast %broadcast_in_dim3A_489 : vector<256x1xi32> to vector<256x2048xi32>
    %eq3A_561 = arith.cmpi eq, %add3A_30, %eq3A_560 : vector<256x2048xi32>
    %jit3A_562 = arith.constant 0x7F800000 : f32
    %broadcast_in_dim3A_563 = vector.broadcast %jit3A_562 : f32 to vector<256x2048xf32>
    %select_n3A_564 = arith.select %eq3A_561, %broadcast_in_dim3A_563, %select_n3A_559 : vector<256x2048xi1>, vector<256x2048xf32>
    %eq3A_565 = vector.broadcast %broadcast_in_dim3A_532 : vector<256x1xi32> to vector<256x2048xi32>
    %eq3A_566 = arith.cmpi eq, %add3A_30, %eq3A_565 : vector<256x2048xi32>
    %jit3A_567 = arith.constant 0x7F800000 : f32
    %broadcast_in_dim3A_568 = vector.broadcast %jit3A_567 : f32 to vector<256x2048xf32>
    %select_n3A_569 = arith.select %eq3A_566, %broadcast_in_dim3A_568, %select_n3A_564 : vector<256x2048xi1>, vector<256x2048xf32>
    %reduce_min3A_570 = arith.constant dense<0x7F800000> : vector<256xf32>
    %reduce_min3A_571 = vector.multi_reduction <minimumf>, %select_n3A_569, %reduce_min3A_570 [1] : vector<256x2048xf32> to vector<256xf32>
    %broadcast_in_dim3A_572 = vector.shape_cast %reduce_min3A_571 : vector<256xf32> to vector<256x1xf32>
    %eq3A_573 = vector.broadcast %broadcast_in_dim3A_572 : vector<256x1xf32> to vector<256x2048xf32>
    %eq3A_574 = arith.cmpf oeq, %select_n3A_569, %eq3A_573 : vector<256x2048xf32>
    %jit3A_575 = arith.constant 1073741824 : i32
    %broadcast_in_dim3A_576 = vector.broadcast %jit3A_575 : i32 to vector<256x2048xi32>
    %select_n3A_577 = arith.select %eq3A_574, %add3A_30, %broadcast_in_dim3A_576 : vector<256x2048xi1>, vector<256x2048xi32>
    %reduce_min3A_578 = arith.constant dense<2147483647> : vector<256xi32>
    %reduce_min3A_579 = vector.multi_reduction <minsi>, %select_n3A_577, %reduce_min3A_578 [1] : vector<256x2048xi32> to vector<256xi32>
    %broadcast_in_dim3A_580 = vector.shape_cast %reduce_min3A_579 : vector<256xi32> to vector<256x1xi32>
    %eq3A_581 = arith.constant 13 : i32
    %eq3A_582 = vector.broadcast %eq3A_581 : i32 to vector<256x16xi32>
    %eq3A_583 = arith.cmpi eq, %iota3A, %eq3A_582 : vector<256x16xi32>
    %broadcast_in_dim3A_584 = vector.shape_cast %broadcast_in_dim3A_572 : vector<256x1xf32> to vector<256x1xf32>
    %broadcast_in_dim3A_585 = vector.broadcast %broadcast_in_dim3A_584 : vector<256x1xf32> to vector<256x16xf32>
    %select_n3A_586 = arith.select %eq3A_583, %broadcast_in_dim3A_585, %select_n3A_538 : vector<256x16xi1>, vector<256x16xf32>
    %eq3A_587 = arith.constant 13 : i32
    %eq3A_588 = vector.broadcast %eq3A_587 : i32 to vector<256x16xi32>
    %eq3A_589 = arith.cmpi eq, %iota3A, %eq3A_588 : vector<256x16xi32>
    %broadcast_in_dim3A_590 = vector.shape_cast %broadcast_in_dim3A_580 : vector<256x1xi32> to vector<256x1xi32>
    %broadcast_in_dim3A_591 = vector.broadcast %broadcast_in_dim3A_590 : vector<256x1xi32> to vector<256x16xi32>
    %select_n3A_592 = arith.select %eq3A_589, %broadcast_in_dim3A_591, %select_n3A_544 : vector<256x16xi1>, vector<256x16xi32>
    %eq3A_593 = vector.broadcast %broadcast_in_dim3A_390 : vector<256x1xi32> to vector<256x2048xi32>
    %eq3A_594 = arith.cmpi eq, %add3A_30, %eq3A_593 : vector<256x2048xi32>
    %jit3A_595 = arith.constant 0x7F800000 : f32
    %broadcast_in_dim3A_596 = vector.broadcast %jit3A_595 : f32 to vector<256x2048xf32>
    %select_n3A_597 = arith.select %eq3A_594, %broadcast_in_dim3A_596, %select_n3A_379 : vector<256x2048xi1>, vector<256x2048xf32>
    %eq3A_598 = vector.broadcast %broadcast_in_dim3A_418 : vector<256x1xi32> to vector<256x2048xi32>
    %eq3A_599 = arith.cmpi eq, %add3A_30, %eq3A_598 : vector<256x2048xi32>
    %jit3A_600 = arith.constant 0x7F800000 : f32
    %broadcast_in_dim3A_601 = vector.broadcast %jit3A_600 : f32 to vector<256x2048xf32>
    %select_n3A_602 = arith.select %eq3A_599, %broadcast_in_dim3A_601, %select_n3A_597 : vector<256x2048xi1>, vector<256x2048xf32>
    %eq3A_603 = vector.broadcast %broadcast_in_dim3A_451 : vector<256x1xi32> to vector<256x2048xi32>
    %eq3A_604 = arith.cmpi eq, %add3A_30, %eq3A_603 : vector<256x2048xi32>
    %jit3A_605 = arith.constant 0x7F800000 : f32
    %broadcast_in_dim3A_606 = vector.broadcast %jit3A_605 : f32 to vector<256x2048xf32>
    %select_n3A_607 = arith.select %eq3A_604, %broadcast_in_dim3A_606, %select_n3A_602 : vector<256x2048xi1>, vector<256x2048xf32>
    %eq3A_608 = vector.broadcast %broadcast_in_dim3A_489 : vector<256x1xi32> to vector<256x2048xi32>
    %eq3A_609 = arith.cmpi eq, %add3A_30, %eq3A_608 : vector<256x2048xi32>
    %jit3A_610 = arith.constant 0x7F800000 : f32
    %broadcast_in_dim3A_611 = vector.broadcast %jit3A_610 : f32 to vector<256x2048xf32>
    %select_n3A_612 = arith.select %eq3A_609, %broadcast_in_dim3A_611, %select_n3A_607 : vector<256x2048xi1>, vector<256x2048xf32>
    %eq3A_613 = vector.broadcast %broadcast_in_dim3A_532 : vector<256x1xi32> to vector<256x2048xi32>
    %eq3A_614 = arith.cmpi eq, %add3A_30, %eq3A_613 : vector<256x2048xi32>
    %jit3A_615 = arith.constant 0x7F800000 : f32
    %broadcast_in_dim3A_616 = vector.broadcast %jit3A_615 : f32 to vector<256x2048xf32>
    %select_n3A_617 = arith.select %eq3A_614, %broadcast_in_dim3A_616, %select_n3A_612 : vector<256x2048xi1>, vector<256x2048xf32>
    %eq3A_618 = vector.broadcast %broadcast_in_dim3A_580 : vector<256x1xi32> to vector<256x2048xi32>
    %eq3A_619 = arith.cmpi eq, %add3A_30, %eq3A_618 : vector<256x2048xi32>
    %jit3A_620 = arith.constant 0x7F800000 : f32
    %broadcast_in_dim3A_621 = vector.broadcast %jit3A_620 : f32 to vector<256x2048xf32>
    %select_n3A_622 = arith.select %eq3A_619, %broadcast_in_dim3A_621, %select_n3A_617 : vector<256x2048xi1>, vector<256x2048xf32>
    %reduce_min3A_623 = arith.constant dense<0x7F800000> : vector<256xf32>
    %reduce_min3A_624 = vector.multi_reduction <minimumf>, %select_n3A_622, %reduce_min3A_623 [1] : vector<256x2048xf32> to vector<256xf32>
    %broadcast_in_dim3A_625 = vector.shape_cast %reduce_min3A_624 : vector<256xf32> to vector<256x1xf32>
    %eq3A_626 = vector.broadcast %broadcast_in_dim3A_625 : vector<256x1xf32> to vector<256x2048xf32>
    %eq3A_627 = arith.cmpf oeq, %select_n3A_622, %eq3A_626 : vector<256x2048xf32>
    %jit3A_628 = arith.constant 1073741824 : i32
    %broadcast_in_dim3A_629 = vector.broadcast %jit3A_628 : i32 to vector<256x2048xi32>
    %select_n3A_630 = arith.select %eq3A_627, %add3A_30, %broadcast_in_dim3A_629 : vector<256x2048xi1>, vector<256x2048xi32>
    %reduce_min3A_631 = arith.constant dense<2147483647> : vector<256xi32>
    %reduce_min3A_632 = vector.multi_reduction <minsi>, %select_n3A_630, %reduce_min3A_631 [1] : vector<256x2048xi32> to vector<256xi32>
    %broadcast_in_dim3A_633 = vector.shape_cast %reduce_min3A_632 : vector<256xi32> to vector<256x1xi32>
    %eq3A_634 = arith.constant 14 : i32
    %eq3A_635 = vector.broadcast %eq3A_634 : i32 to vector<256x16xi32>
    %eq3A_636 = arith.cmpi eq, %iota3A, %eq3A_635 : vector<256x16xi32>
    %broadcast_in_dim3A_637 = vector.shape_cast %broadcast_in_dim3A_625 : vector<256x1xf32> to vector<256x1xf32>
    %broadcast_in_dim3A_638 = vector.broadcast %broadcast_in_dim3A_637 : vector<256x1xf32> to vector<256x16xf32>
    %select_n3A_639 = arith.select %eq3A_636, %broadcast_in_dim3A_638, %select_n3A_586 : vector<256x16xi1>, vector<256x16xf32>
    %eq3A_640 = arith.constant 14 : i32
    %eq3A_641 = vector.broadcast %eq3A_640 : i32 to vector<256x16xi32>
    %eq3A_642 = arith.cmpi eq, %iota3A, %eq3A_641 : vector<256x16xi32>
    %broadcast_in_dim3A_643 = vector.shape_cast %broadcast_in_dim3A_633 : vector<256x1xi32> to vector<256x1xi32>
    %broadcast_in_dim3A_644 = vector.broadcast %broadcast_in_dim3A_643 : vector<256x1xi32> to vector<256x16xi32>
    %select_n3A_645 = arith.select %eq3A_642, %broadcast_in_dim3A_644, %select_n3A_592 : vector<256x16xi1>, vector<256x16xi32>
    %eq3A_646 = vector.broadcast %broadcast_in_dim3A_390 : vector<256x1xi32> to vector<256x2048xi32>
    %eq3A_647 = arith.cmpi eq, %add3A_30, %eq3A_646 : vector<256x2048xi32>
    %jit3A_648 = arith.constant 0x7F800000 : f32
    %broadcast_in_dim3A_649 = vector.broadcast %jit3A_648 : f32 to vector<256x2048xf32>
    %select_n3A_650 = arith.select %eq3A_647, %broadcast_in_dim3A_649, %select_n3A_379 : vector<256x2048xi1>, vector<256x2048xf32>
    %eq3A_651 = vector.broadcast %broadcast_in_dim3A_418 : vector<256x1xi32> to vector<256x2048xi32>
    %eq3A_652 = arith.cmpi eq, %add3A_30, %eq3A_651 : vector<256x2048xi32>
    %jit3A_653 = arith.constant 0x7F800000 : f32
    %broadcast_in_dim3A_654 = vector.broadcast %jit3A_653 : f32 to vector<256x2048xf32>
    %select_n3A_655 = arith.select %eq3A_652, %broadcast_in_dim3A_654, %select_n3A_650 : vector<256x2048xi1>, vector<256x2048xf32>
    %eq3A_656 = vector.broadcast %broadcast_in_dim3A_451 : vector<256x1xi32> to vector<256x2048xi32>
    %eq3A_657 = arith.cmpi eq, %add3A_30, %eq3A_656 : vector<256x2048xi32>
    %jit3A_658 = arith.constant 0x7F800000 : f32
    %broadcast_in_dim3A_659 = vector.broadcast %jit3A_658 : f32 to vector<256x2048xf32>
    %select_n3A_660 = arith.select %eq3A_657, %broadcast_in_dim3A_659, %select_n3A_655 : vector<256x2048xi1>, vector<256x2048xf32>
    %eq3A_661 = vector.broadcast %broadcast_in_dim3A_489 : vector<256x1xi32> to vector<256x2048xi32>
    %eq3A_662 = arith.cmpi eq, %add3A_30, %eq3A_661 : vector<256x2048xi32>
    %jit3A_663 = arith.constant 0x7F800000 : f32
    %broadcast_in_dim3A_664 = vector.broadcast %jit3A_663 : f32 to vector<256x2048xf32>
    %select_n3A_665 = arith.select %eq3A_662, %broadcast_in_dim3A_664, %select_n3A_660 : vector<256x2048xi1>, vector<256x2048xf32>
    %eq3A_666 = vector.broadcast %broadcast_in_dim3A_532 : vector<256x1xi32> to vector<256x2048xi32>
    %eq3A_667 = arith.cmpi eq, %add3A_30, %eq3A_666 : vector<256x2048xi32>
    %jit3A_668 = arith.constant 0x7F800000 : f32
    %broadcast_in_dim3A_669 = vector.broadcast %jit3A_668 : f32 to vector<256x2048xf32>
    %select_n3A_670 = arith.select %eq3A_667, %broadcast_in_dim3A_669, %select_n3A_665 : vector<256x2048xi1>, vector<256x2048xf32>
    %eq3A_671 = vector.broadcast %broadcast_in_dim3A_580 : vector<256x1xi32> to vector<256x2048xi32>
    %eq3A_672 = arith.cmpi eq, %add3A_30, %eq3A_671 : vector<256x2048xi32>
    %jit3A_673 = arith.constant 0x7F800000 : f32
    %broadcast_in_dim3A_674 = vector.broadcast %jit3A_673 : f32 to vector<256x2048xf32>
    %select_n3A_675 = arith.select %eq3A_672, %broadcast_in_dim3A_674, %select_n3A_670 : vector<256x2048xi1>, vector<256x2048xf32>
    %eq3A_676 = vector.broadcast %broadcast_in_dim3A_633 : vector<256x1xi32> to vector<256x2048xi32>
    %eq3A_677 = arith.cmpi eq, %add3A_30, %eq3A_676 : vector<256x2048xi32>
    %jit3A_678 = arith.constant 0x7F800000 : f32
    %broadcast_in_dim3A_679 = vector.broadcast %jit3A_678 : f32 to vector<256x2048xf32>
    %select_n3A_680 = arith.select %eq3A_677, %broadcast_in_dim3A_679, %select_n3A_675 : vector<256x2048xi1>, vector<256x2048xf32>
    %reduce_min3A_681 = arith.constant dense<0x7F800000> : vector<256xf32>
    %reduce_min3A_682 = vector.multi_reduction <minimumf>, %select_n3A_680, %reduce_min3A_681 [1] : vector<256x2048xf32> to vector<256xf32>
    %broadcast_in_dim3A_683 = vector.shape_cast %reduce_min3A_682 : vector<256xf32> to vector<256x1xf32>
    %eq3A_684 = vector.broadcast %broadcast_in_dim3A_683 : vector<256x1xf32> to vector<256x2048xf32>
    %eq3A_685 = arith.cmpf oeq, %select_n3A_680, %eq3A_684 : vector<256x2048xf32>
    %jit3A_686 = arith.constant 1073741824 : i32
    %broadcast_in_dim3A_687 = vector.broadcast %jit3A_686 : i32 to vector<256x2048xi32>
    %select_n3A_688 = arith.select %eq3A_685, %add3A_30, %broadcast_in_dim3A_687 : vector<256x2048xi1>, vector<256x2048xi32>
    %reduce_min3A_689 = arith.constant dense<2147483647> : vector<256xi32>
    %reduce_min3A_690 = vector.multi_reduction <minsi>, %select_n3A_688, %reduce_min3A_689 [1] : vector<256x2048xi32> to vector<256xi32>
    %broadcast_in_dim3A_691 = vector.shape_cast %reduce_min3A_690 : vector<256xi32> to vector<256x1xi32>
    %eq3A_692 = arith.constant 15 : i32
    %eq3A_693 = vector.broadcast %eq3A_692 : i32 to vector<256x16xi32>
    %eq3A_694 = arith.cmpi eq, %iota3A, %eq3A_693 : vector<256x16xi32>
    %broadcast_in_dim3A_695 = vector.shape_cast %broadcast_in_dim3A_683 : vector<256x1xf32> to vector<256x1xf32>
    %broadcast_in_dim3A_696 = vector.broadcast %broadcast_in_dim3A_695 : vector<256x1xf32> to vector<256x16xf32>
    %select_n3A_697 = arith.select %eq3A_694, %broadcast_in_dim3A_696, %select_n3A_639 : vector<256x16xi1>, vector<256x16xf32>
    %eq3A_698 = arith.constant 15 : i32
    %eq3A_699 = vector.broadcast %eq3A_698 : i32 to vector<256x16xi32>
    %eq3A_700 = arith.cmpi eq, %iota3A, %eq3A_699 : vector<256x16xi32>
    %broadcast_in_dim3A_701 = vector.shape_cast %broadcast_in_dim3A_691 : vector<256x1xi32> to vector<256x1xi32>
    %broadcast_in_dim3A_702 = vector.broadcast %broadcast_in_dim3A_701 : vector<256x1xi32> to vector<256x16xi32>
    %select_n3A_703 = arith.select %eq3A_700, %broadcast_in_dim3A_702, %select_n3A_645 : vector<256x16xi1>, vector<256x16xi32>
    %concatenate3A_704 = tpu.concatenate %broadcast_in_dim3A_9, %select_n3A_697 in 1 : vector<256x16xf32>, vector<256x16xf32> -> vector<256x32xf32>
    %concatenate3A_705 = tpu.concatenate %broadcast_in_dim3A_11, %select_n3A_703 in 1 : vector<256x16xi32>, vector<256x16xi32> -> vector<256x32xi32>
    %broadcast_in_dim3A_706 = arith.constant 0.000000e+00 : f32
    %broadcast_in_dim3A_707 = vector.broadcast %broadcast_in_dim3A_706 : f32 to vector<256x16xf32>
    %broadcast_in_dim3A_708 = arith.constant 0 : i32
    %broadcast_in_dim3A_709 = vector.broadcast %broadcast_in_dim3A_708 : i32 to vector<256x16xi32>
    %scan3A = arith.constant 1073741824 : i32
    %scan3A_710 = arith.constant 0x7F800000 : f32
    %scan3A_711 = arith.constant 0 : i32
    %scan3A_712 = arith.constant 16 : i32
    %scan3A_713 = arith.addi %scan3A_711, %scan3A_712 : i32
    %scan3A_714 = arith.constant 1 : i32
    %scan3A_715:3 = scf.for %scan3A_2875 = %scan3A_711 to %scan3A_713 step %scan3A_714 iter_args(%scan3A_2876 = %concatenate3A_704, %scan3A_2877 = %broadcast_in_dim3A_707, %scan3A_2878 = %broadcast_in_dim3A_709) -> (vector<256x32xf32>, vector<256x16xf32>, vector<256x16xi32>)  : i32 {
      %reduce_min3A_2879 = arith.constant dense<0x7F800000> : vector<256xf32>
      %reduce_min3A_2880 = vector.multi_reduction <minimumf>, %scan3A_2876, %reduce_min3A_2879 [1] : vector<256x32xf32> to vector<256xf32>
      %broadcast_in_dim3A_2881 = vector.shape_cast %reduce_min3A_2880 : vector<256xf32> to vector<256x1xf32>
      %eq3A_2882 = vector.broadcast %broadcast_in_dim3A_2881 : vector<256x1xf32> to vector<256x32xf32>
      %eq3A_2883 = arith.cmpf oeq, %scan3A_2876, %eq3A_2882 : vector<256x32xf32>
      %broadcast_in_dim3A_2884 = vector.broadcast %scan3A : i32 to vector<256x32xi32>
      %select_n3A_2885 = arith.select %eq3A_2883, %iota3A_7, %broadcast_in_dim3A_2884 : vector<256x32xi1>, vector<256x32xi32>
      %reduce_min3A_2886 = arith.constant dense<2147483647> : vector<256xi32>
      %reduce_min3A_2887 = vector.multi_reduction <minsi>, %select_n3A_2885, %reduce_min3A_2886 [1] : vector<256x32xi32> to vector<256xi32>
      %broadcast_in_dim3A_2888 = vector.shape_cast %reduce_min3A_2887 : vector<256xi32> to vector<256x1xi32>
      %eq3A_2889 = vector.broadcast %broadcast_in_dim3A_2888 : vector<256x1xi32> to vector<256x32xi32>
      %eq3A_2890 = arith.cmpi eq, %iota3A_7, %eq3A_2889 : vector<256x32xi32>
      %jit3A_2891 = arith.constant 0 : i32
      %broadcast_in_dim3A_2892 = vector.broadcast %jit3A_2891 : i32 to vector<256x32xi32>
      %select_n3A_2893 = arith.select %eq3A_2890, %concatenate3A_705, %broadcast_in_dim3A_2892 : vector<256x32xi1>, vector<256x32xi32>
      %reduce_sum3A_2894 = arith.constant dense<0> : vector<256xi32>
      %reduce_sum3A_2895 = vector.multi_reduction <add>, %select_n3A_2893, %reduce_sum3A_2894 [1] : vector<256x32xi32> to vector<256xi32>
      %broadcast_in_dim3A_2896 = vector.shape_cast %reduce_sum3A_2895 : vector<256xi32> to vector<256x1xi32>
      %eq3A_2897 = vector.broadcast %scan3A_2875 : i32 to vector<256x16xi32>
      %eq3A_2898 = arith.cmpi eq, %iota3A, %eq3A_2897 : vector<256x16xi32>
      %broadcast_in_dim3A_2899 = vector.shape_cast %broadcast_in_dim3A_2881 : vector<256x1xf32> to vector<256x1xf32>
      %broadcast_in_dim3A_2900 = vector.broadcast %broadcast_in_dim3A_2899 : vector<256x1xf32> to vector<256x16xf32>
      %select_n3A_2901 = arith.select %eq3A_2898, %broadcast_in_dim3A_2900, %scan3A_2877 : vector<256x16xi1>, vector<256x16xf32>
      %eq3A_2902 = vector.broadcast %scan3A_2875 : i32 to vector<256x16xi32>
      %eq3A_2903 = arith.cmpi eq, %iota3A, %eq3A_2902 : vector<256x16xi32>
      %broadcast_in_dim3A_2904 = vector.shape_cast %broadcast_in_dim3A_2896 : vector<256x1xi32> to vector<256x1xi32>
      %broadcast_in_dim3A_2905 = vector.broadcast %broadcast_in_dim3A_2904 : vector<256x1xi32> to vector<256x16xi32>
      %select_n3A_2906 = arith.select %eq3A_2903, %broadcast_in_dim3A_2905, %scan3A_2878 : vector<256x16xi1>, vector<256x16xi32>
      %broadcast_in_dim3A_2907 = vector.broadcast %scan3A_710 : f32 to vector<256x32xf32>
      %select_n3A_2908 = arith.select %eq3A_2890, %broadcast_in_dim3A_2907, %scan3A_2876 : vector<256x32xi1>, vector<256x32xf32>
      scf.yield %select_n3A_2908, %select_n3A_2901, %select_n3A_2906 : vector<256x32xf32>, vector<256x16xf32>, vector<256x16xi32>
    }
    %scan3A_716 = arith.constant 16 : i32
    %get3A_717 = arith.constant 2048 : index
    %get3A_718 = arith.constant 0 : index
    %get3A_719 = vector.load %arg2[%get3A_717, %get3A_718] : memref<8192x64xf32, #tpu.memory_space<vmem>>, vector<2048x64xf32>
    %mul3A_720 = arith.mulf %get3A_719, %get3A_719 : vector<2048x64xf32>
    %reduce_sum3A_721 = arith.constant dense<0.000000e+00> : vector<2048xf32>
    %reduce_sum3A_722 = vector.multi_reduction <add>, %mul3A_720, %reduce_sum3A_721 [1] : vector<2048x64xf32> to vector<2048xf32>
    %broadcast_in_dim3A_723 = vector.shape_cast %reduce_sum3A_722 : vector<2048xf32> to vector<1x2048xf32>
    %dot_general3A_724 = arith.constant dense<0.000000e+00> : vector<256x2048xf32>
    %dot_general3A_725 = tpu.matmul %get3A_1, %get3A_719, %dot_general3A_724 {dimension_numbers = #tpu.dot_dimension_numbers<[1], [1], [0], [0], [0, 0, 1, 0], [], []>, transpose_lhs_hint = false} : vector<256x64xf32>, vector<2048x64xf32>, vector<256x2048xf32> -> vector<256x2048xf32>
    %add3A_726 = vector.broadcast %broadcast_in_dim3A_6 : vector<256x1xf32> to vector<256x2048xf32>
    %add3A_727 = vector.broadcast %broadcast_in_dim3A_723 : vector<1x2048xf32> to vector<256x2048xf32>
    %add3A_728 = arith.addf %add3A_726, %add3A_727 : vector<256x2048xf32>
    %mul3A_729 = arith.constant 2.000000e+00 : f32
    %mul3A_730 = vector.broadcast %mul3A_729 : f32 to vector<256x2048xf32>
    %mul3A_731 = arith.mulf %mul3A_730, %dot_general3A_725 : vector<256x2048xf32>
    %sub3A_732 = arith.subf %add3A_728, %mul3A_731 : vector<256x2048xf32>
    %max3A_733 = arith.constant 0.000000e+00 : f32
    %max3A_734 = vector.broadcast %max3A_733 : f32 to vector<256x2048xf32>
    %max3A_735 = arith.maximumf %sub3A_732, %max3A_734 : vector<256x2048xf32>
    %sqrt3A_736 = math.sqrt %max3A_735 : vector<256x2048xf32>
    %iota3A_737 = tpu.iota {dimensions = array<i32: 1>} : vector<256x2048xi32>
    %add3A_738 = arith.constant 2048 : i32
    %add3A_739 = vector.broadcast %add3A_738 : i32 to vector<256x2048xi32>
    %add3A_740 = arith.addi %iota3A_737, %add3A_739 : vector<256x2048xi32>
    %broadcast_in_dim3A_741 = arith.constant 0.000000e+00 : f32
    %broadcast_in_dim3A_742 = vector.broadcast %broadcast_in_dim3A_741 : f32 to vector<256x16xf32>
    %broadcast_in_dim3A_743 = arith.constant 0 : i32
    %broadcast_in_dim3A_744 = vector.broadcast %broadcast_in_dim3A_743 : i32 to vector<256x16xi32>
    %reduce_min3A_745 = arith.constant dense<0x7F800000> : vector<256xf32>
    %reduce_min3A_746 = vector.multi_reduction <minimumf>, %sqrt3A_736, %reduce_min3A_745 [1] : vector<256x2048xf32> to vector<256xf32>
    %broadcast_in_dim3A_747 = vector.shape_cast %reduce_min3A_746 : vector<256xf32> to vector<256x1xf32>
    %eq3A_748 = vector.broadcast %broadcast_in_dim3A_747 : vector<256x1xf32> to vector<256x2048xf32>
    %eq3A_749 = arith.cmpf oeq, %sqrt3A_736, %eq3A_748 : vector<256x2048xf32>
    %jit3A_750 = arith.constant 1073741824 : i32
    %broadcast_in_dim3A_751 = vector.broadcast %jit3A_750 : i32 to vector<256x2048xi32>
    %select_n3A_752 = arith.select %eq3A_749, %add3A_740, %broadcast_in_dim3A_751 : vector<256x2048xi1>, vector<256x2048xi32>
    %reduce_min3A_753 = arith.constant dense<2147483647> : vector<256xi32>
    %reduce_min3A_754 = vector.multi_reduction <minsi>, %select_n3A_752, %reduce_min3A_753 [1] : vector<256x2048xi32> to vector<256xi32>
    %broadcast_in_dim3A_755 = vector.shape_cast %reduce_min3A_754 : vector<256xi32> to vector<256x1xi32>
    %eq3A_756 = arith.constant 0 : i32
    %eq3A_757 = vector.broadcast %eq3A_756 : i32 to vector<256x16xi32>
    %eq3A_758 = arith.cmpi eq, %iota3A, %eq3A_757 : vector<256x16xi32>
    %broadcast_in_dim3A_759 = vector.shape_cast %broadcast_in_dim3A_747 : vector<256x1xf32> to vector<256x1xf32>
    %broadcast_in_dim3A_760 = vector.broadcast %broadcast_in_dim3A_759 : vector<256x1xf32> to vector<256x16xf32>
    %select_n3A_761 = arith.select %eq3A_758, %broadcast_in_dim3A_760, %broadcast_in_dim3A_742 : vector<256x16xi1>, vector<256x16xf32>
    %eq3A_762 = arith.constant 0 : i32
    %eq3A_763 = vector.broadcast %eq3A_762 : i32 to vector<256x16xi32>
    %eq3A_764 = arith.cmpi eq, %iota3A, %eq3A_763 : vector<256x16xi32>
    %broadcast_in_dim3A_765 = vector.shape_cast %broadcast_in_dim3A_755 : vector<256x1xi32> to vector<256x1xi32>
    %broadcast_in_dim3A_766 = vector.broadcast %broadcast_in_dim3A_765 : vector<256x1xi32> to vector<256x16xi32>
    %select_n3A_767 = arith.select %eq3A_764, %broadcast_in_dim3A_766, %broadcast_in_dim3A_744 : vector<256x16xi1>, vector<256x16xi32>
    %eq3A_768 = vector.broadcast %broadcast_in_dim3A_755 : vector<256x1xi32> to vector<256x2048xi32>
    %eq3A_769 = arith.cmpi eq, %add3A_740, %eq3A_768 : vector<256x2048xi32>
    %jit3A_770 = arith.constant 0x7F800000 : f32
    %broadcast_in_dim3A_771 = vector.broadcast %jit3A_770 : f32 to vector<256x2048xf32>
    %select_n3A_772 = arith.select %eq3A_769, %broadcast_in_dim3A_771, %sqrt3A_736 : vector<256x2048xi1>, vector<256x2048xf32>
    %reduce_min3A_773 = arith.constant dense<0x7F800000> : vector<256xf32>
    %reduce_min3A_774 = vector.multi_reduction <minimumf>, %select_n3A_772, %reduce_min3A_773 [1] : vector<256x2048xf32> to vector<256xf32>
    %broadcast_in_dim3A_775 = vector.shape_cast %reduce_min3A_774 : vector<256xf32> to vector<256x1xf32>
    %eq3A_776 = vector.broadcast %broadcast_in_dim3A_775 : vector<256x1xf32> to vector<256x2048xf32>
    %eq3A_777 = arith.cmpf oeq, %select_n3A_772, %eq3A_776 : vector<256x2048xf32>
    %jit3A_778 = arith.constant 1073741824 : i32
    %broadcast_in_dim3A_779 = vector.broadcast %jit3A_778 : i32 to vector<256x2048xi32>
    %select_n3A_780 = arith.select %eq3A_777, %add3A_740, %broadcast_in_dim3A_779 : vector<256x2048xi1>, vector<256x2048xi32>
    %reduce_min3A_781 = arith.constant dense<2147483647> : vector<256xi32>
    %reduce_min3A_782 = vector.multi_reduction <minsi>, %select_n3A_780, %reduce_min3A_781 [1] : vector<256x2048xi32> to vector<256xi32>
    %broadcast_in_dim3A_783 = vector.shape_cast %reduce_min3A_782 : vector<256xi32> to vector<256x1xi32>
    %eq3A_784 = arith.constant 1 : i32
    %eq3A_785 = vector.broadcast %eq3A_784 : i32 to vector<256x16xi32>
    %eq3A_786 = arith.cmpi eq, %iota3A, %eq3A_785 : vector<256x16xi32>
    %broadcast_in_dim3A_787 = vector.shape_cast %broadcast_in_dim3A_775 : vector<256x1xf32> to vector<256x1xf32>
    %broadcast_in_dim3A_788 = vector.broadcast %broadcast_in_dim3A_787 : vector<256x1xf32> to vector<256x16xf32>
    %select_n3A_789 = arith.select %eq3A_786, %broadcast_in_dim3A_788, %select_n3A_761 : vector<256x16xi1>, vector<256x16xf32>
    %eq3A_790 = arith.constant 1 : i32
    %eq3A_791 = vector.broadcast %eq3A_790 : i32 to vector<256x16xi32>
    %eq3A_792 = arith.cmpi eq, %iota3A, %eq3A_791 : vector<256x16xi32>
    %broadcast_in_dim3A_793 = vector.shape_cast %broadcast_in_dim3A_783 : vector<256x1xi32> to vector<256x1xi32>
    %broadcast_in_dim3A_794 = vector.broadcast %broadcast_in_dim3A_793 : vector<256x1xi32> to vector<256x16xi32>
    %select_n3A_795 = arith.select %eq3A_792, %broadcast_in_dim3A_794, %select_n3A_767 : vector<256x16xi1>, vector<256x16xi32>
    %eq3A_796 = vector.broadcast %broadcast_in_dim3A_755 : vector<256x1xi32> to vector<256x2048xi32>
    %eq3A_797 = arith.cmpi eq, %add3A_740, %eq3A_796 : vector<256x2048xi32>
    %jit3A_798 = arith.constant 0x7F800000 : f32
    %broadcast_in_dim3A_799 = vector.broadcast %jit3A_798 : f32 to vector<256x2048xf32>
    %select_n3A_800 = arith.select %eq3A_797, %broadcast_in_dim3A_799, %sqrt3A_736 : vector<256x2048xi1>, vector<256x2048xf32>
    %eq3A_801 = vector.broadcast %broadcast_in_dim3A_783 : vector<256x1xi32> to vector<256x2048xi32>
    %eq3A_802 = arith.cmpi eq, %add3A_740, %eq3A_801 : vector<256x2048xi32>
    %jit3A_803 = arith.constant 0x7F800000 : f32
    %broadcast_in_dim3A_804 = vector.broadcast %jit3A_803 : f32 to vector<256x2048xf32>
    %select_n3A_805 = arith.select %eq3A_802, %broadcast_in_dim3A_804, %select_n3A_800 : vector<256x2048xi1>, vector<256x2048xf32>
    %reduce_min3A_806 = arith.constant dense<0x7F800000> : vector<256xf32>
    %reduce_min3A_807 = vector.multi_reduction <minimumf>, %select_n3A_805, %reduce_min3A_806 [1] : vector<256x2048xf32> to vector<256xf32>
    %broadcast_in_dim3A_808 = vector.shape_cast %reduce_min3A_807 : vector<256xf32> to vector<256x1xf32>
    %eq3A_809 = vector.broadcast %broadcast_in_dim3A_808 : vector<256x1xf32> to vector<256x2048xf32>
    %eq3A_810 = arith.cmpf oeq, %select_n3A_805, %eq3A_809 : vector<256x2048xf32>
    %jit3A_811 = arith.constant 1073741824 : i32
    %broadcast_in_dim3A_812 = vector.broadcast %jit3A_811 : i32 to vector<256x2048xi32>
    %select_n3A_813 = arith.select %eq3A_810, %add3A_740, %broadcast_in_dim3A_812 : vector<256x2048xi1>, vector<256x2048xi32>
    %reduce_min3A_814 = arith.constant dense<2147483647> : vector<256xi32>
    %reduce_min3A_815 = vector.multi_reduction <minsi>, %select_n3A_813, %reduce_min3A_814 [1] : vector<256x2048xi32> to vector<256xi32>
    %broadcast_in_dim3A_816 = vector.shape_cast %reduce_min3A_815 : vector<256xi32> to vector<256x1xi32>
    %eq3A_817 = arith.constant 2 : i32
    %eq3A_818 = vector.broadcast %eq3A_817 : i32 to vector<256x16xi32>
    %eq3A_819 = arith.cmpi eq, %iota3A, %eq3A_818 : vector<256x16xi32>
    %broadcast_in_dim3A_820 = vector.shape_cast %broadcast_in_dim3A_808 : vector<256x1xf32> to vector<256x1xf32>
    %broadcast_in_dim3A_821 = vector.broadcast %broadcast_in_dim3A_820 : vector<256x1xf32> to vector<256x16xf32>
    %select_n3A_822 = arith.select %eq3A_819, %broadcast_in_dim3A_821, %select_n3A_789 : vector<256x16xi1>, vector<256x16xf32>
    %eq3A_823 = arith.constant 2 : i32
    %eq3A_824 = vector.broadcast %eq3A_823 : i32 to vector<256x16xi32>
    %eq3A_825 = arith.cmpi eq, %iota3A, %eq3A_824 : vector<256x16xi32>
    %broadcast_in_dim3A_826 = vector.shape_cast %broadcast_in_dim3A_816 : vector<256x1xi32> to vector<256x1xi32>
    %broadcast_in_dim3A_827 = vector.broadcast %broadcast_in_dim3A_826 : vector<256x1xi32> to vector<256x16xi32>
    %select_n3A_828 = arith.select %eq3A_825, %broadcast_in_dim3A_827, %select_n3A_795 : vector<256x16xi1>, vector<256x16xi32>
    %eq3A_829 = vector.broadcast %broadcast_in_dim3A_755 : vector<256x1xi32> to vector<256x2048xi32>
    %eq3A_830 = arith.cmpi eq, %add3A_740, %eq3A_829 : vector<256x2048xi32>
    %jit3A_831 = arith.constant 0x7F800000 : f32
    %broadcast_in_dim3A_832 = vector.broadcast %jit3A_831 : f32 to vector<256x2048xf32>
    %select_n3A_833 = arith.select %eq3A_830, %broadcast_in_dim3A_832, %sqrt3A_736 : vector<256x2048xi1>, vector<256x2048xf32>
    %eq3A_834 = vector.broadcast %broadcast_in_dim3A_783 : vector<256x1xi32> to vector<256x2048xi32>
    %eq3A_835 = arith.cmpi eq, %add3A_740, %eq3A_834 : vector<256x2048xi32>
    %jit3A_836 = arith.constant 0x7F800000 : f32
    %broadcast_in_dim3A_837 = vector.broadcast %jit3A_836 : f32 to vector<256x2048xf32>
    %select_n3A_838 = arith.select %eq3A_835, %broadcast_in_dim3A_837, %select_n3A_833 : vector<256x2048xi1>, vector<256x2048xf32>
    %eq3A_839 = vector.broadcast %broadcast_in_dim3A_816 : vector<256x1xi32> to vector<256x2048xi32>
    %eq3A_840 = arith.cmpi eq, %add3A_740, %eq3A_839 : vector<256x2048xi32>
    %jit3A_841 = arith.constant 0x7F800000 : f32
    %broadcast_in_dim3A_842 = vector.broadcast %jit3A_841 : f32 to vector<256x2048xf32>
    %select_n3A_843 = arith.select %eq3A_840, %broadcast_in_dim3A_842, %select_n3A_838 : vector<256x2048xi1>, vector<256x2048xf32>
    %reduce_min3A_844 = arith.constant dense<0x7F800000> : vector<256xf32>
    %reduce_min3A_845 = vector.multi_reduction <minimumf>, %select_n3A_843, %reduce_min3A_844 [1] : vector<256x2048xf32> to vector<256xf32>
    %broadcast_in_dim3A_846 = vector.shape_cast %reduce_min3A_845 : vector<256xf32> to vector<256x1xf32>
    %eq3A_847 = vector.broadcast %broadcast_in_dim3A_846 : vector<256x1xf32> to vector<256x2048xf32>
    %eq3A_848 = arith.cmpf oeq, %select_n3A_843, %eq3A_847 : vector<256x2048xf32>
    %jit3A_849 = arith.constant 1073741824 : i32
    %broadcast_in_dim3A_850 = vector.broadcast %jit3A_849 : i32 to vector<256x2048xi32>
    %select_n3A_851 = arith.select %eq3A_848, %add3A_740, %broadcast_in_dim3A_850 : vector<256x2048xi1>, vector<256x2048xi32>
    %reduce_min3A_852 = arith.constant dense<2147483647> : vector<256xi32>
    %reduce_min3A_853 = vector.multi_reduction <minsi>, %select_n3A_851, %reduce_min3A_852 [1] : vector<256x2048xi32> to vector<256xi32>
    %broadcast_in_dim3A_854 = vector.shape_cast %reduce_min3A_853 : vector<256xi32> to vector<256x1xi32>
    %eq3A_855 = arith.constant 3 : i32
    %eq3A_856 = vector.broadcast %eq3A_855 : i32 to vector<256x16xi32>
    %eq3A_857 = arith.cmpi eq, %iota3A, %eq3A_856 : vector<256x16xi32>
    %broadcast_in_dim3A_858 = vector.shape_cast %broadcast_in_dim3A_846 : vector<256x1xf32> to vector<256x1xf32>
    %broadcast_in_dim3A_859 = vector.broadcast %broadcast_in_dim3A_858 : vector<256x1xf32> to vector<256x16xf32>
    %select_n3A_860 = arith.select %eq3A_857, %broadcast_in_dim3A_859, %select_n3A_822 : vector<256x16xi1>, vector<256x16xf32>
    %eq3A_861 = arith.constant 3 : i32
    %eq3A_862 = vector.broadcast %eq3A_861 : i32 to vector<256x16xi32>
    %eq3A_863 = arith.cmpi eq, %iota3A, %eq3A_862 : vector<256x16xi32>
    %broadcast_in_dim3A_864 = vector.shape_cast %broadcast_in_dim3A_854 : vector<256x1xi32> to vector<256x1xi32>
    %broadcast_in_dim3A_865 = vector.broadcast %broadcast_in_dim3A_864 : vector<256x1xi32> to vector<256x16xi32>
    %select_n3A_866 = arith.select %eq3A_863, %broadcast_in_dim3A_865, %select_n3A_828 : vector<256x16xi1>, vector<256x16xi32>
    %eq3A_867 = vector.broadcast %broadcast_in_dim3A_755 : vector<256x1xi32> to vector<256x2048xi32>
    %eq3A_868 = arith.cmpi eq, %add3A_740, %eq3A_867 : vector<256x2048xi32>
    %jit3A_869 = arith.constant 0x7F800000 : f32
    %broadcast_in_dim3A_870 = vector.broadcast %jit3A_869 : f32 to vector<256x2048xf32>
    %select_n3A_871 = arith.select %eq3A_868, %broadcast_in_dim3A_870, %sqrt3A_736 : vector<256x2048xi1>, vector<256x2048xf32>
    %eq3A_872 = vector.broadcast %broadcast_in_dim3A_783 : vector<256x1xi32> to vector<256x2048xi32>
    %eq3A_873 = arith.cmpi eq, %add3A_740, %eq3A_872 : vector<256x2048xi32>
    %jit3A_874 = arith.constant 0x7F800000 : f32
    %broadcast_in_dim3A_875 = vector.broadcast %jit3A_874 : f32 to vector<256x2048xf32>
    %select_n3A_876 = arith.select %eq3A_873, %broadcast_in_dim3A_875, %select_n3A_871 : vector<256x2048xi1>, vector<256x2048xf32>
    %eq3A_877 = vector.broadcast %broadcast_in_dim3A_816 : vector<256x1xi32> to vector<256x2048xi32>
    %eq3A_878 = arith.cmpi eq, %add3A_740, %eq3A_877 : vector<256x2048xi32>
    %jit3A_879 = arith.constant 0x7F800000 : f32
    %broadcast_in_dim3A_880 = vector.broadcast %jit3A_879 : f32 to vector<256x2048xf32>
    %select_n3A_881 = arith.select %eq3A_878, %broadcast_in_dim3A_880, %select_n3A_876 : vector<256x2048xi1>, vector<256x2048xf32>
    %eq3A_882 = vector.broadcast %broadcast_in_dim3A_854 : vector<256x1xi32> to vector<256x2048xi32>
    %eq3A_883 = arith.cmpi eq, %add3A_740, %eq3A_882 : vector<256x2048xi32>
    %jit3A_884 = arith.constant 0x7F800000 : f32
    %broadcast_in_dim3A_885 = vector.broadcast %jit3A_884 : f32 to vector<256x2048xf32>
    %select_n3A_886 = arith.select %eq3A_883, %broadcast_in_dim3A_885, %select_n3A_881 : vector<256x2048xi1>, vector<256x2048xf32>
    %reduce_min3A_887 = arith.constant dense<0x7F800000> : vector<256xf32>
    %reduce_min3A_888 = vector.multi_reduction <minimumf>, %select_n3A_886, %reduce_min3A_887 [1] : vector<256x2048xf32> to vector<256xf32>
    %broadcast_in_dim3A_889 = vector.shape_cast %reduce_min3A_888 : vector<256xf32> to vector<256x1xf32>
    %eq3A_890 = vector.broadcast %broadcast_in_dim3A_889 : vector<256x1xf32> to vector<256x2048xf32>
    %eq3A_891 = arith.cmpf oeq, %select_n3A_886, %eq3A_890 : vector<256x2048xf32>
    %jit3A_892 = arith.constant 1073741824 : i32
    %broadcast_in_dim3A_893 = vector.broadcast %jit3A_892 : i32 to vector<256x2048xi32>
    %select_n3A_894 = arith.select %eq3A_891, %add3A_740, %broadcast_in_dim3A_893 : vector<256x2048xi1>, vector<256x2048xi32>
    %reduce_min3A_895 = arith.constant dense<2147483647> : vector<256xi32>
    %reduce_min3A_896 = vector.multi_reduction <minsi>, %select_n3A_894, %reduce_min3A_895 [1] : vector<256x2048xi32> to vector<256xi32>
    %broadcast_in_dim3A_897 = vector.shape_cast %reduce_min3A_896 : vector<256xi32> to vector<256x1xi32>
    %eq3A_898 = arith.constant 4 : i32
    %eq3A_899 = vector.broadcast %eq3A_898 : i32 to vector<256x16xi32>
    %eq3A_900 = arith.cmpi eq, %iota3A, %eq3A_899 : vector<256x16xi32>
    %broadcast_in_dim3A_901 = vector.shape_cast %broadcast_in_dim3A_889 : vector<256x1xf32> to vector<256x1xf32>
    %broadcast_in_dim3A_902 = vector.broadcast %broadcast_in_dim3A_901 : vector<256x1xf32> to vector<256x16xf32>
    %select_n3A_903 = arith.select %eq3A_900, %broadcast_in_dim3A_902, %select_n3A_860 : vector<256x16xi1>, vector<256x16xf32>
    %eq3A_904 = arith.constant 4 : i32
    %eq3A_905 = vector.broadcast %eq3A_904 : i32 to vector<256x16xi32>
    %eq3A_906 = arith.cmpi eq, %iota3A, %eq3A_905 : vector<256x16xi32>
    %broadcast_in_dim3A_907 = vector.shape_cast %broadcast_in_dim3A_897 : vector<256x1xi32> to vector<256x1xi32>
    %broadcast_in_dim3A_908 = vector.broadcast %broadcast_in_dim3A_907 : vector<256x1xi32> to vector<256x16xi32>
    %select_n3A_909 = arith.select %eq3A_906, %broadcast_in_dim3A_908, %select_n3A_866 : vector<256x16xi1>, vector<256x16xi32>
    %eq3A_910 = vector.broadcast %broadcast_in_dim3A_755 : vector<256x1xi32> to vector<256x2048xi32>
    %eq3A_911 = arith.cmpi eq, %add3A_740, %eq3A_910 : vector<256x2048xi32>
    %jit3A_912 = arith.constant 0x7F800000 : f32
    %broadcast_in_dim3A_913 = vector.broadcast %jit3A_912 : f32 to vector<256x2048xf32>
    %select_n3A_914 = arith.select %eq3A_911, %broadcast_in_dim3A_913, %sqrt3A_736 : vector<256x2048xi1>, vector<256x2048xf32>
    %eq3A_915 = vector.broadcast %broadcast_in_dim3A_783 : vector<256x1xi32> to vector<256x2048xi32>
    %eq3A_916 = arith.cmpi eq, %add3A_740, %eq3A_915 : vector<256x2048xi32>
    %jit3A_917 = arith.constant 0x7F800000 : f32
    %broadcast_in_dim3A_918 = vector.broadcast %jit3A_917 : f32 to vector<256x2048xf32>
    %select_n3A_919 = arith.select %eq3A_916, %broadcast_in_dim3A_918, %select_n3A_914 : vector<256x2048xi1>, vector<256x2048xf32>
    %eq3A_920 = vector.broadcast %broadcast_in_dim3A_816 : vector<256x1xi32> to vector<256x2048xi32>
    %eq3A_921 = arith.cmpi eq, %add3A_740, %eq3A_920 : vector<256x2048xi32>
    %jit3A_922 = arith.constant 0x7F800000 : f32
    %broadcast_in_dim3A_923 = vector.broadcast %jit3A_922 : f32 to vector<256x2048xf32>
    %select_n3A_924 = arith.select %eq3A_921, %broadcast_in_dim3A_923, %select_n3A_919 : vector<256x2048xi1>, vector<256x2048xf32>
    %eq3A_925 = vector.broadcast %broadcast_in_dim3A_854 : vector<256x1xi32> to vector<256x2048xi32>
    %eq3A_926 = arith.cmpi eq, %add3A_740, %eq3A_925 : vector<256x2048xi32>
    %jit3A_927 = arith.constant 0x7F800000 : f32
    %broadcast_in_dim3A_928 = vector.broadcast %jit3A_927 : f32 to vector<256x2048xf32>
    %select_n3A_929 = arith.select %eq3A_926, %broadcast_in_dim3A_928, %select_n3A_924 : vector<256x2048xi1>, vector<256x2048xf32>
    %eq3A_930 = vector.broadcast %broadcast_in_dim3A_897 : vector<256x1xi32> to vector<256x2048xi32>
    %eq3A_931 = arith.cmpi eq, %add3A_740, %eq3A_930 : vector<256x2048xi32>
    %jit3A_932 = arith.constant 0x7F800000 : f32
    %broadcast_in_dim3A_933 = vector.broadcast %jit3A_932 : f32 to vector<256x2048xf32>
    %select_n3A_934 = arith.select %eq3A_931, %broadcast_in_dim3A_933, %select_n3A_929 : vector<256x2048xi1>, vector<256x2048xf32>
    %reduce_min3A_935 = arith.constant dense<0x7F800000> : vector<256xf32>
    %reduce_min3A_936 = vector.multi_reduction <minimumf>, %select_n3A_934, %reduce_min3A_935 [1] : vector<256x2048xf32> to vector<256xf32>
    %broadcast_in_dim3A_937 = vector.shape_cast %reduce_min3A_936 : vector<256xf32> to vector<256x1xf32>
    %eq3A_938 = vector.broadcast %broadcast_in_dim3A_937 : vector<256x1xf32> to vector<256x2048xf32>
    %eq3A_939 = arith.cmpf oeq, %select_n3A_934, %eq3A_938 : vector<256x2048xf32>
    %jit3A_940 = arith.constant 1073741824 : i32
    %broadcast_in_dim3A_941 = vector.broadcast %jit3A_940 : i32 to vector<256x2048xi32>
    %select_n3A_942 = arith.select %eq3A_939, %add3A_740, %broadcast_in_dim3A_941 : vector<256x2048xi1>, vector<256x2048xi32>
    %reduce_min3A_943 = arith.constant dense<2147483647> : vector<256xi32>
    %reduce_min3A_944 = vector.multi_reduction <minsi>, %select_n3A_942, %reduce_min3A_943 [1] : vector<256x2048xi32> to vector<256xi32>
    %broadcast_in_dim3A_945 = vector.shape_cast %reduce_min3A_944 : vector<256xi32> to vector<256x1xi32>
    %eq3A_946 = arith.constant 5 : i32
    %eq3A_947 = vector.broadcast %eq3A_946 : i32 to vector<256x16xi32>
    %eq3A_948 = arith.cmpi eq, %iota3A, %eq3A_947 : vector<256x16xi32>
    %broadcast_in_dim3A_949 = vector.shape_cast %broadcast_in_dim3A_937 : vector<256x1xf32> to vector<256x1xf32>
    %broadcast_in_dim3A_950 = vector.broadcast %broadcast_in_dim3A_949 : vector<256x1xf32> to vector<256x16xf32>
    %select_n3A_951 = arith.select %eq3A_948, %broadcast_in_dim3A_950, %select_n3A_903 : vector<256x16xi1>, vector<256x16xf32>
    %eq3A_952 = arith.constant 5 : i32
    %eq3A_953 = vector.broadcast %eq3A_952 : i32 to vector<256x16xi32>
    %eq3A_954 = arith.cmpi eq, %iota3A, %eq3A_953 : vector<256x16xi32>
    %broadcast_in_dim3A_955 = vector.shape_cast %broadcast_in_dim3A_945 : vector<256x1xi32> to vector<256x1xi32>
    %broadcast_in_dim3A_956 = vector.broadcast %broadcast_in_dim3A_955 : vector<256x1xi32> to vector<256x16xi32>
    %select_n3A_957 = arith.select %eq3A_954, %broadcast_in_dim3A_956, %select_n3A_909 : vector<256x16xi1>, vector<256x16xi32>
    %eq3A_958 = vector.broadcast %broadcast_in_dim3A_755 : vector<256x1xi32> to vector<256x2048xi32>
    %eq3A_959 = arith.cmpi eq, %add3A_740, %eq3A_958 : vector<256x2048xi32>
    %jit3A_960 = arith.constant 0x7F800000 : f32
    %broadcast_in_dim3A_961 = vector.broadcast %jit3A_960 : f32 to vector<256x2048xf32>
    %select_n3A_962 = arith.select %eq3A_959, %broadcast_in_dim3A_961, %sqrt3A_736 : vector<256x2048xi1>, vector<256x2048xf32>
    %eq3A_963 = vector.broadcast %broadcast_in_dim3A_783 : vector<256x1xi32> to vector<256x2048xi32>
    %eq3A_964 = arith.cmpi eq, %add3A_740, %eq3A_963 : vector<256x2048xi32>
    %jit3A_965 = arith.constant 0x7F800000 : f32
    %broadcast_in_dim3A_966 = vector.broadcast %jit3A_965 : f32 to vector<256x2048xf32>
    %select_n3A_967 = arith.select %eq3A_964, %broadcast_in_dim3A_966, %select_n3A_962 : vector<256x2048xi1>, vector<256x2048xf32>
    %eq3A_968 = vector.broadcast %broadcast_in_dim3A_816 : vector<256x1xi32> to vector<256x2048xi32>
    %eq3A_969 = arith.cmpi eq, %add3A_740, %eq3A_968 : vector<256x2048xi32>
    %jit3A_970 = arith.constant 0x7F800000 : f32
    %broadcast_in_dim3A_971 = vector.broadcast %jit3A_970 : f32 to vector<256x2048xf32>
    %select_n3A_972 = arith.select %eq3A_969, %broadcast_in_dim3A_971, %select_n3A_967 : vector<256x2048xi1>, vector<256x2048xf32>
    %eq3A_973 = vector.broadcast %broadcast_in_dim3A_854 : vector<256x1xi32> to vector<256x2048xi32>
    %eq3A_974 = arith.cmpi eq, %add3A_740, %eq3A_973 : vector<256x2048xi32>
    %jit3A_975 = arith.constant 0x7F800000 : f32
    %broadcast_in_dim3A_976 = vector.broadcast %jit3A_975 : f32 to vector<256x2048xf32>
    %select_n3A_977 = arith.select %eq3A_974, %broadcast_in_dim3A_976, %select_n3A_972 : vector<256x2048xi1>, vector<256x2048xf32>
    %eq3A_978 = vector.broadcast %broadcast_in_dim3A_897 : vector<256x1xi32> to vector<256x2048xi32>
    %eq3A_979 = arith.cmpi eq, %add3A_740, %eq3A_978 : vector<256x2048xi32>
    %jit3A_980 = arith.constant 0x7F800000 : f32
    %broadcast_in_dim3A_981 = vector.broadcast %jit3A_980 : f32 to vector<256x2048xf32>
    %select_n3A_982 = arith.select %eq3A_979, %broadcast_in_dim3A_981, %select_n3A_977 : vector<256x2048xi1>, vector<256x2048xf32>
    %eq3A_983 = vector.broadcast %broadcast_in_dim3A_945 : vector<256x1xi32> to vector<256x2048xi32>
    %eq3A_984 = arith.cmpi eq, %add3A_740, %eq3A_983 : vector<256x2048xi32>
    %jit3A_985 = arith.constant 0x7F800000 : f32
    %broadcast_in_dim3A_986 = vector.broadcast %jit3A_985 : f32 to vector<256x2048xf32>
    %select_n3A_987 = arith.select %eq3A_984, %broadcast_in_dim3A_986, %select_n3A_982 : vector<256x2048xi1>, vector<256x2048xf32>
    %reduce_min3A_988 = arith.constant dense<0x7F800000> : vector<256xf32>
    %reduce_min3A_989 = vector.multi_reduction <minimumf>, %select_n3A_987, %reduce_min3A_988 [1] : vector<256x2048xf32> to vector<256xf32>
    %broadcast_in_dim3A_990 = vector.shape_cast %reduce_min3A_989 : vector<256xf32> to vector<256x1xf32>
    %eq3A_991 = vector.broadcast %broadcast_in_dim3A_990 : vector<256x1xf32> to vector<256x2048xf32>
    %eq3A_992 = arith.cmpf oeq, %select_n3A_987, %eq3A_991 : vector<256x2048xf32>
    %jit3A_993 = arith.constant 1073741824 : i32
    %broadcast_in_dim3A_994 = vector.broadcast %jit3A_993 : i32 to vector<256x2048xi32>
    %select_n3A_995 = arith.select %eq3A_992, %add3A_740, %broadcast_in_dim3A_994 : vector<256x2048xi1>, vector<256x2048xi32>
    %reduce_min3A_996 = arith.constant dense<2147483647> : vector<256xi32>
    %reduce_min3A_997 = vector.multi_reduction <minsi>, %select_n3A_995, %reduce_min3A_996 [1] : vector<256x2048xi32> to vector<256xi32>
    %broadcast_in_dim3A_998 = vector.shape_cast %reduce_min3A_997 : vector<256xi32> to vector<256x1xi32>
    %eq3A_999 = arith.constant 6 : i32
    %eq3A_1000 = vector.broadcast %eq3A_999 : i32 to vector<256x16xi32>
    %eq3A_1001 = arith.cmpi eq, %iota3A, %eq3A_1000 : vector<256x16xi32>
    %broadcast_in_dim3A_1002 = vector.shape_cast %broadcast_in_dim3A_990 : vector<256x1xf32> to vector<256x1xf32>
    %broadcast_in_dim3A_1003 = vector.broadcast %broadcast_in_dim3A_1002 : vector<256x1xf32> to vector<256x16xf32>
    %select_n3A_1004 = arith.select %eq3A_1001, %broadcast_in_dim3A_1003, %select_n3A_951 : vector<256x16xi1>, vector<256x16xf32>
    %eq3A_1005 = arith.constant 6 : i32
    %eq3A_1006 = vector.broadcast %eq3A_1005 : i32 to vector<256x16xi32>
    %eq3A_1007 = arith.cmpi eq, %iota3A, %eq3A_1006 : vector<256x16xi32>
    %broadcast_in_dim3A_1008 = vector.shape_cast %broadcast_in_dim3A_998 : vector<256x1xi32> to vector<256x1xi32>
    %broadcast_in_dim3A_1009 = vector.broadcast %broadcast_in_dim3A_1008 : vector<256x1xi32> to vector<256x16xi32>
    %select_n3A_1010 = arith.select %eq3A_1007, %broadcast_in_dim3A_1009, %select_n3A_957 : vector<256x16xi1>, vector<256x16xi32>
    %eq3A_1011 = vector.broadcast %broadcast_in_dim3A_755 : vector<256x1xi32> to vector<256x2048xi32>
    %eq3A_1012 = arith.cmpi eq, %add3A_740, %eq3A_1011 : vector<256x2048xi32>
    %jit3A_1013 = arith.constant 0x7F800000 : f32
    %broadcast_in_dim3A_1014 = vector.broadcast %jit3A_1013 : f32 to vector<256x2048xf32>
    %select_n3A_1015 = arith.select %eq3A_1012, %broadcast_in_dim3A_1014, %sqrt3A_736 : vector<256x2048xi1>, vector<256x2048xf32>
    %eq3A_1016 = vector.broadcast %broadcast_in_dim3A_783 : vector<256x1xi32> to vector<256x2048xi32>
    %eq3A_1017 = arith.cmpi eq, %add3A_740, %eq3A_1016 : vector<256x2048xi32>
    %jit3A_1018 = arith.constant 0x7F800000 : f32
    %broadcast_in_dim3A_1019 = vector.broadcast %jit3A_1018 : f32 to vector<256x2048xf32>
    %select_n3A_1020 = arith.select %eq3A_1017, %broadcast_in_dim3A_1019, %select_n3A_1015 : vector<256x2048xi1>, vector<256x2048xf32>
    %eq3A_1021 = vector.broadcast %broadcast_in_dim3A_816 : vector<256x1xi32> to vector<256x2048xi32>
    %eq3A_1022 = arith.cmpi eq, %add3A_740, %eq3A_1021 : vector<256x2048xi32>
    %jit3A_1023 = arith.constant 0x7F800000 : f32
    %broadcast_in_dim3A_1024 = vector.broadcast %jit3A_1023 : f32 to vector<256x2048xf32>
    %select_n3A_1025 = arith.select %eq3A_1022, %broadcast_in_dim3A_1024, %select_n3A_1020 : vector<256x2048xi1>, vector<256x2048xf32>
    %eq3A_1026 = vector.broadcast %broadcast_in_dim3A_854 : vector<256x1xi32> to vector<256x2048xi32>
    %eq3A_1027 = arith.cmpi eq, %add3A_740, %eq3A_1026 : vector<256x2048xi32>
    %jit3A_1028 = arith.constant 0x7F800000 : f32
    %broadcast_in_dim3A_1029 = vector.broadcast %jit3A_1028 : f32 to vector<256x2048xf32>
    %select_n3A_1030 = arith.select %eq3A_1027, %broadcast_in_dim3A_1029, %select_n3A_1025 : vector<256x2048xi1>, vector<256x2048xf32>
    %eq3A_1031 = vector.broadcast %broadcast_in_dim3A_897 : vector<256x1xi32> to vector<256x2048xi32>
    %eq3A_1032 = arith.cmpi eq, %add3A_740, %eq3A_1031 : vector<256x2048xi32>
    %jit3A_1033 = arith.constant 0x7F800000 : f32
    %broadcast_in_dim3A_1034 = vector.broadcast %jit3A_1033 : f32 to vector<256x2048xf32>
    %select_n3A_1035 = arith.select %eq3A_1032, %broadcast_in_dim3A_1034, %select_n3A_1030 : vector<256x2048xi1>, vector<256x2048xf32>
    %eq3A_1036 = vector.broadcast %broadcast_in_dim3A_945 : vector<256x1xi32> to vector<256x2048xi32>
    %eq3A_1037 = arith.cmpi eq, %add3A_740, %eq3A_1036 : vector<256x2048xi32>
    %jit3A_1038 = arith.constant 0x7F800000 : f32
    %broadcast_in_dim3A_1039 = vector.broadcast %jit3A_1038 : f32 to vector<256x2048xf32>
    %select_n3A_1040 = arith.select %eq3A_1037, %broadcast_in_dim3A_1039, %select_n3A_1035 : vector<256x2048xi1>, vector<256x2048xf32>
    %eq3A_1041 = vector.broadcast %broadcast_in_dim3A_998 : vector<256x1xi32> to vector<256x2048xi32>
    %eq3A_1042 = arith.cmpi eq, %add3A_740, %eq3A_1041 : vector<256x2048xi32>
    %jit3A_1043 = arith.constant 0x7F800000 : f32
    %broadcast_in_dim3A_1044 = vector.broadcast %jit3A_1043 : f32 to vector<256x2048xf32>
    %select_n3A_1045 = arith.select %eq3A_1042, %broadcast_in_dim3A_1044, %select_n3A_1040 : vector<256x2048xi1>, vector<256x2048xf32>
    %reduce_min3A_1046 = arith.constant dense<0x7F800000> : vector<256xf32>
    %reduce_min3A_1047 = vector.multi_reduction <minimumf>, %select_n3A_1045, %reduce_min3A_1046 [1] : vector<256x2048xf32> to vector<256xf32>
    %broadcast_in_dim3A_1048 = vector.shape_cast %reduce_min3A_1047 : vector<256xf32> to vector<256x1xf32>
    %eq3A_1049 = vector.broadcast %broadcast_in_dim3A_1048 : vector<256x1xf32> to vector<256x2048xf32>
    %eq3A_1050 = arith.cmpf oeq, %select_n3A_1045, %eq3A_1049 : vector<256x2048xf32>
    %jit3A_1051 = arith.constant 1073741824 : i32
    %broadcast_in_dim3A_1052 = vector.broadcast %jit3A_1051 : i32 to vector<256x2048xi32>
    %select_n3A_1053 = arith.select %eq3A_1050, %add3A_740, %broadcast_in_dim3A_1052 : vector<256x2048xi1>, vector<256x2048xi32>
    %reduce_min3A_1054 = arith.constant dense<2147483647> : vector<256xi32>
    %reduce_min3A_1055 = vector.multi_reduction <minsi>, %select_n3A_1053, %reduce_min3A_1054 [1] : vector<256x2048xi32> to vector<256xi32>
    %broadcast_in_dim3A_1056 = vector.shape_cast %reduce_min3A_1055 : vector<256xi32> to vector<256x1xi32>
    %eq3A_1057 = arith.constant 7 : i32
    %eq3A_1058 = vector.broadcast %eq3A_1057 : i32 to vector<256x16xi32>
    %eq3A_1059 = arith.cmpi eq, %iota3A, %eq3A_1058 : vector<256x16xi32>
    %broadcast_in_dim3A_1060 = vector.shape_cast %broadcast_in_dim3A_1048 : vector<256x1xf32> to vector<256x1xf32>
    %broadcast_in_dim3A_1061 = vector.broadcast %broadcast_in_dim3A_1060 : vector<256x1xf32> to vector<256x16xf32>
    %select_n3A_1062 = arith.select %eq3A_1059, %broadcast_in_dim3A_1061, %select_n3A_1004 : vector<256x16xi1>, vector<256x16xf32>
    %eq3A_1063 = arith.constant 7 : i32
    %eq3A_1064 = vector.broadcast %eq3A_1063 : i32 to vector<256x16xi32>
    %eq3A_1065 = arith.cmpi eq, %iota3A, %eq3A_1064 : vector<256x16xi32>
    %broadcast_in_dim3A_1066 = vector.shape_cast %broadcast_in_dim3A_1056 : vector<256x1xi32> to vector<256x1xi32>
    %broadcast_in_dim3A_1067 = vector.broadcast %broadcast_in_dim3A_1066 : vector<256x1xi32> to vector<256x16xi32>
    %select_n3A_1068 = arith.select %eq3A_1065, %broadcast_in_dim3A_1067, %select_n3A_1010 : vector<256x16xi1>, vector<256x16xi32>
    %eq3A_1069 = vector.broadcast %broadcast_in_dim3A_755 : vector<256x1xi32> to vector<256x2048xi32>
    %eq3A_1070 = arith.cmpi eq, %add3A_740, %eq3A_1069 : vector<256x2048xi32>
    %eq3A_1071 = vector.broadcast %broadcast_in_dim3A_783 : vector<256x1xi32> to vector<256x2048xi32>
    %eq3A_1072 = arith.cmpi eq, %add3A_740, %eq3A_1071 : vector<256x2048xi32>
    %or3A_1073 = arith.ori %eq3A_1070, %eq3A_1072 : vector<256x2048xi1>
    %eq3A_1074 = vector.broadcast %broadcast_in_dim3A_816 : vector<256x1xi32> to vector<256x2048xi32>
    %eq3A_1075 = arith.cmpi eq, %add3A_740, %eq3A_1074 : vector<256x2048xi32>
    %or3A_1076 = arith.ori %or3A_1073, %eq3A_1075 : vector<256x2048xi1>
    %eq3A_1077 = vector.broadcast %broadcast_in_dim3A_854 : vector<256x1xi32> to vector<256x2048xi32>
    %eq3A_1078 = arith.cmpi eq, %add3A_740, %eq3A_1077 : vector<256x2048xi32>
    %or3A_1079 = arith.ori %or3A_1076, %eq3A_1078 : vector<256x2048xi1>
    %eq3A_1080 = vector.broadcast %broadcast_in_dim3A_897 : vector<256x1xi32> to vector<256x2048xi32>
    %eq3A_1081 = arith.cmpi eq, %add3A_740, %eq3A_1080 : vector<256x2048xi32>
    %or3A_1082 = arith.ori %or3A_1079, %eq3A_1081 : vector<256x2048xi1>
    %eq3A_1083 = vector.broadcast %broadcast_in_dim3A_945 : vector<256x1xi32> to vector<256x2048xi32>
    %eq3A_1084 = arith.cmpi eq, %add3A_740, %eq3A_1083 : vector<256x2048xi32>
    %or3A_1085 = arith.ori %or3A_1082, %eq3A_1084 : vector<256x2048xi1>
    %eq3A_1086 = vector.broadcast %broadcast_in_dim3A_998 : vector<256x1xi32> to vector<256x2048xi32>
    %eq3A_1087 = arith.cmpi eq, %add3A_740, %eq3A_1086 : vector<256x2048xi32>
    %or3A_1088 = arith.ori %or3A_1085, %eq3A_1087 : vector<256x2048xi1>
    %eq3A_1089 = vector.broadcast %broadcast_in_dim3A_1056 : vector<256x1xi32> to vector<256x2048xi32>
    %eq3A_1090 = arith.cmpi eq, %add3A_740, %eq3A_1089 : vector<256x2048xi32>
    %or3A_1091 = arith.ori %or3A_1088, %eq3A_1090 : vector<256x2048xi1>
    %jit3A_1092 = arith.constant 0x7F800000 : f32
    %broadcast_in_dim3A_1093 = vector.broadcast %jit3A_1092 : f32 to vector<256x2048xf32>
    %select_n3A_1094 = arith.select %or3A_1091, %broadcast_in_dim3A_1093, %sqrt3A_736 : vector<256x2048xi1>, vector<256x2048xf32>
    %reduce_min3A_1095 = arith.constant dense<0x7F800000> : vector<256xf32>
    %reduce_min3A_1096 = vector.multi_reduction <minimumf>, %select_n3A_1094, %reduce_min3A_1095 [1] : vector<256x2048xf32> to vector<256xf32>
    %broadcast_in_dim3A_1097 = vector.shape_cast %reduce_min3A_1096 : vector<256xf32> to vector<256x1xf32>
    %eq3A_1098 = vector.broadcast %broadcast_in_dim3A_1097 : vector<256x1xf32> to vector<256x2048xf32>
    %eq3A_1099 = arith.cmpf oeq, %select_n3A_1094, %eq3A_1098 : vector<256x2048xf32>
    %jit3A_1100 = arith.constant 1073741824 : i32
    %broadcast_in_dim3A_1101 = vector.broadcast %jit3A_1100 : i32 to vector<256x2048xi32>
    %select_n3A_1102 = arith.select %eq3A_1099, %add3A_740, %broadcast_in_dim3A_1101 : vector<256x2048xi1>, vector<256x2048xi32>
    %reduce_min3A_1103 = arith.constant dense<2147483647> : vector<256xi32>
    %reduce_min3A_1104 = vector.multi_reduction <minsi>, %select_n3A_1102, %reduce_min3A_1103 [1] : vector<256x2048xi32> to vector<256xi32>
    %broadcast_in_dim3A_1105 = vector.shape_cast %reduce_min3A_1104 : vector<256xi32> to vector<256x1xi32>
    %eq3A_1106 = arith.constant 8 : i32
    %eq3A_1107 = vector.broadcast %eq3A_1106 : i32 to vector<256x16xi32>
    %eq3A_1108 = arith.cmpi eq, %iota3A, %eq3A_1107 : vector<256x16xi32>
    %broadcast_in_dim3A_1109 = vector.shape_cast %broadcast_in_dim3A_1097 : vector<256x1xf32> to vector<256x1xf32>
    %broadcast_in_dim3A_1110 = vector.broadcast %broadcast_in_dim3A_1109 : vector<256x1xf32> to vector<256x16xf32>
    %select_n3A_1111 = arith.select %eq3A_1108, %broadcast_in_dim3A_1110, %select_n3A_1062 : vector<256x16xi1>, vector<256x16xf32>
    %eq3A_1112 = arith.constant 8 : i32
    %eq3A_1113 = vector.broadcast %eq3A_1112 : i32 to vector<256x16xi32>
    %eq3A_1114 = arith.cmpi eq, %iota3A, %eq3A_1113 : vector<256x16xi32>
    %broadcast_in_dim3A_1115 = vector.shape_cast %broadcast_in_dim3A_1105 : vector<256x1xi32> to vector<256x1xi32>
    %broadcast_in_dim3A_1116 = vector.broadcast %broadcast_in_dim3A_1115 : vector<256x1xi32> to vector<256x16xi32>
    %select_n3A_1117 = arith.select %eq3A_1114, %broadcast_in_dim3A_1116, %select_n3A_1068 : vector<256x16xi1>, vector<256x16xi32>
    %eq3A_1118 = vector.broadcast %broadcast_in_dim3A_1105 : vector<256x1xi32> to vector<256x2048xi32>
    %eq3A_1119 = arith.cmpi eq, %add3A_740, %eq3A_1118 : vector<256x2048xi32>
    %jit3A_1120 = arith.constant 0x7F800000 : f32
    %broadcast_in_dim3A_1121 = vector.broadcast %jit3A_1120 : f32 to vector<256x2048xf32>
    %select_n3A_1122 = arith.select %eq3A_1119, %broadcast_in_dim3A_1121, %select_n3A_1094 : vector<256x2048xi1>, vector<256x2048xf32>
    %reduce_min3A_1123 = arith.constant dense<0x7F800000> : vector<256xf32>
    %reduce_min3A_1124 = vector.multi_reduction <minimumf>, %select_n3A_1122, %reduce_min3A_1123 [1] : vector<256x2048xf32> to vector<256xf32>
    %broadcast_in_dim3A_1125 = vector.shape_cast %reduce_min3A_1124 : vector<256xf32> to vector<256x1xf32>
    %eq3A_1126 = vector.broadcast %broadcast_in_dim3A_1125 : vector<256x1xf32> to vector<256x2048xf32>
    %eq3A_1127 = arith.cmpf oeq, %select_n3A_1122, %eq3A_1126 : vector<256x2048xf32>
    %jit3A_1128 = arith.constant 1073741824 : i32
    %broadcast_in_dim3A_1129 = vector.broadcast %jit3A_1128 : i32 to vector<256x2048xi32>
    %select_n3A_1130 = arith.select %eq3A_1127, %add3A_740, %broadcast_in_dim3A_1129 : vector<256x2048xi1>, vector<256x2048xi32>
    %reduce_min3A_1131 = arith.constant dense<2147483647> : vector<256xi32>
    %reduce_min3A_1132 = vector.multi_reduction <minsi>, %select_n3A_1130, %reduce_min3A_1131 [1] : vector<256x2048xi32> to vector<256xi32>
    %broadcast_in_dim3A_1133 = vector.shape_cast %reduce_min3A_1132 : vector<256xi32> to vector<256x1xi32>
    %eq3A_1134 = arith.constant 9 : i32
    %eq3A_1135 = vector.broadcast %eq3A_1134 : i32 to vector<256x16xi32>
    %eq3A_1136 = arith.cmpi eq, %iota3A, %eq3A_1135 : vector<256x16xi32>
    %broadcast_in_dim3A_1137 = vector.shape_cast %broadcast_in_dim3A_1125 : vector<256x1xf32> to vector<256x1xf32>
    %broadcast_in_dim3A_1138 = vector.broadcast %broadcast_in_dim3A_1137 : vector<256x1xf32> to vector<256x16xf32>
    %select_n3A_1139 = arith.select %eq3A_1136, %broadcast_in_dim3A_1138, %select_n3A_1111 : vector<256x16xi1>, vector<256x16xf32>
    %eq3A_1140 = arith.constant 9 : i32
    %eq3A_1141 = vector.broadcast %eq3A_1140 : i32 to vector<256x16xi32>
    %eq3A_1142 = arith.cmpi eq, %iota3A, %eq3A_1141 : vector<256x16xi32>
    %broadcast_in_dim3A_1143 = vector.shape_cast %broadcast_in_dim3A_1133 : vector<256x1xi32> to vector<256x1xi32>
    %broadcast_in_dim3A_1144 = vector.broadcast %broadcast_in_dim3A_1143 : vector<256x1xi32> to vector<256x16xi32>
    %select_n3A_1145 = arith.select %eq3A_1142, %broadcast_in_dim3A_1144, %select_n3A_1117 : vector<256x16xi1>, vector<256x16xi32>
    %eq3A_1146 = vector.broadcast %broadcast_in_dim3A_1105 : vector<256x1xi32> to vector<256x2048xi32>
    %eq3A_1147 = arith.cmpi eq, %add3A_740, %eq3A_1146 : vector<256x2048xi32>
    %jit3A_1148 = arith.constant 0x7F800000 : f32
    %broadcast_in_dim3A_1149 = vector.broadcast %jit3A_1148 : f32 to vector<256x2048xf32>
    %select_n3A_1150 = arith.select %eq3A_1147, %broadcast_in_dim3A_1149, %select_n3A_1094 : vector<256x2048xi1>, vector<256x2048xf32>
    %eq3A_1151 = vector.broadcast %broadcast_in_dim3A_1133 : vector<256x1xi32> to vector<256x2048xi32>
    %eq3A_1152 = arith.cmpi eq, %add3A_740, %eq3A_1151 : vector<256x2048xi32>
    %jit3A_1153 = arith.constant 0x7F800000 : f32
    %broadcast_in_dim3A_1154 = vector.broadcast %jit3A_1153 : f32 to vector<256x2048xf32>
    %select_n3A_1155 = arith.select %eq3A_1152, %broadcast_in_dim3A_1154, %select_n3A_1150 : vector<256x2048xi1>, vector<256x2048xf32>
    %reduce_min3A_1156 = arith.constant dense<0x7F800000> : vector<256xf32>
    %reduce_min3A_1157 = vector.multi_reduction <minimumf>, %select_n3A_1155, %reduce_min3A_1156 [1] : vector<256x2048xf32> to vector<256xf32>
    %broadcast_in_dim3A_1158 = vector.shape_cast %reduce_min3A_1157 : vector<256xf32> to vector<256x1xf32>
    %eq3A_1159 = vector.broadcast %broadcast_in_dim3A_1158 : vector<256x1xf32> to vector<256x2048xf32>
    %eq3A_1160 = arith.cmpf oeq, %select_n3A_1155, %eq3A_1159 : vector<256x2048xf32>
    %jit3A_1161 = arith.constant 1073741824 : i32
    %broadcast_in_dim3A_1162 = vector.broadcast %jit3A_1161 : i32 to vector<256x2048xi32>
    %select_n3A_1163 = arith.select %eq3A_1160, %add3A_740, %broadcast_in_dim3A_1162 : vector<256x2048xi1>, vector<256x2048xi32>
    %reduce_min3A_1164 = arith.constant dense<2147483647> : vector<256xi32>
    %reduce_min3A_1165 = vector.multi_reduction <minsi>, %select_n3A_1163, %reduce_min3A_1164 [1] : vector<256x2048xi32> to vector<256xi32>
    %broadcast_in_dim3A_1166 = vector.shape_cast %reduce_min3A_1165 : vector<256xi32> to vector<256x1xi32>
    %eq3A_1167 = arith.constant 10 : i32
    %eq3A_1168 = vector.broadcast %eq3A_1167 : i32 to vector<256x16xi32>
    %eq3A_1169 = arith.cmpi eq, %iota3A, %eq3A_1168 : vector<256x16xi32>
    %broadcast_in_dim3A_1170 = vector.shape_cast %broadcast_in_dim3A_1158 : vector<256x1xf32> to vector<256x1xf32>
    %broadcast_in_dim3A_1171 = vector.broadcast %broadcast_in_dim3A_1170 : vector<256x1xf32> to vector<256x16xf32>
    %select_n3A_1172 = arith.select %eq3A_1169, %broadcast_in_dim3A_1171, %select_n3A_1139 : vector<256x16xi1>, vector<256x16xf32>
    %eq3A_1173 = arith.constant 10 : i32
    %eq3A_1174 = vector.broadcast %eq3A_1173 : i32 to vector<256x16xi32>
    %eq3A_1175 = arith.cmpi eq, %iota3A, %eq3A_1174 : vector<256x16xi32>
    %broadcast_in_dim3A_1176 = vector.shape_cast %broadcast_in_dim3A_1166 : vector<256x1xi32> to vector<256x1xi32>
    %broadcast_in_dim3A_1177 = vector.broadcast %broadcast_in_dim3A_1176 : vector<256x1xi32> to vector<256x16xi32>
    %select_n3A_1178 = arith.select %eq3A_1175, %broadcast_in_dim3A_1177, %select_n3A_1145 : vector<256x16xi1>, vector<256x16xi32>
    %eq3A_1179 = vector.broadcast %broadcast_in_dim3A_1105 : vector<256x1xi32> to vector<256x2048xi32>
    %eq3A_1180 = arith.cmpi eq, %add3A_740, %eq3A_1179 : vector<256x2048xi32>
    %jit3A_1181 = arith.constant 0x7F800000 : f32
    %broadcast_in_dim3A_1182 = vector.broadcast %jit3A_1181 : f32 to vector<256x2048xf32>
    %select_n3A_1183 = arith.select %eq3A_1180, %broadcast_in_dim3A_1182, %select_n3A_1094 : vector<256x2048xi1>, vector<256x2048xf32>
    %eq3A_1184 = vector.broadcast %broadcast_in_dim3A_1133 : vector<256x1xi32> to vector<256x2048xi32>
    %eq3A_1185 = arith.cmpi eq, %add3A_740, %eq3A_1184 : vector<256x2048xi32>
    %jit3A_1186 = arith.constant 0x7F800000 : f32
    %broadcast_in_dim3A_1187 = vector.broadcast %jit3A_1186 : f32 to vector<256x2048xf32>
    %select_n3A_1188 = arith.select %eq3A_1185, %broadcast_in_dim3A_1187, %select_n3A_1183 : vector<256x2048xi1>, vector<256x2048xf32>
    %eq3A_1189 = vector.broadcast %broadcast_in_dim3A_1166 : vector<256x1xi32> to vector<256x2048xi32>
    %eq3A_1190 = arith.cmpi eq, %add3A_740, %eq3A_1189 : vector<256x2048xi32>
    %jit3A_1191 = arith.constant 0x7F800000 : f32
    %broadcast_in_dim3A_1192 = vector.broadcast %jit3A_1191 : f32 to vector<256x2048xf32>
    %select_n3A_1193 = arith.select %eq3A_1190, %broadcast_in_dim3A_1192, %select_n3A_1188 : vector<256x2048xi1>, vector<256x2048xf32>
    %reduce_min3A_1194 = arith.constant dense<0x7F800000> : vector<256xf32>
    %reduce_min3A_1195 = vector.multi_reduction <minimumf>, %select_n3A_1193, %reduce_min3A_1194 [1] : vector<256x2048xf32> to vector<256xf32>
    %broadcast_in_dim3A_1196 = vector.shape_cast %reduce_min3A_1195 : vector<256xf32> to vector<256x1xf32>
    %eq3A_1197 = vector.broadcast %broadcast_in_dim3A_1196 : vector<256x1xf32> to vector<256x2048xf32>
    %eq3A_1198 = arith.cmpf oeq, %select_n3A_1193, %eq3A_1197 : vector<256x2048xf32>
    %jit3A_1199 = arith.constant 1073741824 : i32
    %broadcast_in_dim3A_1200 = vector.broadcast %jit3A_1199 : i32 to vector<256x2048xi32>
    %select_n3A_1201 = arith.select %eq3A_1198, %add3A_740, %broadcast_in_dim3A_1200 : vector<256x2048xi1>, vector<256x2048xi32>
    %reduce_min3A_1202 = arith.constant dense<2147483647> : vector<256xi32>
    %reduce_min3A_1203 = vector.multi_reduction <minsi>, %select_n3A_1201, %reduce_min3A_1202 [1] : vector<256x2048xi32> to vector<256xi32>
    %broadcast_in_dim3A_1204 = vector.shape_cast %reduce_min3A_1203 : vector<256xi32> to vector<256x1xi32>
    %eq3A_1205 = arith.constant 11 : i32
    %eq3A_1206 = vector.broadcast %eq3A_1205 : i32 to vector<256x16xi32>
    %eq3A_1207 = arith.cmpi eq, %iota3A, %eq3A_1206 : vector<256x16xi32>
    %broadcast_in_dim3A_1208 = vector.shape_cast %broadcast_in_dim3A_1196 : vector<256x1xf32> to vector<256x1xf32>
    %broadcast_in_dim3A_1209 = vector.broadcast %broadcast_in_dim3A_1208 : vector<256x1xf32> to vector<256x16xf32>
    %select_n3A_1210 = arith.select %eq3A_1207, %broadcast_in_dim3A_1209, %select_n3A_1172 : vector<256x16xi1>, vector<256x16xf32>
    %eq3A_1211 = arith.constant 11 : i32
    %eq3A_1212 = vector.broadcast %eq3A_1211 : i32 to vector<256x16xi32>
    %eq3A_1213 = arith.cmpi eq, %iota3A, %eq3A_1212 : vector<256x16xi32>
    %broadcast_in_dim3A_1214 = vector.shape_cast %broadcast_in_dim3A_1204 : vector<256x1xi32> to vector<256x1xi32>
    %broadcast_in_dim3A_1215 = vector.broadcast %broadcast_in_dim3A_1214 : vector<256x1xi32> to vector<256x16xi32>
    %select_n3A_1216 = arith.select %eq3A_1213, %broadcast_in_dim3A_1215, %select_n3A_1178 : vector<256x16xi1>, vector<256x16xi32>
    %eq3A_1217 = vector.broadcast %broadcast_in_dim3A_1105 : vector<256x1xi32> to vector<256x2048xi32>
    %eq3A_1218 = arith.cmpi eq, %add3A_740, %eq3A_1217 : vector<256x2048xi32>
    %jit3A_1219 = arith.constant 0x7F800000 : f32
    %broadcast_in_dim3A_1220 = vector.broadcast %jit3A_1219 : f32 to vector<256x2048xf32>
    %select_n3A_1221 = arith.select %eq3A_1218, %broadcast_in_dim3A_1220, %select_n3A_1094 : vector<256x2048xi1>, vector<256x2048xf32>
    %eq3A_1222 = vector.broadcast %broadcast_in_dim3A_1133 : vector<256x1xi32> to vector<256x2048xi32>
    %eq3A_1223 = arith.cmpi eq, %add3A_740, %eq3A_1222 : vector<256x2048xi32>
    %jit3A_1224 = arith.constant 0x7F800000 : f32
    %broadcast_in_dim3A_1225 = vector.broadcast %jit3A_1224 : f32 to vector<256x2048xf32>
    %select_n3A_1226 = arith.select %eq3A_1223, %broadcast_in_dim3A_1225, %select_n3A_1221 : vector<256x2048xi1>, vector<256x2048xf32>
    %eq3A_1227 = vector.broadcast %broadcast_in_dim3A_1166 : vector<256x1xi32> to vector<256x2048xi32>
    %eq3A_1228 = arith.cmpi eq, %add3A_740, %eq3A_1227 : vector<256x2048xi32>
    %jit3A_1229 = arith.constant 0x7F800000 : f32
    %broadcast_in_dim3A_1230 = vector.broadcast %jit3A_1229 : f32 to vector<256x2048xf32>
    %select_n3A_1231 = arith.select %eq3A_1228, %broadcast_in_dim3A_1230, %select_n3A_1226 : vector<256x2048xi1>, vector<256x2048xf32>
    %eq3A_1232 = vector.broadcast %broadcast_in_dim3A_1204 : vector<256x1xi32> to vector<256x2048xi32>
    %eq3A_1233 = arith.cmpi eq, %add3A_740, %eq3A_1232 : vector<256x2048xi32>
    %jit3A_1234 = arith.constant 0x7F800000 : f32
    %broadcast_in_dim3A_1235 = vector.broadcast %jit3A_1234 : f32 to vector<256x2048xf32>
    %select_n3A_1236 = arith.select %eq3A_1233, %broadcast_in_dim3A_1235, %select_n3A_1231 : vector<256x2048xi1>, vector<256x2048xf32>
    %reduce_min3A_1237 = arith.constant dense<0x7F800000> : vector<256xf32>
    %reduce_min3A_1238 = vector.multi_reduction <minimumf>, %select_n3A_1236, %reduce_min3A_1237 [1] : vector<256x2048xf32> to vector<256xf32>
    %broadcast_in_dim3A_1239 = vector.shape_cast %reduce_min3A_1238 : vector<256xf32> to vector<256x1xf32>
    %eq3A_1240 = vector.broadcast %broadcast_in_dim3A_1239 : vector<256x1xf32> to vector<256x2048xf32>
    %eq3A_1241 = arith.cmpf oeq, %select_n3A_1236, %eq3A_1240 : vector<256x2048xf32>
    %jit3A_1242 = arith.constant 1073741824 : i32
    %broadcast_in_dim3A_1243 = vector.broadcast %jit3A_1242 : i32 to vector<256x2048xi32>
    %select_n3A_1244 = arith.select %eq3A_1241, %add3A_740, %broadcast_in_dim3A_1243 : vector<256x2048xi1>, vector<256x2048xi32>
    %reduce_min3A_1245 = arith.constant dense<2147483647> : vector<256xi32>
    %reduce_min3A_1246 = vector.multi_reduction <minsi>, %select_n3A_1244, %reduce_min3A_1245 [1] : vector<256x2048xi32> to vector<256xi32>
    %broadcast_in_dim3A_1247 = vector.shape_cast %reduce_min3A_1246 : vector<256xi32> to vector<256x1xi32>
    %eq3A_1248 = arith.constant 12 : i32
    %eq3A_1249 = vector.broadcast %eq3A_1248 : i32 to vector<256x16xi32>
    %eq3A_1250 = arith.cmpi eq, %iota3A, %eq3A_1249 : vector<256x16xi32>
    %broadcast_in_dim3A_1251 = vector.shape_cast %broadcast_in_dim3A_1239 : vector<256x1xf32> to vector<256x1xf32>
    %broadcast_in_dim3A_1252 = vector.broadcast %broadcast_in_dim3A_1251 : vector<256x1xf32> to vector<256x16xf32>
    %select_n3A_1253 = arith.select %eq3A_1250, %broadcast_in_dim3A_1252, %select_n3A_1210 : vector<256x16xi1>, vector<256x16xf32>
    %eq3A_1254 = arith.constant 12 : i32
    %eq3A_1255 = vector.broadcast %eq3A_1254 : i32 to vector<256x16xi32>
    %eq3A_1256 = arith.cmpi eq, %iota3A, %eq3A_1255 : vector<256x16xi32>
    %broadcast_in_dim3A_1257 = vector.shape_cast %broadcast_in_dim3A_1247 : vector<256x1xi32> to vector<256x1xi32>
    %broadcast_in_dim3A_1258 = vector.broadcast %broadcast_in_dim3A_1257 : vector<256x1xi32> to vector<256x16xi32>
    %select_n3A_1259 = arith.select %eq3A_1256, %broadcast_in_dim3A_1258, %select_n3A_1216 : vector<256x16xi1>, vector<256x16xi32>
    %eq3A_1260 = vector.broadcast %broadcast_in_dim3A_1105 : vector<256x1xi32> to vector<256x2048xi32>
    %eq3A_1261 = arith.cmpi eq, %add3A_740, %eq3A_1260 : vector<256x2048xi32>
    %jit3A_1262 = arith.constant 0x7F800000 : f32
    %broadcast_in_dim3A_1263 = vector.broadcast %jit3A_1262 : f32 to vector<256x2048xf32>
    %select_n3A_1264 = arith.select %eq3A_1261, %broadcast_in_dim3A_1263, %select_n3A_1094 : vector<256x2048xi1>, vector<256x2048xf32>
    %eq3A_1265 = vector.broadcast %broadcast_in_dim3A_1133 : vector<256x1xi32> to vector<256x2048xi32>
    %eq3A_1266 = arith.cmpi eq, %add3A_740, %eq3A_1265 : vector<256x2048xi32>
    %jit3A_1267 = arith.constant 0x7F800000 : f32
    %broadcast_in_dim3A_1268 = vector.broadcast %jit3A_1267 : f32 to vector<256x2048xf32>
    %select_n3A_1269 = arith.select %eq3A_1266, %broadcast_in_dim3A_1268, %select_n3A_1264 : vector<256x2048xi1>, vector<256x2048xf32>
    %eq3A_1270 = vector.broadcast %broadcast_in_dim3A_1166 : vector<256x1xi32> to vector<256x2048xi32>
    %eq3A_1271 = arith.cmpi eq, %add3A_740, %eq3A_1270 : vector<256x2048xi32>
    %jit3A_1272 = arith.constant 0x7F800000 : f32
    %broadcast_in_dim3A_1273 = vector.broadcast %jit3A_1272 : f32 to vector<256x2048xf32>
    %select_n3A_1274 = arith.select %eq3A_1271, %broadcast_in_dim3A_1273, %select_n3A_1269 : vector<256x2048xi1>, vector<256x2048xf32>
    %eq3A_1275 = vector.broadcast %broadcast_in_dim3A_1204 : vector<256x1xi32> to vector<256x2048xi32>
    %eq3A_1276 = arith.cmpi eq, %add3A_740, %eq3A_1275 : vector<256x2048xi32>
    %jit3A_1277 = arith.constant 0x7F800000 : f32
    %broadcast_in_dim3A_1278 = vector.broadcast %jit3A_1277 : f32 to vector<256x2048xf32>
    %select_n3A_1279 = arith.select %eq3A_1276, %broadcast_in_dim3A_1278, %select_n3A_1274 : vector<256x2048xi1>, vector<256x2048xf32>
    %eq3A_1280 = vector.broadcast %broadcast_in_dim3A_1247 : vector<256x1xi32> to vector<256x2048xi32>
    %eq3A_1281 = arith.cmpi eq, %add3A_740, %eq3A_1280 : vector<256x2048xi32>
    %jit3A_1282 = arith.constant 0x7F800000 : f32
    %broadcast_in_dim3A_1283 = vector.broadcast %jit3A_1282 : f32 to vector<256x2048xf32>
    %select_n3A_1284 = arith.select %eq3A_1281, %broadcast_in_dim3A_1283, %select_n3A_1279 : vector<256x2048xi1>, vector<256x2048xf32>
    %reduce_min3A_1285 = arith.constant dense<0x7F800000> : vector<256xf32>
    %reduce_min3A_1286 = vector.multi_reduction <minimumf>, %select_n3A_1284, %reduce_min3A_1285 [1] : vector<256x2048xf32> to vector<256xf32>
    %broadcast_in_dim3A_1287 = vector.shape_cast %reduce_min3A_1286 : vector<256xf32> to vector<256x1xf32>
    %eq3A_1288 = vector.broadcast %broadcast_in_dim3A_1287 : vector<256x1xf32> to vector<256x2048xf32>
    %eq3A_1289 = arith.cmpf oeq, %select_n3A_1284, %eq3A_1288 : vector<256x2048xf32>
    %jit3A_1290 = arith.constant 1073741824 : i32
    %broadcast_in_dim3A_1291 = vector.broadcast %jit3A_1290 : i32 to vector<256x2048xi32>
    %select_n3A_1292 = arith.select %eq3A_1289, %add3A_740, %broadcast_in_dim3A_1291 : vector<256x2048xi1>, vector<256x2048xi32>
    %reduce_min3A_1293 = arith.constant dense<2147483647> : vector<256xi32>
    %reduce_min3A_1294 = vector.multi_reduction <minsi>, %select_n3A_1292, %reduce_min3A_1293 [1] : vector<256x2048xi32> to vector<256xi32>
    %broadcast_in_dim3A_1295 = vector.shape_cast %reduce_min3A_1294 : vector<256xi32> to vector<256x1xi32>
    %eq3A_1296 = arith.constant 13 : i32
    %eq3A_1297 = vector.broadcast %eq3A_1296 : i32 to vector<256x16xi32>
    %eq3A_1298 = arith.cmpi eq, %iota3A, %eq3A_1297 : vector<256x16xi32>
    %broadcast_in_dim3A_1299 = vector.shape_cast %broadcast_in_dim3A_1287 : vector<256x1xf32> to vector<256x1xf32>
    %broadcast_in_dim3A_1300 = vector.broadcast %broadcast_in_dim3A_1299 : vector<256x1xf32> to vector<256x16xf32>
    %select_n3A_1301 = arith.select %eq3A_1298, %broadcast_in_dim3A_1300, %select_n3A_1253 : vector<256x16xi1>, vector<256x16xf32>
    %eq3A_1302 = arith.constant 13 : i32
    %eq3A_1303 = vector.broadcast %eq3A_1302 : i32 to vector<256x16xi32>
    %eq3A_1304 = arith.cmpi eq, %iota3A, %eq3A_1303 : vector<256x16xi32>
    %broadcast_in_dim3A_1305 = vector.shape_cast %broadcast_in_dim3A_1295 : vector<256x1xi32> to vector<256x1xi32>
    %broadcast_in_dim3A_1306 = vector.broadcast %broadcast_in_dim3A_1305 : vector<256x1xi32> to vector<256x16xi32>
    %select_n3A_1307 = arith.select %eq3A_1304, %broadcast_in_dim3A_1306, %select_n3A_1259 : vector<256x16xi1>, vector<256x16xi32>
    %eq3A_1308 = vector.broadcast %broadcast_in_dim3A_1105 : vector<256x1xi32> to vector<256x2048xi32>
    %eq3A_1309 = arith.cmpi eq, %add3A_740, %eq3A_1308 : vector<256x2048xi32>
    %jit3A_1310 = arith.constant 0x7F800000 : f32
    %broadcast_in_dim3A_1311 = vector.broadcast %jit3A_1310 : f32 to vector<256x2048xf32>
    %select_n3A_1312 = arith.select %eq3A_1309, %broadcast_in_dim3A_1311, %select_n3A_1094 : vector<256x2048xi1>, vector<256x2048xf32>
    %eq3A_1313 = vector.broadcast %broadcast_in_dim3A_1133 : vector<256x1xi32> to vector<256x2048xi32>
    %eq3A_1314 = arith.cmpi eq, %add3A_740, %eq3A_1313 : vector<256x2048xi32>
    %jit3A_1315 = arith.constant 0x7F800000 : f32
    %broadcast_in_dim3A_1316 = vector.broadcast %jit3A_1315 : f32 to vector<256x2048xf32>
    %select_n3A_1317 = arith.select %eq3A_1314, %broadcast_in_dim3A_1316, %select_n3A_1312 : vector<256x2048xi1>, vector<256x2048xf32>
    %eq3A_1318 = vector.broadcast %broadcast_in_dim3A_1166 : vector<256x1xi32> to vector<256x2048xi32>
    %eq3A_1319 = arith.cmpi eq, %add3A_740, %eq3A_1318 : vector<256x2048xi32>
    %jit3A_1320 = arith.constant 0x7F800000 : f32
    %broadcast_in_dim3A_1321 = vector.broadcast %jit3A_1320 : f32 to vector<256x2048xf32>
    %select_n3A_1322 = arith.select %eq3A_1319, %broadcast_in_dim3A_1321, %select_n3A_1317 : vector<256x2048xi1>, vector<256x2048xf32>
    %eq3A_1323 = vector.broadcast %broadcast_in_dim3A_1204 : vector<256x1xi32> to vector<256x2048xi32>
    %eq3A_1324 = arith.cmpi eq, %add3A_740, %eq3A_1323 : vector<256x2048xi32>
    %jit3A_1325 = arith.constant 0x7F800000 : f32
    %broadcast_in_dim3A_1326 = vector.broadcast %jit3A_1325 : f32 to vector<256x2048xf32>
    %select_n3A_1327 = arith.select %eq3A_1324, %broadcast_in_dim3A_1326, %select_n3A_1322 : vector<256x2048xi1>, vector<256x2048xf32>
    %eq3A_1328 = vector.broadcast %broadcast_in_dim3A_1247 : vector<256x1xi32> to vector<256x2048xi32>
    %eq3A_1329 = arith.cmpi eq, %add3A_740, %eq3A_1328 : vector<256x2048xi32>
    %jit3A_1330 = arith.constant 0x7F800000 : f32
    %broadcast_in_dim3A_1331 = vector.broadcast %jit3A_1330 : f32 to vector<256x2048xf32>
    %select_n3A_1332 = arith.select %eq3A_1329, %broadcast_in_dim3A_1331, %select_n3A_1327 : vector<256x2048xi1>, vector<256x2048xf32>
    %eq3A_1333 = vector.broadcast %broadcast_in_dim3A_1295 : vector<256x1xi32> to vector<256x2048xi32>
    %eq3A_1334 = arith.cmpi eq, %add3A_740, %eq3A_1333 : vector<256x2048xi32>
    %jit3A_1335 = arith.constant 0x7F800000 : f32
    %broadcast_in_dim3A_1336 = vector.broadcast %jit3A_1335 : f32 to vector<256x2048xf32>
    %select_n3A_1337 = arith.select %eq3A_1334, %broadcast_in_dim3A_1336, %select_n3A_1332 : vector<256x2048xi1>, vector<256x2048xf32>
    %reduce_min3A_1338 = arith.constant dense<0x7F800000> : vector<256xf32>
    %reduce_min3A_1339 = vector.multi_reduction <minimumf>, %select_n3A_1337, %reduce_min3A_1338 [1] : vector<256x2048xf32> to vector<256xf32>
    %broadcast_in_dim3A_1340 = vector.shape_cast %reduce_min3A_1339 : vector<256xf32> to vector<256x1xf32>
    %eq3A_1341 = vector.broadcast %broadcast_in_dim3A_1340 : vector<256x1xf32> to vector<256x2048xf32>
    %eq3A_1342 = arith.cmpf oeq, %select_n3A_1337, %eq3A_1341 : vector<256x2048xf32>
    %jit3A_1343 = arith.constant 1073741824 : i32
    %broadcast_in_dim3A_1344 = vector.broadcast %jit3A_1343 : i32 to vector<256x2048xi32>
    %select_n3A_1345 = arith.select %eq3A_1342, %add3A_740, %broadcast_in_dim3A_1344 : vector<256x2048xi1>, vector<256x2048xi32>
    %reduce_min3A_1346 = arith.constant dense<2147483647> : vector<256xi32>
    %reduce_min3A_1347 = vector.multi_reduction <minsi>, %select_n3A_1345, %reduce_min3A_1346 [1] : vector<256x2048xi32> to vector<256xi32>
    %broadcast_in_dim3A_1348 = vector.shape_cast %reduce_min3A_1347 : vector<256xi32> to vector<256x1xi32>
    %eq3A_1349 = arith.constant 14 : i32
    %eq3A_1350 = vector.broadcast %eq3A_1349 : i32 to vector<256x16xi32>
    %eq3A_1351 = arith.cmpi eq, %iota3A, %eq3A_1350 : vector<256x16xi32>
    %broadcast_in_dim3A_1352 = vector.shape_cast %broadcast_in_dim3A_1340 : vector<256x1xf32> to vector<256x1xf32>
    %broadcast_in_dim3A_1353 = vector.broadcast %broadcast_in_dim3A_1352 : vector<256x1xf32> to vector<256x16xf32>
    %select_n3A_1354 = arith.select %eq3A_1351, %broadcast_in_dim3A_1353, %select_n3A_1301 : vector<256x16xi1>, vector<256x16xf32>
    %eq3A_1355 = arith.constant 14 : i32
    %eq3A_1356 = vector.broadcast %eq3A_1355 : i32 to vector<256x16xi32>
    %eq3A_1357 = arith.cmpi eq, %iota3A, %eq3A_1356 : vector<256x16xi32>
    %broadcast_in_dim3A_1358 = vector.shape_cast %broadcast_in_dim3A_1348 : vector<256x1xi32> to vector<256x1xi32>
    %broadcast_in_dim3A_1359 = vector.broadcast %broadcast_in_dim3A_1358 : vector<256x1xi32> to vector<256x16xi32>
    %select_n3A_1360 = arith.select %eq3A_1357, %broadcast_in_dim3A_1359, %select_n3A_1307 : vector<256x16xi1>, vector<256x16xi32>
    %eq3A_1361 = vector.broadcast %broadcast_in_dim3A_1105 : vector<256x1xi32> to vector<256x2048xi32>
    %eq3A_1362 = arith.cmpi eq, %add3A_740, %eq3A_1361 : vector<256x2048xi32>
    %jit3A_1363 = arith.constant 0x7F800000 : f32
    %broadcast_in_dim3A_1364 = vector.broadcast %jit3A_1363 : f32 to vector<256x2048xf32>
    %select_n3A_1365 = arith.select %eq3A_1362, %broadcast_in_dim3A_1364, %select_n3A_1094 : vector<256x2048xi1>, vector<256x2048xf32>
    %eq3A_1366 = vector.broadcast %broadcast_in_dim3A_1133 : vector<256x1xi32> to vector<256x2048xi32>
    %eq3A_1367 = arith.cmpi eq, %add3A_740, %eq3A_1366 : vector<256x2048xi32>
    %jit3A_1368 = arith.constant 0x7F800000 : f32
    %broadcast_in_dim3A_1369 = vector.broadcast %jit3A_1368 : f32 to vector<256x2048xf32>
    %select_n3A_1370 = arith.select %eq3A_1367, %broadcast_in_dim3A_1369, %select_n3A_1365 : vector<256x2048xi1>, vector<256x2048xf32>
    %eq3A_1371 = vector.broadcast %broadcast_in_dim3A_1166 : vector<256x1xi32> to vector<256x2048xi32>
    %eq3A_1372 = arith.cmpi eq, %add3A_740, %eq3A_1371 : vector<256x2048xi32>
    %jit3A_1373 = arith.constant 0x7F800000 : f32
    %broadcast_in_dim3A_1374 = vector.broadcast %jit3A_1373 : f32 to vector<256x2048xf32>
    %select_n3A_1375 = arith.select %eq3A_1372, %broadcast_in_dim3A_1374, %select_n3A_1370 : vector<256x2048xi1>, vector<256x2048xf32>
    %eq3A_1376 = vector.broadcast %broadcast_in_dim3A_1204 : vector<256x1xi32> to vector<256x2048xi32>
    %eq3A_1377 = arith.cmpi eq, %add3A_740, %eq3A_1376 : vector<256x2048xi32>
    %jit3A_1378 = arith.constant 0x7F800000 : f32
    %broadcast_in_dim3A_1379 = vector.broadcast %jit3A_1378 : f32 to vector<256x2048xf32>
    %select_n3A_1380 = arith.select %eq3A_1377, %broadcast_in_dim3A_1379, %select_n3A_1375 : vector<256x2048xi1>, vector<256x2048xf32>
    %eq3A_1381 = vector.broadcast %broadcast_in_dim3A_1247 : vector<256x1xi32> to vector<256x2048xi32>
    %eq3A_1382 = arith.cmpi eq, %add3A_740, %eq3A_1381 : vector<256x2048xi32>
    %jit3A_1383 = arith.constant 0x7F800000 : f32
    %broadcast_in_dim3A_1384 = vector.broadcast %jit3A_1383 : f32 to vector<256x2048xf32>
    %select_n3A_1385 = arith.select %eq3A_1382, %broadcast_in_dim3A_1384, %select_n3A_1380 : vector<256x2048xi1>, vector<256x2048xf32>
    %eq3A_1386 = vector.broadcast %broadcast_in_dim3A_1295 : vector<256x1xi32> to vector<256x2048xi32>
    %eq3A_1387 = arith.cmpi eq, %add3A_740, %eq3A_1386 : vector<256x2048xi32>
    %jit3A_1388 = arith.constant 0x7F800000 : f32
    %broadcast_in_dim3A_1389 = vector.broadcast %jit3A_1388 : f32 to vector<256x2048xf32>
    %select_n3A_1390 = arith.select %eq3A_1387, %broadcast_in_dim3A_1389, %select_n3A_1385 : vector<256x2048xi1>, vector<256x2048xf32>
    %eq3A_1391 = vector.broadcast %broadcast_in_dim3A_1348 : vector<256x1xi32> to vector<256x2048xi32>
    %eq3A_1392 = arith.cmpi eq, %add3A_740, %eq3A_1391 : vector<256x2048xi32>
    %jit3A_1393 = arith.constant 0x7F800000 : f32
    %broadcast_in_dim3A_1394 = vector.broadcast %jit3A_1393 : f32 to vector<256x2048xf32>
    %select_n3A_1395 = arith.select %eq3A_1392, %broadcast_in_dim3A_1394, %select_n3A_1390 : vector<256x2048xi1>, vector<256x2048xf32>
    %reduce_min3A_1396 = arith.constant dense<0x7F800000> : vector<256xf32>
    %reduce_min3A_1397 = vector.multi_reduction <minimumf>, %select_n3A_1395, %reduce_min3A_1396 [1] : vector<256x2048xf32> to vector<256xf32>
    %broadcast_in_dim3A_1398 = vector.shape_cast %reduce_min3A_1397 : vector<256xf32> to vector<256x1xf32>
    %eq3A_1399 = vector.broadcast %broadcast_in_dim3A_1398 : vector<256x1xf32> to vector<256x2048xf32>
    %eq3A_1400 = arith.cmpf oeq, %select_n3A_1395, %eq3A_1399 : vector<256x2048xf32>
    %jit3A_1401 = arith.constant 1073741824 : i32
    %broadcast_in_dim3A_1402 = vector.broadcast %jit3A_1401 : i32 to vector<256x2048xi32>
    %select_n3A_1403 = arith.select %eq3A_1400, %add3A_740, %broadcast_in_dim3A_1402 : vector<256x2048xi1>, vector<256x2048xi32>
    %reduce_min3A_1404 = arith.constant dense<2147483647> : vector<256xi32>
    %reduce_min3A_1405 = vector.multi_reduction <minsi>, %select_n3A_1403, %reduce_min3A_1404 [1] : vector<256x2048xi32> to vector<256xi32>
    %broadcast_in_dim3A_1406 = vector.shape_cast %reduce_min3A_1405 : vector<256xi32> to vector<256x1xi32>
    %eq3A_1407 = arith.constant 15 : i32
    %eq3A_1408 = vector.broadcast %eq3A_1407 : i32 to vector<256x16xi32>
    %eq3A_1409 = arith.cmpi eq, %iota3A, %eq3A_1408 : vector<256x16xi32>
    %broadcast_in_dim3A_1410 = vector.shape_cast %broadcast_in_dim3A_1398 : vector<256x1xf32> to vector<256x1xf32>
    %broadcast_in_dim3A_1411 = vector.broadcast %broadcast_in_dim3A_1410 : vector<256x1xf32> to vector<256x16xf32>
    %select_n3A_1412 = arith.select %eq3A_1409, %broadcast_in_dim3A_1411, %select_n3A_1354 : vector<256x16xi1>, vector<256x16xf32>
    %eq3A_1413 = arith.constant 15 : i32
    %eq3A_1414 = vector.broadcast %eq3A_1413 : i32 to vector<256x16xi32>
    %eq3A_1415 = arith.cmpi eq, %iota3A, %eq3A_1414 : vector<256x16xi32>
    %broadcast_in_dim3A_1416 = vector.shape_cast %broadcast_in_dim3A_1406 : vector<256x1xi32> to vector<256x1xi32>
    %broadcast_in_dim3A_1417 = vector.broadcast %broadcast_in_dim3A_1416 : vector<256x1xi32> to vector<256x16xi32>
    %select_n3A_1418 = arith.select %eq3A_1415, %broadcast_in_dim3A_1417, %select_n3A_1360 : vector<256x16xi1>, vector<256x16xi32>
    %concatenate3A_1419 = tpu.concatenate %scan3A_715#1, %select_n3A_1412 in 1 : vector<256x16xf32>, vector<256x16xf32> -> vector<256x32xf32>
    %concatenate3A_1420 = tpu.concatenate %scan3A_715#2, %select_n3A_1418 in 1 : vector<256x16xi32>, vector<256x16xi32> -> vector<256x32xi32>
    %broadcast_in_dim3A_1421 = arith.constant 0.000000e+00 : f32
    %broadcast_in_dim3A_1422 = vector.broadcast %broadcast_in_dim3A_1421 : f32 to vector<256x16xf32>
    %broadcast_in_dim3A_1423 = arith.constant 0 : i32
    %broadcast_in_dim3A_1424 = vector.broadcast %broadcast_in_dim3A_1423 : i32 to vector<256x16xi32>
    %scan3A_1425 = arith.constant 1073741824 : i32
    %scan3A_1426 = arith.constant 0x7F800000 : f32
    %scan3A_1427 = arith.constant 0 : i32
    %scan3A_1428 = arith.constant 16 : i32
    %scan3A_1429 = arith.addi %scan3A_1427, %scan3A_1428 : i32
    %scan3A_1430 = arith.constant 1 : i32
    %scan3A_1431:3 = scf.for %scan3A_2875 = %scan3A_1427 to %scan3A_1429 step %scan3A_1430 iter_args(%scan3A_2876 = %concatenate3A_1419, %scan3A_2877 = %broadcast_in_dim3A_1422, %scan3A_2878 = %broadcast_in_dim3A_1424) -> (vector<256x32xf32>, vector<256x16xf32>, vector<256x16xi32>)  : i32 {
      %reduce_min3A_2879 = arith.constant dense<0x7F800000> : vector<256xf32>
      %reduce_min3A_2880 = vector.multi_reduction <minimumf>, %scan3A_2876, %reduce_min3A_2879 [1] : vector<256x32xf32> to vector<256xf32>
      %broadcast_in_dim3A_2881 = vector.shape_cast %reduce_min3A_2880 : vector<256xf32> to vector<256x1xf32>
      %eq3A_2882 = vector.broadcast %broadcast_in_dim3A_2881 : vector<256x1xf32> to vector<256x32xf32>
      %eq3A_2883 = arith.cmpf oeq, %scan3A_2876, %eq3A_2882 : vector<256x32xf32>
      %broadcast_in_dim3A_2884 = vector.broadcast %scan3A_1425 : i32 to vector<256x32xi32>
      %select_n3A_2885 = arith.select %eq3A_2883, %iota3A_7, %broadcast_in_dim3A_2884 : vector<256x32xi1>, vector<256x32xi32>
      %reduce_min3A_2886 = arith.constant dense<2147483647> : vector<256xi32>
      %reduce_min3A_2887 = vector.multi_reduction <minsi>, %select_n3A_2885, %reduce_min3A_2886 [1] : vector<256x32xi32> to vector<256xi32>
      %broadcast_in_dim3A_2888 = vector.shape_cast %reduce_min3A_2887 : vector<256xi32> to vector<256x1xi32>
      %eq3A_2889 = vector.broadcast %broadcast_in_dim3A_2888 : vector<256x1xi32> to vector<256x32xi32>
      %eq3A_2890 = arith.cmpi eq, %iota3A_7, %eq3A_2889 : vector<256x32xi32>
      %jit3A_2891 = arith.constant 0 : i32
      %broadcast_in_dim3A_2892 = vector.broadcast %jit3A_2891 : i32 to vector<256x32xi32>
      %select_n3A_2893 = arith.select %eq3A_2890, %concatenate3A_1420, %broadcast_in_dim3A_2892 : vector<256x32xi1>, vector<256x32xi32>
      %reduce_sum3A_2894 = arith.constant dense<0> : vector<256xi32>
      %reduce_sum3A_2895 = vector.multi_reduction <add>, %select_n3A_2893, %reduce_sum3A_2894 [1] : vector<256x32xi32> to vector<256xi32>
      %broadcast_in_dim3A_2896 = vector.shape_cast %reduce_sum3A_2895 : vector<256xi32> to vector<256x1xi32>
      %eq3A_2897 = vector.broadcast %scan3A_2875 : i32 to vector<256x16xi32>
      %eq3A_2898 = arith.cmpi eq, %iota3A, %eq3A_2897 : vector<256x16xi32>
      %broadcast_in_dim3A_2899 = vector.shape_cast %broadcast_in_dim3A_2881 : vector<256x1xf32> to vector<256x1xf32>
      %broadcast_in_dim3A_2900 = vector.broadcast %broadcast_in_dim3A_2899 : vector<256x1xf32> to vector<256x16xf32>
      %select_n3A_2901 = arith.select %eq3A_2898, %broadcast_in_dim3A_2900, %scan3A_2877 : vector<256x16xi1>, vector<256x16xf32>
      %eq3A_2902 = vector.broadcast %scan3A_2875 : i32 to vector<256x16xi32>
      %eq3A_2903 = arith.cmpi eq, %iota3A, %eq3A_2902 : vector<256x16xi32>
      %broadcast_in_dim3A_2904 = vector.shape_cast %broadcast_in_dim3A_2896 : vector<256x1xi32> to vector<256x1xi32>
      %broadcast_in_dim3A_2905 = vector.broadcast %broadcast_in_dim3A_2904 : vector<256x1xi32> to vector<256x16xi32>
      %select_n3A_2906 = arith.select %eq3A_2903, %broadcast_in_dim3A_2905, %scan3A_2878 : vector<256x16xi1>, vector<256x16xi32>
      %broadcast_in_dim3A_2907 = vector.broadcast %scan3A_1426 : f32 to vector<256x32xf32>
      %select_n3A_2908 = arith.select %eq3A_2890, %broadcast_in_dim3A_2907, %scan3A_2876 : vector<256x32xi1>, vector<256x32xf32>
      scf.yield %select_n3A_2908, %select_n3A_2901, %select_n3A_2906 : vector<256x32xf32>, vector<256x16xf32>, vector<256x16xi32>
    }
    %scan3A_1432 = arith.constant 16 : i32
    %get3A_1433 = arith.constant 4096 : index
    %get3A_1434 = arith.constant 0 : index
    %get3A_1435 = vector.load %arg2[%get3A_1433, %get3A_1434] : memref<8192x64xf32, #tpu.memory_space<vmem>>, vector<2048x64xf32>
    %mul3A_1436 = arith.mulf %get3A_1435, %get3A_1435 : vector<2048x64xf32>
    %reduce_sum3A_1437 = arith.constant dense<0.000000e+00> : vector<2048xf32>
    %reduce_sum3A_1438 = vector.multi_reduction <add>, %mul3A_1436, %reduce_sum3A_1437 [1] : vector<2048x64xf32> to vector<2048xf32>
    %broadcast_in_dim3A_1439 = vector.shape_cast %reduce_sum3A_1438 : vector<2048xf32> to vector<1x2048xf32>
    %dot_general3A_1440 = arith.constant dense<0.000000e+00> : vector<256x2048xf32>
    %dot_general3A_1441 = tpu.matmul %get3A_1, %get3A_1435, %dot_general3A_1440 {dimension_numbers = #tpu.dot_dimension_numbers<[1], [1], [0], [0], [0, 0, 1, 0], [], []>, transpose_lhs_hint = false} : vector<256x64xf32>, vector<2048x64xf32>, vector<256x2048xf32> -> vector<256x2048xf32>
    %add3A_1442 = vector.broadcast %broadcast_in_dim3A_6 : vector<256x1xf32> to vector<256x2048xf32>
    %add3A_1443 = vector.broadcast %broadcast_in_dim3A_1439 : vector<1x2048xf32> to vector<256x2048xf32>
    %add3A_1444 = arith.addf %add3A_1442, %add3A_1443 : vector<256x2048xf32>
    %mul3A_1445 = arith.constant 2.000000e+00 : f32
    %mul3A_1446 = vector.broadcast %mul3A_1445 : f32 to vector<256x2048xf32>
    %mul3A_1447 = arith.mulf %mul3A_1446, %dot_general3A_1441 : vector<256x2048xf32>
    %sub3A_1448 = arith.subf %add3A_1444, %mul3A_1447 : vector<256x2048xf32>
    %max3A_1449 = arith.constant 0.000000e+00 : f32
    %max3A_1450 = vector.broadcast %max3A_1449 : f32 to vector<256x2048xf32>
    %max3A_1451 = arith.maximumf %sub3A_1448, %max3A_1450 : vector<256x2048xf32>
    %sqrt3A_1452 = math.sqrt %max3A_1451 : vector<256x2048xf32>
    %iota3A_1453 = tpu.iota {dimensions = array<i32: 1>} : vector<256x2048xi32>
    %add3A_1454 = arith.constant 4096 : i32
    %add3A_1455 = vector.broadcast %add3A_1454 : i32 to vector<256x2048xi32>
    %add3A_1456 = arith.addi %iota3A_1453, %add3A_1455 : vector<256x2048xi32>
    %broadcast_in_dim3A_1457 = arith.constant 0.000000e+00 : f32
    %broadcast_in_dim3A_1458 = vector.broadcast %broadcast_in_dim3A_1457 : f32 to vector<256x16xf32>
    %broadcast_in_dim3A_1459 = arith.constant 0 : i32
    %broadcast_in_dim3A_1460 = vector.broadcast %broadcast_in_dim3A_1459 : i32 to vector<256x16xi32>
    %reduce_min3A_1461 = arith.constant dense<0x7F800000> : vector<256xf32>
    %reduce_min3A_1462 = vector.multi_reduction <minimumf>, %sqrt3A_1452, %reduce_min3A_1461 [1] : vector<256x2048xf32> to vector<256xf32>
    %broadcast_in_dim3A_1463 = vector.shape_cast %reduce_min3A_1462 : vector<256xf32> to vector<256x1xf32>
    %eq3A_1464 = vector.broadcast %broadcast_in_dim3A_1463 : vector<256x1xf32> to vector<256x2048xf32>
    %eq3A_1465 = arith.cmpf oeq, %sqrt3A_1452, %eq3A_1464 : vector<256x2048xf32>
    %jit3A_1466 = arith.constant 1073741824 : i32
    %broadcast_in_dim3A_1467 = vector.broadcast %jit3A_1466 : i32 to vector<256x2048xi32>
    %select_n3A_1468 = arith.select %eq3A_1465, %add3A_1456, %broadcast_in_dim3A_1467 : vector<256x2048xi1>, vector<256x2048xi32>
    %reduce_min3A_1469 = arith.constant dense<2147483647> : vector<256xi32>
    %reduce_min3A_1470 = vector.multi_reduction <minsi>, %select_n3A_1468, %reduce_min3A_1469 [1] : vector<256x2048xi32> to vector<256xi32>
    %broadcast_in_dim3A_1471 = vector.shape_cast %reduce_min3A_1470 : vector<256xi32> to vector<256x1xi32>
    %eq3A_1472 = arith.constant 0 : i32
    %eq3A_1473 = vector.broadcast %eq3A_1472 : i32 to vector<256x16xi32>
    %eq3A_1474 = arith.cmpi eq, %iota3A, %eq3A_1473 : vector<256x16xi32>
    %broadcast_in_dim3A_1475 = vector.shape_cast %broadcast_in_dim3A_1463 : vector<256x1xf32> to vector<256x1xf32>
    %broadcast_in_dim3A_1476 = vector.broadcast %broadcast_in_dim3A_1475 : vector<256x1xf32> to vector<256x16xf32>
    %select_n3A_1477 = arith.select %eq3A_1474, %broadcast_in_dim3A_1476, %broadcast_in_dim3A_1458 : vector<256x16xi1>, vector<256x16xf32>
    %eq3A_1478 = arith.constant 0 : i32
    %eq3A_1479 = vector.broadcast %eq3A_1478 : i32 to vector<256x16xi32>
    %eq3A_1480 = arith.cmpi eq, %iota3A, %eq3A_1479 : vector<256x16xi32>
    %broadcast_in_dim3A_1481 = vector.shape_cast %broadcast_in_dim3A_1471 : vector<256x1xi32> to vector<256x1xi32>
    %broadcast_in_dim3A_1482 = vector.broadcast %broadcast_in_dim3A_1481 : vector<256x1xi32> to vector<256x16xi32>
    %select_n3A_1483 = arith.select %eq3A_1480, %broadcast_in_dim3A_1482, %broadcast_in_dim3A_1460 : vector<256x16xi1>, vector<256x16xi32>
    %eq3A_1484 = vector.broadcast %broadcast_in_dim3A_1471 : vector<256x1xi32> to vector<256x2048xi32>
    %eq3A_1485 = arith.cmpi eq, %add3A_1456, %eq3A_1484 : vector<256x2048xi32>
    %jit3A_1486 = arith.constant 0x7F800000 : f32
    %broadcast_in_dim3A_1487 = vector.broadcast %jit3A_1486 : f32 to vector<256x2048xf32>
    %select_n3A_1488 = arith.select %eq3A_1485, %broadcast_in_dim3A_1487, %sqrt3A_1452 : vector<256x2048xi1>, vector<256x2048xf32>
    %reduce_min3A_1489 = arith.constant dense<0x7F800000> : vector<256xf32>
    %reduce_min3A_1490 = vector.multi_reduction <minimumf>, %select_n3A_1488, %reduce_min3A_1489 [1] : vector<256x2048xf32> to vector<256xf32>
    %broadcast_in_dim3A_1491 = vector.shape_cast %reduce_min3A_1490 : vector<256xf32> to vector<256x1xf32>
    %eq3A_1492 = vector.broadcast %broadcast_in_dim3A_1491 : vector<256x1xf32> to vector<256x2048xf32>
    %eq3A_1493 = arith.cmpf oeq, %select_n3A_1488, %eq3A_1492 : vector<256x2048xf32>
    %jit3A_1494 = arith.constant 1073741824 : i32
    %broadcast_in_dim3A_1495 = vector.broadcast %jit3A_1494 : i32 to vector<256x2048xi32>
    %select_n3A_1496 = arith.select %eq3A_1493, %add3A_1456, %broadcast_in_dim3A_1495 : vector<256x2048xi1>, vector<256x2048xi32>
    %reduce_min3A_1497 = arith.constant dense<2147483647> : vector<256xi32>
    %reduce_min3A_1498 = vector.multi_reduction <minsi>, %select_n3A_1496, %reduce_min3A_1497 [1] : vector<256x2048xi32> to vector<256xi32>
    %broadcast_in_dim3A_1499 = vector.shape_cast %reduce_min3A_1498 : vector<256xi32> to vector<256x1xi32>
    %eq3A_1500 = arith.constant 1 : i32
    %eq3A_1501 = vector.broadcast %eq3A_1500 : i32 to vector<256x16xi32>
    %eq3A_1502 = arith.cmpi eq, %iota3A, %eq3A_1501 : vector<256x16xi32>
    %broadcast_in_dim3A_1503 = vector.shape_cast %broadcast_in_dim3A_1491 : vector<256x1xf32> to vector<256x1xf32>
    %broadcast_in_dim3A_1504 = vector.broadcast %broadcast_in_dim3A_1503 : vector<256x1xf32> to vector<256x16xf32>
    %select_n3A_1505 = arith.select %eq3A_1502, %broadcast_in_dim3A_1504, %select_n3A_1477 : vector<256x16xi1>, vector<256x16xf32>
    %eq3A_1506 = arith.constant 1 : i32
    %eq3A_1507 = vector.broadcast %eq3A_1506 : i32 to vector<256x16xi32>
    %eq3A_1508 = arith.cmpi eq, %iota3A, %eq3A_1507 : vector<256x16xi32>
    %broadcast_in_dim3A_1509 = vector.shape_cast %broadcast_in_dim3A_1499 : vector<256x1xi32> to vector<256x1xi32>
    %broadcast_in_dim3A_1510 = vector.broadcast %broadcast_in_dim3A_1509 : vector<256x1xi32> to vector<256x16xi32>
    %select_n3A_1511 = arith.select %eq3A_1508, %broadcast_in_dim3A_1510, %select_n3A_1483 : vector<256x16xi1>, vector<256x16xi32>
    %eq3A_1512 = vector.broadcast %broadcast_in_dim3A_1471 : vector<256x1xi32> to vector<256x2048xi32>
    %eq3A_1513 = arith.cmpi eq, %add3A_1456, %eq3A_1512 : vector<256x2048xi32>
    %jit3A_1514 = arith.constant 0x7F800000 : f32
    %broadcast_in_dim3A_1515 = vector.broadcast %jit3A_1514 : f32 to vector<256x2048xf32>
    %select_n3A_1516 = arith.select %eq3A_1513, %broadcast_in_dim3A_1515, %sqrt3A_1452 : vector<256x2048xi1>, vector<256x2048xf32>
    %eq3A_1517 = vector.broadcast %broadcast_in_dim3A_1499 : vector<256x1xi32> to vector<256x2048xi32>
    %eq3A_1518 = arith.cmpi eq, %add3A_1456, %eq3A_1517 : vector<256x2048xi32>
    %jit3A_1519 = arith.constant 0x7F800000 : f32
    %broadcast_in_dim3A_1520 = vector.broadcast %jit3A_1519 : f32 to vector<256x2048xf32>
    %select_n3A_1521 = arith.select %eq3A_1518, %broadcast_in_dim3A_1520, %select_n3A_1516 : vector<256x2048xi1>, vector<256x2048xf32>
    %reduce_min3A_1522 = arith.constant dense<0x7F800000> : vector<256xf32>
    %reduce_min3A_1523 = vector.multi_reduction <minimumf>, %select_n3A_1521, %reduce_min3A_1522 [1] : vector<256x2048xf32> to vector<256xf32>
    %broadcast_in_dim3A_1524 = vector.shape_cast %reduce_min3A_1523 : vector<256xf32> to vector<256x1xf32>
    %eq3A_1525 = vector.broadcast %broadcast_in_dim3A_1524 : vector<256x1xf32> to vector<256x2048xf32>
    %eq3A_1526 = arith.cmpf oeq, %select_n3A_1521, %eq3A_1525 : vector<256x2048xf32>
    %jit3A_1527 = arith.constant 1073741824 : i32
    %broadcast_in_dim3A_1528 = vector.broadcast %jit3A_1527 : i32 to vector<256x2048xi32>
    %select_n3A_1529 = arith.select %eq3A_1526, %add3A_1456, %broadcast_in_dim3A_1528 : vector<256x2048xi1>, vector<256x2048xi32>
    %reduce_min3A_1530 = arith.constant dense<2147483647> : vector<256xi32>
    %reduce_min3A_1531 = vector.multi_reduction <minsi>, %select_n3A_1529, %reduce_min3A_1530 [1] : vector<256x2048xi32> to vector<256xi32>
    %broadcast_in_dim3A_1532 = vector.shape_cast %reduce_min3A_1531 : vector<256xi32> to vector<256x1xi32>
    %eq3A_1533 = arith.constant 2 : i32
    %eq3A_1534 = vector.broadcast %eq3A_1533 : i32 to vector<256x16xi32>
    %eq3A_1535 = arith.cmpi eq, %iota3A, %eq3A_1534 : vector<256x16xi32>
    %broadcast_in_dim3A_1536 = vector.shape_cast %broadcast_in_dim3A_1524 : vector<256x1xf32> to vector<256x1xf32>
    %broadcast_in_dim3A_1537 = vector.broadcast %broadcast_in_dim3A_1536 : vector<256x1xf32> to vector<256x16xf32>
    %select_n3A_1538 = arith.select %eq3A_1535, %broadcast_in_dim3A_1537, %select_n3A_1505 : vector<256x16xi1>, vector<256x16xf32>
    %eq3A_1539 = arith.constant 2 : i32
    %eq3A_1540 = vector.broadcast %eq3A_1539 : i32 to vector<256x16xi32>
    %eq3A_1541 = arith.cmpi eq, %iota3A, %eq3A_1540 : vector<256x16xi32>
    %broadcast_in_dim3A_1542 = vector.shape_cast %broadcast_in_dim3A_1532 : vector<256x1xi32> to vector<256x1xi32>
    %broadcast_in_dim3A_1543 = vector.broadcast %broadcast_in_dim3A_1542 : vector<256x1xi32> to vector<256x16xi32>
    %select_n3A_1544 = arith.select %eq3A_1541, %broadcast_in_dim3A_1543, %select_n3A_1511 : vector<256x16xi1>, vector<256x16xi32>
    %eq3A_1545 = vector.broadcast %broadcast_in_dim3A_1471 : vector<256x1xi32> to vector<256x2048xi32>
    %eq3A_1546 = arith.cmpi eq, %add3A_1456, %eq3A_1545 : vector<256x2048xi32>
    %jit3A_1547 = arith.constant 0x7F800000 : f32
    %broadcast_in_dim3A_1548 = vector.broadcast %jit3A_1547 : f32 to vector<256x2048xf32>
    %select_n3A_1549 = arith.select %eq3A_1546, %broadcast_in_dim3A_1548, %sqrt3A_1452 : vector<256x2048xi1>, vector<256x2048xf32>
    %eq3A_1550 = vector.broadcast %broadcast_in_dim3A_1499 : vector<256x1xi32> to vector<256x2048xi32>
    %eq3A_1551 = arith.cmpi eq, %add3A_1456, %eq3A_1550 : vector<256x2048xi32>
    %jit3A_1552 = arith.constant 0x7F800000 : f32
    %broadcast_in_dim3A_1553 = vector.broadcast %jit3A_1552 : f32 to vector<256x2048xf32>
    %select_n3A_1554 = arith.select %eq3A_1551, %broadcast_in_dim3A_1553, %select_n3A_1549 : vector<256x2048xi1>, vector<256x2048xf32>
    %eq3A_1555 = vector.broadcast %broadcast_in_dim3A_1532 : vector<256x1xi32> to vector<256x2048xi32>
    %eq3A_1556 = arith.cmpi eq, %add3A_1456, %eq3A_1555 : vector<256x2048xi32>
    %jit3A_1557 = arith.constant 0x7F800000 : f32
    %broadcast_in_dim3A_1558 = vector.broadcast %jit3A_1557 : f32 to vector<256x2048xf32>
    %select_n3A_1559 = arith.select %eq3A_1556, %broadcast_in_dim3A_1558, %select_n3A_1554 : vector<256x2048xi1>, vector<256x2048xf32>
    %reduce_min3A_1560 = arith.constant dense<0x7F800000> : vector<256xf32>
    %reduce_min3A_1561 = vector.multi_reduction <minimumf>, %select_n3A_1559, %reduce_min3A_1560 [1] : vector<256x2048xf32> to vector<256xf32>
    %broadcast_in_dim3A_1562 = vector.shape_cast %reduce_min3A_1561 : vector<256xf32> to vector<256x1xf32>
    %eq3A_1563 = vector.broadcast %broadcast_in_dim3A_1562 : vector<256x1xf32> to vector<256x2048xf32>
    %eq3A_1564 = arith.cmpf oeq, %select_n3A_1559, %eq3A_1563 : vector<256x2048xf32>
    %jit3A_1565 = arith.constant 1073741824 : i32
    %broadcast_in_dim3A_1566 = vector.broadcast %jit3A_1565 : i32 to vector<256x2048xi32>
    %select_n3A_1567 = arith.select %eq3A_1564, %add3A_1456, %broadcast_in_dim3A_1566 : vector<256x2048xi1>, vector<256x2048xi32>
    %reduce_min3A_1568 = arith.constant dense<2147483647> : vector<256xi32>
    %reduce_min3A_1569 = vector.multi_reduction <minsi>, %select_n3A_1567, %reduce_min3A_1568 [1] : vector<256x2048xi32> to vector<256xi32>
    %broadcast_in_dim3A_1570 = vector.shape_cast %reduce_min3A_1569 : vector<256xi32> to vector<256x1xi32>
    %eq3A_1571 = arith.constant 3 : i32
    %eq3A_1572 = vector.broadcast %eq3A_1571 : i32 to vector<256x16xi32>
    %eq3A_1573 = arith.cmpi eq, %iota3A, %eq3A_1572 : vector<256x16xi32>
    %broadcast_in_dim3A_1574 = vector.shape_cast %broadcast_in_dim3A_1562 : vector<256x1xf32> to vector<256x1xf32>
    %broadcast_in_dim3A_1575 = vector.broadcast %broadcast_in_dim3A_1574 : vector<256x1xf32> to vector<256x16xf32>
    %select_n3A_1576 = arith.select %eq3A_1573, %broadcast_in_dim3A_1575, %select_n3A_1538 : vector<256x16xi1>, vector<256x16xf32>
    %eq3A_1577 = arith.constant 3 : i32
    %eq3A_1578 = vector.broadcast %eq3A_1577 : i32 to vector<256x16xi32>
    %eq3A_1579 = arith.cmpi eq, %iota3A, %eq3A_1578 : vector<256x16xi32>
    %broadcast_in_dim3A_1580 = vector.shape_cast %broadcast_in_dim3A_1570 : vector<256x1xi32> to vector<256x1xi32>
    %broadcast_in_dim3A_1581 = vector.broadcast %broadcast_in_dim3A_1580 : vector<256x1xi32> to vector<256x16xi32>
    %select_n3A_1582 = arith.select %eq3A_1579, %broadcast_in_dim3A_1581, %select_n3A_1544 : vector<256x16xi1>, vector<256x16xi32>
    %eq3A_1583 = vector.broadcast %broadcast_in_dim3A_1471 : vector<256x1xi32> to vector<256x2048xi32>
    %eq3A_1584 = arith.cmpi eq, %add3A_1456, %eq3A_1583 : vector<256x2048xi32>
    %jit3A_1585 = arith.constant 0x7F800000 : f32
    %broadcast_in_dim3A_1586 = vector.broadcast %jit3A_1585 : f32 to vector<256x2048xf32>
    %select_n3A_1587 = arith.select %eq3A_1584, %broadcast_in_dim3A_1586, %sqrt3A_1452 : vector<256x2048xi1>, vector<256x2048xf32>
    %eq3A_1588 = vector.broadcast %broadcast_in_dim3A_1499 : vector<256x1xi32> to vector<256x2048xi32>
    %eq3A_1589 = arith.cmpi eq, %add3A_1456, %eq3A_1588 : vector<256x2048xi32>
    %jit3A_1590 = arith.constant 0x7F800000 : f32
    %broadcast_in_dim3A_1591 = vector.broadcast %jit3A_1590 : f32 to vector<256x2048xf32>
    %select_n3A_1592 = arith.select %eq3A_1589, %broadcast_in_dim3A_1591, %select_n3A_1587 : vector<256x2048xi1>, vector<256x2048xf32>
    %eq3A_1593 = vector.broadcast %broadcast_in_dim3A_1532 : vector<256x1xi32> to vector<256x2048xi32>
    %eq3A_1594 = arith.cmpi eq, %add3A_1456, %eq3A_1593 : vector<256x2048xi32>
    %jit3A_1595 = arith.constant 0x7F800000 : f32
    %broadcast_in_dim3A_1596 = vector.broadcast %jit3A_1595 : f32 to vector<256x2048xf32>
    %select_n3A_1597 = arith.select %eq3A_1594, %broadcast_in_dim3A_1596, %select_n3A_1592 : vector<256x2048xi1>, vector<256x2048xf32>
    %eq3A_1598 = vector.broadcast %broadcast_in_dim3A_1570 : vector<256x1xi32> to vector<256x2048xi32>
    %eq3A_1599 = arith.cmpi eq, %add3A_1456, %eq3A_1598 : vector<256x2048xi32>
    %jit3A_1600 = arith.constant 0x7F800000 : f32
    %broadcast_in_dim3A_1601 = vector.broadcast %jit3A_1600 : f32 to vector<256x2048xf32>
    %select_n3A_1602 = arith.select %eq3A_1599, %broadcast_in_dim3A_1601, %select_n3A_1597 : vector<256x2048xi1>, vector<256x2048xf32>
    %reduce_min3A_1603 = arith.constant dense<0x7F800000> : vector<256xf32>
    %reduce_min3A_1604 = vector.multi_reduction <minimumf>, %select_n3A_1602, %reduce_min3A_1603 [1] : vector<256x2048xf32> to vector<256xf32>
    %broadcast_in_dim3A_1605 = vector.shape_cast %reduce_min3A_1604 : vector<256xf32> to vector<256x1xf32>
    %eq3A_1606 = vector.broadcast %broadcast_in_dim3A_1605 : vector<256x1xf32> to vector<256x2048xf32>
    %eq3A_1607 = arith.cmpf oeq, %select_n3A_1602, %eq3A_1606 : vector<256x2048xf32>
    %jit3A_1608 = arith.constant 1073741824 : i32
    %broadcast_in_dim3A_1609 = vector.broadcast %jit3A_1608 : i32 to vector<256x2048xi32>
    %select_n3A_1610 = arith.select %eq3A_1607, %add3A_1456, %broadcast_in_dim3A_1609 : vector<256x2048xi1>, vector<256x2048xi32>
    %reduce_min3A_1611 = arith.constant dense<2147483647> : vector<256xi32>
    %reduce_min3A_1612 = vector.multi_reduction <minsi>, %select_n3A_1610, %reduce_min3A_1611 [1] : vector<256x2048xi32> to vector<256xi32>
    %broadcast_in_dim3A_1613 = vector.shape_cast %reduce_min3A_1612 : vector<256xi32> to vector<256x1xi32>
    %eq3A_1614 = arith.constant 4 : i32
    %eq3A_1615 = vector.broadcast %eq3A_1614 : i32 to vector<256x16xi32>
    %eq3A_1616 = arith.cmpi eq, %iota3A, %eq3A_1615 : vector<256x16xi32>
    %broadcast_in_dim3A_1617 = vector.shape_cast %broadcast_in_dim3A_1605 : vector<256x1xf32> to vector<256x1xf32>
    %broadcast_in_dim3A_1618 = vector.broadcast %broadcast_in_dim3A_1617 : vector<256x1xf32> to vector<256x16xf32>
    %select_n3A_1619 = arith.select %eq3A_1616, %broadcast_in_dim3A_1618, %select_n3A_1576 : vector<256x16xi1>, vector<256x16xf32>
    %eq3A_1620 = arith.constant 4 : i32
    %eq3A_1621 = vector.broadcast %eq3A_1620 : i32 to vector<256x16xi32>
    %eq3A_1622 = arith.cmpi eq, %iota3A, %eq3A_1621 : vector<256x16xi32>
    %broadcast_in_dim3A_1623 = vector.shape_cast %broadcast_in_dim3A_1613 : vector<256x1xi32> to vector<256x1xi32>
    %broadcast_in_dim3A_1624 = vector.broadcast %broadcast_in_dim3A_1623 : vector<256x1xi32> to vector<256x16xi32>
    %select_n3A_1625 = arith.select %eq3A_1622, %broadcast_in_dim3A_1624, %select_n3A_1582 : vector<256x16xi1>, vector<256x16xi32>
    %eq3A_1626 = vector.broadcast %broadcast_in_dim3A_1471 : vector<256x1xi32> to vector<256x2048xi32>
    %eq3A_1627 = arith.cmpi eq, %add3A_1456, %eq3A_1626 : vector<256x2048xi32>
    %jit3A_1628 = arith.constant 0x7F800000 : f32
    %broadcast_in_dim3A_1629 = vector.broadcast %jit3A_1628 : f32 to vector<256x2048xf32>
    %select_n3A_1630 = arith.select %eq3A_1627, %broadcast_in_dim3A_1629, %sqrt3A_1452 : vector<256x2048xi1>, vector<256x2048xf32>
    %eq3A_1631 = vector.broadcast %broadcast_in_dim3A_1499 : vector<256x1xi32> to vector<256x2048xi32>
    %eq3A_1632 = arith.cmpi eq, %add3A_1456, %eq3A_1631 : vector<256x2048xi32>
    %jit3A_1633 = arith.constant 0x7F800000 : f32
    %broadcast_in_dim3A_1634 = vector.broadcast %jit3A_1633 : f32 to vector<256x2048xf32>
    %select_n3A_1635 = arith.select %eq3A_1632, %broadcast_in_dim3A_1634, %select_n3A_1630 : vector<256x2048xi1>, vector<256x2048xf32>
    %eq3A_1636 = vector.broadcast %broadcast_in_dim3A_1532 : vector<256x1xi32> to vector<256x2048xi32>
    %eq3A_1637 = arith.cmpi eq, %add3A_1456, %eq3A_1636 : vector<256x2048xi32>
    %jit3A_1638 = arith.constant 0x7F800000 : f32
    %broadcast_in_dim3A_1639 = vector.broadcast %jit3A_1638 : f32 to vector<256x2048xf32>
    %select_n3A_1640 = arith.select %eq3A_1637, %broadcast_in_dim3A_1639, %select_n3A_1635 : vector<256x2048xi1>, vector<256x2048xf32>
    %eq3A_1641 = vector.broadcast %broadcast_in_dim3A_1570 : vector<256x1xi32> to vector<256x2048xi32>
    %eq3A_1642 = arith.cmpi eq, %add3A_1456, %eq3A_1641 : vector<256x2048xi32>
    %jit3A_1643 = arith.constant 0x7F800000 : f32
    %broadcast_in_dim3A_1644 = vector.broadcast %jit3A_1643 : f32 to vector<256x2048xf32>
    %select_n3A_1645 = arith.select %eq3A_1642, %broadcast_in_dim3A_1644, %select_n3A_1640 : vector<256x2048xi1>, vector<256x2048xf32>
    %eq3A_1646 = vector.broadcast %broadcast_in_dim3A_1613 : vector<256x1xi32> to vector<256x2048xi32>
    %eq3A_1647 = arith.cmpi eq, %add3A_1456, %eq3A_1646 : vector<256x2048xi32>
    %jit3A_1648 = arith.constant 0x7F800000 : f32
    %broadcast_in_dim3A_1649 = vector.broadcast %jit3A_1648 : f32 to vector<256x2048xf32>
    %select_n3A_1650 = arith.select %eq3A_1647, %broadcast_in_dim3A_1649, %select_n3A_1645 : vector<256x2048xi1>, vector<256x2048xf32>
    %reduce_min3A_1651 = arith.constant dense<0x7F800000> : vector<256xf32>
    %reduce_min3A_1652 = vector.multi_reduction <minimumf>, %select_n3A_1650, %reduce_min3A_1651 [1] : vector<256x2048xf32> to vector<256xf32>
    %broadcast_in_dim3A_1653 = vector.shape_cast %reduce_min3A_1652 : vector<256xf32> to vector<256x1xf32>
    %eq3A_1654 = vector.broadcast %broadcast_in_dim3A_1653 : vector<256x1xf32> to vector<256x2048xf32>
    %eq3A_1655 = arith.cmpf oeq, %select_n3A_1650, %eq3A_1654 : vector<256x2048xf32>
    %jit3A_1656 = arith.constant 1073741824 : i32
    %broadcast_in_dim3A_1657 = vector.broadcast %jit3A_1656 : i32 to vector<256x2048xi32>
    %select_n3A_1658 = arith.select %eq3A_1655, %add3A_1456, %broadcast_in_dim3A_1657 : vector<256x2048xi1>, vector<256x2048xi32>
    %reduce_min3A_1659 = arith.constant dense<2147483647> : vector<256xi32>
    %reduce_min3A_1660 = vector.multi_reduction <minsi>, %select_n3A_1658, %reduce_min3A_1659 [1] : vector<256x2048xi32> to vector<256xi32>
    %broadcast_in_dim3A_1661 = vector.shape_cast %reduce_min3A_1660 : vector<256xi32> to vector<256x1xi32>
    %eq3A_1662 = arith.constant 5 : i32
    %eq3A_1663 = vector.broadcast %eq3A_1662 : i32 to vector<256x16xi32>
    %eq3A_1664 = arith.cmpi eq, %iota3A, %eq3A_1663 : vector<256x16xi32>
    %broadcast_in_dim3A_1665 = vector.shape_cast %broadcast_in_dim3A_1653 : vector<256x1xf32> to vector<256x1xf32>
    %broadcast_in_dim3A_1666 = vector.broadcast %broadcast_in_dim3A_1665 : vector<256x1xf32> to vector<256x16xf32>
    %select_n3A_1667 = arith.select %eq3A_1664, %broadcast_in_dim3A_1666, %select_n3A_1619 : vector<256x16xi1>, vector<256x16xf32>
    %eq3A_1668 = arith.constant 5 : i32
    %eq3A_1669 = vector.broadcast %eq3A_1668 : i32 to vector<256x16xi32>
    %eq3A_1670 = arith.cmpi eq, %iota3A, %eq3A_1669 : vector<256x16xi32>
    %broadcast_in_dim3A_1671 = vector.shape_cast %broadcast_in_dim3A_1661 : vector<256x1xi32> to vector<256x1xi32>
    %broadcast_in_dim3A_1672 = vector.broadcast %broadcast_in_dim3A_1671 : vector<256x1xi32> to vector<256x16xi32>
    %select_n3A_1673 = arith.select %eq3A_1670, %broadcast_in_dim3A_1672, %select_n3A_1625 : vector<256x16xi1>, vector<256x16xi32>
    %eq3A_1674 = vector.broadcast %broadcast_in_dim3A_1471 : vector<256x1xi32> to vector<256x2048xi32>
    %eq3A_1675 = arith.cmpi eq, %add3A_1456, %eq3A_1674 : vector<256x2048xi32>
    %jit3A_1676 = arith.constant 0x7F800000 : f32
    %broadcast_in_dim3A_1677 = vector.broadcast %jit3A_1676 : f32 to vector<256x2048xf32>
    %select_n3A_1678 = arith.select %eq3A_1675, %broadcast_in_dim3A_1677, %sqrt3A_1452 : vector<256x2048xi1>, vector<256x2048xf32>
    %eq3A_1679 = vector.broadcast %broadcast_in_dim3A_1499 : vector<256x1xi32> to vector<256x2048xi32>
    %eq3A_1680 = arith.cmpi eq, %add3A_1456, %eq3A_1679 : vector<256x2048xi32>
    %jit3A_1681 = arith.constant 0x7F800000 : f32
    %broadcast_in_dim3A_1682 = vector.broadcast %jit3A_1681 : f32 to vector<256x2048xf32>
    %select_n3A_1683 = arith.select %eq3A_1680, %broadcast_in_dim3A_1682, %select_n3A_1678 : vector<256x2048xi1>, vector<256x2048xf32>
    %eq3A_1684 = vector.broadcast %broadcast_in_dim3A_1532 : vector<256x1xi32> to vector<256x2048xi32>
    %eq3A_1685 = arith.cmpi eq, %add3A_1456, %eq3A_1684 : vector<256x2048xi32>
    %jit3A_1686 = arith.constant 0x7F800000 : f32
    %broadcast_in_dim3A_1687 = vector.broadcast %jit3A_1686 : f32 to vector<256x2048xf32>
    %select_n3A_1688 = arith.select %eq3A_1685, %broadcast_in_dim3A_1687, %select_n3A_1683 : vector<256x2048xi1>, vector<256x2048xf32>
    %eq3A_1689 = vector.broadcast %broadcast_in_dim3A_1570 : vector<256x1xi32> to vector<256x2048xi32>
    %eq3A_1690 = arith.cmpi eq, %add3A_1456, %eq3A_1689 : vector<256x2048xi32>
    %jit3A_1691 = arith.constant 0x7F800000 : f32
    %broadcast_in_dim3A_1692 = vector.broadcast %jit3A_1691 : f32 to vector<256x2048xf32>
    %select_n3A_1693 = arith.select %eq3A_1690, %broadcast_in_dim3A_1692, %select_n3A_1688 : vector<256x2048xi1>, vector<256x2048xf32>
    %eq3A_1694 = vector.broadcast %broadcast_in_dim3A_1613 : vector<256x1xi32> to vector<256x2048xi32>
    %eq3A_1695 = arith.cmpi eq, %add3A_1456, %eq3A_1694 : vector<256x2048xi32>
    %jit3A_1696 = arith.constant 0x7F800000 : f32
    %broadcast_in_dim3A_1697 = vector.broadcast %jit3A_1696 : f32 to vector<256x2048xf32>
    %select_n3A_1698 = arith.select %eq3A_1695, %broadcast_in_dim3A_1697, %select_n3A_1693 : vector<256x2048xi1>, vector<256x2048xf32>
    %eq3A_1699 = vector.broadcast %broadcast_in_dim3A_1661 : vector<256x1xi32> to vector<256x2048xi32>
    %eq3A_1700 = arith.cmpi eq, %add3A_1456, %eq3A_1699 : vector<256x2048xi32>
    %jit3A_1701 = arith.constant 0x7F800000 : f32
    %broadcast_in_dim3A_1702 = vector.broadcast %jit3A_1701 : f32 to vector<256x2048xf32>
    %select_n3A_1703 = arith.select %eq3A_1700, %broadcast_in_dim3A_1702, %select_n3A_1698 : vector<256x2048xi1>, vector<256x2048xf32>
    %reduce_min3A_1704 = arith.constant dense<0x7F800000> : vector<256xf32>
    %reduce_min3A_1705 = vector.multi_reduction <minimumf>, %select_n3A_1703, %reduce_min3A_1704 [1] : vector<256x2048xf32> to vector<256xf32>
    %broadcast_in_dim3A_1706 = vector.shape_cast %reduce_min3A_1705 : vector<256xf32> to vector<256x1xf32>
    %eq3A_1707 = vector.broadcast %broadcast_in_dim3A_1706 : vector<256x1xf32> to vector<256x2048xf32>
    %eq3A_1708 = arith.cmpf oeq, %select_n3A_1703, %eq3A_1707 : vector<256x2048xf32>
    %jit3A_1709 = arith.constant 1073741824 : i32
    %broadcast_in_dim3A_1710 = vector.broadcast %jit3A_1709 : i32 to vector<256x2048xi32>
    %select_n3A_1711 = arith.select %eq3A_1708, %add3A_1456, %broadcast_in_dim3A_1710 : vector<256x2048xi1>, vector<256x2048xi32>
    %reduce_min3A_1712 = arith.constant dense<2147483647> : vector<256xi32>
    %reduce_min3A_1713 = vector.multi_reduction <minsi>, %select_n3A_1711, %reduce_min3A_1712 [1] : vector<256x2048xi32> to vector<256xi32>
    %broadcast_in_dim3A_1714 = vector.shape_cast %reduce_min3A_1713 : vector<256xi32> to vector<256x1xi32>
    %eq3A_1715 = arith.constant 6 : i32
    %eq3A_1716 = vector.broadcast %eq3A_1715 : i32 to vector<256x16xi32>
    %eq3A_1717 = arith.cmpi eq, %iota3A, %eq3A_1716 : vector<256x16xi32>
    %broadcast_in_dim3A_1718 = vector.shape_cast %broadcast_in_dim3A_1706 : vector<256x1xf32> to vector<256x1xf32>
    %broadcast_in_dim3A_1719 = vector.broadcast %broadcast_in_dim3A_1718 : vector<256x1xf32> to vector<256x16xf32>
    %select_n3A_1720 = arith.select %eq3A_1717, %broadcast_in_dim3A_1719, %select_n3A_1667 : vector<256x16xi1>, vector<256x16xf32>
    %eq3A_1721 = arith.constant 6 : i32
    %eq3A_1722 = vector.broadcast %eq3A_1721 : i32 to vector<256x16xi32>
    %eq3A_1723 = arith.cmpi eq, %iota3A, %eq3A_1722 : vector<256x16xi32>
    %broadcast_in_dim3A_1724 = vector.shape_cast %broadcast_in_dim3A_1714 : vector<256x1xi32> to vector<256x1xi32>
    %broadcast_in_dim3A_1725 = vector.broadcast %broadcast_in_dim3A_1724 : vector<256x1xi32> to vector<256x16xi32>
    %select_n3A_1726 = arith.select %eq3A_1723, %broadcast_in_dim3A_1725, %select_n3A_1673 : vector<256x16xi1>, vector<256x16xi32>
    %eq3A_1727 = vector.broadcast %broadcast_in_dim3A_1471 : vector<256x1xi32> to vector<256x2048xi32>
    %eq3A_1728 = arith.cmpi eq, %add3A_1456, %eq3A_1727 : vector<256x2048xi32>
    %jit3A_1729 = arith.constant 0x7F800000 : f32
    %broadcast_in_dim3A_1730 = vector.broadcast %jit3A_1729 : f32 to vector<256x2048xf32>
    %select_n3A_1731 = arith.select %eq3A_1728, %broadcast_in_dim3A_1730, %sqrt3A_1452 : vector<256x2048xi1>, vector<256x2048xf32>
    %eq3A_1732 = vector.broadcast %broadcast_in_dim3A_1499 : vector<256x1xi32> to vector<256x2048xi32>
    %eq3A_1733 = arith.cmpi eq, %add3A_1456, %eq3A_1732 : vector<256x2048xi32>
    %jit3A_1734 = arith.constant 0x7F800000 : f32
    %broadcast_in_dim3A_1735 = vector.broadcast %jit3A_1734 : f32 to vector<256x2048xf32>
    %select_n3A_1736 = arith.select %eq3A_1733, %broadcast_in_dim3A_1735, %select_n3A_1731 : vector<256x2048xi1>, vector<256x2048xf32>
    %eq3A_1737 = vector.broadcast %broadcast_in_dim3A_1532 : vector<256x1xi32> to vector<256x2048xi32>
    %eq3A_1738 = arith.cmpi eq, %add3A_1456, %eq3A_1737 : vector<256x2048xi32>
    %jit3A_1739 = arith.constant 0x7F800000 : f32
    %broadcast_in_dim3A_1740 = vector.broadcast %jit3A_1739 : f32 to vector<256x2048xf32>
    %select_n3A_1741 = arith.select %eq3A_1738, %broadcast_in_dim3A_1740, %select_n3A_1736 : vector<256x2048xi1>, vector<256x2048xf32>
    %eq3A_1742 = vector.broadcast %broadcast_in_dim3A_1570 : vector<256x1xi32> to vector<256x2048xi32>
    %eq3A_1743 = arith.cmpi eq, %add3A_1456, %eq3A_1742 : vector<256x2048xi32>
    %jit3A_1744 = arith.constant 0x7F800000 : f32
    %broadcast_in_dim3A_1745 = vector.broadcast %jit3A_1744 : f32 to vector<256x2048xf32>
    %select_n3A_1746 = arith.select %eq3A_1743, %broadcast_in_dim3A_1745, %select_n3A_1741 : vector<256x2048xi1>, vector<256x2048xf32>
    %eq3A_1747 = vector.broadcast %broadcast_in_dim3A_1613 : vector<256x1xi32> to vector<256x2048xi32>
    %eq3A_1748 = arith.cmpi eq, %add3A_1456, %eq3A_1747 : vector<256x2048xi32>
    %jit3A_1749 = arith.constant 0x7F800000 : f32
    %broadcast_in_dim3A_1750 = vector.broadcast %jit3A_1749 : f32 to vector<256x2048xf32>
    %select_n3A_1751 = arith.select %eq3A_1748, %broadcast_in_dim3A_1750, %select_n3A_1746 : vector<256x2048xi1>, vector<256x2048xf32>
    %eq3A_1752 = vector.broadcast %broadcast_in_dim3A_1661 : vector<256x1xi32> to vector<256x2048xi32>
    %eq3A_1753 = arith.cmpi eq, %add3A_1456, %eq3A_1752 : vector<256x2048xi32>
    %jit3A_1754 = arith.constant 0x7F800000 : f32
    %broadcast_in_dim3A_1755 = vector.broadcast %jit3A_1754 : f32 to vector<256x2048xf32>
    %select_n3A_1756 = arith.select %eq3A_1753, %broadcast_in_dim3A_1755, %select_n3A_1751 : vector<256x2048xi1>, vector<256x2048xf32>
    %eq3A_1757 = vector.broadcast %broadcast_in_dim3A_1714 : vector<256x1xi32> to vector<256x2048xi32>
    %eq3A_1758 = arith.cmpi eq, %add3A_1456, %eq3A_1757 : vector<256x2048xi32>
    %jit3A_1759 = arith.constant 0x7F800000 : f32
    %broadcast_in_dim3A_1760 = vector.broadcast %jit3A_1759 : f32 to vector<256x2048xf32>
    %select_n3A_1761 = arith.select %eq3A_1758, %broadcast_in_dim3A_1760, %select_n3A_1756 : vector<256x2048xi1>, vector<256x2048xf32>
    %reduce_min3A_1762 = arith.constant dense<0x7F800000> : vector<256xf32>
    %reduce_min3A_1763 = vector.multi_reduction <minimumf>, %select_n3A_1761, %reduce_min3A_1762 [1] : vector<256x2048xf32> to vector<256xf32>
    %broadcast_in_dim3A_1764 = vector.shape_cast %reduce_min3A_1763 : vector<256xf32> to vector<256x1xf32>
    %eq3A_1765 = vector.broadcast %broadcast_in_dim3A_1764 : vector<256x1xf32> to vector<256x2048xf32>
    %eq3A_1766 = arith.cmpf oeq, %select_n3A_1761, %eq3A_1765 : vector<256x2048xf32>
    %jit3A_1767 = arith.constant 1073741824 : i32
    %broadcast_in_dim3A_1768 = vector.broadcast %jit3A_1767 : i32 to vector<256x2048xi32>
    %select_n3A_1769 = arith.select %eq3A_1766, %add3A_1456, %broadcast_in_dim3A_1768 : vector<256x2048xi1>, vector<256x2048xi32>
    %reduce_min3A_1770 = arith.constant dense<2147483647> : vector<256xi32>
    %reduce_min3A_1771 = vector.multi_reduction <minsi>, %select_n3A_1769, %reduce_min3A_1770 [1] : vector<256x2048xi32> to vector<256xi32>
    %broadcast_in_dim3A_1772 = vector.shape_cast %reduce_min3A_1771 : vector<256xi32> to vector<256x1xi32>
    %eq3A_1773 = arith.constant 7 : i32
    %eq3A_1774 = vector.broadcast %eq3A_1773 : i32 to vector<256x16xi32>
    %eq3A_1775 = arith.cmpi eq, %iota3A, %eq3A_1774 : vector<256x16xi32>
    %broadcast_in_dim3A_1776 = vector.shape_cast %broadcast_in_dim3A_1764 : vector<256x1xf32> to vector<256x1xf32>
    %broadcast_in_dim3A_1777 = vector.broadcast %broadcast_in_dim3A_1776 : vector<256x1xf32> to vector<256x16xf32>
    %select_n3A_1778 = arith.select %eq3A_1775, %broadcast_in_dim3A_1777, %select_n3A_1720 : vector<256x16xi1>, vector<256x16xf32>
    %eq3A_1779 = arith.constant 7 : i32
    %eq3A_1780 = vector.broadcast %eq3A_1779 : i32 to vector<256x16xi32>
    %eq3A_1781 = arith.cmpi eq, %iota3A, %eq3A_1780 : vector<256x16xi32>
    %broadcast_in_dim3A_1782 = vector.shape_cast %broadcast_in_dim3A_1772 : vector<256x1xi32> to vector<256x1xi32>
    %broadcast_in_dim3A_1783 = vector.broadcast %broadcast_in_dim3A_1782 : vector<256x1xi32> to vector<256x16xi32>
    %select_n3A_1784 = arith.select %eq3A_1781, %broadcast_in_dim3A_1783, %select_n3A_1726 : vector<256x16xi1>, vector<256x16xi32>
    %eq3A_1785 = vector.broadcast %broadcast_in_dim3A_1471 : vector<256x1xi32> to vector<256x2048xi32>
    %eq3A_1786 = arith.cmpi eq, %add3A_1456, %eq3A_1785 : vector<256x2048xi32>
    %eq3A_1787 = vector.broadcast %broadcast_in_dim3A_1499 : vector<256x1xi32> to vector<256x2048xi32>
    %eq3A_1788 = arith.cmpi eq, %add3A_1456, %eq3A_1787 : vector<256x2048xi32>
    %or3A_1789 = arith.ori %eq3A_1786, %eq3A_1788 : vector<256x2048xi1>
    %eq3A_1790 = vector.broadcast %broadcast_in_dim3A_1532 : vector<256x1xi32> to vector<256x2048xi32>
    %eq3A_1791 = arith.cmpi eq, %add3A_1456, %eq3A_1790 : vector<256x2048xi32>
    %or3A_1792 = arith.ori %or3A_1789, %eq3A_1791 : vector<256x2048xi1>
    %eq3A_1793 = vector.broadcast %broadcast_in_dim3A_1570 : vector<256x1xi32> to vector<256x2048xi32>
    %eq3A_1794 = arith.cmpi eq, %add3A_1456, %eq3A_1793 : vector<256x2048xi32>
    %or3A_1795 = arith.ori %or3A_1792, %eq3A_1794 : vector<256x2048xi1>
    %eq3A_1796 = vector.broadcast %broadcast_in_dim3A_1613 : vector<256x1xi32> to vector<256x2048xi32>
    %eq3A_1797 = arith.cmpi eq, %add3A_1456, %eq3A_1796 : vector<256x2048xi32>
    %or3A_1798 = arith.ori %or3A_1795, %eq3A_1797 : vector<256x2048xi1>
    %eq3A_1799 = vector.broadcast %broadcast_in_dim3A_1661 : vector<256x1xi32> to vector<256x2048xi32>
    %eq3A_1800 = arith.cmpi eq, %add3A_1456, %eq3A_1799 : vector<256x2048xi32>
    %or3A_1801 = arith.ori %or3A_1798, %eq3A_1800 : vector<256x2048xi1>
    %eq3A_1802 = vector.broadcast %broadcast_in_dim3A_1714 : vector<256x1xi32> to vector<256x2048xi32>
    %eq3A_1803 = arith.cmpi eq, %add3A_1456, %eq3A_1802 : vector<256x2048xi32>
    %or3A_1804 = arith.ori %or3A_1801, %eq3A_1803 : vector<256x2048xi1>
    %eq3A_1805 = vector.broadcast %broadcast_in_dim3A_1772 : vector<256x1xi32> to vector<256x2048xi32>
    %eq3A_1806 = arith.cmpi eq, %add3A_1456, %eq3A_1805 : vector<256x2048xi32>
    %or3A_1807 = arith.ori %or3A_1804, %eq3A_1806 : vector<256x2048xi1>
    %jit3A_1808 = arith.constant 0x7F800000 : f32
    %broadcast_in_dim3A_1809 = vector.broadcast %jit3A_1808 : f32 to vector<256x2048xf32>
    %select_n3A_1810 = arith.select %or3A_1807, %broadcast_in_dim3A_1809, %sqrt3A_1452 : vector<256x2048xi1>, vector<256x2048xf32>
    %reduce_min3A_1811 = arith.constant dense<0x7F800000> : vector<256xf32>
    %reduce_min3A_1812 = vector.multi_reduction <minimumf>, %select_n3A_1810, %reduce_min3A_1811 [1] : vector<256x2048xf32> to vector<256xf32>
    %broadcast_in_dim3A_1813 = vector.shape_cast %reduce_min3A_1812 : vector<256xf32> to vector<256x1xf32>
    %eq3A_1814 = vector.broadcast %broadcast_in_dim3A_1813 : vector<256x1xf32> to vector<256x2048xf32>
    %eq3A_1815 = arith.cmpf oeq, %select_n3A_1810, %eq3A_1814 : vector<256x2048xf32>
    %jit3A_1816 = arith.constant 1073741824 : i32
    %broadcast_in_dim3A_1817 = vector.broadcast %jit3A_1816 : i32 to vector<256x2048xi32>
    %select_n3A_1818 = arith.select %eq3A_1815, %add3A_1456, %broadcast_in_dim3A_1817 : vector<256x2048xi1>, vector<256x2048xi32>
    %reduce_min3A_1819 = arith.constant dense<2147483647> : vector<256xi32>
    %reduce_min3A_1820 = vector.multi_reduction <minsi>, %select_n3A_1818, %reduce_min3A_1819 [1] : vector<256x2048xi32> to vector<256xi32>
    %broadcast_in_dim3A_1821 = vector.shape_cast %reduce_min3A_1820 : vector<256xi32> to vector<256x1xi32>
    %eq3A_1822 = arith.constant 8 : i32
    %eq3A_1823 = vector.broadcast %eq3A_1822 : i32 to vector<256x16xi32>
    %eq3A_1824 = arith.cmpi eq, %iota3A, %eq3A_1823 : vector<256x16xi32>
    %broadcast_in_dim3A_1825 = vector.shape_cast %broadcast_in_dim3A_1813 : vector<256x1xf32> to vector<256x1xf32>
    %broadcast_in_dim3A_1826 = vector.broadcast %broadcast_in_dim3A_1825 : vector<256x1xf32> to vector<256x16xf32>
    %select_n3A_1827 = arith.select %eq3A_1824, %broadcast_in_dim3A_1826, %select_n3A_1778 : vector<256x16xi1>, vector<256x16xf32>
    %eq3A_1828 = arith.constant 8 : i32
    %eq3A_1829 = vector.broadcast %eq3A_1828 : i32 to vector<256x16xi32>
    %eq3A_1830 = arith.cmpi eq, %iota3A, %eq3A_1829 : vector<256x16xi32>
    %broadcast_in_dim3A_1831 = vector.shape_cast %broadcast_in_dim3A_1821 : vector<256x1xi32> to vector<256x1xi32>
    %broadcast_in_dim3A_1832 = vector.broadcast %broadcast_in_dim3A_1831 : vector<256x1xi32> to vector<256x16xi32>
    %select_n3A_1833 = arith.select %eq3A_1830, %broadcast_in_dim3A_1832, %select_n3A_1784 : vector<256x16xi1>, vector<256x16xi32>
    %eq3A_1834 = vector.broadcast %broadcast_in_dim3A_1821 : vector<256x1xi32> to vector<256x2048xi32>
    %eq3A_1835 = arith.cmpi eq, %add3A_1456, %eq3A_1834 : vector<256x2048xi32>
    %jit3A_1836 = arith.constant 0x7F800000 : f32
    %broadcast_in_dim3A_1837 = vector.broadcast %jit3A_1836 : f32 to vector<256x2048xf32>
    %select_n3A_1838 = arith.select %eq3A_1835, %broadcast_in_dim3A_1837, %select_n3A_1810 : vector<256x2048xi1>, vector<256x2048xf32>
    %reduce_min3A_1839 = arith.constant dense<0x7F800000> : vector<256xf32>
    %reduce_min3A_1840 = vector.multi_reduction <minimumf>, %select_n3A_1838, %reduce_min3A_1839 [1] : vector<256x2048xf32> to vector<256xf32>
    %broadcast_in_dim3A_1841 = vector.shape_cast %reduce_min3A_1840 : vector<256xf32> to vector<256x1xf32>
    %eq3A_1842 = vector.broadcast %broadcast_in_dim3A_1841 : vector<256x1xf32> to vector<256x2048xf32>
    %eq3A_1843 = arith.cmpf oeq, %select_n3A_1838, %eq3A_1842 : vector<256x2048xf32>
    %jit3A_1844 = arith.constant 1073741824 : i32
    %broadcast_in_dim3A_1845 = vector.broadcast %jit3A_1844 : i32 to vector<256x2048xi32>
    %select_n3A_1846 = arith.select %eq3A_1843, %add3A_1456, %broadcast_in_dim3A_1845 : vector<256x2048xi1>, vector<256x2048xi32>
    %reduce_min3A_1847 = arith.constant dense<2147483647> : vector<256xi32>
    %reduce_min3A_1848 = vector.multi_reduction <minsi>, %select_n3A_1846, %reduce_min3A_1847 [1] : vector<256x2048xi32> to vector<256xi32>
    %broadcast_in_dim3A_1849 = vector.shape_cast %reduce_min3A_1848 : vector<256xi32> to vector<256x1xi32>
    %eq3A_1850 = arith.constant 9 : i32
    %eq3A_1851 = vector.broadcast %eq3A_1850 : i32 to vector<256x16xi32>
    %eq3A_1852 = arith.cmpi eq, %iota3A, %eq3A_1851 : vector<256x16xi32>
    %broadcast_in_dim3A_1853 = vector.shape_cast %broadcast_in_dim3A_1841 : vector<256x1xf32> to vector<256x1xf32>
    %broadcast_in_dim3A_1854 = vector.broadcast %broadcast_in_dim3A_1853 : vector<256x1xf32> to vector<256x16xf32>
    %select_n3A_1855 = arith.select %eq3A_1852, %broadcast_in_dim3A_1854, %select_n3A_1827 : vector<256x16xi1>, vector<256x16xf32>
    %eq3A_1856 = arith.constant 9 : i32
    %eq3A_1857 = vector.broadcast %eq3A_1856 : i32 to vector<256x16xi32>
    %eq3A_1858 = arith.cmpi eq, %iota3A, %eq3A_1857 : vector<256x16xi32>
    %broadcast_in_dim3A_1859 = vector.shape_cast %broadcast_in_dim3A_1849 : vector<256x1xi32> to vector<256x1xi32>
    %broadcast_in_dim3A_1860 = vector.broadcast %broadcast_in_dim3A_1859 : vector<256x1xi32> to vector<256x16xi32>
    %select_n3A_1861 = arith.select %eq3A_1858, %broadcast_in_dim3A_1860, %select_n3A_1833 : vector<256x16xi1>, vector<256x16xi32>
    %eq3A_1862 = vector.broadcast %broadcast_in_dim3A_1821 : vector<256x1xi32> to vector<256x2048xi32>
    %eq3A_1863 = arith.cmpi eq, %add3A_1456, %eq3A_1862 : vector<256x2048xi32>
    %jit3A_1864 = arith.constant 0x7F800000 : f32
    %broadcast_in_dim3A_1865 = vector.broadcast %jit3A_1864 : f32 to vector<256x2048xf32>
    %select_n3A_1866 = arith.select %eq3A_1863, %broadcast_in_dim3A_1865, %select_n3A_1810 : vector<256x2048xi1>, vector<256x2048xf32>
    %eq3A_1867 = vector.broadcast %broadcast_in_dim3A_1849 : vector<256x1xi32> to vector<256x2048xi32>
    %eq3A_1868 = arith.cmpi eq, %add3A_1456, %eq3A_1867 : vector<256x2048xi32>
    %jit3A_1869 = arith.constant 0x7F800000 : f32
    %broadcast_in_dim3A_1870 = vector.broadcast %jit3A_1869 : f32 to vector<256x2048xf32>
    %select_n3A_1871 = arith.select %eq3A_1868, %broadcast_in_dim3A_1870, %select_n3A_1866 : vector<256x2048xi1>, vector<256x2048xf32>
    %reduce_min3A_1872 = arith.constant dense<0x7F800000> : vector<256xf32>
    %reduce_min3A_1873 = vector.multi_reduction <minimumf>, %select_n3A_1871, %reduce_min3A_1872 [1] : vector<256x2048xf32> to vector<256xf32>
    %broadcast_in_dim3A_1874 = vector.shape_cast %reduce_min3A_1873 : vector<256xf32> to vector<256x1xf32>
    %eq3A_1875 = vector.broadcast %broadcast_in_dim3A_1874 : vector<256x1xf32> to vector<256x2048xf32>
    %eq3A_1876 = arith.cmpf oeq, %select_n3A_1871, %eq3A_1875 : vector<256x2048xf32>
    %jit3A_1877 = arith.constant 1073741824 : i32
    %broadcast_in_dim3A_1878 = vector.broadcast %jit3A_1877 : i32 to vector<256x2048xi32>
    %select_n3A_1879 = arith.select %eq3A_1876, %add3A_1456, %broadcast_in_dim3A_1878 : vector<256x2048xi1>, vector<256x2048xi32>
    %reduce_min3A_1880 = arith.constant dense<2147483647> : vector<256xi32>
    %reduce_min3A_1881 = vector.multi_reduction <minsi>, %select_n3A_1879, %reduce_min3A_1880 [1] : vector<256x2048xi32> to vector<256xi32>
    %broadcast_in_dim3A_1882 = vector.shape_cast %reduce_min3A_1881 : vector<256xi32> to vector<256x1xi32>
    %eq3A_1883 = arith.constant 10 : i32
    %eq3A_1884 = vector.broadcast %eq3A_1883 : i32 to vector<256x16xi32>
    %eq3A_1885 = arith.cmpi eq, %iota3A, %eq3A_1884 : vector<256x16xi32>
    %broadcast_in_dim3A_1886 = vector.shape_cast %broadcast_in_dim3A_1874 : vector<256x1xf32> to vector<256x1xf32>
    %broadcast_in_dim3A_1887 = vector.broadcast %broadcast_in_dim3A_1886 : vector<256x1xf32> to vector<256x16xf32>
    %select_n3A_1888 = arith.select %eq3A_1885, %broadcast_in_dim3A_1887, %select_n3A_1855 : vector<256x16xi1>, vector<256x16xf32>
    %eq3A_1889 = arith.constant 10 : i32
    %eq3A_1890 = vector.broadcast %eq3A_1889 : i32 to vector<256x16xi32>
    %eq3A_1891 = arith.cmpi eq, %iota3A, %eq3A_1890 : vector<256x16xi32>
    %broadcast_in_dim3A_1892 = vector.shape_cast %broadcast_in_dim3A_1882 : vector<256x1xi32> to vector<256x1xi32>
    %broadcast_in_dim3A_1893 = vector.broadcast %broadcast_in_dim3A_1892 : vector<256x1xi32> to vector<256x16xi32>
    %select_n3A_1894 = arith.select %eq3A_1891, %broadcast_in_dim3A_1893, %select_n3A_1861 : vector<256x16xi1>, vector<256x16xi32>
    %eq3A_1895 = vector.broadcast %broadcast_in_dim3A_1821 : vector<256x1xi32> to vector<256x2048xi32>
    %eq3A_1896 = arith.cmpi eq, %add3A_1456, %eq3A_1895 : vector<256x2048xi32>
    %jit3A_1897 = arith.constant 0x7F800000 : f32
    %broadcast_in_dim3A_1898 = vector.broadcast %jit3A_1897 : f32 to vector<256x2048xf32>
    %select_n3A_1899 = arith.select %eq3A_1896, %broadcast_in_dim3A_1898, %select_n3A_1810 : vector<256x2048xi1>, vector<256x2048xf32>
    %eq3A_1900 = vector.broadcast %broadcast_in_dim3A_1849 : vector<256x1xi32> to vector<256x2048xi32>
    %eq3A_1901 = arith.cmpi eq, %add3A_1456, %eq3A_1900 : vector<256x2048xi32>
    %jit3A_1902 = arith.constant 0x7F800000 : f32
    %broadcast_in_dim3A_1903 = vector.broadcast %jit3A_1902 : f32 to vector<256x2048xf32>
    %select_n3A_1904 = arith.select %eq3A_1901, %broadcast_in_dim3A_1903, %select_n3A_1899 : vector<256x2048xi1>, vector<256x2048xf32>
    %eq3A_1905 = vector.broadcast %broadcast_in_dim3A_1882 : vector<256x1xi32> to vector<256x2048xi32>
    %eq3A_1906 = arith.cmpi eq, %add3A_1456, %eq3A_1905 : vector<256x2048xi32>
    %jit3A_1907 = arith.constant 0x7F800000 : f32
    %broadcast_in_dim3A_1908 = vector.broadcast %jit3A_1907 : f32 to vector<256x2048xf32>
    %select_n3A_1909 = arith.select %eq3A_1906, %broadcast_in_dim3A_1908, %select_n3A_1904 : vector<256x2048xi1>, vector<256x2048xf32>
    %reduce_min3A_1910 = arith.constant dense<0x7F800000> : vector<256xf32>
    %reduce_min3A_1911 = vector.multi_reduction <minimumf>, %select_n3A_1909, %reduce_min3A_1910 [1] : vector<256x2048xf32> to vector<256xf32>
    %broadcast_in_dim3A_1912 = vector.shape_cast %reduce_min3A_1911 : vector<256xf32> to vector<256x1xf32>
    %eq3A_1913 = vector.broadcast %broadcast_in_dim3A_1912 : vector<256x1xf32> to vector<256x2048xf32>
    %eq3A_1914 = arith.cmpf oeq, %select_n3A_1909, %eq3A_1913 : vector<256x2048xf32>
    %jit3A_1915 = arith.constant 1073741824 : i32
    %broadcast_in_dim3A_1916 = vector.broadcast %jit3A_1915 : i32 to vector<256x2048xi32>
    %select_n3A_1917 = arith.select %eq3A_1914, %add3A_1456, %broadcast_in_dim3A_1916 : vector<256x2048xi1>, vector<256x2048xi32>
    %reduce_min3A_1918 = arith.constant dense<2147483647> : vector<256xi32>
    %reduce_min3A_1919 = vector.multi_reduction <minsi>, %select_n3A_1917, %reduce_min3A_1918 [1] : vector<256x2048xi32> to vector<256xi32>
    %broadcast_in_dim3A_1920 = vector.shape_cast %reduce_min3A_1919 : vector<256xi32> to vector<256x1xi32>
    %eq3A_1921 = arith.constant 11 : i32
    %eq3A_1922 = vector.broadcast %eq3A_1921 : i32 to vector<256x16xi32>
    %eq3A_1923 = arith.cmpi eq, %iota3A, %eq3A_1922 : vector<256x16xi32>
    %broadcast_in_dim3A_1924 = vector.shape_cast %broadcast_in_dim3A_1912 : vector<256x1xf32> to vector<256x1xf32>
    %broadcast_in_dim3A_1925 = vector.broadcast %broadcast_in_dim3A_1924 : vector<256x1xf32> to vector<256x16xf32>
    %select_n3A_1926 = arith.select %eq3A_1923, %broadcast_in_dim3A_1925, %select_n3A_1888 : vector<256x16xi1>, vector<256x16xf32>
    %eq3A_1927 = arith.constant 11 : i32
    %eq3A_1928 = vector.broadcast %eq3A_1927 : i32 to vector<256x16xi32>
    %eq3A_1929 = arith.cmpi eq, %iota3A, %eq3A_1928 : vector<256x16xi32>
    %broadcast_in_dim3A_1930 = vector.shape_cast %broadcast_in_dim3A_1920 : vector<256x1xi32> to vector<256x1xi32>
    %broadcast_in_dim3A_1931 = vector.broadcast %broadcast_in_dim3A_1930 : vector<256x1xi32> to vector<256x16xi32>
    %select_n3A_1932 = arith.select %eq3A_1929, %broadcast_in_dim3A_1931, %select_n3A_1894 : vector<256x16xi1>, vector<256x16xi32>
    %eq3A_1933 = vector.broadcast %broadcast_in_dim3A_1821 : vector<256x1xi32> to vector<256x2048xi32>
    %eq3A_1934 = arith.cmpi eq, %add3A_1456, %eq3A_1933 : vector<256x2048xi32>
    %jit3A_1935 = arith.constant 0x7F800000 : f32
    %broadcast_in_dim3A_1936 = vector.broadcast %jit3A_1935 : f32 to vector<256x2048xf32>
    %select_n3A_1937 = arith.select %eq3A_1934, %broadcast_in_dim3A_1936, %select_n3A_1810 : vector<256x2048xi1>, vector<256x2048xf32>
    %eq3A_1938 = vector.broadcast %broadcast_in_dim3A_1849 : vector<256x1xi32> to vector<256x2048xi32>
    %eq3A_1939 = arith.cmpi eq, %add3A_1456, %eq3A_1938 : vector<256x2048xi32>
    %jit3A_1940 = arith.constant 0x7F800000 : f32
    %broadcast_in_dim3A_1941 = vector.broadcast %jit3A_1940 : f32 to vector<256x2048xf32>
    %select_n3A_1942 = arith.select %eq3A_1939, %broadcast_in_dim3A_1941, %select_n3A_1937 : vector<256x2048xi1>, vector<256x2048xf32>
    %eq3A_1943 = vector.broadcast %broadcast_in_dim3A_1882 : vector<256x1xi32> to vector<256x2048xi32>
    %eq3A_1944 = arith.cmpi eq, %add3A_1456, %eq3A_1943 : vector<256x2048xi32>
    %jit3A_1945 = arith.constant 0x7F800000 : f32
    %broadcast_in_dim3A_1946 = vector.broadcast %jit3A_1945 : f32 to vector<256x2048xf32>
    %select_n3A_1947 = arith.select %eq3A_1944, %broadcast_in_dim3A_1946, %select_n3A_1942 : vector<256x2048xi1>, vector<256x2048xf32>
    %eq3A_1948 = vector.broadcast %broadcast_in_dim3A_1920 : vector<256x1xi32> to vector<256x2048xi32>
    %eq3A_1949 = arith.cmpi eq, %add3A_1456, %eq3A_1948 : vector<256x2048xi32>
    %jit3A_1950 = arith.constant 0x7F800000 : f32
    %broadcast_in_dim3A_1951 = vector.broadcast %jit3A_1950 : f32 to vector<256x2048xf32>
    %select_n3A_1952 = arith.select %eq3A_1949, %broadcast_in_dim3A_1951, %select_n3A_1947 : vector<256x2048xi1>, vector<256x2048xf32>
    %reduce_min3A_1953 = arith.constant dense<0x7F800000> : vector<256xf32>
    %reduce_min3A_1954 = vector.multi_reduction <minimumf>, %select_n3A_1952, %reduce_min3A_1953 [1] : vector<256x2048xf32> to vector<256xf32>
    %broadcast_in_dim3A_1955 = vector.shape_cast %reduce_min3A_1954 : vector<256xf32> to vector<256x1xf32>
    %eq3A_1956 = vector.broadcast %broadcast_in_dim3A_1955 : vector<256x1xf32> to vector<256x2048xf32>
    %eq3A_1957 = arith.cmpf oeq, %select_n3A_1952, %eq3A_1956 : vector<256x2048xf32>
    %jit3A_1958 = arith.constant 1073741824 : i32
    %broadcast_in_dim3A_1959 = vector.broadcast %jit3A_1958 : i32 to vector<256x2048xi32>
    %select_n3A_1960 = arith.select %eq3A_1957, %add3A_1456, %broadcast_in_dim3A_1959 : vector<256x2048xi1>, vector<256x2048xi32>
    %reduce_min3A_1961 = arith.constant dense<2147483647> : vector<256xi32>
    %reduce_min3A_1962 = vector.multi_reduction <minsi>, %select_n3A_1960, %reduce_min3A_1961 [1] : vector<256x2048xi32> to vector<256xi32>
    %broadcast_in_dim3A_1963 = vector.shape_cast %reduce_min3A_1962 : vector<256xi32> to vector<256x1xi32>
    %eq3A_1964 = arith.constant 12 : i32
    %eq3A_1965 = vector.broadcast %eq3A_1964 : i32 to vector<256x16xi32>
    %eq3A_1966 = arith.cmpi eq, %iota3A, %eq3A_1965 : vector<256x16xi32>
    %broadcast_in_dim3A_1967 = vector.shape_cast %broadcast_in_dim3A_1955 : vector<256x1xf32> to vector<256x1xf32>
    %broadcast_in_dim3A_1968 = vector.broadcast %broadcast_in_dim3A_1967 : vector<256x1xf32> to vector<256x16xf32>
    %select_n3A_1969 = arith.select %eq3A_1966, %broadcast_in_dim3A_1968, %select_n3A_1926 : vector<256x16xi1>, vector<256x16xf32>
    %eq3A_1970 = arith.constant 12 : i32
    %eq3A_1971 = vector.broadcast %eq3A_1970 : i32 to vector<256x16xi32>
    %eq3A_1972 = arith.cmpi eq, %iota3A, %eq3A_1971 : vector<256x16xi32>
    %broadcast_in_dim3A_1973 = vector.shape_cast %broadcast_in_dim3A_1963 : vector<256x1xi32> to vector<256x1xi32>
    %broadcast_in_dim3A_1974 = vector.broadcast %broadcast_in_dim3A_1973 : vector<256x1xi32> to vector<256x16xi32>
    %select_n3A_1975 = arith.select %eq3A_1972, %broadcast_in_dim3A_1974, %select_n3A_1932 : vector<256x16xi1>, vector<256x16xi32>
    %eq3A_1976 = vector.broadcast %broadcast_in_dim3A_1821 : vector<256x1xi32> to vector<256x2048xi32>
    %eq3A_1977 = arith.cmpi eq, %add3A_1456, %eq3A_1976 : vector<256x2048xi32>
    %jit3A_1978 = arith.constant 0x7F800000 : f32
    %broadcast_in_dim3A_1979 = vector.broadcast %jit3A_1978 : f32 to vector<256x2048xf32>
    %select_n3A_1980 = arith.select %eq3A_1977, %broadcast_in_dim3A_1979, %select_n3A_1810 : vector<256x2048xi1>, vector<256x2048xf32>
    %eq3A_1981 = vector.broadcast %broadcast_in_dim3A_1849 : vector<256x1xi32> to vector<256x2048xi32>
    %eq3A_1982 = arith.cmpi eq, %add3A_1456, %eq3A_1981 : vector<256x2048xi32>
    %jit3A_1983 = arith.constant 0x7F800000 : f32
    %broadcast_in_dim3A_1984 = vector.broadcast %jit3A_1983 : f32 to vector<256x2048xf32>
    %select_n3A_1985 = arith.select %eq3A_1982, %broadcast_in_dim3A_1984, %select_n3A_1980 : vector<256x2048xi1>, vector<256x2048xf32>
    %eq3A_1986 = vector.broadcast %broadcast_in_dim3A_1882 : vector<256x1xi32> to vector<256x2048xi32>
    %eq3A_1987 = arith.cmpi eq, %add3A_1456, %eq3A_1986 : vector<256x2048xi32>
    %jit3A_1988 = arith.constant 0x7F800000 : f32
    %broadcast_in_dim3A_1989 = vector.broadcast %jit3A_1988 : f32 to vector<256x2048xf32>
    %select_n3A_1990 = arith.select %eq3A_1987, %broadcast_in_dim3A_1989, %select_n3A_1985 : vector<256x2048xi1>, vector<256x2048xf32>
    %eq3A_1991 = vector.broadcast %broadcast_in_dim3A_1920 : vector<256x1xi32> to vector<256x2048xi32>
    %eq3A_1992 = arith.cmpi eq, %add3A_1456, %eq3A_1991 : vector<256x2048xi32>
    %jit3A_1993 = arith.constant 0x7F800000 : f32
    %broadcast_in_dim3A_1994 = vector.broadcast %jit3A_1993 : f32 to vector<256x2048xf32>
    %select_n3A_1995 = arith.select %eq3A_1992, %broadcast_in_dim3A_1994, %select_n3A_1990 : vector<256x2048xi1>, vector<256x2048xf32>
    %eq3A_1996 = vector.broadcast %broadcast_in_dim3A_1963 : vector<256x1xi32> to vector<256x2048xi32>
    %eq3A_1997 = arith.cmpi eq, %add3A_1456, %eq3A_1996 : vector<256x2048xi32>
    %jit3A_1998 = arith.constant 0x7F800000 : f32
    %broadcast_in_dim3A_1999 = vector.broadcast %jit3A_1998 : f32 to vector<256x2048xf32>
    %select_n3A_2000 = arith.select %eq3A_1997, %broadcast_in_dim3A_1999, %select_n3A_1995 : vector<256x2048xi1>, vector<256x2048xf32>
    %reduce_min3A_2001 = arith.constant dense<0x7F800000> : vector<256xf32>
    %reduce_min3A_2002 = vector.multi_reduction <minimumf>, %select_n3A_2000, %reduce_min3A_2001 [1] : vector<256x2048xf32> to vector<256xf32>
    %broadcast_in_dim3A_2003 = vector.shape_cast %reduce_min3A_2002 : vector<256xf32> to vector<256x1xf32>
    %eq3A_2004 = vector.broadcast %broadcast_in_dim3A_2003 : vector<256x1xf32> to vector<256x2048xf32>
    %eq3A_2005 = arith.cmpf oeq, %select_n3A_2000, %eq3A_2004 : vector<256x2048xf32>
    %jit3A_2006 = arith.constant 1073741824 : i32
    %broadcast_in_dim3A_2007 = vector.broadcast %jit3A_2006 : i32 to vector<256x2048xi32>
    %select_n3A_2008 = arith.select %eq3A_2005, %add3A_1456, %broadcast_in_dim3A_2007 : vector<256x2048xi1>, vector<256x2048xi32>
    %reduce_min3A_2009 = arith.constant dense<2147483647> : vector<256xi32>
    %reduce_min3A_2010 = vector.multi_reduction <minsi>, %select_n3A_2008, %reduce_min3A_2009 [1] : vector<256x2048xi32> to vector<256xi32>
    %broadcast_in_dim3A_2011 = vector.shape_cast %reduce_min3A_2010 : vector<256xi32> to vector<256x1xi32>
    %eq3A_2012 = arith.constant 13 : i32
    %eq3A_2013 = vector.broadcast %eq3A_2012 : i32 to vector<256x16xi32>
    %eq3A_2014 = arith.cmpi eq, %iota3A, %eq3A_2013 : vector<256x16xi32>
    %broadcast_in_dim3A_2015 = vector.shape_cast %broadcast_in_dim3A_2003 : vector<256x1xf32> to vector<256x1xf32>
    %broadcast_in_dim3A_2016 = vector.broadcast %broadcast_in_dim3A_2015 : vector<256x1xf32> to vector<256x16xf32>
    %select_n3A_2017 = arith.select %eq3A_2014, %broadcast_in_dim3A_2016, %select_n3A_1969 : vector<256x16xi1>, vector<256x16xf32>
    %eq3A_2018 = arith.constant 13 : i32
    %eq3A_2019 = vector.broadcast %eq3A_2018 : i32 to vector<256x16xi32>
    %eq3A_2020 = arith.cmpi eq, %iota3A, %eq3A_2019 : vector<256x16xi32>
    %broadcast_in_dim3A_2021 = vector.shape_cast %broadcast_in_dim3A_2011 : vector<256x1xi32> to vector<256x1xi32>
    %broadcast_in_dim3A_2022 = vector.broadcast %broadcast_in_dim3A_2021 : vector<256x1xi32> to vector<256x16xi32>
    %select_n3A_2023 = arith.select %eq3A_2020, %broadcast_in_dim3A_2022, %select_n3A_1975 : vector<256x16xi1>, vector<256x16xi32>
    %eq3A_2024 = vector.broadcast %broadcast_in_dim3A_1821 : vector<256x1xi32> to vector<256x2048xi32>
    %eq3A_2025 = arith.cmpi eq, %add3A_1456, %eq3A_2024 : vector<256x2048xi32>
    %jit3A_2026 = arith.constant 0x7F800000 : f32
    %broadcast_in_dim3A_2027 = vector.broadcast %jit3A_2026 : f32 to vector<256x2048xf32>
    %select_n3A_2028 = arith.select %eq3A_2025, %broadcast_in_dim3A_2027, %select_n3A_1810 : vector<256x2048xi1>, vector<256x2048xf32>
    %eq3A_2029 = vector.broadcast %broadcast_in_dim3A_1849 : vector<256x1xi32> to vector<256x2048xi32>
    %eq3A_2030 = arith.cmpi eq, %add3A_1456, %eq3A_2029 : vector<256x2048xi32>
    %jit3A_2031 = arith.constant 0x7F800000 : f32
    %broadcast_in_dim3A_2032 = vector.broadcast %jit3A_2031 : f32 to vector<256x2048xf32>
    %select_n3A_2033 = arith.select %eq3A_2030, %broadcast_in_dim3A_2032, %select_n3A_2028 : vector<256x2048xi1>, vector<256x2048xf32>
    %eq3A_2034 = vector.broadcast %broadcast_in_dim3A_1882 : vector<256x1xi32> to vector<256x2048xi32>
    %eq3A_2035 = arith.cmpi eq, %add3A_1456, %eq3A_2034 : vector<256x2048xi32>
    %jit3A_2036 = arith.constant 0x7F800000 : f32
    %broadcast_in_dim3A_2037 = vector.broadcast %jit3A_2036 : f32 to vector<256x2048xf32>
    %select_n3A_2038 = arith.select %eq3A_2035, %broadcast_in_dim3A_2037, %select_n3A_2033 : vector<256x2048xi1>, vector<256x2048xf32>
    %eq3A_2039 = vector.broadcast %broadcast_in_dim3A_1920 : vector<256x1xi32> to vector<256x2048xi32>
    %eq3A_2040 = arith.cmpi eq, %add3A_1456, %eq3A_2039 : vector<256x2048xi32>
    %jit3A_2041 = arith.constant 0x7F800000 : f32
    %broadcast_in_dim3A_2042 = vector.broadcast %jit3A_2041 : f32 to vector<256x2048xf32>
    %select_n3A_2043 = arith.select %eq3A_2040, %broadcast_in_dim3A_2042, %select_n3A_2038 : vector<256x2048xi1>, vector<256x2048xf32>
    %eq3A_2044 = vector.broadcast %broadcast_in_dim3A_1963 : vector<256x1xi32> to vector<256x2048xi32>
    %eq3A_2045 = arith.cmpi eq, %add3A_1456, %eq3A_2044 : vector<256x2048xi32>
    %jit3A_2046 = arith.constant 0x7F800000 : f32
    %broadcast_in_dim3A_2047 = vector.broadcast %jit3A_2046 : f32 to vector<256x2048xf32>
    %select_n3A_2048 = arith.select %eq3A_2045, %broadcast_in_dim3A_2047, %select_n3A_2043 : vector<256x2048xi1>, vector<256x2048xf32>
    %eq3A_2049 = vector.broadcast %broadcast_in_dim3A_2011 : vector<256x1xi32> to vector<256x2048xi32>
    %eq3A_2050 = arith.cmpi eq, %add3A_1456, %eq3A_2049 : vector<256x2048xi32>
    %jit3A_2051 = arith.constant 0x7F800000 : f32
    %broadcast_in_dim3A_2052 = vector.broadcast %jit3A_2051 : f32 to vector<256x2048xf32>
    %select_n3A_2053 = arith.select %eq3A_2050, %broadcast_in_dim3A_2052, %select_n3A_2048 : vector<256x2048xi1>, vector<256x2048xf32>
    %reduce_min3A_2054 = arith.constant dense<0x7F800000> : vector<256xf32>
    %reduce_min3A_2055 = vector.multi_reduction <minimumf>, %select_n3A_2053, %reduce_min3A_2054 [1] : vector<256x2048xf32> to vector<256xf32>
    %broadcast_in_dim3A_2056 = vector.shape_cast %reduce_min3A_2055 : vector<256xf32> to vector<256x1xf32>
    %eq3A_2057 = vector.broadcast %broadcast_in_dim3A_2056 : vector<256x1xf32> to vector<256x2048xf32>
    %eq3A_2058 = arith.cmpf oeq, %select_n3A_2053, %eq3A_2057 : vector<256x2048xf32>
    %jit3A_2059 = arith.constant 1073741824 : i32
    %broadcast_in_dim3A_2060 = vector.broadcast %jit3A_2059 : i32 to vector<256x2048xi32>
    %select_n3A_2061 = arith.select %eq3A_2058, %add3A_1456, %broadcast_in_dim3A_2060 : vector<256x2048xi1>, vector<256x2048xi32>
    %reduce_min3A_2062 = arith.constant dense<2147483647> : vector<256xi32>
    %reduce_min3A_2063 = vector.multi_reduction <minsi>, %select_n3A_2061, %reduce_min3A_2062 [1] : vector<256x2048xi32> to vector<256xi32>
    %broadcast_in_dim3A_2064 = vector.shape_cast %reduce_min3A_2063 : vector<256xi32> to vector<256x1xi32>
    %eq3A_2065 = arith.constant 14 : i32
    %eq3A_2066 = vector.broadcast %eq3A_2065 : i32 to vector<256x16xi32>
    %eq3A_2067 = arith.cmpi eq, %iota3A, %eq3A_2066 : vector<256x16xi32>
    %broadcast_in_dim3A_2068 = vector.shape_cast %broadcast_in_dim3A_2056 : vector<256x1xf32> to vector<256x1xf32>
    %broadcast_in_dim3A_2069 = vector.broadcast %broadcast_in_dim3A_2068 : vector<256x1xf32> to vector<256x16xf32>
    %select_n3A_2070 = arith.select %eq3A_2067, %broadcast_in_dim3A_2069, %select_n3A_2017 : vector<256x16xi1>, vector<256x16xf32>
    %eq3A_2071 = arith.constant 14 : i32
    %eq3A_2072 = vector.broadcast %eq3A_2071 : i32 to vector<256x16xi32>
    %eq3A_2073 = arith.cmpi eq, %iota3A, %eq3A_2072 : vector<256x16xi32>
    %broadcast_in_dim3A_2074 = vector.shape_cast %broadcast_in_dim3A_2064 : vector<256x1xi32> to vector<256x1xi32>
    %broadcast_in_dim3A_2075 = vector.broadcast %broadcast_in_dim3A_2074 : vector<256x1xi32> to vector<256x16xi32>
    %select_n3A_2076 = arith.select %eq3A_2073, %broadcast_in_dim3A_2075, %select_n3A_2023 : vector<256x16xi1>, vector<256x16xi32>
    %eq3A_2077 = vector.broadcast %broadcast_in_dim3A_1821 : vector<256x1xi32> to vector<256x2048xi32>
    %eq3A_2078 = arith.cmpi eq, %add3A_1456, %eq3A_2077 : vector<256x2048xi32>
    %jit3A_2079 = arith.constant 0x7F800000 : f32
    %broadcast_in_dim3A_2080 = vector.broadcast %jit3A_2079 : f32 to vector<256x2048xf32>
    %select_n3A_2081 = arith.select %eq3A_2078, %broadcast_in_dim3A_2080, %select_n3A_1810 : vector<256x2048xi1>, vector<256x2048xf32>
    %eq3A_2082 = vector.broadcast %broadcast_in_dim3A_1849 : vector<256x1xi32> to vector<256x2048xi32>
    %eq3A_2083 = arith.cmpi eq, %add3A_1456, %eq3A_2082 : vector<256x2048xi32>
    %jit3A_2084 = arith.constant 0x7F800000 : f32
    %broadcast_in_dim3A_2085 = vector.broadcast %jit3A_2084 : f32 to vector<256x2048xf32>
    %select_n3A_2086 = arith.select %eq3A_2083, %broadcast_in_dim3A_2085, %select_n3A_2081 : vector<256x2048xi1>, vector<256x2048xf32>
    %eq3A_2087 = vector.broadcast %broadcast_in_dim3A_1882 : vector<256x1xi32> to vector<256x2048xi32>
    %eq3A_2088 = arith.cmpi eq, %add3A_1456, %eq3A_2087 : vector<256x2048xi32>
    %jit3A_2089 = arith.constant 0x7F800000 : f32
    %broadcast_in_dim3A_2090 = vector.broadcast %jit3A_2089 : f32 to vector<256x2048xf32>
    %select_n3A_2091 = arith.select %eq3A_2088, %broadcast_in_dim3A_2090, %select_n3A_2086 : vector<256x2048xi1>, vector<256x2048xf32>
    %eq3A_2092 = vector.broadcast %broadcast_in_dim3A_1920 : vector<256x1xi32> to vector<256x2048xi32>
    %eq3A_2093 = arith.cmpi eq, %add3A_1456, %eq3A_2092 : vector<256x2048xi32>
    %jit3A_2094 = arith.constant 0x7F800000 : f32
    %broadcast_in_dim3A_2095 = vector.broadcast %jit3A_2094 : f32 to vector<256x2048xf32>
    %select_n3A_2096 = arith.select %eq3A_2093, %broadcast_in_dim3A_2095, %select_n3A_2091 : vector<256x2048xi1>, vector<256x2048xf32>
    %eq3A_2097 = vector.broadcast %broadcast_in_dim3A_1963 : vector<256x1xi32> to vector<256x2048xi32>
    %eq3A_2098 = arith.cmpi eq, %add3A_1456, %eq3A_2097 : vector<256x2048xi32>
    %jit3A_2099 = arith.constant 0x7F800000 : f32
    %broadcast_in_dim3A_2100 = vector.broadcast %jit3A_2099 : f32 to vector<256x2048xf32>
    %select_n3A_2101 = arith.select %eq3A_2098, %broadcast_in_dim3A_2100, %select_n3A_2096 : vector<256x2048xi1>, vector<256x2048xf32>
    %eq3A_2102 = vector.broadcast %broadcast_in_dim3A_2011 : vector<256x1xi32> to vector<256x2048xi32>
    %eq3A_2103 = arith.cmpi eq, %add3A_1456, %eq3A_2102 : vector<256x2048xi32>
    %jit3A_2104 = arith.constant 0x7F800000 : f32
    %broadcast_in_dim3A_2105 = vector.broadcast %jit3A_2104 : f32 to vector<256x2048xf32>
    %select_n3A_2106 = arith.select %eq3A_2103, %broadcast_in_dim3A_2105, %select_n3A_2101 : vector<256x2048xi1>, vector<256x2048xf32>
    %eq3A_2107 = vector.broadcast %broadcast_in_dim3A_2064 : vector<256x1xi32> to vector<256x2048xi32>
    %eq3A_2108 = arith.cmpi eq, %add3A_1456, %eq3A_2107 : vector<256x2048xi32>
    %jit3A_2109 = arith.constant 0x7F800000 : f32
    %broadcast_in_dim3A_2110 = vector.broadcast %jit3A_2109 : f32 to vector<256x2048xf32>
    %select_n3A_2111 = arith.select %eq3A_2108, %broadcast_in_dim3A_2110, %select_n3A_2106 : vector<256x2048xi1>, vector<256x2048xf32>
    %reduce_min3A_2112 = arith.constant dense<0x7F800000> : vector<256xf32>
    %reduce_min3A_2113 = vector.multi_reduction <minimumf>, %select_n3A_2111, %reduce_min3A_2112 [1] : vector<256x2048xf32> to vector<256xf32>
    %broadcast_in_dim3A_2114 = vector.shape_cast %reduce_min3A_2113 : vector<256xf32> to vector<256x1xf32>
    %eq3A_2115 = vector.broadcast %broadcast_in_dim3A_2114 : vector<256x1xf32> to vector<256x2048xf32>
    %eq3A_2116 = arith.cmpf oeq, %select_n3A_2111, %eq3A_2115 : vector<256x2048xf32>
    %jit3A_2117 = arith.constant 1073741824 : i32
    %broadcast_in_dim3A_2118 = vector.broadcast %jit3A_2117 : i32 to vector<256x2048xi32>
    %select_n3A_2119 = arith.select %eq3A_2116, %add3A_1456, %broadcast_in_dim3A_2118 : vector<256x2048xi1>, vector<256x2048xi32>
    %reduce_min3A_2120 = arith.constant dense<2147483647> : vector<256xi32>
    %reduce_min3A_2121 = vector.multi_reduction <minsi>, %select_n3A_2119, %reduce_min3A_2120 [1] : vector<256x2048xi32> to vector<256xi32>
    %broadcast_in_dim3A_2122 = vector.shape_cast %reduce_min3A_2121 : vector<256xi32> to vector<256x1xi32>
    %eq3A_2123 = arith.constant 15 : i32
    %eq3A_2124 = vector.broadcast %eq3A_2123 : i32 to vector<256x16xi32>
    %eq3A_2125 = arith.cmpi eq, %iota3A, %eq3A_2124 : vector<256x16xi32>
    %broadcast_in_dim3A_2126 = vector.shape_cast %broadcast_in_dim3A_2114 : vector<256x1xf32> to vector<256x1xf32>
    %broadcast_in_dim3A_2127 = vector.broadcast %broadcast_in_dim3A_2126 : vector<256x1xf32> to vector<256x16xf32>
    %select_n3A_2128 = arith.select %eq3A_2125, %broadcast_in_dim3A_2127, %select_n3A_2070 : vector<256x16xi1>, vector<256x16xf32>
    %eq3A_2129 = arith.constant 15 : i32
    %eq3A_2130 = vector.broadcast %eq3A_2129 : i32 to vector<256x16xi32>
    %eq3A_2131 = arith.cmpi eq, %iota3A, %eq3A_2130 : vector<256x16xi32>
    %broadcast_in_dim3A_2132 = vector.shape_cast %broadcast_in_dim3A_2122 : vector<256x1xi32> to vector<256x1xi32>
    %broadcast_in_dim3A_2133 = vector.broadcast %broadcast_in_dim3A_2132 : vector<256x1xi32> to vector<256x16xi32>
    %select_n3A_2134 = arith.select %eq3A_2131, %broadcast_in_dim3A_2133, %select_n3A_2076 : vector<256x16xi1>, vector<256x16xi32>
    %concatenate3A_2135 = tpu.concatenate %scan3A_1431#1, %select_n3A_2128 in 1 : vector<256x16xf32>, vector<256x16xf32> -> vector<256x32xf32>
    %concatenate3A_2136 = tpu.concatenate %scan3A_1431#2, %select_n3A_2134 in 1 : vector<256x16xi32>, vector<256x16xi32> -> vector<256x32xi32>
    %broadcast_in_dim3A_2137 = arith.constant 0.000000e+00 : f32
    %broadcast_in_dim3A_2138 = vector.broadcast %broadcast_in_dim3A_2137 : f32 to vector<256x16xf32>
    %broadcast_in_dim3A_2139 = arith.constant 0 : i32
    %broadcast_in_dim3A_2140 = vector.broadcast %broadcast_in_dim3A_2139 : i32 to vector<256x16xi32>
    %scan3A_2141 = arith.constant 1073741824 : i32
    %scan3A_2142 = arith.constant 0x7F800000 : f32
    %scan3A_2143 = arith.constant 0 : i32
    %scan3A_2144 = arith.constant 16 : i32
    %scan3A_2145 = arith.addi %scan3A_2143, %scan3A_2144 : i32
    %scan3A_2146 = arith.constant 1 : i32
    %scan3A_2147:3 = scf.for %scan3A_2875 = %scan3A_2143 to %scan3A_2145 step %scan3A_2146 iter_args(%scan3A_2876 = %concatenate3A_2135, %scan3A_2877 = %broadcast_in_dim3A_2138, %scan3A_2878 = %broadcast_in_dim3A_2140) -> (vector<256x32xf32>, vector<256x16xf32>, vector<256x16xi32>)  : i32 {
      %reduce_min3A_2879 = arith.constant dense<0x7F800000> : vector<256xf32>
      %reduce_min3A_2880 = vector.multi_reduction <minimumf>, %scan3A_2876, %reduce_min3A_2879 [1] : vector<256x32xf32> to vector<256xf32>
      %broadcast_in_dim3A_2881 = vector.shape_cast %reduce_min3A_2880 : vector<256xf32> to vector<256x1xf32>
      %eq3A_2882 = vector.broadcast %broadcast_in_dim3A_2881 : vector<256x1xf32> to vector<256x32xf32>
      %eq3A_2883 = arith.cmpf oeq, %scan3A_2876, %eq3A_2882 : vector<256x32xf32>
      %broadcast_in_dim3A_2884 = vector.broadcast %scan3A_2141 : i32 to vector<256x32xi32>
      %select_n3A_2885 = arith.select %eq3A_2883, %iota3A_7, %broadcast_in_dim3A_2884 : vector<256x32xi1>, vector<256x32xi32>
      %reduce_min3A_2886 = arith.constant dense<2147483647> : vector<256xi32>
      %reduce_min3A_2887 = vector.multi_reduction <minsi>, %select_n3A_2885, %reduce_min3A_2886 [1] : vector<256x32xi32> to vector<256xi32>
      %broadcast_in_dim3A_2888 = vector.shape_cast %reduce_min3A_2887 : vector<256xi32> to vector<256x1xi32>
      %eq3A_2889 = vector.broadcast %broadcast_in_dim3A_2888 : vector<256x1xi32> to vector<256x32xi32>
      %eq3A_2890 = arith.cmpi eq, %iota3A_7, %eq3A_2889 : vector<256x32xi32>
      %jit3A_2891 = arith.constant 0 : i32
      %broadcast_in_dim3A_2892 = vector.broadcast %jit3A_2891 : i32 to vector<256x32xi32>
      %select_n3A_2893 = arith.select %eq3A_2890, %concatenate3A_2136, %broadcast_in_dim3A_2892 : vector<256x32xi1>, vector<256x32xi32>
      %reduce_sum3A_2894 = arith.constant dense<0> : vector<256xi32>
      %reduce_sum3A_2895 = vector.multi_reduction <add>, %select_n3A_2893, %reduce_sum3A_2894 [1] : vector<256x32xi32> to vector<256xi32>
      %broadcast_in_dim3A_2896 = vector.shape_cast %reduce_sum3A_2895 : vector<256xi32> to vector<256x1xi32>
      %eq3A_2897 = vector.broadcast %scan3A_2875 : i32 to vector<256x16xi32>
      %eq3A_2898 = arith.cmpi eq, %iota3A, %eq3A_2897 : vector<256x16xi32>
      %broadcast_in_dim3A_2899 = vector.shape_cast %broadcast_in_dim3A_2881 : vector<256x1xf32> to vector<256x1xf32>
      %broadcast_in_dim3A_2900 = vector.broadcast %broadcast_in_dim3A_2899 : vector<256x1xf32> to vector<256x16xf32>
      %select_n3A_2901 = arith.select %eq3A_2898, %broadcast_in_dim3A_2900, %scan3A_2877 : vector<256x16xi1>, vector<256x16xf32>
      %eq3A_2902 = vector.broadcast %scan3A_2875 : i32 to vector<256x16xi32>
      %eq3A_2903 = arith.cmpi eq, %iota3A, %eq3A_2902 : vector<256x16xi32>
      %broadcast_in_dim3A_2904 = vector.shape_cast %broadcast_in_dim3A_2896 : vector<256x1xi32> to vector<256x1xi32>
      %broadcast_in_dim3A_2905 = vector.broadcast %broadcast_in_dim3A_2904 : vector<256x1xi32> to vector<256x16xi32>
      %select_n3A_2906 = arith.select %eq3A_2903, %broadcast_in_dim3A_2905, %scan3A_2878 : vector<256x16xi1>, vector<256x16xi32>
      %broadcast_in_dim3A_2907 = vector.broadcast %scan3A_2142 : f32 to vector<256x32xf32>
      %select_n3A_2908 = arith.select %eq3A_2890, %broadcast_in_dim3A_2907, %scan3A_2876 : vector<256x32xi1>, vector<256x32xf32>
      scf.yield %select_n3A_2908, %select_n3A_2901, %select_n3A_2906 : vector<256x32xf32>, vector<256x16xf32>, vector<256x16xi32>
    }
    %scan3A_2148 = arith.constant 16 : i32
    %get3A_2149 = arith.constant 6144 : index
    %get3A_2150 = arith.constant 0 : index
    %get3A_2151 = vector.load %arg2[%get3A_2149, %get3A_2150] : memref<8192x64xf32, #tpu.memory_space<vmem>>, vector<2048x64xf32>
    %mul3A_2152 = arith.mulf %get3A_2151, %get3A_2151 : vector<2048x64xf32>
    %reduce_sum3A_2153 = arith.constant dense<0.000000e+00> : vector<2048xf32>
    %reduce_sum3A_2154 = vector.multi_reduction <add>, %mul3A_2152, %reduce_sum3A_2153 [1] : vector<2048x64xf32> to vector<2048xf32>
    %broadcast_in_dim3A_2155 = vector.shape_cast %reduce_sum3A_2154 : vector<2048xf32> to vector<1x2048xf32>
    %dot_general3A_2156 = arith.constant dense<0.000000e+00> : vector<256x2048xf32>
    %dot_general3A_2157 = tpu.matmul %get3A_1, %get3A_2151, %dot_general3A_2156 {dimension_numbers = #tpu.dot_dimension_numbers<[1], [1], [0], [0], [0, 0, 1, 0], [], []>, transpose_lhs_hint = false} : vector<256x64xf32>, vector<2048x64xf32>, vector<256x2048xf32> -> vector<256x2048xf32>
    %add3A_2158 = vector.broadcast %broadcast_in_dim3A_6 : vector<256x1xf32> to vector<256x2048xf32>
    %add3A_2159 = vector.broadcast %broadcast_in_dim3A_2155 : vector<1x2048xf32> to vector<256x2048xf32>
    %add3A_2160 = arith.addf %add3A_2158, %add3A_2159 : vector<256x2048xf32>
    %mul3A_2161 = arith.constant 2.000000e+00 : f32
    %mul3A_2162 = vector.broadcast %mul3A_2161 : f32 to vector<256x2048xf32>
    %mul3A_2163 = arith.mulf %mul3A_2162, %dot_general3A_2157 : vector<256x2048xf32>
    %sub3A_2164 = arith.subf %add3A_2160, %mul3A_2163 : vector<256x2048xf32>
    %max3A_2165 = arith.constant 0.000000e+00 : f32
    %max3A_2166 = vector.broadcast %max3A_2165 : f32 to vector<256x2048xf32>
    %max3A_2167 = arith.maximumf %sub3A_2164, %max3A_2166 : vector<256x2048xf32>
    %sqrt3A_2168 = math.sqrt %max3A_2167 : vector<256x2048xf32>
    %iota3A_2169 = tpu.iota {dimensions = array<i32: 1>} : vector<256x2048xi32>
    %add3A_2170 = arith.constant 6144 : i32
    %add3A_2171 = vector.broadcast %add3A_2170 : i32 to vector<256x2048xi32>
    %add3A_2172 = arith.addi %iota3A_2169, %add3A_2171 : vector<256x2048xi32>
    %broadcast_in_dim3A_2173 = arith.constant 0.000000e+00 : f32
    %broadcast_in_dim3A_2174 = vector.broadcast %broadcast_in_dim3A_2173 : f32 to vector<256x16xf32>
    %broadcast_in_dim3A_2175 = arith.constant 0 : i32
    %broadcast_in_dim3A_2176 = vector.broadcast %broadcast_in_dim3A_2175 : i32 to vector<256x16xi32>
    %reduce_min3A_2177 = arith.constant dense<0x7F800000> : vector<256xf32>
    %reduce_min3A_2178 = vector.multi_reduction <minimumf>, %sqrt3A_2168, %reduce_min3A_2177 [1] : vector<256x2048xf32> to vector<256xf32>
    %broadcast_in_dim3A_2179 = vector.shape_cast %reduce_min3A_2178 : vector<256xf32> to vector<256x1xf32>
    %eq3A_2180 = vector.broadcast %broadcast_in_dim3A_2179 : vector<256x1xf32> to vector<256x2048xf32>
    %eq3A_2181 = arith.cmpf oeq, %sqrt3A_2168, %eq3A_2180 : vector<256x2048xf32>
    %jit3A_2182 = arith.constant 1073741824 : i32
    %broadcast_in_dim3A_2183 = vector.broadcast %jit3A_2182 : i32 to vector<256x2048xi32>
    %select_n3A_2184 = arith.select %eq3A_2181, %add3A_2172, %broadcast_in_dim3A_2183 : vector<256x2048xi1>, vector<256x2048xi32>
    %reduce_min3A_2185 = arith.constant dense<2147483647> : vector<256xi32>
    %reduce_min3A_2186 = vector.multi_reduction <minsi>, %select_n3A_2184, %reduce_min3A_2185 [1] : vector<256x2048xi32> to vector<256xi32>
    %broadcast_in_dim3A_2187 = vector.shape_cast %reduce_min3A_2186 : vector<256xi32> to vector<256x1xi32>
    %eq3A_2188 = arith.constant 0 : i32
    %eq3A_2189 = vector.broadcast %eq3A_2188 : i32 to vector<256x16xi32>
    %eq3A_2190 = arith.cmpi eq, %iota3A, %eq3A_2189 : vector<256x16xi32>
    %broadcast_in_dim3A_2191 = vector.shape_cast %broadcast_in_dim3A_2179 : vector<256x1xf32> to vector<256x1xf32>
    %broadcast_in_dim3A_2192 = vector.broadcast %broadcast_in_dim3A_2191 : vector<256x1xf32> to vector<256x16xf32>
    %select_n3A_2193 = arith.select %eq3A_2190, %broadcast_in_dim3A_2192, %broadcast_in_dim3A_2174 : vector<256x16xi1>, vector<256x16xf32>
    %eq3A_2194 = arith.constant 0 : i32
    %eq3A_2195 = vector.broadcast %eq3A_2194 : i32 to vector<256x16xi32>
    %eq3A_2196 = arith.cmpi eq, %iota3A, %eq3A_2195 : vector<256x16xi32>
    %broadcast_in_dim3A_2197 = vector.shape_cast %broadcast_in_dim3A_2187 : vector<256x1xi32> to vector<256x1xi32>
    %broadcast_in_dim3A_2198 = vector.broadcast %broadcast_in_dim3A_2197 : vector<256x1xi32> to vector<256x16xi32>
    %select_n3A_2199 = arith.select %eq3A_2196, %broadcast_in_dim3A_2198, %broadcast_in_dim3A_2176 : vector<256x16xi1>, vector<256x16xi32>
    %eq3A_2200 = vector.broadcast %broadcast_in_dim3A_2187 : vector<256x1xi32> to vector<256x2048xi32>
    %eq3A_2201 = arith.cmpi eq, %add3A_2172, %eq3A_2200 : vector<256x2048xi32>
    %jit3A_2202 = arith.constant 0x7F800000 : f32
    %broadcast_in_dim3A_2203 = vector.broadcast %jit3A_2202 : f32 to vector<256x2048xf32>
    %select_n3A_2204 = arith.select %eq3A_2201, %broadcast_in_dim3A_2203, %sqrt3A_2168 : vector<256x2048xi1>, vector<256x2048xf32>
    %reduce_min3A_2205 = arith.constant dense<0x7F800000> : vector<256xf32>
    %reduce_min3A_2206 = vector.multi_reduction <minimumf>, %select_n3A_2204, %reduce_min3A_2205 [1] : vector<256x2048xf32> to vector<256xf32>
    %broadcast_in_dim3A_2207 = vector.shape_cast %reduce_min3A_2206 : vector<256xf32> to vector<256x1xf32>
    %eq3A_2208 = vector.broadcast %broadcast_in_dim3A_2207 : vector<256x1xf32> to vector<256x2048xf32>
    %eq3A_2209 = arith.cmpf oeq, %select_n3A_2204, %eq3A_2208 : vector<256x2048xf32>
    %jit3A_2210 = arith.constant 1073741824 : i32
    %broadcast_in_dim3A_2211 = vector.broadcast %jit3A_2210 : i32 to vector<256x2048xi32>
    %select_n3A_2212 = arith.select %eq3A_2209, %add3A_2172, %broadcast_in_dim3A_2211 : vector<256x2048xi1>, vector<256x2048xi32>
    %reduce_min3A_2213 = arith.constant dense<2147483647> : vector<256xi32>
    %reduce_min3A_2214 = vector.multi_reduction <minsi>, %select_n3A_2212, %reduce_min3A_2213 [1] : vector<256x2048xi32> to vector<256xi32>
    %broadcast_in_dim3A_2215 = vector.shape_cast %reduce_min3A_2214 : vector<256xi32> to vector<256x1xi32>
    %eq3A_2216 = arith.constant 1 : i32
    %eq3A_2217 = vector.broadcast %eq3A_2216 : i32 to vector<256x16xi32>
    %eq3A_2218 = arith.cmpi eq, %iota3A, %eq3A_2217 : vector<256x16xi32>
    %broadcast_in_dim3A_2219 = vector.shape_cast %broadcast_in_dim3A_2207 : vector<256x1xf32> to vector<256x1xf32>
    %broadcast_in_dim3A_2220 = vector.broadcast %broadcast_in_dim3A_2219 : vector<256x1xf32> to vector<256x16xf32>
    %select_n3A_2221 = arith.select %eq3A_2218, %broadcast_in_dim3A_2220, %select_n3A_2193 : vector<256x16xi1>, vector<256x16xf32>
    %eq3A_2222 = arith.constant 1 : i32
    %eq3A_2223 = vector.broadcast %eq3A_2222 : i32 to vector<256x16xi32>
    %eq3A_2224 = arith.cmpi eq, %iota3A, %eq3A_2223 : vector<256x16xi32>
    %broadcast_in_dim3A_2225 = vector.shape_cast %broadcast_in_dim3A_2215 : vector<256x1xi32> to vector<256x1xi32>
    %broadcast_in_dim3A_2226 = vector.broadcast %broadcast_in_dim3A_2225 : vector<256x1xi32> to vector<256x16xi32>
    %select_n3A_2227 = arith.select %eq3A_2224, %broadcast_in_dim3A_2226, %select_n3A_2199 : vector<256x16xi1>, vector<256x16xi32>
    %eq3A_2228 = vector.broadcast %broadcast_in_dim3A_2187 : vector<256x1xi32> to vector<256x2048xi32>
    %eq3A_2229 = arith.cmpi eq, %add3A_2172, %eq3A_2228 : vector<256x2048xi32>
    %jit3A_2230 = arith.constant 0x7F800000 : f32
    %broadcast_in_dim3A_2231 = vector.broadcast %jit3A_2230 : f32 to vector<256x2048xf32>
    %select_n3A_2232 = arith.select %eq3A_2229, %broadcast_in_dim3A_2231, %sqrt3A_2168 : vector<256x2048xi1>, vector<256x2048xf32>
    %eq3A_2233 = vector.broadcast %broadcast_in_dim3A_2215 : vector<256x1xi32> to vector<256x2048xi32>
    %eq3A_2234 = arith.cmpi eq, %add3A_2172, %eq3A_2233 : vector<256x2048xi32>
    %jit3A_2235 = arith.constant 0x7F800000 : f32
    %broadcast_in_dim3A_2236 = vector.broadcast %jit3A_2235 : f32 to vector<256x2048xf32>
    %select_n3A_2237 = arith.select %eq3A_2234, %broadcast_in_dim3A_2236, %select_n3A_2232 : vector<256x2048xi1>, vector<256x2048xf32>
    %reduce_min3A_2238 = arith.constant dense<0x7F800000> : vector<256xf32>
    %reduce_min3A_2239 = vector.multi_reduction <minimumf>, %select_n3A_2237, %reduce_min3A_2238 [1] : vector<256x2048xf32> to vector<256xf32>
    %broadcast_in_dim3A_2240 = vector.shape_cast %reduce_min3A_2239 : vector<256xf32> to vector<256x1xf32>
    %eq3A_2241 = vector.broadcast %broadcast_in_dim3A_2240 : vector<256x1xf32> to vector<256x2048xf32>
    %eq3A_2242 = arith.cmpf oeq, %select_n3A_2237, %eq3A_2241 : vector<256x2048xf32>
    %jit3A_2243 = arith.constant 1073741824 : i32
    %broadcast_in_dim3A_2244 = vector.broadcast %jit3A_2243 : i32 to vector<256x2048xi32>
    %select_n3A_2245 = arith.select %eq3A_2242, %add3A_2172, %broadcast_in_dim3A_2244 : vector<256x2048xi1>, vector<256x2048xi32>
    %reduce_min3A_2246 = arith.constant dense<2147483647> : vector<256xi32>
    %reduce_min3A_2247 = vector.multi_reduction <minsi>, %select_n3A_2245, %reduce_min3A_2246 [1] : vector<256x2048xi32> to vector<256xi32>
    %broadcast_in_dim3A_2248 = vector.shape_cast %reduce_min3A_2247 : vector<256xi32> to vector<256x1xi32>
    %eq3A_2249 = arith.constant 2 : i32
    %eq3A_2250 = vector.broadcast %eq3A_2249 : i32 to vector<256x16xi32>
    %eq3A_2251 = arith.cmpi eq, %iota3A, %eq3A_2250 : vector<256x16xi32>
    %broadcast_in_dim3A_2252 = vector.shape_cast %broadcast_in_dim3A_2240 : vector<256x1xf32> to vector<256x1xf32>
    %broadcast_in_dim3A_2253 = vector.broadcast %broadcast_in_dim3A_2252 : vector<256x1xf32> to vector<256x16xf32>
    %select_n3A_2254 = arith.select %eq3A_2251, %broadcast_in_dim3A_2253, %select_n3A_2221 : vector<256x16xi1>, vector<256x16xf32>
    %eq3A_2255 = arith.constant 2 : i32
    %eq3A_2256 = vector.broadcast %eq3A_2255 : i32 to vector<256x16xi32>
    %eq3A_2257 = arith.cmpi eq, %iota3A, %eq3A_2256 : vector<256x16xi32>
    %broadcast_in_dim3A_2258 = vector.shape_cast %broadcast_in_dim3A_2248 : vector<256x1xi32> to vector<256x1xi32>
    %broadcast_in_dim3A_2259 = vector.broadcast %broadcast_in_dim3A_2258 : vector<256x1xi32> to vector<256x16xi32>
    %select_n3A_2260 = arith.select %eq3A_2257, %broadcast_in_dim3A_2259, %select_n3A_2227 : vector<256x16xi1>, vector<256x16xi32>
    %eq3A_2261 = vector.broadcast %broadcast_in_dim3A_2187 : vector<256x1xi32> to vector<256x2048xi32>
    %eq3A_2262 = arith.cmpi eq, %add3A_2172, %eq3A_2261 : vector<256x2048xi32>
    %jit3A_2263 = arith.constant 0x7F800000 : f32
    %broadcast_in_dim3A_2264 = vector.broadcast %jit3A_2263 : f32 to vector<256x2048xf32>
    %select_n3A_2265 = arith.select %eq3A_2262, %broadcast_in_dim3A_2264, %sqrt3A_2168 : vector<256x2048xi1>, vector<256x2048xf32>
    %eq3A_2266 = vector.broadcast %broadcast_in_dim3A_2215 : vector<256x1xi32> to vector<256x2048xi32>
    %eq3A_2267 = arith.cmpi eq, %add3A_2172, %eq3A_2266 : vector<256x2048xi32>
    %jit3A_2268 = arith.constant 0x7F800000 : f32
    %broadcast_in_dim3A_2269 = vector.broadcast %jit3A_2268 : f32 to vector<256x2048xf32>
    %select_n3A_2270 = arith.select %eq3A_2267, %broadcast_in_dim3A_2269, %select_n3A_2265 : vector<256x2048xi1>, vector<256x2048xf32>
    %eq3A_2271 = vector.broadcast %broadcast_in_dim3A_2248 : vector<256x1xi32> to vector<256x2048xi32>
    %eq3A_2272 = arith.cmpi eq, %add3A_2172, %eq3A_2271 : vector<256x2048xi32>
    %jit3A_2273 = arith.constant 0x7F800000 : f32
    %broadcast_in_dim3A_2274 = vector.broadcast %jit3A_2273 : f32 to vector<256x2048xf32>
    %select_n3A_2275 = arith.select %eq3A_2272, %broadcast_in_dim3A_2274, %select_n3A_2270 : vector<256x2048xi1>, vector<256x2048xf32>
    %reduce_min3A_2276 = arith.constant dense<0x7F800000> : vector<256xf32>
    %reduce_min3A_2277 = vector.multi_reduction <minimumf>, %select_n3A_2275, %reduce_min3A_2276 [1] : vector<256x2048xf32> to vector<256xf32>
    %broadcast_in_dim3A_2278 = vector.shape_cast %reduce_min3A_2277 : vector<256xf32> to vector<256x1xf32>
    %eq3A_2279 = vector.broadcast %broadcast_in_dim3A_2278 : vector<256x1xf32> to vector<256x2048xf32>
    %eq3A_2280 = arith.cmpf oeq, %select_n3A_2275, %eq3A_2279 : vector<256x2048xf32>
    %jit3A_2281 = arith.constant 1073741824 : i32
    %broadcast_in_dim3A_2282 = vector.broadcast %jit3A_2281 : i32 to vector<256x2048xi32>
    %select_n3A_2283 = arith.select %eq3A_2280, %add3A_2172, %broadcast_in_dim3A_2282 : vector<256x2048xi1>, vector<256x2048xi32>
    %reduce_min3A_2284 = arith.constant dense<2147483647> : vector<256xi32>
    %reduce_min3A_2285 = vector.multi_reduction <minsi>, %select_n3A_2283, %reduce_min3A_2284 [1] : vector<256x2048xi32> to vector<256xi32>
    %broadcast_in_dim3A_2286 = vector.shape_cast %reduce_min3A_2285 : vector<256xi32> to vector<256x1xi32>
    %eq3A_2287 = arith.constant 3 : i32
    %eq3A_2288 = vector.broadcast %eq3A_2287 : i32 to vector<256x16xi32>
    %eq3A_2289 = arith.cmpi eq, %iota3A, %eq3A_2288 : vector<256x16xi32>
    %broadcast_in_dim3A_2290 = vector.shape_cast %broadcast_in_dim3A_2278 : vector<256x1xf32> to vector<256x1xf32>
    %broadcast_in_dim3A_2291 = vector.broadcast %broadcast_in_dim3A_2290 : vector<256x1xf32> to vector<256x16xf32>
    %select_n3A_2292 = arith.select %eq3A_2289, %broadcast_in_dim3A_2291, %select_n3A_2254 : vector<256x16xi1>, vector<256x16xf32>
    %eq3A_2293 = arith.constant 3 : i32
    %eq3A_2294 = vector.broadcast %eq3A_2293 : i32 to vector<256x16xi32>
    %eq3A_2295 = arith.cmpi eq, %iota3A, %eq3A_2294 : vector<256x16xi32>
    %broadcast_in_dim3A_2296 = vector.shape_cast %broadcast_in_dim3A_2286 : vector<256x1xi32> to vector<256x1xi32>
    %broadcast_in_dim3A_2297 = vector.broadcast %broadcast_in_dim3A_2296 : vector<256x1xi32> to vector<256x16xi32>
    %select_n3A_2298 = arith.select %eq3A_2295, %broadcast_in_dim3A_2297, %select_n3A_2260 : vector<256x16xi1>, vector<256x16xi32>
    %eq3A_2299 = vector.broadcast %broadcast_in_dim3A_2187 : vector<256x1xi32> to vector<256x2048xi32>
    %eq3A_2300 = arith.cmpi eq, %add3A_2172, %eq3A_2299 : vector<256x2048xi32>
    %jit3A_2301 = arith.constant 0x7F800000 : f32
    %broadcast_in_dim3A_2302 = vector.broadcast %jit3A_2301 : f32 to vector<256x2048xf32>
    %select_n3A_2303 = arith.select %eq3A_2300, %broadcast_in_dim3A_2302, %sqrt3A_2168 : vector<256x2048xi1>, vector<256x2048xf32>
    %eq3A_2304 = vector.broadcast %broadcast_in_dim3A_2215 : vector<256x1xi32> to vector<256x2048xi32>
    %eq3A_2305 = arith.cmpi eq, %add3A_2172, %eq3A_2304 : vector<256x2048xi32>
    %jit3A_2306 = arith.constant 0x7F800000 : f32
    %broadcast_in_dim3A_2307 = vector.broadcast %jit3A_2306 : f32 to vector<256x2048xf32>
    %select_n3A_2308 = arith.select %eq3A_2305, %broadcast_in_dim3A_2307, %select_n3A_2303 : vector<256x2048xi1>, vector<256x2048xf32>
    %eq3A_2309 = vector.broadcast %broadcast_in_dim3A_2248 : vector<256x1xi32> to vector<256x2048xi32>
    %eq3A_2310 = arith.cmpi eq, %add3A_2172, %eq3A_2309 : vector<256x2048xi32>
    %jit3A_2311 = arith.constant 0x7F800000 : f32
    %broadcast_in_dim3A_2312 = vector.broadcast %jit3A_2311 : f32 to vector<256x2048xf32>
    %select_n3A_2313 = arith.select %eq3A_2310, %broadcast_in_dim3A_2312, %select_n3A_2308 : vector<256x2048xi1>, vector<256x2048xf32>
    %eq3A_2314 = vector.broadcast %broadcast_in_dim3A_2286 : vector<256x1xi32> to vector<256x2048xi32>
    %eq3A_2315 = arith.cmpi eq, %add3A_2172, %eq3A_2314 : vector<256x2048xi32>
    %jit3A_2316 = arith.constant 0x7F800000 : f32
    %broadcast_in_dim3A_2317 = vector.broadcast %jit3A_2316 : f32 to vector<256x2048xf32>
    %select_n3A_2318 = arith.select %eq3A_2315, %broadcast_in_dim3A_2317, %select_n3A_2313 : vector<256x2048xi1>, vector<256x2048xf32>
    %reduce_min3A_2319 = arith.constant dense<0x7F800000> : vector<256xf32>
    %reduce_min3A_2320 = vector.multi_reduction <minimumf>, %select_n3A_2318, %reduce_min3A_2319 [1] : vector<256x2048xf32> to vector<256xf32>
    %broadcast_in_dim3A_2321 = vector.shape_cast %reduce_min3A_2320 : vector<256xf32> to vector<256x1xf32>
    %eq3A_2322 = vector.broadcast %broadcast_in_dim3A_2321 : vector<256x1xf32> to vector<256x2048xf32>
    %eq3A_2323 = arith.cmpf oeq, %select_n3A_2318, %eq3A_2322 : vector<256x2048xf32>
    %jit3A_2324 = arith.constant 1073741824 : i32
    %broadcast_in_dim3A_2325 = vector.broadcast %jit3A_2324 : i32 to vector<256x2048xi32>
    %select_n3A_2326 = arith.select %eq3A_2323, %add3A_2172, %broadcast_in_dim3A_2325 : vector<256x2048xi1>, vector<256x2048xi32>
    %reduce_min3A_2327 = arith.constant dense<2147483647> : vector<256xi32>
    %reduce_min3A_2328 = vector.multi_reduction <minsi>, %select_n3A_2326, %reduce_min3A_2327 [1] : vector<256x2048xi32> to vector<256xi32>
    %broadcast_in_dim3A_2329 = vector.shape_cast %reduce_min3A_2328 : vector<256xi32> to vector<256x1xi32>
    %eq3A_2330 = arith.constant 4 : i32
    %eq3A_2331 = vector.broadcast %eq3A_2330 : i32 to vector<256x16xi32>
    %eq3A_2332 = arith.cmpi eq, %iota3A, %eq3A_2331 : vector<256x16xi32>
    %broadcast_in_dim3A_2333 = vector.shape_cast %broadcast_in_dim3A_2321 : vector<256x1xf32> to vector<256x1xf32>
    %broadcast_in_dim3A_2334 = vector.broadcast %broadcast_in_dim3A_2333 : vector<256x1xf32> to vector<256x16xf32>
    %select_n3A_2335 = arith.select %eq3A_2332, %broadcast_in_dim3A_2334, %select_n3A_2292 : vector<256x16xi1>, vector<256x16xf32>
    %eq3A_2336 = arith.constant 4 : i32
    %eq3A_2337 = vector.broadcast %eq3A_2336 : i32 to vector<256x16xi32>
    %eq3A_2338 = arith.cmpi eq, %iota3A, %eq3A_2337 : vector<256x16xi32>
    %broadcast_in_dim3A_2339 = vector.shape_cast %broadcast_in_dim3A_2329 : vector<256x1xi32> to vector<256x1xi32>
    %broadcast_in_dim3A_2340 = vector.broadcast %broadcast_in_dim3A_2339 : vector<256x1xi32> to vector<256x16xi32>
    %select_n3A_2341 = arith.select %eq3A_2338, %broadcast_in_dim3A_2340, %select_n3A_2298 : vector<256x16xi1>, vector<256x16xi32>
    %eq3A_2342 = vector.broadcast %broadcast_in_dim3A_2187 : vector<256x1xi32> to vector<256x2048xi32>
    %eq3A_2343 = arith.cmpi eq, %add3A_2172, %eq3A_2342 : vector<256x2048xi32>
    %jit3A_2344 = arith.constant 0x7F800000 : f32
    %broadcast_in_dim3A_2345 = vector.broadcast %jit3A_2344 : f32 to vector<256x2048xf32>
    %select_n3A_2346 = arith.select %eq3A_2343, %broadcast_in_dim3A_2345, %sqrt3A_2168 : vector<256x2048xi1>, vector<256x2048xf32>
    %eq3A_2347 = vector.broadcast %broadcast_in_dim3A_2215 : vector<256x1xi32> to vector<256x2048xi32>
    %eq3A_2348 = arith.cmpi eq, %add3A_2172, %eq3A_2347 : vector<256x2048xi32>
    %jit3A_2349 = arith.constant 0x7F800000 : f32
    %broadcast_in_dim3A_2350 = vector.broadcast %jit3A_2349 : f32 to vector<256x2048xf32>
    %select_n3A_2351 = arith.select %eq3A_2348, %broadcast_in_dim3A_2350, %select_n3A_2346 : vector<256x2048xi1>, vector<256x2048xf32>
    %eq3A_2352 = vector.broadcast %broadcast_in_dim3A_2248 : vector<256x1xi32> to vector<256x2048xi32>
    %eq3A_2353 = arith.cmpi eq, %add3A_2172, %eq3A_2352 : vector<256x2048xi32>
    %jit3A_2354 = arith.constant 0x7F800000 : f32
    %broadcast_in_dim3A_2355 = vector.broadcast %jit3A_2354 : f32 to vector<256x2048xf32>
    %select_n3A_2356 = arith.select %eq3A_2353, %broadcast_in_dim3A_2355, %select_n3A_2351 : vector<256x2048xi1>, vector<256x2048xf32>
    %eq3A_2357 = vector.broadcast %broadcast_in_dim3A_2286 : vector<256x1xi32> to vector<256x2048xi32>
    %eq3A_2358 = arith.cmpi eq, %add3A_2172, %eq3A_2357 : vector<256x2048xi32>
    %jit3A_2359 = arith.constant 0x7F800000 : f32
    %broadcast_in_dim3A_2360 = vector.broadcast %jit3A_2359 : f32 to vector<256x2048xf32>
    %select_n3A_2361 = arith.select %eq3A_2358, %broadcast_in_dim3A_2360, %select_n3A_2356 : vector<256x2048xi1>, vector<256x2048xf32>
    %eq3A_2362 = vector.broadcast %broadcast_in_dim3A_2329 : vector<256x1xi32> to vector<256x2048xi32>
    %eq3A_2363 = arith.cmpi eq, %add3A_2172, %eq3A_2362 : vector<256x2048xi32>
    %jit3A_2364 = arith.constant 0x7F800000 : f32
    %broadcast_in_dim3A_2365 = vector.broadcast %jit3A_2364 : f32 to vector<256x2048xf32>
    %select_n3A_2366 = arith.select %eq3A_2363, %broadcast_in_dim3A_2365, %select_n3A_2361 : vector<256x2048xi1>, vector<256x2048xf32>
    %reduce_min3A_2367 = arith.constant dense<0x7F800000> : vector<256xf32>
    %reduce_min3A_2368 = vector.multi_reduction <minimumf>, %select_n3A_2366, %reduce_min3A_2367 [1] : vector<256x2048xf32> to vector<256xf32>
    %broadcast_in_dim3A_2369 = vector.shape_cast %reduce_min3A_2368 : vector<256xf32> to vector<256x1xf32>
    %eq3A_2370 = vector.broadcast %broadcast_in_dim3A_2369 : vector<256x1xf32> to vector<256x2048xf32>
    %eq3A_2371 = arith.cmpf oeq, %select_n3A_2366, %eq3A_2370 : vector<256x2048xf32>
    %jit3A_2372 = arith.constant 1073741824 : i32
    %broadcast_in_dim3A_2373 = vector.broadcast %jit3A_2372 : i32 to vector<256x2048xi32>
    %select_n3A_2374 = arith.select %eq3A_2371, %add3A_2172, %broadcast_in_dim3A_2373 : vector<256x2048xi1>, vector<256x2048xi32>
    %reduce_min3A_2375 = arith.constant dense<2147483647> : vector<256xi32>
    %reduce_min3A_2376 = vector.multi_reduction <minsi>, %select_n3A_2374, %reduce_min3A_2375 [1] : vector<256x2048xi32> to vector<256xi32>
    %broadcast_in_dim3A_2377 = vector.shape_cast %reduce_min3A_2376 : vector<256xi32> to vector<256x1xi32>
    %eq3A_2378 = arith.constant 5 : i32
    %eq3A_2379 = vector.broadcast %eq3A_2378 : i32 to vector<256x16xi32>
    %eq3A_2380 = arith.cmpi eq, %iota3A, %eq3A_2379 : vector<256x16xi32>
    %broadcast_in_dim3A_2381 = vector.shape_cast %broadcast_in_dim3A_2369 : vector<256x1xf32> to vector<256x1xf32>
    %broadcast_in_dim3A_2382 = vector.broadcast %broadcast_in_dim3A_2381 : vector<256x1xf32> to vector<256x16xf32>
    %select_n3A_2383 = arith.select %eq3A_2380, %broadcast_in_dim3A_2382, %select_n3A_2335 : vector<256x16xi1>, vector<256x16xf32>
    %eq3A_2384 = arith.constant 5 : i32
    %eq3A_2385 = vector.broadcast %eq3A_2384 : i32 to vector<256x16xi32>
    %eq3A_2386 = arith.cmpi eq, %iota3A, %eq3A_2385 : vector<256x16xi32>
    %broadcast_in_dim3A_2387 = vector.shape_cast %broadcast_in_dim3A_2377 : vector<256x1xi32> to vector<256x1xi32>
    %broadcast_in_dim3A_2388 = vector.broadcast %broadcast_in_dim3A_2387 : vector<256x1xi32> to vector<256x16xi32>
    %select_n3A_2389 = arith.select %eq3A_2386, %broadcast_in_dim3A_2388, %select_n3A_2341 : vector<256x16xi1>, vector<256x16xi32>
    %eq3A_2390 = vector.broadcast %broadcast_in_dim3A_2187 : vector<256x1xi32> to vector<256x2048xi32>
    %eq3A_2391 = arith.cmpi eq, %add3A_2172, %eq3A_2390 : vector<256x2048xi32>
    %jit3A_2392 = arith.constant 0x7F800000 : f32
    %broadcast_in_dim3A_2393 = vector.broadcast %jit3A_2392 : f32 to vector<256x2048xf32>
    %select_n3A_2394 = arith.select %eq3A_2391, %broadcast_in_dim3A_2393, %sqrt3A_2168 : vector<256x2048xi1>, vector<256x2048xf32>
    %eq3A_2395 = vector.broadcast %broadcast_in_dim3A_2215 : vector<256x1xi32> to vector<256x2048xi32>
    %eq3A_2396 = arith.cmpi eq, %add3A_2172, %eq3A_2395 : vector<256x2048xi32>
    %jit3A_2397 = arith.constant 0x7F800000 : f32
    %broadcast_in_dim3A_2398 = vector.broadcast %jit3A_2397 : f32 to vector<256x2048xf32>
    %select_n3A_2399 = arith.select %eq3A_2396, %broadcast_in_dim3A_2398, %select_n3A_2394 : vector<256x2048xi1>, vector<256x2048xf32>
    %eq3A_2400 = vector.broadcast %broadcast_in_dim3A_2248 : vector<256x1xi32> to vector<256x2048xi32>
    %eq3A_2401 = arith.cmpi eq, %add3A_2172, %eq3A_2400 : vector<256x2048xi32>
    %jit3A_2402 = arith.constant 0x7F800000 : f32
    %broadcast_in_dim3A_2403 = vector.broadcast %jit3A_2402 : f32 to vector<256x2048xf32>
    %select_n3A_2404 = arith.select %eq3A_2401, %broadcast_in_dim3A_2403, %select_n3A_2399 : vector<256x2048xi1>, vector<256x2048xf32>
    %eq3A_2405 = vector.broadcast %broadcast_in_dim3A_2286 : vector<256x1xi32> to vector<256x2048xi32>
    %eq3A_2406 = arith.cmpi eq, %add3A_2172, %eq3A_2405 : vector<256x2048xi32>
    %jit3A_2407 = arith.constant 0x7F800000 : f32
    %broadcast_in_dim3A_2408 = vector.broadcast %jit3A_2407 : f32 to vector<256x2048xf32>
    %select_n3A_2409 = arith.select %eq3A_2406, %broadcast_in_dim3A_2408, %select_n3A_2404 : vector<256x2048xi1>, vector<256x2048xf32>
    %eq3A_2410 = vector.broadcast %broadcast_in_dim3A_2329 : vector<256x1xi32> to vector<256x2048xi32>
    %eq3A_2411 = arith.cmpi eq, %add3A_2172, %eq3A_2410 : vector<256x2048xi32>
    %jit3A_2412 = arith.constant 0x7F800000 : f32
    %broadcast_in_dim3A_2413 = vector.broadcast %jit3A_2412 : f32 to vector<256x2048xf32>
    %select_n3A_2414 = arith.select %eq3A_2411, %broadcast_in_dim3A_2413, %select_n3A_2409 : vector<256x2048xi1>, vector<256x2048xf32>
    %eq3A_2415 = vector.broadcast %broadcast_in_dim3A_2377 : vector<256x1xi32> to vector<256x2048xi32>
    %eq3A_2416 = arith.cmpi eq, %add3A_2172, %eq3A_2415 : vector<256x2048xi32>
    %jit3A_2417 = arith.constant 0x7F800000 : f32
    %broadcast_in_dim3A_2418 = vector.broadcast %jit3A_2417 : f32 to vector<256x2048xf32>
    %select_n3A_2419 = arith.select %eq3A_2416, %broadcast_in_dim3A_2418, %select_n3A_2414 : vector<256x2048xi1>, vector<256x2048xf32>
    %reduce_min3A_2420 = arith.constant dense<0x7F800000> : vector<256xf32>
    %reduce_min3A_2421 = vector.multi_reduction <minimumf>, %select_n3A_2419, %reduce_min3A_2420 [1] : vector<256x2048xf32> to vector<256xf32>
    %broadcast_in_dim3A_2422 = vector.shape_cast %reduce_min3A_2421 : vector<256xf32> to vector<256x1xf32>
    %eq3A_2423 = vector.broadcast %broadcast_in_dim3A_2422 : vector<256x1xf32> to vector<256x2048xf32>
    %eq3A_2424 = arith.cmpf oeq, %select_n3A_2419, %eq3A_2423 : vector<256x2048xf32>
    %jit3A_2425 = arith.constant 1073741824 : i32
    %broadcast_in_dim3A_2426 = vector.broadcast %jit3A_2425 : i32 to vector<256x2048xi32>
    %select_n3A_2427 = arith.select %eq3A_2424, %add3A_2172, %broadcast_in_dim3A_2426 : vector<256x2048xi1>, vector<256x2048xi32>
    %reduce_min3A_2428 = arith.constant dense<2147483647> : vector<256xi32>
    %reduce_min3A_2429 = vector.multi_reduction <minsi>, %select_n3A_2427, %reduce_min3A_2428 [1] : vector<256x2048xi32> to vector<256xi32>
    %broadcast_in_dim3A_2430 = vector.shape_cast %reduce_min3A_2429 : vector<256xi32> to vector<256x1xi32>
    %eq3A_2431 = arith.constant 6 : i32
    %eq3A_2432 = vector.broadcast %eq3A_2431 : i32 to vector<256x16xi32>
    %eq3A_2433 = arith.cmpi eq, %iota3A, %eq3A_2432 : vector<256x16xi32>
    %broadcast_in_dim3A_2434 = vector.shape_cast %broadcast_in_dim3A_2422 : vector<256x1xf32> to vector<256x1xf32>
    %broadcast_in_dim3A_2435 = vector.broadcast %broadcast_in_dim3A_2434 : vector<256x1xf32> to vector<256x16xf32>
    %select_n3A_2436 = arith.select %eq3A_2433, %broadcast_in_dim3A_2435, %select_n3A_2383 : vector<256x16xi1>, vector<256x16xf32>
    %eq3A_2437 = arith.constant 6 : i32
    %eq3A_2438 = vector.broadcast %eq3A_2437 : i32 to vector<256x16xi32>
    %eq3A_2439 = arith.cmpi eq, %iota3A, %eq3A_2438 : vector<256x16xi32>
    %broadcast_in_dim3A_2440 = vector.shape_cast %broadcast_in_dim3A_2430 : vector<256x1xi32> to vector<256x1xi32>
    %broadcast_in_dim3A_2441 = vector.broadcast %broadcast_in_dim3A_2440 : vector<256x1xi32> to vector<256x16xi32>
    %select_n3A_2442 = arith.select %eq3A_2439, %broadcast_in_dim3A_2441, %select_n3A_2389 : vector<256x16xi1>, vector<256x16xi32>
    %eq3A_2443 = vector.broadcast %broadcast_in_dim3A_2187 : vector<256x1xi32> to vector<256x2048xi32>
    %eq3A_2444 = arith.cmpi eq, %add3A_2172, %eq3A_2443 : vector<256x2048xi32>
    %jit3A_2445 = arith.constant 0x7F800000 : f32
    %broadcast_in_dim3A_2446 = vector.broadcast %jit3A_2445 : f32 to vector<256x2048xf32>
    %select_n3A_2447 = arith.select %eq3A_2444, %broadcast_in_dim3A_2446, %sqrt3A_2168 : vector<256x2048xi1>, vector<256x2048xf32>
    %eq3A_2448 = vector.broadcast %broadcast_in_dim3A_2215 : vector<256x1xi32> to vector<256x2048xi32>
    %eq3A_2449 = arith.cmpi eq, %add3A_2172, %eq3A_2448 : vector<256x2048xi32>
    %jit3A_2450 = arith.constant 0x7F800000 : f32
    %broadcast_in_dim3A_2451 = vector.broadcast %jit3A_2450 : f32 to vector<256x2048xf32>
    %select_n3A_2452 = arith.select %eq3A_2449, %broadcast_in_dim3A_2451, %select_n3A_2447 : vector<256x2048xi1>, vector<256x2048xf32>
    %eq3A_2453 = vector.broadcast %broadcast_in_dim3A_2248 : vector<256x1xi32> to vector<256x2048xi32>
    %eq3A_2454 = arith.cmpi eq, %add3A_2172, %eq3A_2453 : vector<256x2048xi32>
    %jit3A_2455 = arith.constant 0x7F800000 : f32
    %broadcast_in_dim3A_2456 = vector.broadcast %jit3A_2455 : f32 to vector<256x2048xf32>
    %select_n3A_2457 = arith.select %eq3A_2454, %broadcast_in_dim3A_2456, %select_n3A_2452 : vector<256x2048xi1>, vector<256x2048xf32>
    %eq3A_2458 = vector.broadcast %broadcast_in_dim3A_2286 : vector<256x1xi32> to vector<256x2048xi32>
    %eq3A_2459 = arith.cmpi eq, %add3A_2172, %eq3A_2458 : vector<256x2048xi32>
    %jit3A_2460 = arith.constant 0x7F800000 : f32
    %broadcast_in_dim3A_2461 = vector.broadcast %jit3A_2460 : f32 to vector<256x2048xf32>
    %select_n3A_2462 = arith.select %eq3A_2459, %broadcast_in_dim3A_2461, %select_n3A_2457 : vector<256x2048xi1>, vector<256x2048xf32>
    %eq3A_2463 = vector.broadcast %broadcast_in_dim3A_2329 : vector<256x1xi32> to vector<256x2048xi32>
    %eq3A_2464 = arith.cmpi eq, %add3A_2172, %eq3A_2463 : vector<256x2048xi32>
    %jit3A_2465 = arith.constant 0x7F800000 : f32
    %broadcast_in_dim3A_2466 = vector.broadcast %jit3A_2465 : f32 to vector<256x2048xf32>
    %select_n3A_2467 = arith.select %eq3A_2464, %broadcast_in_dim3A_2466, %select_n3A_2462 : vector<256x2048xi1>, vector<256x2048xf32>
    %eq3A_2468 = vector.broadcast %broadcast_in_dim3A_2377 : vector<256x1xi32> to vector<256x2048xi32>
    %eq3A_2469 = arith.cmpi eq, %add3A_2172, %eq3A_2468 : vector<256x2048xi32>
    %jit3A_2470 = arith.constant 0x7F800000 : f32
    %broadcast_in_dim3A_2471 = vector.broadcast %jit3A_2470 : f32 to vector<256x2048xf32>
    %select_n3A_2472 = arith.select %eq3A_2469, %broadcast_in_dim3A_2471, %select_n3A_2467 : vector<256x2048xi1>, vector<256x2048xf32>
    %eq3A_2473 = vector.broadcast %broadcast_in_dim3A_2430 : vector<256x1xi32> to vector<256x2048xi32>
    %eq3A_2474 = arith.cmpi eq, %add3A_2172, %eq3A_2473 : vector<256x2048xi32>
    %jit3A_2475 = arith.constant 0x7F800000 : f32
    %broadcast_in_dim3A_2476 = vector.broadcast %jit3A_2475 : f32 to vector<256x2048xf32>
    %select_n3A_2477 = arith.select %eq3A_2474, %broadcast_in_dim3A_2476, %select_n3A_2472 : vector<256x2048xi1>, vector<256x2048xf32>
    %reduce_min3A_2478 = arith.constant dense<0x7F800000> : vector<256xf32>
    %reduce_min3A_2479 = vector.multi_reduction <minimumf>, %select_n3A_2477, %reduce_min3A_2478 [1] : vector<256x2048xf32> to vector<256xf32>
    %broadcast_in_dim3A_2480 = vector.shape_cast %reduce_min3A_2479 : vector<256xf32> to vector<256x1xf32>
    %eq3A_2481 = vector.broadcast %broadcast_in_dim3A_2480 : vector<256x1xf32> to vector<256x2048xf32>
    %eq3A_2482 = arith.cmpf oeq, %select_n3A_2477, %eq3A_2481 : vector<256x2048xf32>
    %jit3A_2483 = arith.constant 1073741824 : i32
    %broadcast_in_dim3A_2484 = vector.broadcast %jit3A_2483 : i32 to vector<256x2048xi32>
    %select_n3A_2485 = arith.select %eq3A_2482, %add3A_2172, %broadcast_in_dim3A_2484 : vector<256x2048xi1>, vector<256x2048xi32>
    %reduce_min3A_2486 = arith.constant dense<2147483647> : vector<256xi32>
    %reduce_min3A_2487 = vector.multi_reduction <minsi>, %select_n3A_2485, %reduce_min3A_2486 [1] : vector<256x2048xi32> to vector<256xi32>
    %broadcast_in_dim3A_2488 = vector.shape_cast %reduce_min3A_2487 : vector<256xi32> to vector<256x1xi32>
    %eq3A_2489 = arith.constant 7 : i32
    %eq3A_2490 = vector.broadcast %eq3A_2489 : i32 to vector<256x16xi32>
    %eq3A_2491 = arith.cmpi eq, %iota3A, %eq3A_2490 : vector<256x16xi32>
    %broadcast_in_dim3A_2492 = vector.shape_cast %broadcast_in_dim3A_2480 : vector<256x1xf32> to vector<256x1xf32>
    %broadcast_in_dim3A_2493 = vector.broadcast %broadcast_in_dim3A_2492 : vector<256x1xf32> to vector<256x16xf32>
    %select_n3A_2494 = arith.select %eq3A_2491, %broadcast_in_dim3A_2493, %select_n3A_2436 : vector<256x16xi1>, vector<256x16xf32>
    %eq3A_2495 = arith.constant 7 : i32
    %eq3A_2496 = vector.broadcast %eq3A_2495 : i32 to vector<256x16xi32>
    %eq3A_2497 = arith.cmpi eq, %iota3A, %eq3A_2496 : vector<256x16xi32>
    %broadcast_in_dim3A_2498 = vector.shape_cast %broadcast_in_dim3A_2488 : vector<256x1xi32> to vector<256x1xi32>
    %broadcast_in_dim3A_2499 = vector.broadcast %broadcast_in_dim3A_2498 : vector<256x1xi32> to vector<256x16xi32>
    %select_n3A_2500 = arith.select %eq3A_2497, %broadcast_in_dim3A_2499, %select_n3A_2442 : vector<256x16xi1>, vector<256x16xi32>
    %eq3A_2501 = vector.broadcast %broadcast_in_dim3A_2187 : vector<256x1xi32> to vector<256x2048xi32>
    %eq3A_2502 = arith.cmpi eq, %add3A_2172, %eq3A_2501 : vector<256x2048xi32>
    %eq3A_2503 = vector.broadcast %broadcast_in_dim3A_2215 : vector<256x1xi32> to vector<256x2048xi32>
    %eq3A_2504 = arith.cmpi eq, %add3A_2172, %eq3A_2503 : vector<256x2048xi32>
    %or3A_2505 = arith.ori %eq3A_2502, %eq3A_2504 : vector<256x2048xi1>
    %eq3A_2506 = vector.broadcast %broadcast_in_dim3A_2248 : vector<256x1xi32> to vector<256x2048xi32>
    %eq3A_2507 = arith.cmpi eq, %add3A_2172, %eq3A_2506 : vector<256x2048xi32>
    %or3A_2508 = arith.ori %or3A_2505, %eq3A_2507 : vector<256x2048xi1>
    %eq3A_2509 = vector.broadcast %broadcast_in_dim3A_2286 : vector<256x1xi32> to vector<256x2048xi32>
    %eq3A_2510 = arith.cmpi eq, %add3A_2172, %eq3A_2509 : vector<256x2048xi32>
    %or3A_2511 = arith.ori %or3A_2508, %eq3A_2510 : vector<256x2048xi1>
    %eq3A_2512 = vector.broadcast %broadcast_in_dim3A_2329 : vector<256x1xi32> to vector<256x2048xi32>
    %eq3A_2513 = arith.cmpi eq, %add3A_2172, %eq3A_2512 : vector<256x2048xi32>
    %or3A_2514 = arith.ori %or3A_2511, %eq3A_2513 : vector<256x2048xi1>
    %eq3A_2515 = vector.broadcast %broadcast_in_dim3A_2377 : vector<256x1xi32> to vector<256x2048xi32>
    %eq3A_2516 = arith.cmpi eq, %add3A_2172, %eq3A_2515 : vector<256x2048xi32>
    %or3A_2517 = arith.ori %or3A_2514, %eq3A_2516 : vector<256x2048xi1>
    %eq3A_2518 = vector.broadcast %broadcast_in_dim3A_2430 : vector<256x1xi32> to vector<256x2048xi32>
    %eq3A_2519 = arith.cmpi eq, %add3A_2172, %eq3A_2518 : vector<256x2048xi32>
    %or3A_2520 = arith.ori %or3A_2517, %eq3A_2519 : vector<256x2048xi1>
    %eq3A_2521 = vector.broadcast %broadcast_in_dim3A_2488 : vector<256x1xi32> to vector<256x2048xi32>
    %eq3A_2522 = arith.cmpi eq, %add3A_2172, %eq3A_2521 : vector<256x2048xi32>
    %or3A_2523 = arith.ori %or3A_2520, %eq3A_2522 : vector<256x2048xi1>
    %jit3A_2524 = arith.constant 0x7F800000 : f32
    %broadcast_in_dim3A_2525 = vector.broadcast %jit3A_2524 : f32 to vector<256x2048xf32>
    %select_n3A_2526 = arith.select %or3A_2523, %broadcast_in_dim3A_2525, %sqrt3A_2168 : vector<256x2048xi1>, vector<256x2048xf32>
    %reduce_min3A_2527 = arith.constant dense<0x7F800000> : vector<256xf32>
    %reduce_min3A_2528 = vector.multi_reduction <minimumf>, %select_n3A_2526, %reduce_min3A_2527 [1] : vector<256x2048xf32> to vector<256xf32>
    %broadcast_in_dim3A_2529 = vector.shape_cast %reduce_min3A_2528 : vector<256xf32> to vector<256x1xf32>
    %eq3A_2530 = vector.broadcast %broadcast_in_dim3A_2529 : vector<256x1xf32> to vector<256x2048xf32>
    %eq3A_2531 = arith.cmpf oeq, %select_n3A_2526, %eq3A_2530 : vector<256x2048xf32>
    %jit3A_2532 = arith.constant 1073741824 : i32
    %broadcast_in_dim3A_2533 = vector.broadcast %jit3A_2532 : i32 to vector<256x2048xi32>
    %select_n3A_2534 = arith.select %eq3A_2531, %add3A_2172, %broadcast_in_dim3A_2533 : vector<256x2048xi1>, vector<256x2048xi32>
    %reduce_min3A_2535 = arith.constant dense<2147483647> : vector<256xi32>
    %reduce_min3A_2536 = vector.multi_reduction <minsi>, %select_n3A_2534, %reduce_min3A_2535 [1] : vector<256x2048xi32> to vector<256xi32>
    %broadcast_in_dim3A_2537 = vector.shape_cast %reduce_min3A_2536 : vector<256xi32> to vector<256x1xi32>
    %eq3A_2538 = arith.constant 8 : i32
    %eq3A_2539 = vector.broadcast %eq3A_2538 : i32 to vector<256x16xi32>
    %eq3A_2540 = arith.cmpi eq, %iota3A, %eq3A_2539 : vector<256x16xi32>
    %broadcast_in_dim3A_2541 = vector.shape_cast %broadcast_in_dim3A_2529 : vector<256x1xf32> to vector<256x1xf32>
    %broadcast_in_dim3A_2542 = vector.broadcast %broadcast_in_dim3A_2541 : vector<256x1xf32> to vector<256x16xf32>
    %select_n3A_2543 = arith.select %eq3A_2540, %broadcast_in_dim3A_2542, %select_n3A_2494 : vector<256x16xi1>, vector<256x16xf32>
    %eq3A_2544 = arith.constant 8 : i32
    %eq3A_2545 = vector.broadcast %eq3A_2544 : i32 to vector<256x16xi32>
    %eq3A_2546 = arith.cmpi eq, %iota3A, %eq3A_2545 : vector<256x16xi32>
    %broadcast_in_dim3A_2547 = vector.shape_cast %broadcast_in_dim3A_2537 : vector<256x1xi32> to vector<256x1xi32>
    %broadcast_in_dim3A_2548 = vector.broadcast %broadcast_in_dim3A_2547 : vector<256x1xi32> to vector<256x16xi32>
    %select_n3A_2549 = arith.select %eq3A_2546, %broadcast_in_dim3A_2548, %select_n3A_2500 : vector<256x16xi1>, vector<256x16xi32>
    %eq3A_2550 = vector.broadcast %broadcast_in_dim3A_2537 : vector<256x1xi32> to vector<256x2048xi32>
    %eq3A_2551 = arith.cmpi eq, %add3A_2172, %eq3A_2550 : vector<256x2048xi32>
    %jit3A_2552 = arith.constant 0x7F800000 : f32
    %broadcast_in_dim3A_2553 = vector.broadcast %jit3A_2552 : f32 to vector<256x2048xf32>
    %select_n3A_2554 = arith.select %eq3A_2551, %broadcast_in_dim3A_2553, %select_n3A_2526 : vector<256x2048xi1>, vector<256x2048xf32>
    %reduce_min3A_2555 = arith.constant dense<0x7F800000> : vector<256xf32>
    %reduce_min3A_2556 = vector.multi_reduction <minimumf>, %select_n3A_2554, %reduce_min3A_2555 [1] : vector<256x2048xf32> to vector<256xf32>
    %broadcast_in_dim3A_2557 = vector.shape_cast %reduce_min3A_2556 : vector<256xf32> to vector<256x1xf32>
    %eq3A_2558 = vector.broadcast %broadcast_in_dim3A_2557 : vector<256x1xf32> to vector<256x2048xf32>
    %eq3A_2559 = arith.cmpf oeq, %select_n3A_2554, %eq3A_2558 : vector<256x2048xf32>
    %jit3A_2560 = arith.constant 1073741824 : i32
    %broadcast_in_dim3A_2561 = vector.broadcast %jit3A_2560 : i32 to vector<256x2048xi32>
    %select_n3A_2562 = arith.select %eq3A_2559, %add3A_2172, %broadcast_in_dim3A_2561 : vector<256x2048xi1>, vector<256x2048xi32>
    %reduce_min3A_2563 = arith.constant dense<2147483647> : vector<256xi32>
    %reduce_min3A_2564 = vector.multi_reduction <minsi>, %select_n3A_2562, %reduce_min3A_2563 [1] : vector<256x2048xi32> to vector<256xi32>
    %broadcast_in_dim3A_2565 = vector.shape_cast %reduce_min3A_2564 : vector<256xi32> to vector<256x1xi32>
    %eq3A_2566 = arith.constant 9 : i32
    %eq3A_2567 = vector.broadcast %eq3A_2566 : i32 to vector<256x16xi32>
    %eq3A_2568 = arith.cmpi eq, %iota3A, %eq3A_2567 : vector<256x16xi32>
    %broadcast_in_dim3A_2569 = vector.shape_cast %broadcast_in_dim3A_2557 : vector<256x1xf32> to vector<256x1xf32>
    %broadcast_in_dim3A_2570 = vector.broadcast %broadcast_in_dim3A_2569 : vector<256x1xf32> to vector<256x16xf32>
    %select_n3A_2571 = arith.select %eq3A_2568, %broadcast_in_dim3A_2570, %select_n3A_2543 : vector<256x16xi1>, vector<256x16xf32>
    %eq3A_2572 = arith.constant 9 : i32
    %eq3A_2573 = vector.broadcast %eq3A_2572 : i32 to vector<256x16xi32>
    %eq3A_2574 = arith.cmpi eq, %iota3A, %eq3A_2573 : vector<256x16xi32>
    %broadcast_in_dim3A_2575 = vector.shape_cast %broadcast_in_dim3A_2565 : vector<256x1xi32> to vector<256x1xi32>
    %broadcast_in_dim3A_2576 = vector.broadcast %broadcast_in_dim3A_2575 : vector<256x1xi32> to vector<256x16xi32>
    %select_n3A_2577 = arith.select %eq3A_2574, %broadcast_in_dim3A_2576, %select_n3A_2549 : vector<256x16xi1>, vector<256x16xi32>
    %eq3A_2578 = vector.broadcast %broadcast_in_dim3A_2537 : vector<256x1xi32> to vector<256x2048xi32>
    %eq3A_2579 = arith.cmpi eq, %add3A_2172, %eq3A_2578 : vector<256x2048xi32>
    %jit3A_2580 = arith.constant 0x7F800000 : f32
    %broadcast_in_dim3A_2581 = vector.broadcast %jit3A_2580 : f32 to vector<256x2048xf32>
    %select_n3A_2582 = arith.select %eq3A_2579, %broadcast_in_dim3A_2581, %select_n3A_2526 : vector<256x2048xi1>, vector<256x2048xf32>
    %eq3A_2583 = vector.broadcast %broadcast_in_dim3A_2565 : vector<256x1xi32> to vector<256x2048xi32>
    %eq3A_2584 = arith.cmpi eq, %add3A_2172, %eq3A_2583 : vector<256x2048xi32>
    %jit3A_2585 = arith.constant 0x7F800000 : f32
    %broadcast_in_dim3A_2586 = vector.broadcast %jit3A_2585 : f32 to vector<256x2048xf32>
    %select_n3A_2587 = arith.select %eq3A_2584, %broadcast_in_dim3A_2586, %select_n3A_2582 : vector<256x2048xi1>, vector<256x2048xf32>
    %reduce_min3A_2588 = arith.constant dense<0x7F800000> : vector<256xf32>
    %reduce_min3A_2589 = vector.multi_reduction <minimumf>, %select_n3A_2587, %reduce_min3A_2588 [1] : vector<256x2048xf32> to vector<256xf32>
    %broadcast_in_dim3A_2590 = vector.shape_cast %reduce_min3A_2589 : vector<256xf32> to vector<256x1xf32>
    %eq3A_2591 = vector.broadcast %broadcast_in_dim3A_2590 : vector<256x1xf32> to vector<256x2048xf32>
    %eq3A_2592 = arith.cmpf oeq, %select_n3A_2587, %eq3A_2591 : vector<256x2048xf32>
    %jit3A_2593 = arith.constant 1073741824 : i32
    %broadcast_in_dim3A_2594 = vector.broadcast %jit3A_2593 : i32 to vector<256x2048xi32>
    %select_n3A_2595 = arith.select %eq3A_2592, %add3A_2172, %broadcast_in_dim3A_2594 : vector<256x2048xi1>, vector<256x2048xi32>
    %reduce_min3A_2596 = arith.constant dense<2147483647> : vector<256xi32>
    %reduce_min3A_2597 = vector.multi_reduction <minsi>, %select_n3A_2595, %reduce_min3A_2596 [1] : vector<256x2048xi32> to vector<256xi32>
    %broadcast_in_dim3A_2598 = vector.shape_cast %reduce_min3A_2597 : vector<256xi32> to vector<256x1xi32>
    %eq3A_2599 = arith.constant 10 : i32
    %eq3A_2600 = vector.broadcast %eq3A_2599 : i32 to vector<256x16xi32>
    %eq3A_2601 = arith.cmpi eq, %iota3A, %eq3A_2600 : vector<256x16xi32>
    %broadcast_in_dim3A_2602 = vector.shape_cast %broadcast_in_dim3A_2590 : vector<256x1xf32> to vector<256x1xf32>
    %broadcast_in_dim3A_2603 = vector.broadcast %broadcast_in_dim3A_2602 : vector<256x1xf32> to vector<256x16xf32>
    %select_n3A_2604 = arith.select %eq3A_2601, %broadcast_in_dim3A_2603, %select_n3A_2571 : vector<256x16xi1>, vector<256x16xf32>
    %eq3A_2605 = arith.constant 10 : i32
    %eq3A_2606 = vector.broadcast %eq3A_2605 : i32 to vector<256x16xi32>
    %eq3A_2607 = arith.cmpi eq, %iota3A, %eq3A_2606 : vector<256x16xi32>
    %broadcast_in_dim3A_2608 = vector.shape_cast %broadcast_in_dim3A_2598 : vector<256x1xi32> to vector<256x1xi32>
    %broadcast_in_dim3A_2609 = vector.broadcast %broadcast_in_dim3A_2608 : vector<256x1xi32> to vector<256x16xi32>
    %select_n3A_2610 = arith.select %eq3A_2607, %broadcast_in_dim3A_2609, %select_n3A_2577 : vector<256x16xi1>, vector<256x16xi32>
    %eq3A_2611 = vector.broadcast %broadcast_in_dim3A_2537 : vector<256x1xi32> to vector<256x2048xi32>
    %eq3A_2612 = arith.cmpi eq, %add3A_2172, %eq3A_2611 : vector<256x2048xi32>
    %jit3A_2613 = arith.constant 0x7F800000 : f32
    %broadcast_in_dim3A_2614 = vector.broadcast %jit3A_2613 : f32 to vector<256x2048xf32>
    %select_n3A_2615 = arith.select %eq3A_2612, %broadcast_in_dim3A_2614, %select_n3A_2526 : vector<256x2048xi1>, vector<256x2048xf32>
    %eq3A_2616 = vector.broadcast %broadcast_in_dim3A_2565 : vector<256x1xi32> to vector<256x2048xi32>
    %eq3A_2617 = arith.cmpi eq, %add3A_2172, %eq3A_2616 : vector<256x2048xi32>
    %jit3A_2618 = arith.constant 0x7F800000 : f32
    %broadcast_in_dim3A_2619 = vector.broadcast %jit3A_2618 : f32 to vector<256x2048xf32>
    %select_n3A_2620 = arith.select %eq3A_2617, %broadcast_in_dim3A_2619, %select_n3A_2615 : vector<256x2048xi1>, vector<256x2048xf32>
    %eq3A_2621 = vector.broadcast %broadcast_in_dim3A_2598 : vector<256x1xi32> to vector<256x2048xi32>
    %eq3A_2622 = arith.cmpi eq, %add3A_2172, %eq3A_2621 : vector<256x2048xi32>
    %jit3A_2623 = arith.constant 0x7F800000 : f32
    %broadcast_in_dim3A_2624 = vector.broadcast %jit3A_2623 : f32 to vector<256x2048xf32>
    %select_n3A_2625 = arith.select %eq3A_2622, %broadcast_in_dim3A_2624, %select_n3A_2620 : vector<256x2048xi1>, vector<256x2048xf32>
    %reduce_min3A_2626 = arith.constant dense<0x7F800000> : vector<256xf32>
    %reduce_min3A_2627 = vector.multi_reduction <minimumf>, %select_n3A_2625, %reduce_min3A_2626 [1] : vector<256x2048xf32> to vector<256xf32>
    %broadcast_in_dim3A_2628 = vector.shape_cast %reduce_min3A_2627 : vector<256xf32> to vector<256x1xf32>
    %eq3A_2629 = vector.broadcast %broadcast_in_dim3A_2628 : vector<256x1xf32> to vector<256x2048xf32>
    %eq3A_2630 = arith.cmpf oeq, %select_n3A_2625, %eq3A_2629 : vector<256x2048xf32>
    %jit3A_2631 = arith.constant 1073741824 : i32
    %broadcast_in_dim3A_2632 = vector.broadcast %jit3A_2631 : i32 to vector<256x2048xi32>
    %select_n3A_2633 = arith.select %eq3A_2630, %add3A_2172, %broadcast_in_dim3A_2632 : vector<256x2048xi1>, vector<256x2048xi32>
    %reduce_min3A_2634 = arith.constant dense<2147483647> : vector<256xi32>
    %reduce_min3A_2635 = vector.multi_reduction <minsi>, %select_n3A_2633, %reduce_min3A_2634 [1] : vector<256x2048xi32> to vector<256xi32>
    %broadcast_in_dim3A_2636 = vector.shape_cast %reduce_min3A_2635 : vector<256xi32> to vector<256x1xi32>
    %eq3A_2637 = arith.constant 11 : i32
    %eq3A_2638 = vector.broadcast %eq3A_2637 : i32 to vector<256x16xi32>
    %eq3A_2639 = arith.cmpi eq, %iota3A, %eq3A_2638 : vector<256x16xi32>
    %broadcast_in_dim3A_2640 = vector.shape_cast %broadcast_in_dim3A_2628 : vector<256x1xf32> to vector<256x1xf32>
    %broadcast_in_dim3A_2641 = vector.broadcast %broadcast_in_dim3A_2640 : vector<256x1xf32> to vector<256x16xf32>
    %select_n3A_2642 = arith.select %eq3A_2639, %broadcast_in_dim3A_2641, %select_n3A_2604 : vector<256x16xi1>, vector<256x16xf32>
    %eq3A_2643 = arith.constant 11 : i32
    %eq3A_2644 = vector.broadcast %eq3A_2643 : i32 to vector<256x16xi32>
    %eq3A_2645 = arith.cmpi eq, %iota3A, %eq3A_2644 : vector<256x16xi32>
    %broadcast_in_dim3A_2646 = vector.shape_cast %broadcast_in_dim3A_2636 : vector<256x1xi32> to vector<256x1xi32>
    %broadcast_in_dim3A_2647 = vector.broadcast %broadcast_in_dim3A_2646 : vector<256x1xi32> to vector<256x16xi32>
    %select_n3A_2648 = arith.select %eq3A_2645, %broadcast_in_dim3A_2647, %select_n3A_2610 : vector<256x16xi1>, vector<256x16xi32>
    %eq3A_2649 = vector.broadcast %broadcast_in_dim3A_2537 : vector<256x1xi32> to vector<256x2048xi32>
    %eq3A_2650 = arith.cmpi eq, %add3A_2172, %eq3A_2649 : vector<256x2048xi32>
    %jit3A_2651 = arith.constant 0x7F800000 : f32
    %broadcast_in_dim3A_2652 = vector.broadcast %jit3A_2651 : f32 to vector<256x2048xf32>
    %select_n3A_2653 = arith.select %eq3A_2650, %broadcast_in_dim3A_2652, %select_n3A_2526 : vector<256x2048xi1>, vector<256x2048xf32>
    %eq3A_2654 = vector.broadcast %broadcast_in_dim3A_2565 : vector<256x1xi32> to vector<256x2048xi32>
    %eq3A_2655 = arith.cmpi eq, %add3A_2172, %eq3A_2654 : vector<256x2048xi32>
    %jit3A_2656 = arith.constant 0x7F800000 : f32
    %broadcast_in_dim3A_2657 = vector.broadcast %jit3A_2656 : f32 to vector<256x2048xf32>
    %select_n3A_2658 = arith.select %eq3A_2655, %broadcast_in_dim3A_2657, %select_n3A_2653 : vector<256x2048xi1>, vector<256x2048xf32>
    %eq3A_2659 = vector.broadcast %broadcast_in_dim3A_2598 : vector<256x1xi32> to vector<256x2048xi32>
    %eq3A_2660 = arith.cmpi eq, %add3A_2172, %eq3A_2659 : vector<256x2048xi32>
    %jit3A_2661 = arith.constant 0x7F800000 : f32
    %broadcast_in_dim3A_2662 = vector.broadcast %jit3A_2661 : f32 to vector<256x2048xf32>
    %select_n3A_2663 = arith.select %eq3A_2660, %broadcast_in_dim3A_2662, %select_n3A_2658 : vector<256x2048xi1>, vector<256x2048xf32>
    %eq3A_2664 = vector.broadcast %broadcast_in_dim3A_2636 : vector<256x1xi32> to vector<256x2048xi32>
    %eq3A_2665 = arith.cmpi eq, %add3A_2172, %eq3A_2664 : vector<256x2048xi32>
    %jit3A_2666 = arith.constant 0x7F800000 : f32
    %broadcast_in_dim3A_2667 = vector.broadcast %jit3A_2666 : f32 to vector<256x2048xf32>
    %select_n3A_2668 = arith.select %eq3A_2665, %broadcast_in_dim3A_2667, %select_n3A_2663 : vector<256x2048xi1>, vector<256x2048xf32>
    %reduce_min3A_2669 = arith.constant dense<0x7F800000> : vector<256xf32>
    %reduce_min3A_2670 = vector.multi_reduction <minimumf>, %select_n3A_2668, %reduce_min3A_2669 [1] : vector<256x2048xf32> to vector<256xf32>
    %broadcast_in_dim3A_2671 = vector.shape_cast %reduce_min3A_2670 : vector<256xf32> to vector<256x1xf32>
    %eq3A_2672 = vector.broadcast %broadcast_in_dim3A_2671 : vector<256x1xf32> to vector<256x2048xf32>
    %eq3A_2673 = arith.cmpf oeq, %select_n3A_2668, %eq3A_2672 : vector<256x2048xf32>
    %jit3A_2674 = arith.constant 1073741824 : i32
    %broadcast_in_dim3A_2675 = vector.broadcast %jit3A_2674 : i32 to vector<256x2048xi32>
    %select_n3A_2676 = arith.select %eq3A_2673, %add3A_2172, %broadcast_in_dim3A_2675 : vector<256x2048xi1>, vector<256x2048xi32>
    %reduce_min3A_2677 = arith.constant dense<2147483647> : vector<256xi32>
    %reduce_min3A_2678 = vector.multi_reduction <minsi>, %select_n3A_2676, %reduce_min3A_2677 [1] : vector<256x2048xi32> to vector<256xi32>
    %broadcast_in_dim3A_2679 = vector.shape_cast %reduce_min3A_2678 : vector<256xi32> to vector<256x1xi32>
    %eq3A_2680 = arith.constant 12 : i32
    %eq3A_2681 = vector.broadcast %eq3A_2680 : i32 to vector<256x16xi32>
    %eq3A_2682 = arith.cmpi eq, %iota3A, %eq3A_2681 : vector<256x16xi32>
    %broadcast_in_dim3A_2683 = vector.shape_cast %broadcast_in_dim3A_2671 : vector<256x1xf32> to vector<256x1xf32>
    %broadcast_in_dim3A_2684 = vector.broadcast %broadcast_in_dim3A_2683 : vector<256x1xf32> to vector<256x16xf32>
    %select_n3A_2685 = arith.select %eq3A_2682, %broadcast_in_dim3A_2684, %select_n3A_2642 : vector<256x16xi1>, vector<256x16xf32>
    %eq3A_2686 = arith.constant 12 : i32
    %eq3A_2687 = vector.broadcast %eq3A_2686 : i32 to vector<256x16xi32>
    %eq3A_2688 = arith.cmpi eq, %iota3A, %eq3A_2687 : vector<256x16xi32>
    %broadcast_in_dim3A_2689 = vector.shape_cast %broadcast_in_dim3A_2679 : vector<256x1xi32> to vector<256x1xi32>
    %broadcast_in_dim3A_2690 = vector.broadcast %broadcast_in_dim3A_2689 : vector<256x1xi32> to vector<256x16xi32>
    %select_n3A_2691 = arith.select %eq3A_2688, %broadcast_in_dim3A_2690, %select_n3A_2648 : vector<256x16xi1>, vector<256x16xi32>
    %eq3A_2692 = vector.broadcast %broadcast_in_dim3A_2537 : vector<256x1xi32> to vector<256x2048xi32>
    %eq3A_2693 = arith.cmpi eq, %add3A_2172, %eq3A_2692 : vector<256x2048xi32>
    %jit3A_2694 = arith.constant 0x7F800000 : f32
    %broadcast_in_dim3A_2695 = vector.broadcast %jit3A_2694 : f32 to vector<256x2048xf32>
    %select_n3A_2696 = arith.select %eq3A_2693, %broadcast_in_dim3A_2695, %select_n3A_2526 : vector<256x2048xi1>, vector<256x2048xf32>
    %eq3A_2697 = vector.broadcast %broadcast_in_dim3A_2565 : vector<256x1xi32> to vector<256x2048xi32>
    %eq3A_2698 = arith.cmpi eq, %add3A_2172, %eq3A_2697 : vector<256x2048xi32>
    %jit3A_2699 = arith.constant 0x7F800000 : f32
    %broadcast_in_dim3A_2700 = vector.broadcast %jit3A_2699 : f32 to vector<256x2048xf32>
    %select_n3A_2701 = arith.select %eq3A_2698, %broadcast_in_dim3A_2700, %select_n3A_2696 : vector<256x2048xi1>, vector<256x2048xf32>
    %eq3A_2702 = vector.broadcast %broadcast_in_dim3A_2598 : vector<256x1xi32> to vector<256x2048xi32>
    %eq3A_2703 = arith.cmpi eq, %add3A_2172, %eq3A_2702 : vector<256x2048xi32>
    %jit3A_2704 = arith.constant 0x7F800000 : f32
    %broadcast_in_dim3A_2705 = vector.broadcast %jit3A_2704 : f32 to vector<256x2048xf32>
    %select_n3A_2706 = arith.select %eq3A_2703, %broadcast_in_dim3A_2705, %select_n3A_2701 : vector<256x2048xi1>, vector<256x2048xf32>
    %eq3A_2707 = vector.broadcast %broadcast_in_dim3A_2636 : vector<256x1xi32> to vector<256x2048xi32>
    %eq3A_2708 = arith.cmpi eq, %add3A_2172, %eq3A_2707 : vector<256x2048xi32>
    %jit3A_2709 = arith.constant 0x7F800000 : f32
    %broadcast_in_dim3A_2710 = vector.broadcast %jit3A_2709 : f32 to vector<256x2048xf32>
    %select_n3A_2711 = arith.select %eq3A_2708, %broadcast_in_dim3A_2710, %select_n3A_2706 : vector<256x2048xi1>, vector<256x2048xf32>
    %eq3A_2712 = vector.broadcast %broadcast_in_dim3A_2679 : vector<256x1xi32> to vector<256x2048xi32>
    %eq3A_2713 = arith.cmpi eq, %add3A_2172, %eq3A_2712 : vector<256x2048xi32>
    %jit3A_2714 = arith.constant 0x7F800000 : f32
    %broadcast_in_dim3A_2715 = vector.broadcast %jit3A_2714 : f32 to vector<256x2048xf32>
    %select_n3A_2716 = arith.select %eq3A_2713, %broadcast_in_dim3A_2715, %select_n3A_2711 : vector<256x2048xi1>, vector<256x2048xf32>
    %reduce_min3A_2717 = arith.constant dense<0x7F800000> : vector<256xf32>
    %reduce_min3A_2718 = vector.multi_reduction <minimumf>, %select_n3A_2716, %reduce_min3A_2717 [1] : vector<256x2048xf32> to vector<256xf32>
    %broadcast_in_dim3A_2719 = vector.shape_cast %reduce_min3A_2718 : vector<256xf32> to vector<256x1xf32>
    %eq3A_2720 = vector.broadcast %broadcast_in_dim3A_2719 : vector<256x1xf32> to vector<256x2048xf32>
    %eq3A_2721 = arith.cmpf oeq, %select_n3A_2716, %eq3A_2720 : vector<256x2048xf32>
    %jit3A_2722 = arith.constant 1073741824 : i32
    %broadcast_in_dim3A_2723 = vector.broadcast %jit3A_2722 : i32 to vector<256x2048xi32>
    %select_n3A_2724 = arith.select %eq3A_2721, %add3A_2172, %broadcast_in_dim3A_2723 : vector<256x2048xi1>, vector<256x2048xi32>
    %reduce_min3A_2725 = arith.constant dense<2147483647> : vector<256xi32>
    %reduce_min3A_2726 = vector.multi_reduction <minsi>, %select_n3A_2724, %reduce_min3A_2725 [1] : vector<256x2048xi32> to vector<256xi32>
    %broadcast_in_dim3A_2727 = vector.shape_cast %reduce_min3A_2726 : vector<256xi32> to vector<256x1xi32>
    %eq3A_2728 = arith.constant 13 : i32
    %eq3A_2729 = vector.broadcast %eq3A_2728 : i32 to vector<256x16xi32>
    %eq3A_2730 = arith.cmpi eq, %iota3A, %eq3A_2729 : vector<256x16xi32>
    %broadcast_in_dim3A_2731 = vector.shape_cast %broadcast_in_dim3A_2719 : vector<256x1xf32> to vector<256x1xf32>
    %broadcast_in_dim3A_2732 = vector.broadcast %broadcast_in_dim3A_2731 : vector<256x1xf32> to vector<256x16xf32>
    %select_n3A_2733 = arith.select %eq3A_2730, %broadcast_in_dim3A_2732, %select_n3A_2685 : vector<256x16xi1>, vector<256x16xf32>
    %eq3A_2734 = arith.constant 13 : i32
    %eq3A_2735 = vector.broadcast %eq3A_2734 : i32 to vector<256x16xi32>
    %eq3A_2736 = arith.cmpi eq, %iota3A, %eq3A_2735 : vector<256x16xi32>
    %broadcast_in_dim3A_2737 = vector.shape_cast %broadcast_in_dim3A_2727 : vector<256x1xi32> to vector<256x1xi32>
    %broadcast_in_dim3A_2738 = vector.broadcast %broadcast_in_dim3A_2737 : vector<256x1xi32> to vector<256x16xi32>
    %select_n3A_2739 = arith.select %eq3A_2736, %broadcast_in_dim3A_2738, %select_n3A_2691 : vector<256x16xi1>, vector<256x16xi32>
    %eq3A_2740 = vector.broadcast %broadcast_in_dim3A_2537 : vector<256x1xi32> to vector<256x2048xi32>
    %eq3A_2741 = arith.cmpi eq, %add3A_2172, %eq3A_2740 : vector<256x2048xi32>
    %jit3A_2742 = arith.constant 0x7F800000 : f32
    %broadcast_in_dim3A_2743 = vector.broadcast %jit3A_2742 : f32 to vector<256x2048xf32>
    %select_n3A_2744 = arith.select %eq3A_2741, %broadcast_in_dim3A_2743, %select_n3A_2526 : vector<256x2048xi1>, vector<256x2048xf32>
    %eq3A_2745 = vector.broadcast %broadcast_in_dim3A_2565 : vector<256x1xi32> to vector<256x2048xi32>
    %eq3A_2746 = arith.cmpi eq, %add3A_2172, %eq3A_2745 : vector<256x2048xi32>
    %jit3A_2747 = arith.constant 0x7F800000 : f32
    %broadcast_in_dim3A_2748 = vector.broadcast %jit3A_2747 : f32 to vector<256x2048xf32>
    %select_n3A_2749 = arith.select %eq3A_2746, %broadcast_in_dim3A_2748, %select_n3A_2744 : vector<256x2048xi1>, vector<256x2048xf32>
    %eq3A_2750 = vector.broadcast %broadcast_in_dim3A_2598 : vector<256x1xi32> to vector<256x2048xi32>
    %eq3A_2751 = arith.cmpi eq, %add3A_2172, %eq3A_2750 : vector<256x2048xi32>
    %jit3A_2752 = arith.constant 0x7F800000 : f32
    %broadcast_in_dim3A_2753 = vector.broadcast %jit3A_2752 : f32 to vector<256x2048xf32>
    %select_n3A_2754 = arith.select %eq3A_2751, %broadcast_in_dim3A_2753, %select_n3A_2749 : vector<256x2048xi1>, vector<256x2048xf32>
    %eq3A_2755 = vector.broadcast %broadcast_in_dim3A_2636 : vector<256x1xi32> to vector<256x2048xi32>
    %eq3A_2756 = arith.cmpi eq, %add3A_2172, %eq3A_2755 : vector<256x2048xi32>
    %jit3A_2757 = arith.constant 0x7F800000 : f32
    %broadcast_in_dim3A_2758 = vector.broadcast %jit3A_2757 : f32 to vector<256x2048xf32>
    %select_n3A_2759 = arith.select %eq3A_2756, %broadcast_in_dim3A_2758, %select_n3A_2754 : vector<256x2048xi1>, vector<256x2048xf32>
    %eq3A_2760 = vector.broadcast %broadcast_in_dim3A_2679 : vector<256x1xi32> to vector<256x2048xi32>
    %eq3A_2761 = arith.cmpi eq, %add3A_2172, %eq3A_2760 : vector<256x2048xi32>
    %jit3A_2762 = arith.constant 0x7F800000 : f32
    %broadcast_in_dim3A_2763 = vector.broadcast %jit3A_2762 : f32 to vector<256x2048xf32>
    %select_n3A_2764 = arith.select %eq3A_2761, %broadcast_in_dim3A_2763, %select_n3A_2759 : vector<256x2048xi1>, vector<256x2048xf32>
    %eq3A_2765 = vector.broadcast %broadcast_in_dim3A_2727 : vector<256x1xi32> to vector<256x2048xi32>
    %eq3A_2766 = arith.cmpi eq, %add3A_2172, %eq3A_2765 : vector<256x2048xi32>
    %jit3A_2767 = arith.constant 0x7F800000 : f32
    %broadcast_in_dim3A_2768 = vector.broadcast %jit3A_2767 : f32 to vector<256x2048xf32>
    %select_n3A_2769 = arith.select %eq3A_2766, %broadcast_in_dim3A_2768, %select_n3A_2764 : vector<256x2048xi1>, vector<256x2048xf32>
    %reduce_min3A_2770 = arith.constant dense<0x7F800000> : vector<256xf32>
    %reduce_min3A_2771 = vector.multi_reduction <minimumf>, %select_n3A_2769, %reduce_min3A_2770 [1] : vector<256x2048xf32> to vector<256xf32>
    %broadcast_in_dim3A_2772 = vector.shape_cast %reduce_min3A_2771 : vector<256xf32> to vector<256x1xf32>
    %eq3A_2773 = vector.broadcast %broadcast_in_dim3A_2772 : vector<256x1xf32> to vector<256x2048xf32>
    %eq3A_2774 = arith.cmpf oeq, %select_n3A_2769, %eq3A_2773 : vector<256x2048xf32>
    %jit3A_2775 = arith.constant 1073741824 : i32
    %broadcast_in_dim3A_2776 = vector.broadcast %jit3A_2775 : i32 to vector<256x2048xi32>
    %select_n3A_2777 = arith.select %eq3A_2774, %add3A_2172, %broadcast_in_dim3A_2776 : vector<256x2048xi1>, vector<256x2048xi32>
    %reduce_min3A_2778 = arith.constant dense<2147483647> : vector<256xi32>
    %reduce_min3A_2779 = vector.multi_reduction <minsi>, %select_n3A_2777, %reduce_min3A_2778 [1] : vector<256x2048xi32> to vector<256xi32>
    %broadcast_in_dim3A_2780 = vector.shape_cast %reduce_min3A_2779 : vector<256xi32> to vector<256x1xi32>
    %eq3A_2781 = arith.constant 14 : i32
    %eq3A_2782 = vector.broadcast %eq3A_2781 : i32 to vector<256x16xi32>
    %eq3A_2783 = arith.cmpi eq, %iota3A, %eq3A_2782 : vector<256x16xi32>
    %broadcast_in_dim3A_2784 = vector.shape_cast %broadcast_in_dim3A_2772 : vector<256x1xf32> to vector<256x1xf32>
    %broadcast_in_dim3A_2785 = vector.broadcast %broadcast_in_dim3A_2784 : vector<256x1xf32> to vector<256x16xf32>
    %select_n3A_2786 = arith.select %eq3A_2783, %broadcast_in_dim3A_2785, %select_n3A_2733 : vector<256x16xi1>, vector<256x16xf32>
    %eq3A_2787 = arith.constant 14 : i32
    %eq3A_2788 = vector.broadcast %eq3A_2787 : i32 to vector<256x16xi32>
    %eq3A_2789 = arith.cmpi eq, %iota3A, %eq3A_2788 : vector<256x16xi32>
    %broadcast_in_dim3A_2790 = vector.shape_cast %broadcast_in_dim3A_2780 : vector<256x1xi32> to vector<256x1xi32>
    %broadcast_in_dim3A_2791 = vector.broadcast %broadcast_in_dim3A_2790 : vector<256x1xi32> to vector<256x16xi32>
    %select_n3A_2792 = arith.select %eq3A_2789, %broadcast_in_dim3A_2791, %select_n3A_2739 : vector<256x16xi1>, vector<256x16xi32>
    %eq3A_2793 = vector.broadcast %broadcast_in_dim3A_2537 : vector<256x1xi32> to vector<256x2048xi32>
    %eq3A_2794 = arith.cmpi eq, %add3A_2172, %eq3A_2793 : vector<256x2048xi32>
    %jit3A_2795 = arith.constant 0x7F800000 : f32
    %broadcast_in_dim3A_2796 = vector.broadcast %jit3A_2795 : f32 to vector<256x2048xf32>
    %select_n3A_2797 = arith.select %eq3A_2794, %broadcast_in_dim3A_2796, %select_n3A_2526 : vector<256x2048xi1>, vector<256x2048xf32>
    %eq3A_2798 = vector.broadcast %broadcast_in_dim3A_2565 : vector<256x1xi32> to vector<256x2048xi32>
    %eq3A_2799 = arith.cmpi eq, %add3A_2172, %eq3A_2798 : vector<256x2048xi32>
    %jit3A_2800 = arith.constant 0x7F800000 : f32
    %broadcast_in_dim3A_2801 = vector.broadcast %jit3A_2800 : f32 to vector<256x2048xf32>
    %select_n3A_2802 = arith.select %eq3A_2799, %broadcast_in_dim3A_2801, %select_n3A_2797 : vector<256x2048xi1>, vector<256x2048xf32>
    %eq3A_2803 = vector.broadcast %broadcast_in_dim3A_2598 : vector<256x1xi32> to vector<256x2048xi32>
    %eq3A_2804 = arith.cmpi eq, %add3A_2172, %eq3A_2803 : vector<256x2048xi32>
    %jit3A_2805 = arith.constant 0x7F800000 : f32
    %broadcast_in_dim3A_2806 = vector.broadcast %jit3A_2805 : f32 to vector<256x2048xf32>
    %select_n3A_2807 = arith.select %eq3A_2804, %broadcast_in_dim3A_2806, %select_n3A_2802 : vector<256x2048xi1>, vector<256x2048xf32>
    %eq3A_2808 = vector.broadcast %broadcast_in_dim3A_2636 : vector<256x1xi32> to vector<256x2048xi32>
    %eq3A_2809 = arith.cmpi eq, %add3A_2172, %eq3A_2808 : vector<256x2048xi32>
    %jit3A_2810 = arith.constant 0x7F800000 : f32
    %broadcast_in_dim3A_2811 = vector.broadcast %jit3A_2810 : f32 to vector<256x2048xf32>
    %select_n3A_2812 = arith.select %eq3A_2809, %broadcast_in_dim3A_2811, %select_n3A_2807 : vector<256x2048xi1>, vector<256x2048xf32>
    %eq3A_2813 = vector.broadcast %broadcast_in_dim3A_2679 : vector<256x1xi32> to vector<256x2048xi32>
    %eq3A_2814 = arith.cmpi eq, %add3A_2172, %eq3A_2813 : vector<256x2048xi32>
    %jit3A_2815 = arith.constant 0x7F800000 : f32
    %broadcast_in_dim3A_2816 = vector.broadcast %jit3A_2815 : f32 to vector<256x2048xf32>
    %select_n3A_2817 = arith.select %eq3A_2814, %broadcast_in_dim3A_2816, %select_n3A_2812 : vector<256x2048xi1>, vector<256x2048xf32>
    %eq3A_2818 = vector.broadcast %broadcast_in_dim3A_2727 : vector<256x1xi32> to vector<256x2048xi32>
    %eq3A_2819 = arith.cmpi eq, %add3A_2172, %eq3A_2818 : vector<256x2048xi32>
    %jit3A_2820 = arith.constant 0x7F800000 : f32
    %broadcast_in_dim3A_2821 = vector.broadcast %jit3A_2820 : f32 to vector<256x2048xf32>
    %select_n3A_2822 = arith.select %eq3A_2819, %broadcast_in_dim3A_2821, %select_n3A_2817 : vector<256x2048xi1>, vector<256x2048xf32>
    %eq3A_2823 = vector.broadcast %broadcast_in_dim3A_2780 : vector<256x1xi32> to vector<256x2048xi32>
    %eq3A_2824 = arith.cmpi eq, %add3A_2172, %eq3A_2823 : vector<256x2048xi32>
    %jit3A_2825 = arith.constant 0x7F800000 : f32
    %broadcast_in_dim3A_2826 = vector.broadcast %jit3A_2825 : f32 to vector<256x2048xf32>
    %select_n3A_2827 = arith.select %eq3A_2824, %broadcast_in_dim3A_2826, %select_n3A_2822 : vector<256x2048xi1>, vector<256x2048xf32>
    %reduce_min3A_2828 = arith.constant dense<0x7F800000> : vector<256xf32>
    %reduce_min3A_2829 = vector.multi_reduction <minimumf>, %select_n3A_2827, %reduce_min3A_2828 [1] : vector<256x2048xf32> to vector<256xf32>
    %broadcast_in_dim3A_2830 = vector.shape_cast %reduce_min3A_2829 : vector<256xf32> to vector<256x1xf32>
    %eq3A_2831 = vector.broadcast %broadcast_in_dim3A_2830 : vector<256x1xf32> to vector<256x2048xf32>
    %eq3A_2832 = arith.cmpf oeq, %select_n3A_2827, %eq3A_2831 : vector<256x2048xf32>
    %jit3A_2833 = arith.constant 1073741824 : i32
    %broadcast_in_dim3A_2834 = vector.broadcast %jit3A_2833 : i32 to vector<256x2048xi32>
    %select_n3A_2835 = arith.select %eq3A_2832, %add3A_2172, %broadcast_in_dim3A_2834 : vector<256x2048xi1>, vector<256x2048xi32>
    %reduce_min3A_2836 = arith.constant dense<2147483647> : vector<256xi32>
    %reduce_min3A_2837 = vector.multi_reduction <minsi>, %select_n3A_2835, %reduce_min3A_2836 [1] : vector<256x2048xi32> to vector<256xi32>
    %broadcast_in_dim3A_2838 = vector.shape_cast %reduce_min3A_2837 : vector<256xi32> to vector<256x1xi32>
    %eq3A_2839 = arith.constant 15 : i32
    %eq3A_2840 = vector.broadcast %eq3A_2839 : i32 to vector<256x16xi32>
    %eq3A_2841 = arith.cmpi eq, %iota3A, %eq3A_2840 : vector<256x16xi32>
    %broadcast_in_dim3A_2842 = vector.shape_cast %broadcast_in_dim3A_2830 : vector<256x1xf32> to vector<256x1xf32>
    %broadcast_in_dim3A_2843 = vector.broadcast %broadcast_in_dim3A_2842 : vector<256x1xf32> to vector<256x16xf32>
    %select_n3A_2844 = arith.select %eq3A_2841, %broadcast_in_dim3A_2843, %select_n3A_2786 : vector<256x16xi1>, vector<256x16xf32>
    %eq3A_2845 = arith.constant 15 : i32
    %eq3A_2846 = vector.broadcast %eq3A_2845 : i32 to vector<256x16xi32>
    %eq3A_2847 = arith.cmpi eq, %iota3A, %eq3A_2846 : vector<256x16xi32>
    %broadcast_in_dim3A_2848 = vector.shape_cast %broadcast_in_dim3A_2838 : vector<256x1xi32> to vector<256x1xi32>
    %broadcast_in_dim3A_2849 = vector.broadcast %broadcast_in_dim3A_2848 : vector<256x1xi32> to vector<256x16xi32>
    %select_n3A_2850 = arith.select %eq3A_2847, %broadcast_in_dim3A_2849, %select_n3A_2792 : vector<256x16xi1>, vector<256x16xi32>
    %concatenate3A_2851 = tpu.concatenate %scan3A_2147#1, %select_n3A_2844 in 1 : vector<256x16xf32>, vector<256x16xf32> -> vector<256x32xf32>
    %concatenate3A_2852 = tpu.concatenate %scan3A_2147#2, %select_n3A_2850 in 1 : vector<256x16xi32>, vector<256x16xi32> -> vector<256x32xi32>
    %broadcast_in_dim3A_2853 = arith.constant 0.000000e+00 : f32
    %broadcast_in_dim3A_2854 = vector.broadcast %broadcast_in_dim3A_2853 : f32 to vector<256x16xf32>
    %broadcast_in_dim3A_2855 = arith.constant 0 : i32
    %broadcast_in_dim3A_2856 = vector.broadcast %broadcast_in_dim3A_2855 : i32 to vector<256x16xi32>
    %scan3A_2857 = arith.constant 1073741824 : i32
    %scan3A_2858 = arith.constant 0x7F800000 : f32
    %scan3A_2859 = arith.constant 0 : i32
    %scan3A_2860 = arith.constant 16 : i32
    %scan3A_2861 = arith.addi %scan3A_2859, %scan3A_2860 : i32
    %scan3A_2862 = arith.constant 1 : i32
    %scan3A_2863:3 = scf.for %scan3A_2875 = %scan3A_2859 to %scan3A_2861 step %scan3A_2862 iter_args(%scan3A_2876 = %concatenate3A_2851, %scan3A_2877 = %broadcast_in_dim3A_2854, %scan3A_2878 = %broadcast_in_dim3A_2856) -> (vector<256x32xf32>, vector<256x16xf32>, vector<256x16xi32>)  : i32 {
      %reduce_min3A_2879 = arith.constant dense<0x7F800000> : vector<256xf32>
      %reduce_min3A_2880 = vector.multi_reduction <minimumf>, %scan3A_2876, %reduce_min3A_2879 [1] : vector<256x32xf32> to vector<256xf32>
      %broadcast_in_dim3A_2881 = vector.shape_cast %reduce_min3A_2880 : vector<256xf32> to vector<256x1xf32>
      %eq3A_2882 = vector.broadcast %broadcast_in_dim3A_2881 : vector<256x1xf32> to vector<256x32xf32>
      %eq3A_2883 = arith.cmpf oeq, %scan3A_2876, %eq3A_2882 : vector<256x32xf32>
      %broadcast_in_dim3A_2884 = vector.broadcast %scan3A_2857 : i32 to vector<256x32xi32>
      %select_n3A_2885 = arith.select %eq3A_2883, %iota3A_7, %broadcast_in_dim3A_2884 : vector<256x32xi1>, vector<256x32xi32>
      %reduce_min3A_2886 = arith.constant dense<2147483647> : vector<256xi32>
      %reduce_min3A_2887 = vector.multi_reduction <minsi>, %select_n3A_2885, %reduce_min3A_2886 [1] : vector<256x32xi32> to vector<256xi32>
      %broadcast_in_dim3A_2888 = vector.shape_cast %reduce_min3A_2887 : vector<256xi32> to vector<256x1xi32>
      %eq3A_2889 = vector.broadcast %broadcast_in_dim3A_2888 : vector<256x1xi32> to vector<256x32xi32>
      %eq3A_2890 = arith.cmpi eq, %iota3A_7, %eq3A_2889 : vector<256x32xi32>
      %jit3A_2891 = arith.constant 0 : i32
      %broadcast_in_dim3A_2892 = vector.broadcast %jit3A_2891 : i32 to vector<256x32xi32>
      %select_n3A_2893 = arith.select %eq3A_2890, %concatenate3A_2852, %broadcast_in_dim3A_2892 : vector<256x32xi1>, vector<256x32xi32>
      %reduce_sum3A_2894 = arith.constant dense<0> : vector<256xi32>
      %reduce_sum3A_2895 = vector.multi_reduction <add>, %select_n3A_2893, %reduce_sum3A_2894 [1] : vector<256x32xi32> to vector<256xi32>
      %broadcast_in_dim3A_2896 = vector.shape_cast %reduce_sum3A_2895 : vector<256xi32> to vector<256x1xi32>
      %eq3A_2897 = vector.broadcast %scan3A_2875 : i32 to vector<256x16xi32>
      %eq3A_2898 = arith.cmpi eq, %iota3A, %eq3A_2897 : vector<256x16xi32>
      %broadcast_in_dim3A_2899 = vector.shape_cast %broadcast_in_dim3A_2881 : vector<256x1xf32> to vector<256x1xf32>
      %broadcast_in_dim3A_2900 = vector.broadcast %broadcast_in_dim3A_2899 : vector<256x1xf32> to vector<256x16xf32>
      %select_n3A_2901 = arith.select %eq3A_2898, %broadcast_in_dim3A_2900, %scan3A_2877 : vector<256x16xi1>, vector<256x16xf32>
      %eq3A_2902 = vector.broadcast %scan3A_2875 : i32 to vector<256x16xi32>
      %eq3A_2903 = arith.cmpi eq, %iota3A, %eq3A_2902 : vector<256x16xi32>
      %broadcast_in_dim3A_2904 = vector.shape_cast %broadcast_in_dim3A_2896 : vector<256x1xi32> to vector<256x1xi32>
      %broadcast_in_dim3A_2905 = vector.broadcast %broadcast_in_dim3A_2904 : vector<256x1xi32> to vector<256x16xi32>
      %select_n3A_2906 = arith.select %eq3A_2903, %broadcast_in_dim3A_2905, %scan3A_2878 : vector<256x16xi1>, vector<256x16xi32>
      %broadcast_in_dim3A_2907 = vector.broadcast %scan3A_2858 : f32 to vector<256x32xf32>
      %select_n3A_2908 = arith.select %eq3A_2890, %broadcast_in_dim3A_2907, %scan3A_2876 : vector<256x32xi1>, vector<256x32xf32>
      scf.yield %select_n3A_2908, %select_n3A_2901, %select_n3A_2906 : vector<256x32xf32>, vector<256x16xf32>, vector<256x16xi32>
    }
    %scan3A_2864 = arith.constant 16 : i32
    %neg3A = arith.constant 0.000000e+00 : f32
    %neg3A_2865 = vector.broadcast %neg3A : f32 to vector<256x16xf32>
    %neg3A_2866 = arith.subf %neg3A_2865, %scan3A_2863#1 : vector<256x16xf32>
    %div3A = arith.constant 1.000000e+01 : f32
    %div3A_2867 = vector.broadcast %div3A : f32 to vector<256x16xf32>
    %div3A_2868 = arith.divf %neg3A_2866, %div3A_2867 : vector<256x16xf32>
    %exp3A = math.exp %div3A_2868 : vector<256x16xf32>
    %swap3A_2869 = arith.constant 0 : index
    %swap3A_2870 = arith.constant 0 : index
    %swap3A_2871 = vector.load %arg3[%swap3A_2869, %swap3A_2870] : memref<256x16xf32, #tpu.memory_space<vmem>>, vector<256x16xf32>
    tpu.vector_store %arg3[%swap3A_2869, %swap3A_2870], %exp3A {strides = array<i32>} : memref<256x16xf32, #tpu.memory_space<vmem>>, vector<256x16xf32>,
    %swap3A_2872 = arith.constant 0 : index
    %swap3A_2873 = arith.constant 0 : index
    %swap3A_2874 = vector.load %arg4[%swap3A_2872, %swap3A_2873] : memref<256x16xi32, #tpu.memory_space<vmem>>, vector<256x16xi32>
    tpu.vector_store %arg4[%swap3A_2872, %swap3A_2873], %scan3A_2863#2 {strides = array<i32>} : memref<256x16xi32, #tpu.memory_space<vmem>>, vector<256x16xi32>,
    return
  }
  func.func @transform_0(%arg0: i32) -> (i32, i32) {
    %c0_i32 = arith.constant 0 : i32
    %c0_i32_0 = arith.constant 0 : i32
    return %arg0, %c0_i32 : i32, i32
  }
  func.func @transform_1(%arg0: i32) -> (i32, i32) {
    %c0_i32 = arith.constant 0 : i32
    %c0_i32_0 = arith.constant 0 : i32
    %c0_i32_1 = arith.constant 0 : i32
    return %c0_i32, %c0_i32_0 : i32, i32
  }
  func.func @transform_2(%arg0: i32) -> (i32, i32) {
    %c0_i32 = arith.constant 0 : i32
    %c0_i32_0 = arith.constant 0 : i32
    return %arg0, %c0_i32 : i32, i32
  }
  func.func @transform_3(%arg0: i32) -> (i32, i32) {
    %c0_i32 = arith.constant 0 : i32
    %c0_i32_0 = arith.constant 0 : i32
    return %arg0, %c0_i32 : i32, i32
  }
  func.func @transform_4(%arg0: i32) -> (i32, i32) {
    %c0_i32 = arith.constant 0 : i32
    %c0_i32_0 = arith.constant 0 : i32
    return %arg0, %c0_i32 : i32, i32
  }
}

module attributes {stable_mosaic.version = 14 : i64} {
  func.func @_diff_body(%arg0: i32, %arg1: memref<256x16x128xf32, #tpu.memory_space<vmem>>, %arg2: memref<256x64xf32, #tpu.memory_space<vmem>>, %arg3: memref<256x64x16xf32, #tpu.memory_space<vmem>>) attributes {dimension_semantics = [#tpu.dimension_semantics<arbitrary>], iteration_bounds = array<i64: 32>, scalar_prefetch = 0 : i64, scratch_operands = 0 : i64, tpu.core_type = #tpu.core_type<tc>, window_params = [{transform_indices = @transform_0, window_bounds = array<i64: 256, 16, 128>}, {transform_indices = @transform_1, window_bounds = array<i64: 256, 64>}, {transform_indices = @transform_2, window_bounds = array<i64: 256, 64, 16>}]} {
    %get3A = arith.constant 0 : index
    %get3A_0 = arith.constant 0 : index
    %get3A_1 = arith.constant 0 : index
    %get3A_2 = vector.load %arg1[%get3A, %get3A_0, %get3A_1] : memref<256x16x128xf32, #tpu.memory_space<vmem>>, vector<256x16x128xf32>
    %slice3A = vector.extract_strided_slice %get3A_2 {offsets = [0, 0, 0], sizes = [256, 16, 64], strides = [1, 1, 1]} : vector<256x16x128xf32> to vector<256x16x64xf32>
    %get3A_3 = arith.constant 0 : index
    %get3A_4 = arith.constant 0 : index
    %get3A_5 = vector.load %arg2[%get3A_3, %get3A_4] : memref<256x64xf32, #tpu.memory_space<vmem>>, vector<256x64xf32>
    %broadcast_in_dim3A = vector.shape_cast %get3A_5 : vector<256x64xf32> to vector<256x64x1xf32>
    %transpose3A = tpu.transpose %slice3A, [0, 2, 1] : vector<256x16x64xf32> -> vector<256x64x16xf32>
    %sub3A = vector.broadcast %broadcast_in_dim3A : vector<256x64x1xf32> to vector<256x64x16xf32>
    %sub3A_6 = arith.subf %sub3A, %transpose3A : vector<256x64x16xf32>
    %swap3A = arith.constant 0 : index
    %swap3A_7 = arith.constant 0 : index
    %swap3A_8 = arith.constant 0 : index
    %swap3A_9 = vector.load %arg3[%swap3A, %swap3A_7, %swap3A_8] : memref<256x64x16xf32, #tpu.memory_space<vmem>>, vector<256x64x16xf32>
    tpu.vector_store %arg3[%swap3A, %swap3A_7, %swap3A_8], %sub3A_6 {strides = array<i32>} : memref<256x64x16xf32, #tpu.memory_space<vmem>>, vector<256x64x16xf32>,
    return
  }
  func.func @transform_0(%arg0: i32) -> (i32, i32, i32) {
    %c0_i32 = arith.constant 0 : i32
    %c0_i32_0 = arith.constant 0 : i32
    %c0_i32_1 = arith.constant 0 : i32
    return %arg0, %c0_i32, %c0_i32_0 : i32, i32, i32
  }
  func.func @transform_1(%arg0: i32) -> (i32, i32) {
    %c0_i32 = arith.constant 0 : i32
    %c0_i32_0 = arith.constant 0 : i32
    return %arg0, %c0_i32 : i32, i32
  }
  func.func @transform_2(%arg0: i32) -> (i32, i32, i32) {
    %c0_i32 = arith.constant 0 : i32
    %c0_i32_0 = arith.constant 0 : i32
    %c0_i32_1 = arith.constant 0 : i32
    return %arg0, %c0_i32, %c0_i32_0 : i32, i32, i32
  }
}

</mosaic_0001>

<sc_bundles>
// kernel: kernel.5.cloned.1.call-start
scs
__scs_entry_jumppad:
0x0: {  	(pc) =	sbr.rel $0x88, $3  }
0x1: {  	(tag) =	ssettag $0x0;
	lr =	simm.s32 $0x1  }
0x2: {  	[smem:$0x3F9F] =	sst lr;
	_ =	strace $0xD0000000  }
0x3: {  	_ = 	snop  }
0x4: {  	_ = 	snop  }
0x5: {  	_ = 	snop  }
0x6: {  	_ = 	snop  }
0x7: {  	_ = 	snop  }
__scs_overlays_trampoline_lowered:
0x8: {  	[smem:$0x3FAE] =	sst s0  }
0x9: {  	[smem:$0x3FAF] =	sst s1  }
0xa: {  	[smem:$0x3FB0] =	sst s2  }
0xb: {  	[smem:$0x3FB1] =	sst s3  }
0xc: {  	[smem:$0x3FB2] =	sst s4  }
0xd: {  	[smem:$0x3FB3] =	sst s5  }
0xe: {  	[smem:$0x3FB4] =	sst s6  }
0xf: {  	[smem:$0x3FB5] =	sst s7  }
0x10: {  	[smem:$0x3FB6] =	sst s8  }
0x11: {  	[smem:$0x3FB7] =	sst s9;
	s0 =	simm.s32 @!p0 $0x0  }
0x12: {  	s1 =	sld [smem:$0x3F9D];
	s0 =	simm.s32 @p0 $0x1  }
0x13: {  	[smem:$0x3FB8] =	sst s0;
	s0 =	simm.s32 @!p1 $0x0  }
0x14: {  	s2 =	sld [smem:$0x3F9C];
	s0 =	simm.s32 @p1 $0x1  }
0x15: {  	[smem:$0x3FB9] =	sst s0;
	s0 =	simm.s32 @!p2 $0x0  }
0x16: {  	s3 =	sld [smem:$0x3FDB];
	s0 =	simm.s32 @p2 $0x1  }
0x17: {  	s4 =	simm.s32 $0x1BF5;
	[smem:$0x3FBB] =	sst s0  }
0x18: {  	s0 =	sld [smem:$0x3F9E];
	_ =	swait.ge [sflag:s4], $0x0  }
0x19: {  	s7 =	sld [smem:$0x3F9F]  }
0x1a: {  	s8 =	sadd.s32 $0xFFFFE003, lr  }
0x1b: {  	s9 =	sadd.s32 $0xFFFFFEF7, lr;
	s5 =	simm.s32 $0xFFFFFFFF;
	p2 =	slt.u32 s8, $0xFFFFF086  }
0x1c: {  	p1 =	slt.u32 s9, $0xF7A;
	s5 =	simm.s32 @!p2 $0x0  }
0x1d: {  	s5 =	simm.s32 @p1 $0x1;
	p0 =	seq.s32 s7, s2  }
0x1e: {  	s7 =	smul.u32 @!p0 $0xF7A, s2;
	p2 =	seq.s32 @!p0 s5, $0x0  }
0x1f: {  	s9 =	smul.u32 $0xF7A, s1;
	s8 =	simm.s32 @!p0 $0x1BF5;
	p2 =	por !p2, p0  }
0x20: {  	[sflag:s8] =	ssyncset.s32 @!p0 $0xFFFFF086;
	s6 =	sadd.s32 @!p0 s3, s7;
	s7 =	simm.s32 @!p0 $0x108  }
0x21: {  	s3 =	sadd.s32 s3, s9;
	s6 =	sadd.s32 @!p0 $0x88, s6;
	s7 =	simm.s32 @p2 $0x1082  }
0x22: {  	[simem:s7], [sflag:s8] =	dma.local @!p0 [hbm:s6], $0xF7A  }
0x23: {  	s9 =	sor.u32 $0xD0000000, s2;
	s6 =	simm.s32 $0x108;
	_ =	swait.ge @!p0 [sflag:s8], $0x0  }
0x24: {  	s3 =	sadd.s32 $0x88, s3;
	s6 =	simm.s32 @!p1 $0x1082;
	[sflag:s4] =	ssyncset.s32 $0xFFFFF086  }
0x25: {  	[simem:s6], [sflag:s4] =	dma.local [hbm:s3], $0xF7A  }
0x26: {  	[smem:$0x3F9F] =	sst s1;
	(tag) =	ssettag s2;
	_ =	strace s9  }
0x27: {  	s1 =	sld [smem:$0x3FAF]  }
0x28: {  	s2 =	sld [smem:$0x3FB0]  }
0x29: {  	s4 =	sld [smem:$0x3FB2]  }
0x2a: {  	p0 =	seq.s32 s5, $0x0;
	s5 =	sld [smem:$0x3FB3]  }
0x2b: {  	s6 =	sld [smem:$0x3FB4]  }
0x2c: {  	s7 =	sld [smem:$0x3FB5]  }
0x2d: {  	s3 =	simm.s32 $0x108;
	s8 =	sld [smem:$0x3FB6]  }
0x2e: {  	s3 =	simm.s32 @!p0 $0x1082;
	s9 =	sld [smem:$0x3FB7]  }
0x2f: {  	lr =	sadd.s32 s0, s3;
	s0 =	sld [smem:$0x3FAE]  }
0x30: {  	s3 =	sld [smem:$0x3FB1]  }
0x31: {  	[smem:$0x3FBA] =	sst s10  }
0x32: {  	s10 =	sld [smem:$0x3FB8];
	_ =	sdelay $0x3  }
0x33: {  	p0 =	seq.s32 s10, $0x1;
	s10 =	sld [smem:$0x3FBA];
	_ =	sdelay $0x3  }
0x34: {  	[smem:$0x3FBA] =	sst s10  }
0x35: {  	s10 =	sld [smem:$0x3FB9];
	_ =	sdelay $0x3  }
0x36: {  	p1 =	seq.s32 s10, $0x1;
	s10 =	sld [smem:$0x3FBA];
	_ =	sdelay $0x3  }
0x37: {  	[smem:$0x3FBA] =	sst s10  }
0x38: {  	s10 =	sld [smem:$0x3FBB]  }
0x39: {  	_ = 	snop;
	(pc) =	sbr.ind lr, $3  }
0x3a: {  	_ = 	snop  }
0x3b: {  	_ = 	snop  }
0x3c: {  	p2 =	seq.s32 s10, $0x1;
	s10 =	sld [smem:$0x3FBA]  }
0x3d: {  	_ =	shalt  }
0x3e: {  	_ =	shalt  }
0x3f: {  	_ =	shalt  }
0x40: {  	_ =	shalt  }
0x41: {  	_ =	shalt  }
0x42: {  	_ =	shalt  }
0x43: {  	_ =	shalt  }
0x44: {  	_ =	shalt  }
0x45: {  	_ =	shalt  }
0x46: {  	_ =	shalt  }
0x47: {  	_ =	shalt  }
0x48: {  	_ =	shalt  }
0x49: {  	_ =	shalt  }
0x4a: {  	_ =	shalt  }
0x4b: {  	_ =	shalt  }
0x4c: {  	_ =	shalt  }
0x4d: {  	_ =	shalt  }
0x4e: {  	_ =	shalt  }
0x4f: {  	_ =	shalt  }
0x50: {  	_ =	shalt  }
0x51: {  	_ =	shalt  }
0x52: {  	_ =	shalt  }
0x53: {  	_ =	shalt  }
0x54: {  	_ =	shalt  }
0x55: {  	_ =	shalt  }
0x56: {  	_ =	shalt  }
0x57: {  	_ =	shalt  }
0x58: {  	_ =	shalt  }
0x59: {  	_ =	shalt  }
0x5a: {  	_ =	shalt  }
0x5b: {  	_ =	shalt  }
0x5c: {  	_ =	shalt  }
0x5d: {  	_ =	shalt  }
0x5e: {  	_ =	shalt  }
0x5f: {  	_ =	shalt  }
0x60: {  	_ =	shalt  }
0x61: {  	_ =	shalt  }
0x62: {  	_ =	shalt  }
0x63: {  	_ =	shalt  }
0x64: {  	_ =	shalt  }
0x65: {  	_ =	shalt  }
0x66: {  	_ =	shalt  }
0x67: {  	_ =	shalt  }
0x68: {  	_ =	shalt  }
0x69: {  	_ =	shalt  }
0x6a: {  	_ =	shalt  }
0x6b: {  	_ =	shalt  }
0x6c: {  	_ =	shalt  }
0x6d: {  	_ =	shalt  }
0x6e: {  	_ =	shalt  }
0x6f: {  	_ =	shalt  }
0x70: {  	_ =	shalt  }
0x71: {  	_ =	shalt  }
0x72: {  	_ =	shalt  }
0x73: {  	_ =	shalt  }
0x74: {  	_ =	shalt  }
0x75: {  	_ =	shalt  }
0x76: {  	_ =	shalt  }
0x77: {  	_ =	shalt  }
0x78: {  	_ =	shalt  }
0x79: {  	_ =	shalt  }
0x7a: {  	_ =	shalt  }
0x7b: {  	_ =	shalt  }
0x7c: {  	_ =	shalt  }
0x7d: {  	_ =	shalt  }
0x7e: {  	_ =	shalt  }
0x7f: {  	_ =	shalt  }
0x80: {  	_ =	shalt  }
0x81: {  	_ =	shalt  }
0x82: {  	_ =	shalt  }
0x83: {  	_ =	shalt  }
0x84: {  	_ =	shalt  }
0x85: {  	_ =	shalt  }
0x86: {  	_ =	shalt  }
0x87: {  	_ =	shalt  }
.Lfunc_end0:
.L_simem_size_0:
called_computation.1_lowered:
.L_overlay_start_0:
0x88: {  	s2 =	sld [smem:$0x3FD9]  }
0x89: {  	s3 =	sld [smem:$0x3FFE];
	_ =	sdelay $0x1  }
0x8a: {  	s1 =	srdreg.scid  }
0x8b: {  	s0 =	sand.u32 $0x1, s1  }
0x8c: {  	s14 =	sshll.u32 s0, $0xA;
	s2 =	sadd.s32 s3, s2  }
0x8d: {  	s2 =	sadd.s32 s2, s14  }
0x8e: {  	[smem:$0x3FC6] =	sst s2  }
0x8f: {  	_ = 	snop  }
0x90: {  	s2 =	sld [smem:$0x3FD0];
	_ =	sdelay $0x2  }
0x91: {  	s15 =	simm.s32 $0xA;
	s4 =	simm.s32 $0x10  }
0x92: {  	[smem:s4], [sflag:s15] =	dma.local [hbm:s2], $0x1  }
0x93: {  	_ =	swait.eq [sflag:s15], $0x1  }
0x94: {  	[sflag:s15] =	ssyncset.done $0x0  }
0x95: {  	s16 =	sld [smem:$0x11];
	[sflag:s15] =	ssyncadd.s32 $0xFFFFFFFF  }
0x96: {  	s17 =	sld [smem:$0x12];
	(tm) =	ssettm $0x1  }
0x97: {  	s18 =	sld [smem:$0x3FFB];
	_ =	sdelay $0x3  }
0x98: {  	_ =	strace s18  }
0x99: {  	s4 =	sld [smem:$0x3FFC];
	_ =	sdelay $0x3  }
0x9a: {  	_ =	strace s4  }
0x9b: {  	s4 =	sld [smem:$0x3FFD];
	_ =	sdelay $0x3  }
0x9c: {  	_ =	strace s4  }
0x9d: {  	_ =	strace $0x8FFFFFFF  }
0x9e: {  	s19 =	sld [smem:$0x3FDB];
	_ =	sdelay $0x1  }
0x9f: {  	s5 =	simm.s32 $_scs_section_size  }
0xa0: {  	s6 =	simm.s32 $_size__tile_overlayer_lowered;
	s7 =	simm.s32 $_tile_overlayer_lowered  }
0xa1: {  	s22 =	simm.s32 $0x1BFF;
	s21 =	sshll.u32 s7, $0x1;
	s4 =	sadd.s32 s5, s19  }
0xa2: {  	s8 =	simm.s32 $0x0;
	s20 =	sshll.u32 s6, $0x1;
	s6 =	sadd.s32 s21, s4  }
0xa3: {  	[timem:s8], [sflag:s22] =	dma.local [hbm:s6], s20  }
0xa4: {  	_ =	swait.ge [sflag:s22], s20  }
0xa5: {  	s5 =	ssub.s32 $0x0, s20;
	[sflag:s22] =	ssyncset.done $0x0  }
0xa6: {  	[sflag:s22] =	ssyncadd.s32 s5;
	_ =	sdelay $0x1  }
0xa7: {  	s23 =	simm.s32 $0x1B8B  }
0xa8: {  	_ =	swait.ge [sflag:s23], $0x1  }
0xa9: {  	[sflag:s23] =	ssyncset.done $0x0  }
0xaa: {  	s25 =	simm.s32 $0x1B8E;
	s24 =	sld [smem:$0x3FFE];
	[sflag:s23] =	ssyncadd.s32 $0xFFFFFFFF  }
0xab: {  	s26 =	simm.s32 $execute0_lowered;
	[smem:$0x3FD2] =	sst s25  }
0xac: {  	s6 =	sshll.u32 s26, $0x1;
	_ =	strace $0x80000046;
	[dreg:$0x1] =	wrdreg $0xFFFFFFFF  }
0xad: {  	s28 =	simm.s32 $_size_execute0_lowered;
	s4 =	sadd.s32 s4, s6;
	[dreg:$0x0] =	wrdreg $0x0  }
0xae: {  	s6 =	sshll.u32 s28, $0x1;
	[dreg:$0x2] =	wrdreg s4  }
0xaf: {  	[dreg:$0x3] =	wrdreg s6  }
0xb0: {  	[dreg:$0x4] =	wrdreg $0xC0  }
0xb1: {  	_ =	task [dreg:s8], $0x5FFFF  }
0xb2: {  	[dreg:$0x1] =	wrdreg $0xFFFFFFFF  }
0xb3: {  	[dreg:$0x0] =	wrdreg $0x60  }
0xb4: {  	[dreg:$0x2] =	wrdreg s16  }
0xb5: {  	[dreg:$0x3] =	wrdreg s17  }
0xb6: {  	[dreg:$0x4] =	wrdreg s24  }
0xb7: {  	[dreg:$0x5] =	wrdreg $0x9  }
0xb8: {  	_ =	task.clear_ibuf [dreg:s8], $0x6FFFF;
	_ =	strace $0x90000046  }
0xb9: {  	s29 =	simm.s32 $0x9;
	_ =	strace $0x80000048  }
0xba: {  	_ =	swait.ge [sflag:s29], $0x1  }
0xbb: {  	[sflag:s29] =	ssyncadd.s32 $0xFFFFFFFF  }
0xbc: {  	_ =	strace $0x90000048  }
0xbd: {  	_ =	sfence  }
0xbe: {  	s30 =	sld [smem:$0x0];
	_ =	sdelay $0x2  }
0xbf: {  	s31 =	sshll.u32 s1, $0xD;
	s1 =	sshrl.u32 s1, $0x2  }
0xc0: {  	s3 =	sand.u32 $0x4000, s31;
	s1 =	sadd.s32 s1, s30  }
0xc1: {  	s0 =	sor.u32 s3, s0;
	s1 =	sshll.u32 s1, $0x11  }
0xc2: {  	s0 =	sor.u32 s1, s0  }
0xc3: {  	s0 =	sadd.s32 $0x8F2B, s0  }
0xc4: {  	[sflag:s0] =	ssyncadd.remote.s32 $0x1  }
0xc5: {  	_ =	sfence.sel $0xFFFF  }
0xc6: {  	[dreg:$0x0] =	wrdreg $0xFFFFFFFF;
	(pc) =	sbr.abs _section_cstart, $3  }
0xc7: {  	[dreg:$0x1] =	wrdreg $0xFFFFFFFF  }
0xc8: {  	_ =	task.clear_ibuf [dreg:s8], $0x2FFFF;
	_ =	strace $0x9FFFFFFF  }
0xc9: {  	(tm) =	ssettm $0x7FFFFFFF  }
tec
execute0_lowered:
.L_overlay_start_1:
0x0: {  	(tag) =	ssettag $0x1  }
0x1: {  	s6 =	rddreg [dreg:$0x0]  }
0x2: {  	s2 =	rddreg [dreg:$0x1]  }
0x3: {  	s4 =	rddreg [dreg:$0x2]  }
0x4: {  	s0 =	rddreg [dreg:$0x3]  }
0x5: {  	s3 =	simm.s32 $0x0;
	s1 =	stileid.u32;
	s5 =	srdreg.scid  }
0x6: {  	s11 =	simm.s32 $0x100;
	s12 =	simm.s32 $0x8200;
	s13 =	simm.s32 $0x180  }
0x7: {  	s14 =	simm.s32 $0xC200;
	s15 =	simm.s32 $0x1;
	s16 =	simm.s32 $0x0  }
0x8: {  	[smem:$0x7FF] =	sst s3;
	s7 =	sshll.u32 s1, $0x11;
	s5 =	sand.u32 $0x1, s5  }
0x9: {  	s9 =	sshll.u32 s1, $0xD;
	_ =	strace $0x80000047;
	s7 =	sadd.s32 s7, s4  }
0xa: {  	s29 =	ssub.s32 $0x2, s5;
	s10 =	sshll.u32 s5, $0xC;
	s5 =	sshll.u32 s5, $0x10  }
0xb: {  	s8 =	sshrl.u32 s29, $0x1;
	s30 =	sor.u32 s10, s9;
	s5 =	sadd.s32 s5, s7  }
0xc: {  	s7 =	simm.s32 $0x2;
	s9 =	simm.s32 $0x200;
	s10 =	simm.s32 $0x4200  }
0xd: {  	s4 =	ssub.s32 s29, s8;
	s31 =	sshrl.u32 s30, $0x3;
	s5 =	sadd.s32 $0x41600, s5  }
0xe: {  	s8 =	simm.s32 $0x80;
	s4 =	smax.u32 s4, $0x1;
	s6 =	sadd.s32 s31, s6  }
.LBB2_1:
0xf: {  	s17 =	sadd.s32 $0x0, s6  }
0x10: {  	[tilespmem:s3], [sflag:$0x2] =	stream.linear.gather [hbm4b:s17+s3], $0x200, $0x38;
	[tilespmem:$0x10200] =	vst v63  }
0x11: {  	_ =	swait.ge [sflag:s7], $0x200  }
0x12: {  	[sflag:s7] =	ssyncset.done $0x0  }
0x13: {  	[sflag:s7] =	ssyncadd.s32 $0xFFFFFE00  }
0x14: {  	[tilespmem:s9], [sflag:$0x1] =	stream.indirect.gather [hbm4b:s2+s8], $0x80, s3, s8, $0xb8;
	[tilespmem:$0x10200] =	vst v63  }
0x15: {  	_ = 	snop  }
0x16: {  	[tilespmem:s10], [sflag:$0x1] =	stream.indirect.gather [hbm4b:s2+s8], $0x80, s8, s8, $0xb8;
	[tilespmem:$0x10200] =	vst v63  }
0x17: {  	_ = 	snop  }
0x18: {  	[tilespmem:s12], [sflag:$0x1] =	stream.indirect.gather [hbm4b:s2+s8], $0x80, s11, s8, $0xb8;
	[tilespmem:$0x10200] =	vst v63  }
0x19: {  	_ = 	snop  }
0x1a: {  	[tilespmem:s14], [sflag:$0x1] =	stream.indirect.gather [hbm4b:s2+s8], $0x80, s13, s8, $0xb8;
	[tilespmem:$0x10200] =	vst v63  }
0x1b: {  	_ =	swait.ge [sflag:s15], $0x4000  }
0x1c: {  	[sflag:s15] =	ssyncset.done $0x0  }
0x1d: {  	[sflag:s15] =	ssyncadd.s32 $0xFFFFC000  }
0x1e: {  	_ =	swait.ge [sflag:s15], $0x4000  }
0x1f: {  	[sflag:s15] =	ssyncset.done $0x0  }
0x20: {  	[sflag:s15] =	ssyncadd.s32 $0xFFFFC000  }
0x21: {  	_ =	swait.ge [sflag:s15], $0x4000  }
0x22: {  	[sflag:s15] =	ssyncset.done $0x0  }
0x23: {  	[sflag:s15] =	ssyncadd.s32 $0xFFFFC000  }
0x24: {  	_ =	swait.ge [sflag:s15], $0x4000  }
0x25: {  	[sflag:s15] =	ssyncset.done $0x0  }
0x26: {  	[sflag:s15] =	ssyncadd.s32 $0xFFFFC000  }
0x27: {  	[hbm4b:s5+s3] =	stream.linear.scatter [tilespmem:s9], [sflag:$0x2], $0x10000, $0x38;
	[tilespmem:$0x10200] =	vst v63  }
0x28: {  	s18 =	simm.s32 $0x40;
	_ =	swait.ge [sflag:s7], $0x10000  }
0x29: {  	s19 =	simm.s32 $0x80;
	s17 =	sadd.s32 $0x2000, s5;
	[sflag:s7] =	ssyncset.done $0x0  }
.LBB2_2:
0x2a: {  	s20 =	sadd.s32 s18, s6  }
0x2b: {  	[sflag:s7] =	ssyncadd.s32 $0xFFFF0000;
	s18 =	smov.u32 s19;
	s21 =	sadd.s32 $0x40, s19  }
0x2c: {  	[tilespmem:s3], [sflag:$0x2] =	stream.linear.gather [hbm4b:s20+s3], $0x200, $0x38;
	[tilespmem:$0x10200] =	vst v63  }
0x2d: {  	p0 =	sne.s32 s19, $0x1C0;
	_ =	swait.ge [sflag:s7], $0x200  }
0x2e: {  	[sflag:s7] =	ssyncset.done $0x0  }
0x2f: {  	[sflag:s7] =	ssyncadd.s32 $0xFFFFFE00  }
0x30: {  	[tilespmem:s9], [sflag:$0x1] =	stream.indirect.gather [hbm4b:s2+s8], $0x80, s3, s8, $0xb8;
	[tilespmem:$0x10200] =	vst v63  }
0x31: {  	_ = 	snop  }
0x32: {  	[tilespmem:s10], [sflag:$0x1] =	stream.indirect.gather [hbm4b:s2+s8], $0x80, s8, s8, $0xb8;
	[tilespmem:$0x10200] =	vst v63  }
0x33: {  	_ = 	snop  }
0x34: {  	[tilespmem:s12], [sflag:$0x1] =	stream.indirect.gather [hbm4b:s2+s8], $0x80, s11, s8, $0xb8;
	[tilespmem:$0x10200] =	vst v63  }
0x35: {  	_ = 	snop  }
0x36: {  	[tilespmem:s14], [sflag:$0x1] =	stream.indirect.gather [hbm4b:s2+s8], $0x80, s13, s8, $0xb8;
	[tilespmem:$0x10200] =	vst v63  }
0x37: {  	_ =	swait.ge [sflag:s15], $0x4000  }
0x38: {  	[sflag:s15] =	ssyncset.done $0x0  }
0x39: {  	[sflag:s15] =	ssyncadd.s32 $0xFFFFC000  }
0x3a: {  	_ =	swait.ge [sflag:s15], $0x4000  }
0x3b: {  	[sflag:s15] =	ssyncset.done $0x0  }
0x3c: {  	[sflag:s15] =	ssyncadd.s32 $0xFFFFC000  }
0x3d: {  	_ =	swait.ge [sflag:s15], $0x4000  }
0x3e: {  	[sflag:s15] =	ssyncset.done $0x0  }
0x3f: {  	[sflag:s15] =	ssyncadd.s32 $0xFFFFC000  }
0x40: {  	_ =	swait.ge [sflag:s15], $0x4000  }
.Ltmp0:
0x41: {  	[sflag:s15] =	ssyncset.done $0x0;
	(pc) =	sbr.rel @p0 .LBB2_2-.Ltmp0, $4  }
0x42: {  	[sflag:s15] =	ssyncadd.s32 $0xFFFFC000  }
0x43: {  	[hbm4b:s17+s3] =	stream.linear.scatter [tilespmem:s9], [sflag:$0x2], $0x10000, $0x38;
	[tilespmem:$0x10200] =	vst v63  }
0x44: {  	_ =	swait.ge [sflag:s7], $0x10000  }
0x45: {  	s19 =	smov.u32 s21;
	s17 =	sadd.s32 $0x2000, s17;
	[sflag:s7] =	ssyncset.done $0x0  }
0x46: {  	s18 =	sadd.s32 s18, s6;
	[sflag:s7] =	ssyncadd.s32 $0xFFFF0000  }
0x47: {  	[tilespmem:s3], [sflag:$0x2] =	stream.linear.gather [hbm4b:s18+s3], $0x200, $0x38;
	[tilespmem:$0x10200] =	vst v63  }
0x48: {  	_ =	swait.ge [sflag:s7], $0x200  }
0x49: {  	[sflag:s7] =	ssyncset.done $0x0  }
0x4a: {  	[sflag:s7] =	ssyncadd.s32 $0xFFFFFE00  }
0x4b: {  	[tilespmem:s9], [sflag:$0x1] =	stream.indirect.gather [hbm4b:s2+s8], $0x80, s3, s8, $0xb8;
	[tilespmem:$0x10200] =	vst v63  }
0x4c: {  	_ = 	snop  }
0x4d: {  	[tilespmem:s10], [sflag:$0x1] =	stream.indirect.gather [hbm4b:s2+s8], $0x80, s8, s8, $0xb8;
	[tilespmem:$0x10200] =	vst v63  }
0x4e: {  	_ = 	snop  }
0x4f: {  	[tilespmem:s12], [sflag:$0x1] =	stream.indirect.gather [hbm4b:s2+s8], $0x80, s11, s8, $0xb8;
	[tilespmem:$0x10200] =	vst v63  }
0x50: {  	_ = 	snop  }
0x51: {  	[tilespmem:s14], [sflag:$0x1] =	stream.indirect.gather [hbm4b:s2+s8], $0x80, s13, s8, $0xb8;
	[tilespmem:$0x10200] =	vst v63  }
0x52: {  	_ =	swait.ge [sflag:s15], $0x4000  }
0x53: {  	[sflag:s15] =	ssyncset.done $0x0  }
0x54: {  	[sflag:s15] =	ssyncadd.s32 $0xFFFFC000  }
0x55: {  	_ =	swait.ge [sflag:s15], $0x4000  }
0x56: {  	[sflag:s15] =	ssyncset.done $0x0  }
0x57: {  	[sflag:s15] =	ssyncadd.s32 $0xFFFFC000  }
0x58: {  	_ =	swait.ge [sflag:s15], $0x4000  }
0x59: {  	[sflag:s15] =	ssyncset.done $0x0  }
0x5a: {  	[sflag:s15] =	ssyncadd.s32 $0xFFFFC000  }
0x5b: {  	s16 =	sadd.s32 $0x1, s16;
	_ =	swait.ge [sflag:s15], $0x4000  }
0x5c: {  	p0 =	sne.s32 s16, s4;
	[sflag:s15] =	ssyncset.done $0x0  }
.Ltmp1:
0x5d: {  	[sflag:s15] =	ssyncadd.s32 $0xFFFFC000;
	(pc) =	sbr.rel @p0 .LBB2_1-.Ltmp1, $4  }
0x5e: {  	[hbm4b:s17+s3] =	stream.linear.scatter [tilespmem:s9], [sflag:$0x2], $0x10000, $0x38;
	[tilespmem:$0x10200] =	vst v63  }
0x5f: {  	_ =	swait.ge [sflag:s7], $0x10000  }
0x60: {  	[sflag:s7] =	ssyncset.done $0x0  }
0x61: {  	[sflag:s7] =	ssyncadd.s32 $0xFFFF0000  }
0x62: {  	_ =	sfence.sel $0x180000  }
0x63: {  	[bflag:$0x0] =	sbarrier.arrive $0xFFFF  }
0x64: {  	p0 =	sne.s32 s1, $0x0;
	_ =	strace $0x90000047  }
0x65: {  	s0 =	sadd.s32 @!p0 $0x100000, s0;
	[bflag:$0x2] =	sbarrier.arrive $0xFFFF  }
0x66: {  	[sflag:s0] =	ssyncadd.tile.s32 @!p0 $0x1;
	_ =	shalt  }
.Lfunc_end2:
_tile_overlayer_lowered:
.L_overlay_start_2:
0x67: {  	(tag) =	ssettag $0x2  }
0x68: {  	s0 =	rddreg [dreg:$0x0];
	s2 =	stileid.u32  }
0x69: {  	s1 =	rddreg [dreg:$0x1];
	p0 =	sne.s32 s2, $0x0  }
0x6a: {  	s3 =	rddreg [dreg:$0x2];
	[bflag:$0x3] =	sbarrier.arrive $0xFFFF;
	s2 =	simm.s32 @!p0 $0x1C02  }
0x6b: {  	[timem:s3], [sflag:s2] =	dma.local @!p0 [hbm:s0], s1  }
0x6c: {  	s0 =	simm.s32 @!p0 $0x2  }
0x6d: {  	_ =	swait.ge @!p0 [sflag:s0], s1  }
0x6e: {  	s1 =	ssub.s32 @!p0 $0x0, s1;
	[sflag:s0] =	ssyncset.done @!p0 $0x0  }
0x6f: {  	[sflag:s0] =	ssyncadd.s32 @!p0 s1  }
0x70: {  	[bflag:$0x3] =	sbarrier.arrive $0xFFFF  }
0x71: {  	_ =	shalt  }

// kernel: sparse-core-data-format-call.cloned.1.call-start
scs
called_computation_lowered:
.L_overlay_start_0:
0x0: {  	s2 =	sld [smem:$0x3FD9]  }
0x1: {  	s3 =	sld [smem:$0x3FFE];
	_ =	sdelay $0x1  }
0x2: {  	s1 =	srdreg.scid  }
0x3: {  	s0 =	sand.u32 $0x1, s1  }
0x4: {  	s15 =	sshll.u32 s0, $0xA;
	s2 =	sadd.s32 s3, s2  }
0x5: {  	s2 =	sadd.s32 s2, s15  }
0x6: {  	[smem:$0x3FC6] =	sst s2  }
0x7: {  	_ = 	snop  }
0x8: {  	s2 =	sld [smem:$0x3FD0];
	_ =	sdelay $0x2  }
0x9: {  	s16 =	simm.s32 $0xA;
	s4 =	simm.s32 $0x10  }
0xa: {  	[smem:s4], [sflag:s16] =	dma.local [hbm:s2], $0x1  }
0xb: {  	_ =	swait.eq [sflag:s16], $0x1  }
0xc: {  	[sflag:s16] =	ssyncset.done $0x0  }
0xd: {  	[sflag:s16] =	ssyncadd.s32 $0xFFFFFFFF  }
0xe: {  	s17 =	sld [smem:$0x12];
	(tm) =	ssettm $0x1  }
0xf: {  	s18 =	sld [smem:$0x3FFB];
	_ =	sdelay $0x3  }
0x10: {  	_ =	strace s18  }
0x11: {  	s3 =	sld [smem:$0x3FFC];
	_ =	sdelay $0x3  }
0x12: {  	_ =	strace s3  }
0x13: {  	s3 =	sld [smem:$0x3FFD];
	_ =	sdelay $0x3  }
0x14: {  	_ =	strace s3  }
0x15: {  	_ =	strace $0x8FFFFFFF  }
0x16: {  	s19 =	sld [smem:$0x3FDB];
	_ =	sdelay $0x1  }
0x17: {  	s20 =	simm.s32 $_scs_section_size  }
0x18: {  	s5 =	simm.s32 $_size__tile_overlayer_lowered;
	s6 =	simm.s32 $_tile_overlayer_lowered  }
0x19: {  	s23 =	simm.s32 $0x1BFF;
	s22 =	sshll.u32 s6, $0x1;
	s3 =	sadd.s32 s20, s19  }
0x1a: {  	s7 =	simm.s32 $0x0;
	s21 =	sshll.u32 s5, $0x1;
	s5 =	sadd.s32 s22, s3  }
0x1b: {  	[timem:s7], [sflag:s23] =	dma.local [hbm:s5], s21  }
0x1c: {  	_ =	swait.ge [sflag:s23], s21  }
0x1d: {  	s4 =	ssub.s32 $0x0, s21;
	[sflag:s23] =	ssyncset.done $0x0  }
0x1e: {  	[sflag:s23] =	ssyncadd.s32 s4;
	_ =	sdelay $0x1  }
0x1f: {  	s24 =	simm.s32 $0x1B8B  }
0x20: {  	_ =	swait.ge [sflag:s24], $0x1  }
0x21: {  	[sflag:s24] =	ssyncset.done $0x0  }
0x22: {  	s26 =	simm.s32 $0x1B8E;
	s25 =	sld [smem:$0x3FFE];
	[sflag:s24] =	ssyncadd.s32 $0xFFFFFFFF  }
0x23: {  	s27 =	simm.s32 $execute0_lowered;
	[smem:$0x3FD2] =	sst s26  }
0x24: {  	s5 =	sshll.u32 s27, $0x1;
	_ =	strace $0x80000049;
	[dreg:$0x1] =	wrdreg $0xFFFFFFFF  }
0x25: {  	s28 =	simm.s32 $_size_execute0_lowered;
	s3 =	sadd.s32 s3, s5;
	[dreg:$0x0] =	wrdreg $0x0  }
0x26: {  	s5 =	sshll.u32 s28, $0x1;
	[dreg:$0x2] =	wrdreg s3  }
0x27: {  	[dreg:$0x3] =	wrdreg s5  }
0x28: {  	[dreg:$0x4] =	wrdreg $0xC0  }
0x29: {  	_ =	task [dreg:s7], $0x5FFFF  }
0x2a: {  	[dreg:$0x1] =	wrdreg $0xFFFFFFFF  }
0x2b: {  	[dreg:$0x0] =	wrdreg $0x60  }
0x2c: {  	[dreg:$0x2] =	wrdreg s25  }
0x2d: {  	[dreg:$0x3] =	wrdreg s17  }
0x2e: {  	[dreg:$0x4] =	wrdreg $0x9  }
0x2f: {  	_ =	task.clear_ibuf [dreg:s7], $0x5FFFF;
	_ =	strace $0x90000049  }
0x30: {  	s29 =	simm.s32 $0x9;
	_ =	strace $0x8000004B  }
0x31: {  	_ =	swait.ge [sflag:s29], $0x1  }
0x32: {  	[sflag:s29] =	ssyncadd.s32 $0xFFFFFFFF  }
0x33: {  	_ =	strace $0x9000004B  }
0x34: {  	_ =	sfence  }
0x35: {  	s30 =	sld [smem:$0x0];
	_ =	sdelay $0x2  }
0x36: {  	s31 =	sshll.u32 s1, $0xD;
	s1 =	sshrl.u32 s1, $0x2  }
0x37: {  	s3 =	sand.u32 $0x4000, s31;
	s1 =	sadd.s32 s1, s30  }
0x38: {  	s0 =	sor.u32 s3, s0;
	s1 =	sshll.u32 s1, $0x11  }
0x39: {  	s0 =	sor.u32 s1, s0  }
0x3a: {  	s0 =	sadd.s32 $0x8F2B, s0  }
0x3b: {  	[sflag:s0] =	ssyncadd.remote.s32 $0x1  }
0x3c: {  	_ =	sfence.sel $0xFFFF  }
0x3d: {  	[dreg:$0x0] =	wrdreg $0xFFFFFFFF;
	(pc) =	sbr.abs _section_cstart, $3  }
0x3e: {  	[dreg:$0x1] =	wrdreg $0xFFFFFFFF  }
0x3f: {  	_ =	task.clear_ibuf [dreg:s7], $0x2FFFF;
	_ =	strace $0x9FFFFFFF  }
0x40: {  	(tm) =	ssettm $0x7FFFFFFF  }
0x41: {  	_ =	shalt  }
tec
execute0_lowered:
.L_overlay_start_1:
0x0: {  	(tag) =	ssettag $0x1  }
0x1: {  	s0 =	srdreg.scid  }
0x2: {  	s1 =	sshll.u32 s0, $0x4  }
0x3: {  	s6 =	rddreg [dreg:$0x0];
	s0 =	stileid.u32;
	s1 =	sand.u32 $0x10, s1  }
0x4: {  	s3 =	rddreg [dreg:$0x1];
	s5 =	simm.s32 $0x1;
	s1 =	sor.u32 s0, s1  }
0x5: {  	s31 =	simm.s32 $0x2;
	s12 =	simm.s32 $0x0;
	s2 =	sshll.u32 s1, $0x7  }
0x6: {  	s8 =	simm.s32 $0x10000;
	s13 =	simm.s32 $0x0;
	s4 =	ssub.s32 $0x2000, s2  }
0x7: {  	s9 =	simm.s32 $0x0;
	s11 =	simm.s32 $0x0;
	s30 =	sand.u32 $0xF80, s4  }
.Ltmp0:
0x8: {  	s6 =	sadd.s32 $0x241600, s6;
	p0 =	sne.s32 s30, $0x0;
	(pc) =	sbr.rel .LBB1_1-.Ltmp0, $4  }
0x9: {  	s1 =	rddreg [dreg:$0x2];
	s7 =	sshrl.u32 s4, $0xC;
	s5 =	simm.s32 @!p0 $0x0  }
0xa: {  	_ =	strace $0x8000004A;
	s4 =	simm.s32 $0x1;
	s5 =	sadd.s32 s5, s7  }
0xb: {  	s10 =	smov.u32 s2;
	[sflag:s4] =	ssyncpa.u1 $0x0;
	s5 =	sshll.u32 s5, $0x6  }
0xc: {  	[sflag:s31] =	ssyncpa.u1 $0x0;
	p0 =	por $0x0, $0x0;
	s7 =	sor.u32 $0x1, s5  }
.LBB1_4:
0xd: {  	s16 =	sshll.u32 s13, $0x3;
	s17 =	sand.u32 $0x78, s13  }
0xe: {  	s30 =	sand.u32 $0x3C00, s13;
	s12 =	sshll.u32 s12, $0xE;
	s16 =	sand.u32 $0x1C00, s16  }
0xf: {  	s31 =	sand.u32 $0x7, s13;
	s16 =	sor.u32 s17, s16;
	s17 =	sadd.s32 s3, s30  }
0x10: {  	s13 =	sshll.u32 s31, $0x12;
	s16 =	sshrl.u32 s16, $0x3;
	s12 =	sadd.s32 s12, s17  }
0x11: {  	[tilespmem:s15+$0x0 ss:$0x81] =	vst.msk $0xffff, v1;
	s13 =	sor.u32 $0x400, s13;
	s12 =	sadd.s32 s16, s12  }
0x12: {  	[hbm4b:s12+s13] =	stream.strided.scatter [tilespmem:s14], [sflag:$0x2], $0x800, s8, s13, $0x20;
	[tilespmem:$0x2020] =	vst v63  }
.LBB1_5:
0x13: {  	s14 =	sadd.s32 $0x1, s9  }
0x14: {  	s12 =	sadd.s32 $0x1000, s10;
	s16 =	smov.u32 s10;
	p2 =	sgt.s32 s14, $0x3F  }
0x15: {  	s16 =	smov.u32 @p2 s12  }
0x16: {  	s14 =	simm.s32 @p2 $0x0;
	p2 =	sgt.s32 s16, $0x1FFF  }
0x17: {  	s16 =	smov.u32 @p2 s2;
	p2 =	sne.s32 s11, s7  }
.Ltmp1:
0x18: {  	p1 =	slt.u32 s11, $0x2;
	(pc) =	sbr.rel @!p2 .LBB1_6-.Ltmp1, $4  }
0x19: {  	s15 =	simm.s32 @!p1 $0x2  }
0x1a: {  	s13 =	smov.u32 s10;
	p0 =	por !p0, !p0;
	_ =	swait.ge @!p1 [sflag:s15], $0x800  }
0x1b: {  	s12 =	smov.u32 s9;
	[sflag:s15] =	ssyncset.done @!p1 $0x0;
	s9 =	smov.u32 s14  }
0x1c: {  	s11 =	sadd.s32 $0x1, s11;
	[sflag:s15] =	ssyncadd.s32 @!p1 $0xFFFFF800;
	s10 =	smov.u32 s16  }
.LBB1_1:
0x1d: {  	p1 =	sge.u32 s11, s5  }
0x1e: {  	s31 =	sadd.s32 $0xFFFFFFFF, s11;
	s14 =	sxor.u32 @!p1 $0xFFFFFFFF, s11  }
0x1f: {  	s15 =	sshll.u32 @!p1 s10, $0xA;
	s16 =	sshll.u32 @!p1 s9, $0x4;
	s17 =	simm.s32 @!p1 $0x2000  }
0x20: {  	s14 =	sshll.u32 @!p1 s14, $0xB;
	s16 =	sand.u32 @!p1 $0x3F0, s16;
	s15 =	sadd.s32 @!p1 s6, s15  }
0x21: {  	s14 =	sand.u32 @!p1 $0x800, s14;
	s15 =	sadd.s32 @!p1 s16, s15;
	s16 =	simm.s32 @!p1 $0x10  }
0x22: {  	[tilespmem:s14], [sflag:$0x1] =	stream.strided.gather @!p1 [hbm4b:s15+s16], $0x800, s17, s16, $0x38;
	[tilespmem:$0x2020] =	vst v63  }
0x23: {  	p1 =	sge.u32 s31, s5  }
.Ltmp2:
0x24: {  	_ = 	snop;
	(pc) =	sbr.rel @p1 .LBB1_5-.Ltmp2, $1  }
0x25: {  	_ =	sdelay $0x3  }
0x26: {  	s14 =	simm.s32 $0x1  }
0x27: {  	s14 =	simm.s32 @!p0 $0x0  }
0x28: {  	s15 =	sshll.u32 s14, $0xB  }
0x29: {  	v0 =	vmov s15;
	_ =	sdelay $0x1  }
0x2a: {  	_ =	swait.ge [sflag:s4], $0x800  }
0x2b: {  	s31 =	sand.u32 $0x1, s11;
	[sflag:s4] =	ssyncset.done $0x0  }
0x2c: {  	s17 =	simm.s32 $0x0;
	s14 =	smul.u32 $0x2040, s14;
	[sflag:s4] =	ssyncadd.s32 $0xFFFFF800  }
0x2d: {  	s15 =	smul.u32 $0x2040, s31;
	v1 =	vld.idx.msk [tilespmem:v0+s17+$0x0 ss:$0x1], $0xffff;
	_ =	sdelay $0x1  }
0x2e: {  	s14 =	sshrl.u32 s14, $0x2;
	s16 =	sshrl.u32 s15, $0x2  }
0x2f: {  	s15 =	sor.u32 $0x1000, s14;
	s14 =	sor.u32 $0x1000, s16;
	s16 =	simm.s32 $0x40  }
.LBB1_3:
0x30: {  	s17 =	sshra.s32 s16, $0x2;
	p1 =	sne.s32 s16, $0x1FC0;
	s16 =	sadd.s32 $0x40, s16  }
.Ltmp3:
0x31: {  	[tilespmem:s15+$0x0 ss:$0x81] =	vst.msk $0xffff, v1;
	v1 =	vld.idx.msk [tilespmem:v0+s17+$0x0 ss:$0x1], $0xffff;
	(pc) =	sbr.rel @p1 .LBB1_3-.Ltmp3, $2  }
0x32: {  	_ =	sdelay $0x2  }
0x33: {  	s15 =	sadd.s32 $0x1, s15  }
.Ltmp4:
0x34: {  	_ = 	snop;
	(pc) =	sbr.rel .LBB1_4-.Ltmp4, $1  }
0x35: {  	_ =	sdelay $0x3  }
.LBB1_6:
0x36: {  	_ =	sfence.sel $0x180000  }
0x37: {  	s2 =	simm.s32 $0x1;
	[bflag:$0x0] =	sbarrier.arrive $0xFFFF  }
0x38: {  	s31 =	simm.s32 $0x2;
	[sflag:s2] =	ssyncpa.u1 $0x1  }
0x39: {  	[sflag:s31] =	ssyncpa.u1 $0x1  }
0x3a: {  	p0 =	sne.s32 s0, $0x0;
	_ =	strace $0x9000004A  }
0x3b: {  	s0 =	sadd.s32 @!p0 $0x100000, s1;
	[bflag:$0x2] =	sbarrier.arrive $0xFFFF  }
0x3c: {  	[sflag:s0] =	ssyncadd.tile.s32 @!p0 $0x1;
	_ =	shalt  }
.Lfunc_end1:
_tile_overlayer_lowered:
.L_overlay_start_2:
0x3d: {  	(tag) =	ssettag $0x2  }
0x3e: {  	s0 =	rddreg [dreg:$0x0];
	s2 =	stileid.u32  }
0x3f: {  	s1 =	rddreg [dreg:$0x1];
	p0 =	sne.s32 s2, $0x0  }
0x40: {  	s3 =	rddreg [dreg:$0x2];
	[bflag:$0x3] =	sbarrier.arrive $0xFFFF;
	s2 =	simm.s32 @!p0 $0x1C01  }
0x41: {  	[timem:s3], [sflag:s2] =	dma.local @!p0 [hbm:s0], s1  }
0x42: {  	s0 =	simm.s32 @!p0 $0x1  }
0x43: {  	_ =	swait.ge @!p0 [sflag:s0], s1  }
0x44: {  	s1 =	ssub.s32 @!p0 $0x0, s1;
	[sflag:s0] =	ssyncset.done @!p0 $0x0  }
0x45: {  	[sflag:s0] =	ssyncadd.s32 @!p0 s1  }
0x46: {  	[bflag:$0x3] =	sbarrier.arrive $0xFFFF  }
0x47: {  	_ =	shalt  }

</sc_bundles>
